<compile_context>
chip_gen: v7x
topology: tpu7x:2x2x1
jax: 0.10.2.dev20260603
libtpu: 0.0.44.dev20260713+nightly
codegen_flags: <defaults>
</compile_context>

<pallas_src>
import functools

import jax
import jax.numpy as jnp
from jax import lax
from jax.experimental import pallas as pl
from jax.experimental.pallas import tpu as pltpu
from jax.experimental.pallas import tpu_sc as plsc

D_MODEL = 256
B = 16
T = 2048

N = B * T
NW = 32
TW = T // NW
LANES = 16
NVEC = D_MODEL // LANES
NBUF = 6
DEPTH = 4

_mesh = plsc.VectorSubcoreMesh(core_axis_name="c", subcore_axis_name="s")


@functools.partial(
    pl.kernel,
    mesh=_mesh,
    out_type=jax.ShapeDtypeStruct((N, D_MODEL), jnp.float32),
    scratch_types=[
        pltpu.VMEM((B, 2 * TW), jnp.int32),
        pltpu.VMEM((TW, D_MODEL), jnp.float32),
    ]
    + [pltpu.VMEM((TW, D_MODEL), jnp.float32) for _ in range(NBUF)]
    + [pltpu.SemaphoreType.DMA for _ in range(2 * NBUF + 1)],
)
def _emb_lookup(x_hbm, tok_hbm, pos_hbm, out_hbm, idx_v, pos_v, *rest):
    bufs = list(rest[:NBUF])
    gsems = list(rest[NBUF : 2 * NBUF])
    osems = list(rest[2 * NBUF : 3 * NBUF])
    ssem = rest[3 * NBUF]

    wid = lax.axis_index("s") * 2 + lax.axis_index("c")
    t0 = wid * TW
    ta = pl.multiple_of((wid // 2) * (2 * TW), 2 * TW)
    off = pl.multiple_of((wid % 2) * TW, TW)

    staged = [
        pltpu.async_copy(x_hbm.at[:, pl.ds(ta, 2 * TW)], idx_v, ssem),
        pltpu.async_copy(pos_hbm.at[pl.ds(t0, TW)], pos_v, ssem),
    ]
    for d in staged:
        d.wait()

    def gather(b):
        s = b % NBUF
        return pltpu.async_copy(
            tok_hbm.at[idx_v.at[b, pl.ds(off, TW)]], bufs[s], gsems[s]
        )

    gd = {}
    od = {}
    for b in range(DEPTH):
        gd[b % NBUF] = gather(b)

    for b in range(B):
        s = b % NBUF
        gd.pop(s).wait()

        buf = bufs[s]

        def add_row(r, carry):
            for j in range(NVEC):
                sl = pl.ds(j * LANES, LANES)
                plsc.addupdate(buf.at[r, sl], pos_v[r, sl])
            return carry

        lax.fori_loop(0, TW, add_row, 0)

        od[s] = pltpu.async_copy(buf, out_hbm.at[pl.ds(b * T + t0, TW)], osems[s])

        nb = b + DEPTH
        if nb < B:
            ns = nb % NBUF
            if ns in od:
                od.pop(ns).wait()
            gd[ns] = gather(nb)

    for s in sorted(od):
        od.pop(s).wait()


def kernel(x, token_table, pos_table):
    out = _emb_lookup(x.astype(jnp.int32), token_table, pos_table)
    return out.reshape(B, T, D_MODEL)

# --- scband reference (transcript-rebuilt; emitter-appended) ---
"""Pipeline reference for scband-token-positional-embedding-69295002353826 (READ-ONLY COPY).

The authoritative reference and input builder live on the scoring server;
editing this copy changes nothing except your own understanding.
"""

import jax, jax.numpy as jnp
import numpy as np

VOCAB = 50257
D_MODEL = 256
BLOCK = 2048
B = 16
T = 2048


def setup_inputs(seed: int = 0) -> dict:
    key = jax.random.key(seed)
    k1, k2, k3 = jax.random.split(key, 3)
    x = jax.random.randint(k1, (B, T), 0, VOCAB, dtype=jnp.int64 if jax.config.jax_enable_x64 else jnp.int32)
    token_table = jax.random.normal(k2, (VOCAB, D_MODEL), dtype=jnp.float32) * 0.02
    pos_table = jax.random.normal(k3, (BLOCK, D_MODEL), dtype=jnp.float32) * 0.02
    return {"x": x, "token_table": token_table, "pos_table": pos_table}


def reference(x, token_table, pos_table):
    # token embedding lookup: gather rows
    tok_emb = jnp.take(token_table, x, axis=0)  # [B, T, D]
    # positional embedding lookup
    Tlen = x.shape[1]
    pos_ids = jnp.arange(Tlen)
    pos_emb = jnp.take(pos_table, pos_ids, axis=0)[None, :, :]  # [1, T, D]
    out = tok_emb + pos_emb
    # dropout is identity in eval mode
    return out

if __name__ == "__main__":
    import jax
    _d = setup_inputs()
    print(jax.jit(kernel)(*tuple(_d.values())))

</pallas_src>

<mosaic_0001>
#map = affine_map<(d0, d1) -> (0, 0)>
module attributes {stable_mosaic.version = 14 : i64} {
  func.func @_emb_lookup(%arg0: i32, %arg1: i32, %arg2: memref<16x2048xi32, #tpu.memory_space<hbm>>, %arg3: memref<50257x256xf32, #tpu.memory_space<hbm>>, %arg4: memref<2048x256xf32, #tpu.memory_space<hbm>>, %arg5: memref<32768x256xf32, #tpu.memory_space<hbm>>, %arg6: memref<16x128xi32, #tpu.memory_space<vmem>>, %arg7: memref<64x256xf32, #tpu.memory_space<vmem>>, %arg8: memref<64x256xf32, #tpu.memory_space<vmem>>, %arg9: memref<64x256xf32, #tpu.memory_space<vmem>>, %arg10: memref<64x256xf32, #tpu.memory_space<vmem>>, %arg11: memref<64x256xf32, #tpu.memory_space<vmem>>, %arg12: memref<64x256xf32, #tpu.memory_space<vmem>>, %arg13: memref<64x256xf32, #tpu.memory_space<vmem>>, %arg14: memref<!tpu.dma_semaphore, #tpu.memory_space<semaphore_mem>>, %arg15: memref<!tpu.dma_semaphore, #tpu.memory_space<semaphore_mem>>, %arg16: memref<!tpu.dma_semaphore, #tpu.memory_space<semaphore_mem>>, %arg17: memref<!tpu.dma_semaphore, #tpu.memory_space<semaphore_mem>>, %arg18: memref<!tpu.dma_semaphore, #tpu.memory_space<semaphore_mem>>, %arg19: memref<!tpu.dma_semaphore, #tpu.memory_space<semaphore_mem>>, %arg20: memref<!tpu.dma_semaphore, #tpu.memory_space<semaphore_mem>>, %arg21: memref<!tpu.dma_semaphore, #tpu.memory_space<semaphore_mem>>, %arg22: memref<!tpu.dma_semaphore, #tpu.memory_space<semaphore_mem>>, %arg23: memref<!tpu.dma_semaphore, #tpu.memory_space<semaphore_mem>>, %arg24: memref<!tpu.dma_semaphore, #tpu.memory_space<semaphore_mem>>, %arg25: memref<!tpu.dma_semaphore, #tpu.memory_space<semaphore_mem>>, %arg26: memref<!tpu.dma_semaphore, #tpu.memory_space<semaphore_mem>>) attributes {dimension_semantics = [#tpu.dimension_semantics<core_parallel>, #tpu.dimension_semantics<subcore_parallel>], iteration_bounds = array<i64: 2, 16>, scalar_prefetch = 0 : i64, scratch_operands = 21 : i64, tpu.core_type = #tpu.core_type<sc_vector_subcore>, window_params = [{transform_indices = #map}, {transform_indices = #map}, {transform_indices = #map}, {transform_indices = #map}]} {
    %mul3A = arith.constant 2 : i32
    %mul3A_0 = arith.muli %arg1, %mul3A : i32
    %add3A = arith.addi %mul3A_0, %arg0 : i32
    %mul3A_1 = arith.constant 64 : i32
    %mul3A_2 = arith.muli %add3A, %mul3A_1 : i32
    %jit3A = arith.constant 2 : i32
    %div3A = arith.divsi %add3A, %jit3A : i32
    %sign3A = arith.constant 0 : i32
    %sign3A_3 = arith.cmpi sgt, %add3A, %sign3A : i32
    %sign3A_4 = arith.extui %sign3A_3 : i1 to i32
    %sign3A_5 = arith.constant 0 : i32
    %sign3A_6 = arith.cmpi slt, %add3A, %sign3A_5 : i32
    %sign3A_7 = arith.extui %sign3A_6 : i1 to i32
    %sign3A_8 = arith.subi %sign3A_4, %sign3A_7 : i32
    %sign3A_9 = arith.constant 0 : i32
    %sign3A_10 = arith.cmpi sgt, %jit3A, %sign3A_9 : i32
    %sign3A_11 = arith.extui %sign3A_10 : i1 to i32
    %sign3A_12 = arith.constant 0 : i32
    %sign3A_13 = arith.cmpi slt, %jit3A, %sign3A_12 : i32
    %sign3A_14 = arith.extui %sign3A_13 : i1 to i32
    %sign3A_15 = arith.subi %sign3A_11, %sign3A_14 : i32
    %ne3A = arith.cmpi ne, %sign3A_8, %sign3A_15 : i32
    %rem3A = arith.remsi %add3A, %jit3A : i32
    %ne3A_16 = arith.constant 0 : i32
    %ne3A_17 = arith.cmpi ne, %rem3A, %ne3A_16 : i32
    %and3A = arith.andi %ne3A, %ne3A_17 : i1
    %sub3A = arith.constant 1 : i32
    %sub3A_18 = arith.subi %div3A, %sub3A : i32
    %select_n3A = arith.select %and3A, %sub3A_18, %div3A : i32
    %mul3A_19 = arith.constant 128 : i32
    %mul3A_20 = arith.muli %select_n3A, %mul3A_19 : i32
    %multiple_of3A = tpu.assume_multiple %mul3A_20, 128 : i32
    %jit3A_21 = arith.constant 2 : i32
    %eq3A = arith.constant 0 : i32
    %eq3A_22 = arith.cmpi eq, %jit3A_21, %eq3A : i32
    %jit3A_23 = arith.constant 1 : i32
    %select_n3A_24 = arith.select %eq3A_22, %jit3A_23, %jit3A_21 : i32
    %rem3A_25 = arith.remsi %add3A, %select_n3A_24 : i32
    %ne3A_26 = arith.constant 0 : i32
    %ne3A_27 = arith.cmpi ne, %rem3A_25, %ne3A_26 : i32
    %lt3A = arith.constant 0 : i32
    %lt3A_28 = arith.cmpi slt, %rem3A_25, %lt3A : i32
    %lt3A_29 = arith.constant 0 : i32
    %lt3A_30 = arith.cmpi slt, %select_n3A_24, %lt3A_29 : i32
    %ne3A_31 = arith.xori %lt3A_28, %lt3A_30 : i1
    %and3A_32 = arith.andi %ne3A_31, %ne3A_27 : i1
    %add3A_33 = arith.addi %rem3A_25, %select_n3A_24 : i32
    %select_n3A_34 = arith.select %and3A_32, %add3A_33, %rem3A_25 : i32
    %mul3A_35 = arith.constant 64 : i32
    %mul3A_36 = arith.muli %select_n3A_34, %mul3A_35 : i32
    %multiple_of3A_37 = tpu.assume_multiple %mul3A_36, 64 : i32
    %dma_start3A = arith.constant 0 : i32
    %dma_start3A_38 = tpu.memref_slice %arg2[%dma_start3A, %multiple_of3A] : memref<16x2048xi32, #tpu.memory_space<hbm>> -> memref<16x128xi32, #tpu.memory_space<hbm>>
    %dma_start3A_39 = arith.constant 0 : i32
    %dma_start3A_40 = tpu.memref_slice %arg2[%dma_start3A_39, %multiple_of3A] : memref<16x2048xi32, #tpu.memory_space<hbm>> -> memref<16x128xi32, #tpu.memory_space<hbm>>
    tpu.enqueue_dma source(%dma_start3A_40 : memref<16x128xi32, #tpu.memory_space<hbm>>) target(%arg6 : memref<16x128xi32, #tpu.memory_space<vmem>>) target_semaphore(%arg26 : memref<!tpu.dma_semaphore, #tpu.memory_space<semaphore_mem>>)
    %dma_start3A_41 = arith.constant 0 : i32
    %dma_start3A_42 = tpu.memref_slice %arg4[%mul3A_2, %dma_start3A_41] : memref<2048x256xf32, #tpu.memory_space<hbm>> -> memref<64x256xf32, #tpu.memory_space<hbm>>
    %dma_start3A_43 = arith.constant 0 : i32
    %dma_start3A_44 = tpu.memref_slice %arg4[%mul3A_2, %dma_start3A_43] : memref<2048x256xf32, #tpu.memory_space<hbm>> -> memref<64x256xf32, #tpu.memory_space<hbm>>
    tpu.enqueue_dma source(%dma_start3A_44 : memref<64x256xf32, #tpu.memory_space<hbm>>) target(%arg7 : memref<64x256xf32, #tpu.memory_space<vmem>>) target_semaphore(%arg26 : memref<!tpu.dma_semaphore, #tpu.memory_space<semaphore_mem>>)
    %dma_wait3A = arith.constant 0 : i32
    %dma_wait3A_45 = tpu.memref_slice %arg2[%dma_wait3A, %multiple_of3A] : memref<16x2048xi32, #tpu.memory_space<hbm>> -> memref<16x128xi32, #tpu.memory_space<hbm>>
    %dma_wait3A_46 = arith.constant 0 : i32
    %dma_wait3A_47 = tpu.memref_slice %arg2[%dma_wait3A_46, %multiple_of3A] : memref<16x2048xi32, #tpu.memory_space<hbm>> -> memref<16x128xi32, #tpu.memory_space<hbm>>
    tpu.wait_dma2 semaphore(%arg26 : memref<!tpu.dma_semaphore, #tpu.memory_space<semaphore_mem>>) src(%dma_wait3A_47 : memref<16x128xi32, #tpu.memory_space<hbm>>) dst(%arg6 : memref<16x128xi32, #tpu.memory_space<vmem>>)
    %dma_wait3A_48 = arith.constant 0 : i32
    %dma_wait3A_49 = tpu.memref_slice %arg4[%mul3A_2, %dma_wait3A_48] : memref<2048x256xf32, #tpu.memory_space<hbm>> -> memref<64x256xf32, #tpu.memory_space<hbm>>
    %dma_wait3A_50 = arith.constant 0 : i32
    %dma_wait3A_51 = tpu.memref_slice %arg4[%mul3A_2, %dma_wait3A_50] : memref<2048x256xf32, #tpu.memory_space<hbm>> -> memref<64x256xf32, #tpu.memory_space<hbm>>
    tpu.wait_dma2 semaphore(%arg26 : memref<!tpu.dma_semaphore, #tpu.memory_space<semaphore_mem>>) src(%dma_wait3A_51 : memref<64x256xf32, #tpu.memory_space<hbm>>) dst(%arg7 : memref<64x256xf32, #tpu.memory_space<vmem>>)
    %dma_start3A_52 = arith.constant 0 : i32
    %dma_start3A_53 = tpu.memref_slice %arg6[%dma_start3A_52, %multiple_of3A_37] : memref<16x128xi32, #tpu.memory_space<vmem>> -> memref<1x64xi32, #tpu.memory_space<vmem>>
    %dma_start3A_54 = tpu.memref_squeeze %dma_start3A_53 : memref<1x64xi32, #tpu.memory_space<vmem>> -> memref<64xi32, #tpu.memory_space<vmem>>
    %dma_start3A_55 = arith.constant 0 : i32
    %dma_start3A_56 = arith.constant 0 : i32
    %dma_start3A_57 = tpu.memref_slice %arg3[%dma_start3A_55, %dma_start3A_56] : memref<50257x256xf32, #tpu.memory_space<hbm>> -> memref<50257x256xf32, #tpu.memory_space<hbm>>
    tpu.enqueue_indirect_dma source(%dma_start3A_57 : memref<50257x256xf32, #tpu.memory_space<hbm>>) target(%arg8 : memref<64x256xf32, #tpu.memory_space<vmem>>) offsets(%dma_start3A_54 : memref<64xi32, #tpu.memory_space<vmem>>) semaphore(%arg14 : memref<!tpu.dma_semaphore, #tpu.memory_space<semaphore_mem>>)
    %dma_start3A_58 = arith.constant 1 : i32
    %dma_start3A_59 = tpu.memref_slice %arg6[%dma_start3A_58, %multiple_of3A_37] : memref<16x128xi32, #tpu.memory_space<vmem>> -> memref<1x64xi32, #tpu.memory_space<vmem>>
    %dma_start3A_60 = tpu.memref_squeeze %dma_start3A_59 : memref<1x64xi32, #tpu.memory_space<vmem>> -> memref<64xi32, #tpu.memory_space<vmem>>
    %dma_start3A_61 = arith.constant 0 : i32
    %dma_start3A_62 = arith.constant 0 : i32
    %dma_start3A_63 = tpu.memref_slice %arg3[%dma_start3A_61, %dma_start3A_62] : memref<50257x256xf32, #tpu.memory_space<hbm>> -> memref<50257x256xf32, #tpu.memory_space<hbm>>
    tpu.enqueue_indirect_dma source(%dma_start3A_63 : memref<50257x256xf32, #tpu.memory_space<hbm>>) target(%arg9 : memref<64x256xf32, #tpu.memory_space<vmem>>) offsets(%dma_start3A_60 : memref<64xi32, #tpu.memory_space<vmem>>) semaphore(%arg15 : memref<!tpu.dma_semaphore, #tpu.memory_space<semaphore_mem>>)
    %dma_start3A_64 = arith.constant 2 : i32
    %dma_start3A_65 = tpu.memref_slice %arg6[%dma_start3A_64, %multiple_of3A_37] : memref<16x128xi32, #tpu.memory_space<vmem>> -> memref<1x64xi32, #tpu.memory_space<vmem>>
    %dma_start3A_66 = tpu.memref_squeeze %dma_start3A_65 : memref<1x64xi32, #tpu.memory_space<vmem>> -> memref<64xi32, #tpu.memory_space<vmem>>
    %dma_start3A_67 = arith.constant 0 : i32
    %dma_start3A_68 = arith.constant 0 : i32
    %dma_start3A_69 = tpu.memref_slice %arg3[%dma_start3A_67, %dma_start3A_68] : memref<50257x256xf32, #tpu.memory_space<hbm>> -> memref<50257x256xf32, #tpu.memory_space<hbm>>
    tpu.enqueue_indirect_dma source(%dma_start3A_69 : memref<50257x256xf32, #tpu.memory_space<hbm>>) target(%arg10 : memref<64x256xf32, #tpu.memory_space<vmem>>) offsets(%dma_start3A_66 : memref<64xi32, #tpu.memory_space<vmem>>) semaphore(%arg16 : memref<!tpu.dma_semaphore, #tpu.memory_space<semaphore_mem>>)
    %dma_start3A_70 = arith.constant 3 : i32
    %dma_start3A_71 = tpu.memref_slice %arg6[%dma_start3A_70, %multiple_of3A_37] : memref<16x128xi32, #tpu.memory_space<vmem>> -> memref<1x64xi32, #tpu.memory_space<vmem>>
    %dma_start3A_72 = tpu.memref_squeeze %dma_start3A_71 : memref<1x64xi32, #tpu.memory_space<vmem>> -> memref<64xi32, #tpu.memory_space<vmem>>
    %dma_start3A_73 = arith.constant 0 : i32
    %dma_start3A_74 = arith.constant 0 : i32
    %dma_start3A_75 = tpu.memref_slice %arg3[%dma_start3A_73, %dma_start3A_74] : memref<50257x256xf32, #tpu.memory_space<hbm>> -> memref<50257x256xf32, #tpu.memory_space<hbm>>
    tpu.enqueue_indirect_dma source(%dma_start3A_75 : memref<50257x256xf32, #tpu.memory_space<hbm>>) target(%arg11 : memref<64x256xf32, #tpu.memory_space<vmem>>) offsets(%dma_start3A_72 : memref<64xi32, #tpu.memory_space<vmem>>) semaphore(%arg17 : memref<!tpu.dma_semaphore, #tpu.memory_space<semaphore_mem>>)
    %dma_wait3A_76 = arith.constant 0 : i32
    %dma_wait3A_77 = tpu.memref_slice %arg6[%dma_wait3A_76, %multiple_of3A_37] : memref<16x128xi32, #tpu.memory_space<vmem>> -> memref<1x64xi32, #tpu.memory_space<vmem>>
    %dma_wait3A_78 = tpu.memref_squeeze %dma_wait3A_77 : memref<1x64xi32, #tpu.memory_space<vmem>> -> memref<64xi32, #tpu.memory_space<vmem>>
    %dma_wait3A_79 = arith.constant 0 : i32
    %dma_wait3A_80 = arith.constant 0 : i32
    %dma_wait3A_81 = tpu.memref_slice %arg3[%dma_wait3A_79, %dma_wait3A_80] : memref<50257x256xf32, #tpu.memory_space<hbm>> -> memref<50257x256xf32, #tpu.memory_space<hbm>>
    tpu.wait_indirect_dma semaphore(%arg14 : memref<!tpu.dma_semaphore, #tpu.memory_space<semaphore_mem>>) src(%dma_wait3A_81 : memref<50257x256xf32, #tpu.memory_space<hbm>>) dst(%arg8 : memref<64x256xf32, #tpu.memory_space<vmem>>)
    %scan3A = arith.constant 0 : i32
    %scan3A_82 = arith.constant 0 : i32
    %scan3A_83 = arith.constant 64 : i32
    %scan3A_84 = arith.addi %scan3A_82, %scan3A_83 : i32
    %scan3A_85 = arith.constant 1 : i32
    scf.for %scan3A_499 = %scan3A_82 to %scan3A_84 step %scan3A_85  : i32 {
      %get3A = arith.index_cast %scan3A_499 : i32 to index
      %get3A_500 = arith.constant 0 : index
      %get3A_501 = tpu.vector_load %arg7[%get3A, %get3A_500] {strides = array<i32>} : memref<64x256xf32, #tpu.memory_space<vmem>>, vector<1x16xf32>,
      %get3A_502 = vector.shape_cast %get3A_501 : vector<1x16xf32> to vector<16xf32>
      %swap3A = arith.index_cast %scan3A_499 : i32 to index
      %swap3A_503 = arith.constant 0 : index
      %swap3A_504 = tpu.vector_load %arg8[%swap3A, %swap3A_503] {strides = array<i32>} : memref<64x256xf32, #tpu.memory_space<vmem>>, vector<1x16xf32>,
      %swap3A_505 = vector.shape_cast %swap3A_504 : vector<1x16xf32> to vector<16xf32>
      %swap3A_506 = vector.shape_cast %get3A_502 : vector<16xf32> to vector<1x16xf32>
      tpu.vector_store %arg8[%swap3A, %swap3A_503], %swap3A_506 {add = true, strides = array<i32>} : memref<64x256xf32, #tpu.memory_space<vmem>>, vector<1x16xf32>,
      %get3A_507 = arith.index_cast %scan3A_499 : i32 to index
      %get3A_508 = arith.constant 16 : index
      %get3A_509 = tpu.vector_load %arg7[%get3A_507, %get3A_508] {strides = array<i32>} : memref<64x256xf32, #tpu.memory_space<vmem>>, vector<1x16xf32>,
      %get3A_510 = vector.shape_cast %get3A_509 : vector<1x16xf32> to vector<16xf32>
      %swap3A_511 = arith.index_cast %scan3A_499 : i32 to index
      %swap3A_512 = arith.constant 16 : index
      %swap3A_513 = tpu.vector_load %arg8[%swap3A_511, %swap3A_512] {strides = array<i32>} : memref<64x256xf32, #tpu.memory_space<vmem>>, vector<1x16xf32>,
      %swap3A_514 = vector.shape_cast %swap3A_513 : vector<1x16xf32> to vector<16xf32>
      %swap3A_515 = vector.shape_cast %get3A_510 : vector<16xf32> to vector<1x16xf32>
      tpu.vector_store %arg8[%swap3A_511, %swap3A_512], %swap3A_515 {add = true, strides = array<i32>} : memref<64x256xf32, #tpu.memory_space<vmem>>, vector<1x16xf32>,
      %get3A_516 = arith.index_cast %scan3A_499 : i32 to index
      %get3A_517 = arith.constant 32 : index
      %get3A_518 = tpu.vector_load %arg7[%get3A_516, %get3A_517] {strides = array<i32>} : memref<64x256xf32, #tpu.memory_space<vmem>>, vector<1x16xf32>,
      %get3A_519 = vector.shape_cast %get3A_518 : vector<1x16xf32> to vector<16xf32>
      %swap3A_520 = arith.index_cast %scan3A_499 : i32 to index
      %swap3A_521 = arith.constant 32 : index
      %swap3A_522 = tpu.vector_load %arg8[%swap3A_520, %swap3A_521] {strides = array<i32>} : memref<64x256xf32, #tpu.memory_space<vmem>>, vector<1x16xf32>,
      %swap3A_523 = vector.shape_cast %swap3A_522 : vector<1x16xf32> to vector<16xf32>
      %swap3A_524 = vector.shape_cast %get3A_519 : vector<16xf32> to vector<1x16xf32>
      tpu.vector_store %arg8[%swap3A_520, %swap3A_521], %swap3A_524 {add = true, strides = array<i32>} : memref<64x256xf32, #tpu.memory_space<vmem>>, vector<1x16xf32>,
      %get3A_525 = arith.index_cast %scan3A_499 : i32 to index
      %get3A_526 = arith.constant 48 : index
      %get3A_527 = tpu.vector_load %arg7[%get3A_525, %get3A_526] {strides = array<i32>} : memref<64x256xf32, #tpu.memory_space<vmem>>, vector<1x16xf32>,
      %get3A_528 = vector.shape_cast %get3A_527 : vector<1x16xf32> to vector<16xf32>
      %swap3A_529 = arith.index_cast %scan3A_499 : i32 to index
      %swap3A_530 = arith.constant 48 : index
      %swap3A_531 = tpu.vector_load %arg8[%swap3A_529, %swap3A_530] {strides = array<i32>} : memref<64x256xf32, #tpu.memory_space<vmem>>, vector<1x16xf32>,
      %swap3A_532 = vector.shape_cast %swap3A_531 : vector<1x16xf32> to vector<16xf32>
      %swap3A_533 = vector.shape_cast %get3A_528 : vector<16xf32> to vector<1x16xf32>
      tpu.vector_store %arg8[%swap3A_529, %swap3A_530], %swap3A_533 {add = true, strides = array<i32>} : memref<64x256xf32, #tpu.memory_space<vmem>>, vector<1x16xf32>,
      %get3A_534 = arith.index_cast %scan3A_499 : i32 to index
      %get3A_535 = arith.constant 64 : index
      %get3A_536 = tpu.vector_load %arg7[%get3A_534, %get3A_535] {strides = array<i32>} : memref<64x256xf32, #tpu.memory_space<vmem>>, vector<1x16xf32>,
      %get3A_537 = vector.shape_cast %get3A_536 : vector<1x16xf32> to vector<16xf32>
      %swap3A_538 = arith.index_cast %scan3A_499 : i32 to index
      %swap3A_539 = arith.constant 64 : index
      %swap3A_540 = tpu.vector_load %arg8[%swap3A_538, %swap3A_539] {strides = array<i32>} : memref<64x256xf32, #tpu.memory_space<vmem>>, vector<1x16xf32>,
      %swap3A_541 = vector.shape_cast %swap3A_540 : vector<1x16xf32> to vector<16xf32>
      %swap3A_542 = vector.shape_cast %get3A_537 : vector<16xf32> to vector<1x16xf32>
      tpu.vector_store %arg8[%swap3A_538, %swap3A_539], %swap3A_542 {add = true, strides = array<i32>} : memref<64x256xf32, #tpu.memory_space<vmem>>, vector<1x16xf32>,
      %get3A_543 = arith.index_cast %scan3A_499 : i32 to index
      %get3A_544 = arith.constant 80 : index
      %get3A_545 = tpu.vector_load %arg7[%get3A_543, %get3A_544] {strides = array<i32>} : memref<64x256xf32, #tpu.memory_space<vmem>>, vector<1x16xf32>,
      %get3A_546 = vector.shape_cast %get3A_545 : vector<1x16xf32> to vector<16xf32>
      %swap3A_547 = arith.index_cast %scan3A_499 : i32 to index
      %swap3A_548 = arith.constant 80 : index
      %swap3A_549 = tpu.vector_load %arg8[%swap3A_547, %swap3A_548] {strides = array<i32>} : memref<64x256xf32, #tpu.memory_space<vmem>>, vector<1x16xf32>,
      %swap3A_550 = vector.shape_cast %swap3A_549 : vector<1x16xf32> to vector<16xf32>
      %swap3A_551 = vector.shape_cast %get3A_546 : vector<16xf32> to vector<1x16xf32>
      tpu.vector_store %arg8[%swap3A_547, %swap3A_548], %swap3A_551 {add = true, strides = array<i32>} : memref<64x256xf32, #tpu.memory_space<vmem>>, vector<1x16xf32>,
      %get3A_552 = arith.index_cast %scan3A_499 : i32 to index
      %get3A_553 = arith.constant 96 : index
      %get3A_554 = tpu.vector_load %arg7[%get3A_552, %get3A_553] {strides = array<i32>} : memref<64x256xf32, #tpu.memory_space<vmem>>, vector<1x16xf32>,
      %get3A_555 = vector.shape_cast %get3A_554 : vector<1x16xf32> to vector<16xf32>
      %swap3A_556 = arith.index_cast %scan3A_499 : i32 to index
      %swap3A_557 = arith.constant 96 : index
      %swap3A_558 = tpu.vector_load %arg8[%swap3A_556, %swap3A_557] {strides = array<i32>} : memref<64x256xf32, #tpu.memory_space<vmem>>, vector<1x16xf32>,
      %swap3A_559 = vector.shape_cast %swap3A_558 : vector<1x16xf32> to vector<16xf32>
      %swap3A_560 = vector.shape_cast %get3A_555 : vector<16xf32> to vector<1x16xf32>
      tpu.vector_store %arg8[%swap3A_556, %swap3A_557], %swap3A_560 {add = true, strides = array<i32>} : memref<64x256xf32, #tpu.memory_space<vmem>>, vector<1x16xf32>,
      %get3A_561 = arith.index_cast %scan3A_499 : i32 to index
      %get3A_562 = arith.constant 112 : index
      %get3A_563 = tpu.vector_load %arg7[%get3A_561, %get3A_562] {strides = array<i32>} : memref<64x256xf32, #tpu.memory_space<vmem>>, vector<1x16xf32>,
      %get3A_564 = vector.shape_cast %get3A_563 : vector<1x16xf32> to vector<16xf32>
      %swap3A_565 = arith.index_cast %scan3A_499 : i32 to index
      %swap3A_566 = arith.constant 112 : index
      %swap3A_567 = tpu.vector_load %arg8[%swap3A_565, %swap3A_566] {strides = array<i32>} : memref<64x256xf32, #tpu.memory_space<vmem>>, vector<1x16xf32>,
      %swap3A_568 = vector.shape_cast %swap3A_567 : vector<1x16xf32> to vector<16xf32>
      %swap3A_569 = vector.shape_cast %get3A_564 : vector<16xf32> to vector<1x16xf32>
      tpu.vector_store %arg8[%swap3A_565, %swap3A_566], %swap3A_569 {add = true, strides = array<i32>} : memref<64x256xf32, #tpu.memory_space<vmem>>, vector<1x16xf32>,
      %get3A_570 = arith.index_cast %scan3A_499 : i32 to index
      %get3A_571 = arith.constant 128 : index
      %get3A_572 = tpu.vector_load %arg7[%get3A_570, %get3A_571] {strides = array<i32>} : memref<64x256xf32, #tpu.memory_space<vmem>>, vector<1x16xf32>,
      %get3A_573 = vector.shape_cast %get3A_572 : vector<1x16xf32> to vector<16xf32>
      %swap3A_574 = arith.index_cast %scan3A_499 : i32 to index
      %swap3A_575 = arith.constant 128 : index
      %swap3A_576 = tpu.vector_load %arg8[%swap3A_574, %swap3A_575] {strides = array<i32>} : memref<64x256xf32, #tpu.memory_space<vmem>>, vector<1x16xf32>,
      %swap3A_577 = vector.shape_cast %swap3A_576 : vector<1x16xf32> to vector<16xf32>
      %swap3A_578 = vector.shape_cast %get3A_573 : vector<16xf32> to vector<1x16xf32>
      tpu.vector_store %arg8[%swap3A_574, %swap3A_575], %swap3A_578 {add = true, strides = array<i32>} : memref<64x256xf32, #tpu.memory_space<vmem>>, vector<1x16xf32>,
      %get3A_579 = arith.index_cast %scan3A_499 : i32 to index
      %get3A_580 = arith.constant 144 : index
      %get3A_581 = tpu.vector_load %arg7[%get3A_579, %get3A_580] {strides = array<i32>} : memref<64x256xf32, #tpu.memory_space<vmem>>, vector<1x16xf32>,
      %get3A_582 = vector.shape_cast %get3A_581 : vector<1x16xf32> to vector<16xf32>
      %swap3A_583 = arith.index_cast %scan3A_499 : i32 to index
      %swap3A_584 = arith.constant 144 : index
      %swap3A_585 = tpu.vector_load %arg8[%swap3A_583, %swap3A_584] {strides = array<i32>} : memref<64x256xf32, #tpu.memory_space<vmem>>, vector<1x16xf32>,
      %swap3A_586 = vector.shape_cast %swap3A_585 : vector<1x16xf32> to vector<16xf32>
      %swap3A_587 = vector.shape_cast %get3A_582 : vector<16xf32> to vector<1x16xf32>
      tpu.vector_store %arg8[%swap3A_583, %swap3A_584], %swap3A_587 {add = true, strides = array<i32>} : memref<64x256xf32, #tpu.memory_space<vmem>>, vector<1x16xf32>,
      %get3A_588 = arith.index_cast %scan3A_499 : i32 to index
      %get3A_589 = arith.constant 160 : index
      %get3A_590 = tpu.vector_load %arg7[%get3A_588, %get3A_589] {strides = array<i32>} : memref<64x256xf32, #tpu.memory_space<vmem>>, vector<1x16xf32>,
      %get3A_591 = vector.shape_cast %get3A_590 : vector<1x16xf32> to vector<16xf32>
      %swap3A_592 = arith.index_cast %scan3A_499 : i32 to index
      %swap3A_593 = arith.constant 160 : index
      %swap3A_594 = tpu.vector_load %arg8[%swap3A_592, %swap3A_593] {strides = array<i32>} : memref<64x256xf32, #tpu.memory_space<vmem>>, vector<1x16xf32>,
      %swap3A_595 = vector.shape_cast %swap3A_594 : vector<1x16xf32> to vector<16xf32>
      %swap3A_596 = vector.shape_cast %get3A_591 : vector<16xf32> to vector<1x16xf32>
      tpu.vector_store %arg8[%swap3A_592, %swap3A_593], %swap3A_596 {add = true, strides = array<i32>} : memref<64x256xf32, #tpu.memory_space<vmem>>, vector<1x16xf32>,
      %get3A_597 = arith.index_cast %scan3A_499 : i32 to index
      %get3A_598 = arith.constant 176 : index
      %get3A_599 = tpu.vector_load %arg7[%get3A_597, %get3A_598] {strides = array<i32>} : memref<64x256xf32, #tpu.memory_space<vmem>>, vector<1x16xf32>,
      %get3A_600 = vector.shape_cast %get3A_599 : vector<1x16xf32> to vector<16xf32>
      %swap3A_601 = arith.index_cast %scan3A_499 : i32 to index
      %swap3A_602 = arith.constant 176 : index
      %swap3A_603 = tpu.vector_load %arg8[%swap3A_601, %swap3A_602] {strides = array<i32>} : memref<64x256xf32, #tpu.memory_space<vmem>>, vector<1x16xf32>,
      %swap3A_604 = vector.shape_cast %swap3A_603 : vector<1x16xf32> to vector<16xf32>
      %swap3A_605 = vector.shape_cast %get3A_600 : vector<16xf32> to vector<1x16xf32>
      tpu.vector_store %arg8[%swap3A_601, %swap3A_602], %swap3A_605 {add = true, strides = array<i32>} : memref<64x256xf32, #tpu.memory_space<vmem>>, vector<1x16xf32>,
      %get3A_606 = arith.index_cast %scan3A_499 : i32 to index
      %get3A_607 = arith.constant 192 : index
      %get3A_608 = tpu.vector_load %arg7[%get3A_606, %get3A_607] {strides = array<i32>} : memref<64x256xf32, #tpu.memory_space<vmem>>, vector<1x16xf32>,
      %get3A_609 = vector.shape_cast %get3A_608 : vector<1x16xf32> to vector<16xf32>
      %swap3A_610 = arith.index_cast %scan3A_499 : i32 to index
      %swap3A_611 = arith.constant 192 : index
      %swap3A_612 = tpu.vector_load %arg8[%swap3A_610, %swap3A_611] {strides = array<i32>} : memref<64x256xf32, #tpu.memory_space<vmem>>, vector<1x16xf32>,
      %swap3A_613 = vector.shape_cast %swap3A_612 : vector<1x16xf32> to vector<16xf32>
      %swap3A_614 = vector.shape_cast %get3A_609 : vector<16xf32> to vector<1x16xf32>
      tpu.vector_store %arg8[%swap3A_610, %swap3A_611], %swap3A_614 {add = true, strides = array<i32>} : memref<64x256xf32, #tpu.memory_space<vmem>>, vector<1x16xf32>,
      %get3A_615 = arith.index_cast %scan3A_499 : i32 to index
      %get3A_616 = arith.constant 208 : index
      %get3A_617 = tpu.vector_load %arg7[%get3A_615, %get3A_616] {strides = array<i32>} : memref<64x256xf32, #tpu.memory_space<vmem>>, vector<1x16xf32>,
      %get3A_618 = vector.shape_cast %get3A_617 : vector<1x16xf32> to vector<16xf32>
      %swap3A_619 = arith.index_cast %scan3A_499 : i32 to index
      %swap3A_620 = arith.constant 208 : index
      %swap3A_621 = tpu.vector_load %arg8[%swap3A_619, %swap3A_620] {strides = array<i32>} : memref<64x256xf32, #tpu.memory_space<vmem>>, vector<1x16xf32>,
      %swap3A_622 = vector.shape_cast %swap3A_621 : vector<1x16xf32> to vector<16xf32>
      %swap3A_623 = vector.shape_cast %get3A_618 : vector<16xf32> to vector<1x16xf32>
      tpu.vector_store %arg8[%swap3A_619, %swap3A_620], %swap3A_623 {add = true, strides = array<i32>} : memref<64x256xf32, #tpu.memory_space<vmem>>, vector<1x16xf32>,
      %get3A_624 = arith.index_cast %scan3A_499 : i32 to index
      %get3A_625 = arith.constant 224 : index
      %get3A_626 = tpu.vector_load %arg7[%get3A_624, %get3A_625] {strides = array<i32>} : memref<64x256xf32, #tpu.memory_space<vmem>>, vector<1x16xf32>,
      %get3A_627 = vector.shape_cast %get3A_626 : vector<1x16xf32> to vector<16xf32>
      %swap3A_628 = arith.index_cast %scan3A_499 : i32 to index
      %swap3A_629 = arith.constant 224 : index
      %swap3A_630 = tpu.vector_load %arg8[%swap3A_628, %swap3A_629] {strides = array<i32>} : memref<64x256xf32, #tpu.memory_space<vmem>>, vector<1x16xf32>,
      %swap3A_631 = vector.shape_cast %swap3A_630 : vector<1x16xf32> to vector<16xf32>
      %swap3A_632 = vector.shape_cast %get3A_627 : vector<16xf32> to vector<1x16xf32>
      tpu.vector_store %arg8[%swap3A_628, %swap3A_629], %swap3A_632 {add = true, strides = array<i32>} : memref<64x256xf32, #tpu.memory_space<vmem>>, vector<1x16xf32>,
      %get3A_633 = arith.index_cast %scan3A_499 : i32 to index
      %get3A_634 = arith.constant 240 : index
      %get3A_635 = tpu.vector_load %arg7[%get3A_633, %get3A_634] {strides = array<i32>} : memref<64x256xf32, #tpu.memory_space<vmem>>, vector<1x16xf32>,
      %get3A_636 = vector.shape_cast %get3A_635 : vector<1x16xf32> to vector<16xf32>
      %swap3A_637 = arith.index_cast %scan3A_499 : i32 to index
      %swap3A_638 = arith.constant 240 : index
      %swap3A_639 = tpu.vector_load %arg8[%swap3A_637, %swap3A_638] {strides = array<i32>} : memref<64x256xf32, #tpu.memory_space<vmem>>, vector<1x16xf32>,
      %swap3A_640 = vector.shape_cast %swap3A_639 : vector<1x16xf32> to vector<16xf32>
      %swap3A_641 = vector.shape_cast %get3A_636 : vector<16xf32> to vector<1x16xf32>
      tpu.vector_store %arg8[%swap3A_637, %swap3A_638], %swap3A_641 {add = true, strides = array<i32>} : memref<64x256xf32, #tpu.memory_space<vmem>>, vector<1x16xf32>,
    }
    %scan3A_86 = arith.constant 64 : i32
    %add3A_87 = arith.constant 0 : i32
    %add3A_88 = arith.addi %add3A_87, %mul3A_2 : i32
    %dma_start3A_89 = arith.constant 0 : i32
    %dma_start3A_90 = tpu.memref_slice %arg5[%add3A_88, %dma_start3A_89] : memref<32768x256xf32, #tpu.memory_space<hbm>> -> memref<64x256xf32, #tpu.memory_space<hbm>>
    %dma_start3A_91 = arith.constant 0 : i32
    %dma_start3A_92 = tpu.memref_slice %arg5[%add3A_88, %dma_start3A_91] : memref<32768x256xf32, #tpu.memory_space<hbm>> -> memref<64x256xf32, #tpu.memory_space<hbm>>
    tpu.enqueue_dma source(%arg8 : memref<64x256xf32, #tpu.memory_space<vmem>>) target(%dma_start3A_92 : memref<64x256xf32, #tpu.memory_space<hbm>>) target_semaphore(%arg20 : memref<!tpu.dma_semaphore, #tpu.memory_space<semaphore_mem>>)
    %dma_start3A_93 = arith.constant 4 : i32
    %dma_start3A_94 = tpu.memref_slice %arg6[%dma_start3A_93, %multiple_of3A_37] : memref<16x128xi32, #tpu.memory_space<vmem>> -> memref<1x64xi32, #tpu.memory_space<vmem>>
    %dma_start3A_95 = tpu.memref_squeeze %dma_start3A_94 : memref<1x64xi32, #tpu.memory_space<vmem>> -> memref<64xi32, #tpu.memory_space<vmem>>
    %dma_start3A_96 = arith.constant 0 : i32
    %dma_start3A_97 = arith.constant 0 : i32
    %dma_start3A_98 = tpu.memref_slice %arg3[%dma_start3A_96, %dma_start3A_97] : memref<50257x256xf32, #tpu.memory_space<hbm>> -> memref<50257x256xf32, #tpu.memory_space<hbm>>
    tpu.enqueue_indirect_dma source(%dma_start3A_98 : memref<50257x256xf32, #tpu.memory_space<hbm>>) target(%arg12 : memref<64x256xf32, #tpu.memory_space<vmem>>) offsets(%dma_start3A_95 : memref<64xi32, #tpu.memory_space<vmem>>) semaphore(%arg18 : memref<!tpu.dma_semaphore, #tpu.memory_space<semaphore_mem>>)
    %dma_wait3A_99 = arith.constant 1 : i32
    %dma_wait3A_100 = tpu.memref_slice %arg6[%dma_wait3A_99, %multiple_of3A_37] : memref<16x128xi32, #tpu.memory_space<vmem>> -> memref<1x64xi32, #tpu.memory_space<vmem>>
    %dma_wait3A_101 = tpu.memref_squeeze %dma_wait3A_100 : memref<1x64xi32, #tpu.memory_space<vmem>> -> memref<64xi32, #tpu.memory_space<vmem>>
    %dma_wait3A_102 = arith.constant 0 : i32
    %dma_wait3A_103 = arith.constant 0 : i32
    %dma_wait3A_104 = tpu.memref_slice %arg3[%dma_wait3A_102, %dma_wait3A_103] : memref<50257x256xf32, #tpu.memory_space<hbm>> -> memref<50257x256xf32, #tpu.memory_space<hbm>>
    tpu.wait_indirect_dma semaphore(%arg15 : memref<!tpu.dma_semaphore, #tpu.memory_space<semaphore_mem>>) src(%dma_wait3A_104 : memref<50257x256xf32, #tpu.memory_space<hbm>>) dst(%arg9 : memref<64x256xf32, #tpu.memory_space<vmem>>)
    %scan3A_105 = arith.constant 0 : i32
    %scan3A_106 = arith.constant 0 : i32
    %scan3A_107 = arith.constant 64 : i32
    %scan3A_108 = arith.addi %scan3A_106, %scan3A_107 : i32
    %scan3A_109 = arith.constant 1 : i32
    scf.for %scan3A_499 = %scan3A_106 to %scan3A_108 step %scan3A_109  : i32 {
      %get3A = arith.index_cast %scan3A_499 : i32 to index
      %get3A_500 = arith.constant 0 : index
      %get3A_501 = tpu.vector_load %arg7[%get3A, %get3A_500] {strides = array<i32>} : memref<64x256xf32, #tpu.memory_space<vmem>>, vector<1x16xf32>,
      %get3A_502 = vector.shape_cast %get3A_501 : vector<1x16xf32> to vector<16xf32>
      %swap3A = arith.index_cast %scan3A_499 : i32 to index
      %swap3A_503 = arith.constant 0 : index
      %swap3A_504 = tpu.vector_load %arg9[%swap3A, %swap3A_503] {strides = array<i32>} : memref<64x256xf32, #tpu.memory_space<vmem>>, vector<1x16xf32>,
      %swap3A_505 = vector.shape_cast %swap3A_504 : vector<1x16xf32> to vector<16xf32>
      %swap3A_506 = vector.shape_cast %get3A_502 : vector<16xf32> to vector<1x16xf32>
      tpu.vector_store %arg9[%swap3A, %swap3A_503], %swap3A_506 {add = true, strides = array<i32>} : memref<64x256xf32, #tpu.memory_space<vmem>>, vector<1x16xf32>,
      %get3A_507 = arith.index_cast %scan3A_499 : i32 to index
      %get3A_508 = arith.constant 16 : index
      %get3A_509 = tpu.vector_load %arg7[%get3A_507, %get3A_508] {strides = array<i32>} : memref<64x256xf32, #tpu.memory_space<vmem>>, vector<1x16xf32>,
      %get3A_510 = vector.shape_cast %get3A_509 : vector<1x16xf32> to vector<16xf32>
      %swap3A_511 = arith.index_cast %scan3A_499 : i32 to index
      %swap3A_512 = arith.constant 16 : index
      %swap3A_513 = tpu.vector_load %arg9[%swap3A_511, %swap3A_512] {strides = array<i32>} : memref<64x256xf32, #tpu.memory_space<vmem>>, vector<1x16xf32>,
      %swap3A_514 = vector.shape_cast %swap3A_513 : vector<1x16xf32> to vector<16xf32>
      %swap3A_515 = vector.shape_cast %get3A_510 : vector<16xf32> to vector<1x16xf32>
      tpu.vector_store %arg9[%swap3A_511, %swap3A_512], %swap3A_515 {add = true, strides = array<i32>} : memref<64x256xf32, #tpu.memory_space<vmem>>, vector<1x16xf32>,
      %get3A_516 = arith.index_cast %scan3A_499 : i32 to index
      %get3A_517 = arith.constant 32 : index
      %get3A_518 = tpu.vector_load %arg7[%get3A_516, %get3A_517] {strides = array<i32>} : memref<64x256xf32, #tpu.memory_space<vmem>>, vector<1x16xf32>,
      %get3A_519 = vector.shape_cast %get3A_518 : vector<1x16xf32> to vector<16xf32>
      %swap3A_520 = arith.index_cast %scan3A_499 : i32 to index
      %swap3A_521 = arith.constant 32 : index
      %swap3A_522 = tpu.vector_load %arg9[%swap3A_520, %swap3A_521] {strides = array<i32>} : memref<64x256xf32, #tpu.memory_space<vmem>>, vector<1x16xf32>,
      %swap3A_523 = vector.shape_cast %swap3A_522 : vector<1x16xf32> to vector<16xf32>
      %swap3A_524 = vector.shape_cast %get3A_519 : vector<16xf32> to vector<1x16xf32>
      tpu.vector_store %arg9[%swap3A_520, %swap3A_521], %swap3A_524 {add = true, strides = array<i32>} : memref<64x256xf32, #tpu.memory_space<vmem>>, vector<1x16xf32>,
      %get3A_525 = arith.index_cast %scan3A_499 : i32 to index
      %get3A_526 = arith.constant 48 : index
      %get3A_527 = tpu.vector_load %arg7[%get3A_525, %get3A_526] {strides = array<i32>} : memref<64x256xf32, #tpu.memory_space<vmem>>, vector<1x16xf32>,
      %get3A_528 = vector.shape_cast %get3A_527 : vector<1x16xf32> to vector<16xf32>
      %swap3A_529 = arith.index_cast %scan3A_499 : i32 to index
      %swap3A_530 = arith.constant 48 : index
      %swap3A_531 = tpu.vector_load %arg9[%swap3A_529, %swap3A_530] {strides = array<i32>} : memref<64x256xf32, #tpu.memory_space<vmem>>, vector<1x16xf32>,
      %swap3A_532 = vector.shape_cast %swap3A_531 : vector<1x16xf32> to vector<16xf32>
      %swap3A_533 = vector.shape_cast %get3A_528 : vector<16xf32> to vector<1x16xf32>
      tpu.vector_store %arg9[%swap3A_529, %swap3A_530], %swap3A_533 {add = true, strides = array<i32>} : memref<64x256xf32, #tpu.memory_space<vmem>>, vector<1x16xf32>,
      %get3A_534 = arith.index_cast %scan3A_499 : i32 to index
      %get3A_535 = arith.constant 64 : index
      %get3A_536 = tpu.vector_load %arg7[%get3A_534, %get3A_535] {strides = array<i32>} : memref<64x256xf32, #tpu.memory_space<vmem>>, vector<1x16xf32>,
      %get3A_537 = vector.shape_cast %get3A_536 : vector<1x16xf32> to vector<16xf32>
      %swap3A_538 = arith.index_cast %scan3A_499 : i32 to index
      %swap3A_539 = arith.constant 64 : index
      %swap3A_540 = tpu.vector_load %arg9[%swap3A_538, %swap3A_539] {strides = array<i32>} : memref<64x256xf32, #tpu.memory_space<vmem>>, vector<1x16xf32>,
      %swap3A_541 = vector.shape_cast %swap3A_540 : vector<1x16xf32> to vector<16xf32>
      %swap3A_542 = vector.shape_cast %get3A_537 : vector<16xf32> to vector<1x16xf32>
      tpu.vector_store %arg9[%swap3A_538, %swap3A_539], %swap3A_542 {add = true, strides = array<i32>} : memref<64x256xf32, #tpu.memory_space<vmem>>, vector<1x16xf32>,
      %get3A_543 = arith.index_cast %scan3A_499 : i32 to index
      %get3A_544 = arith.constant 80 : index
      %get3A_545 = tpu.vector_load %arg7[%get3A_543, %get3A_544] {strides = array<i32>} : memref<64x256xf32, #tpu.memory_space<vmem>>, vector<1x16xf32>,
      %get3A_546 = vector.shape_cast %get3A_545 : vector<1x16xf32> to vector<16xf32>
      %swap3A_547 = arith.index_cast %scan3A_499 : i32 to index
      %swap3A_548 = arith.constant 80 : index
      %swap3A_549 = tpu.vector_load %arg9[%swap3A_547, %swap3A_548] {strides = array<i32>} : memref<64x256xf32, #tpu.memory_space<vmem>>, vector<1x16xf32>,
      %swap3A_550 = vector.shape_cast %swap3A_549 : vector<1x16xf32> to vector<16xf32>
      %swap3A_551 = vector.shape_cast %get3A_546 : vector<16xf32> to vector<1x16xf32>
      tpu.vector_store %arg9[%swap3A_547, %swap3A_548], %swap3A_551 {add = true, strides = array<i32>} : memref<64x256xf32, #tpu.memory_space<vmem>>, vector<1x16xf32>,
      %get3A_552 = arith.index_cast %scan3A_499 : i32 to index
      %get3A_553 = arith.constant 96 : index
      %get3A_554 = tpu.vector_load %arg7[%get3A_552, %get3A_553] {strides = array<i32>} : memref<64x256xf32, #tpu.memory_space<vmem>>, vector<1x16xf32>,
      %get3A_555 = vector.shape_cast %get3A_554 : vector<1x16xf32> to vector<16xf32>
      %swap3A_556 = arith.index_cast %scan3A_499 : i32 to index
      %swap3A_557 = arith.constant 96 : index
      %swap3A_558 = tpu.vector_load %arg9[%swap3A_556, %swap3A_557] {strides = array<i32>} : memref<64x256xf32, #tpu.memory_space<vmem>>, vector<1x16xf32>,
      %swap3A_559 = vector.shape_cast %swap3A_558 : vector<1x16xf32> to vector<16xf32>
      %swap3A_560 = vector.shape_cast %get3A_555 : vector<16xf32> to vector<1x16xf32>
      tpu.vector_store %arg9[%swap3A_556, %swap3A_557], %swap3A_560 {add = true, strides = array<i32>} : memref<64x256xf32, #tpu.memory_space<vmem>>, vector<1x16xf32>,
      %get3A_561 = arith.index_cast %scan3A_499 : i32 to index
      %get3A_562 = arith.constant 112 : index
      %get3A_563 = tpu.vector_load %arg7[%get3A_561, %get3A_562] {strides = array<i32>} : memref<64x256xf32, #tpu.memory_space<vmem>>, vector<1x16xf32>,
      %get3A_564 = vector.shape_cast %get3A_563 : vector<1x16xf32> to vector<16xf32>
      %swap3A_565 = arith.index_cast %scan3A_499 : i32 to index
      %swap3A_566 = arith.constant 112 : index
      %swap3A_567 = tpu.vector_load %arg9[%swap3A_565, %swap3A_566] {strides = array<i32>} : memref<64x256xf32, #tpu.memory_space<vmem>>, vector<1x16xf32>,
      %swap3A_568 = vector.shape_cast %swap3A_567 : vector<1x16xf32> to vector<16xf32>
      %swap3A_569 = vector.shape_cast %get3A_564 : vector<16xf32> to vector<1x16xf32>
      tpu.vector_store %arg9[%swap3A_565, %swap3A_566], %swap3A_569 {add = true, strides = array<i32>} : memref<64x256xf32, #tpu.memory_space<vmem>>, vector<1x16xf32>,
      %get3A_570 = arith.index_cast %scan3A_499 : i32 to index
      %get3A_571 = arith.constant 128 : index
      %get3A_572 = tpu.vector_load %arg7[%get3A_570, %get3A_571] {strides = array<i32>} : memref<64x256xf32, #tpu.memory_space<vmem>>, vector<1x16xf32>,
      %get3A_573 = vector.shape_cast %get3A_572 : vector<1x16xf32> to vector<16xf32>
      %swap3A_574 = arith.index_cast %scan3A_499 : i32 to index
      %swap3A_575 = arith.constant 128 : index
      %swap3A_576 = tpu.vector_load %arg9[%swap3A_574, %swap3A_575] {strides = array<i32>} : memref<64x256xf32, #tpu.memory_space<vmem>>, vector<1x16xf32>,
      %swap3A_577 = vector.shape_cast %swap3A_576 : vector<1x16xf32> to vector<16xf32>
      %swap3A_578 = vector.shape_cast %get3A_573 : vector<16xf32> to vector<1x16xf32>
      tpu.vector_store %arg9[%swap3A_574, %swap3A_575], %swap3A_578 {add = true, strides = array<i32>} : memref<64x256xf32, #tpu.memory_space<vmem>>, vector<1x16xf32>,
      %get3A_579 = arith.index_cast %scan3A_499 : i32 to index
      %get3A_580 = arith.constant 144 : index
      %get3A_581 = tpu.vector_load %arg7[%get3A_579, %get3A_580] {strides = array<i32>} : memref<64x256xf32, #tpu.memory_space<vmem>>, vector<1x16xf32>,
      %get3A_582 = vector.shape_cast %get3A_581 : vector<1x16xf32> to vector<16xf32>
      %swap3A_583 = arith.index_cast %scan3A_499 : i32 to index
      %swap3A_584 = arith.constant 144 : index
      %swap3A_585 = tpu.vector_load %arg9[%swap3A_583, %swap3A_584] {strides = array<i32>} : memref<64x256xf32, #tpu.memory_space<vmem>>, vector<1x16xf32>,
      %swap3A_586 = vector.shape_cast %swap3A_585 : vector<1x16xf32> to vector<16xf32>
      %swap3A_587 = vector.shape_cast %get3A_582 : vector<16xf32> to vector<1x16xf32>
      tpu.vector_store %arg9[%swap3A_583, %swap3A_584], %swap3A_587 {add = true, strides = array<i32>} : memref<64x256xf32, #tpu.memory_space<vmem>>, vector<1x16xf32>,
      %get3A_588 = arith.index_cast %scan3A_499 : i32 to index
      %get3A_589 = arith.constant 160 : index
      %get3A_590 = tpu.vector_load %arg7[%get3A_588, %get3A_589] {strides = array<i32>} : memref<64x256xf32, #tpu.memory_space<vmem>>, vector<1x16xf32>,
      %get3A_591 = vector.shape_cast %get3A_590 : vector<1x16xf32> to vector<16xf32>
      %swap3A_592 = arith.index_cast %scan3A_499 : i32 to index
      %swap3A_593 = arith.constant 160 : index
      %swap3A_594 = tpu.vector_load %arg9[%swap3A_592, %swap3A_593] {strides = array<i32>} : memref<64x256xf32, #tpu.memory_space<vmem>>, vector<1x16xf32>,
      %swap3A_595 = vector.shape_cast %swap3A_594 : vector<1x16xf32> to vector<16xf32>
      %swap3A_596 = vector.shape_cast %get3A_591 : vector<16xf32> to vector<1x16xf32>
      tpu.vector_store %arg9[%swap3A_592, %swap3A_593], %swap3A_596 {add = true, strides = array<i32>} : memref<64x256xf32, #tpu.memory_space<vmem>>, vector<1x16xf32>,
      %get3A_597 = arith.index_cast %scan3A_499 : i32 to index
      %get3A_598 = arith.constant 176 : index
      %get3A_599 = tpu.vector_load %arg7[%get3A_597, %get3A_598] {strides = array<i32>} : memref<64x256xf32, #tpu.memory_space<vmem>>, vector<1x16xf32>,
      %get3A_600 = vector.shape_cast %get3A_599 : vector<1x16xf32> to vector<16xf32>
      %swap3A_601 = arith.index_cast %scan3A_499 : i32 to index
      %swap3A_602 = arith.constant 176 : index
      %swap3A_603 = tpu.vector_load %arg9[%swap3A_601, %swap3A_602] {strides = array<i32>} : memref<64x256xf32, #tpu.memory_space<vmem>>, vector<1x16xf32>,
      %swap3A_604 = vector.shape_cast %swap3A_603 : vector<1x16xf32> to vector<16xf32>
      %swap3A_605 = vector.shape_cast %get3A_600 : vector<16xf32> to vector<1x16xf32>
      tpu.vector_store %arg9[%swap3A_601, %swap3A_602], %swap3A_605 {add = true, strides = array<i32>} : memref<64x256xf32, #tpu.memory_space<vmem>>, vector<1x16xf32>,
      %get3A_606 = arith.index_cast %scan3A_499 : i32 to index
      %get3A_607 = arith.constant 192 : index
      %get3A_608 = tpu.vector_load %arg7[%get3A_606, %get3A_607] {strides = array<i32>} : memref<64x256xf32, #tpu.memory_space<vmem>>, vector<1x16xf32>,
      %get3A_609 = vector.shape_cast %get3A_608 : vector<1x16xf32> to vector<16xf32>
      %swap3A_610 = arith.index_cast %scan3A_499 : i32 to index
      %swap3A_611 = arith.constant 192 : index
      %swap3A_612 = tpu.vector_load %arg9[%swap3A_610, %swap3A_611] {strides = array<i32>} : memref<64x256xf32, #tpu.memory_space<vmem>>, vector<1x16xf32>,
      %swap3A_613 = vector.shape_cast %swap3A_612 : vector<1x16xf32> to vector<16xf32>
      %swap3A_614 = vector.shape_cast %get3A_609 : vector<16xf32> to vector<1x16xf32>
      tpu.vector_store %arg9[%swap3A_610, %swap3A_611], %swap3A_614 {add = true, strides = array<i32>} : memref<64x256xf32, #tpu.memory_space<vmem>>, vector<1x16xf32>,
      %get3A_615 = arith.index_cast %scan3A_499 : i32 to index
      %get3A_616 = arith.constant 208 : index
      %get3A_617 = tpu.vector_load %arg7[%get3A_615, %get3A_616] {strides = array<i32>} : memref<64x256xf32, #tpu.memory_space<vmem>>, vector<1x16xf32>,
      %get3A_618 = vector.shape_cast %get3A_617 : vector<1x16xf32> to vector<16xf32>
      %swap3A_619 = arith.index_cast %scan3A_499 : i32 to index
      %swap3A_620 = arith.constant 208 : index
      %swap3A_621 = tpu.vector_load %arg9[%swap3A_619, %swap3A_620] {strides = array<i32>} : memref<64x256xf32, #tpu.memory_space<vmem>>, vector<1x16xf32>,
      %swap3A_622 = vector.shape_cast %swap3A_621 : vector<1x16xf32> to vector<16xf32>
      %swap3A_623 = vector.shape_cast %get3A_618 : vector<16xf32> to vector<1x16xf32>
      tpu.vector_store %arg9[%swap3A_619, %swap3A_620], %swap3A_623 {add = true, strides = array<i32>} : memref<64x256xf32, #tpu.memory_space<vmem>>, vector<1x16xf32>,
      %get3A_624 = arith.index_cast %scan3A_499 : i32 to index
      %get3A_625 = arith.constant 224 : index
      %get3A_626 = tpu.vector_load %arg7[%get3A_624, %get3A_625] {strides = array<i32>} : memref<64x256xf32, #tpu.memory_space<vmem>>, vector<1x16xf32>,
      %get3A_627 = vector.shape_cast %get3A_626 : vector<1x16xf32> to vector<16xf32>
      %swap3A_628 = arith.index_cast %scan3A_499 : i32 to index
      %swap3A_629 = arith.constant 224 : index
      %swap3A_630 = tpu.vector_load %arg9[%swap3A_628, %swap3A_629] {strides = array<i32>} : memref<64x256xf32, #tpu.memory_space<vmem>>, vector<1x16xf32>,
      %swap3A_631 = vector.shape_cast %swap3A_630 : vector<1x16xf32> to vector<16xf32>
      %swap3A_632 = vector.shape_cast %get3A_627 : vector<16xf32> to vector<1x16xf32>
      tpu.vector_store %arg9[%swap3A_628, %swap3A_629], %swap3A_632 {add = true, strides = array<i32>} : memref<64x256xf32, #tpu.memory_space<vmem>>, vector<1x16xf32>,
      %get3A_633 = arith.index_cast %scan3A_499 : i32 to index
      %get3A_634 = arith.constant 240 : index
      %get3A_635 = tpu.vector_load %arg7[%get3A_633, %get3A_634] {strides = array<i32>} : memref<64x256xf32, #tpu.memory_space<vmem>>, vector<1x16xf32>,
      %get3A_636 = vector.shape_cast %get3A_635 : vector<1x16xf32> to vector<16xf32>
      %swap3A_637 = arith.index_cast %scan3A_499 : i32 to index
      %swap3A_638 = arith.constant 240 : index
      %swap3A_639 = tpu.vector_load %arg9[%swap3A_637, %swap3A_638] {strides = array<i32>} : memref<64x256xf32, #tpu.memory_space<vmem>>, vector<1x16xf32>,
      %swap3A_640 = vector.shape_cast %swap3A_639 : vector<1x16xf32> to vector<16xf32>
      %swap3A_641 = vector.shape_cast %get3A_636 : vector<16xf32> to vector<1x16xf32>
      tpu.vector_store %arg9[%swap3A_637, %swap3A_638], %swap3A_641 {add = true, strides = array<i32>} : memref<64x256xf32, #tpu.memory_space<vmem>>, vector<1x16xf32>,
    }
    %scan3A_110 = arith.constant 64 : i32
    %add3A_111 = arith.constant 2048 : i32
    %add3A_112 = arith.addi %add3A_111, %mul3A_2 : i32
    %dma_start3A_113 = arith.constant 0 : i32
    %dma_start3A_114 = tpu.memref_slice %arg5[%add3A_112, %dma_start3A_113] : memref<32768x256xf32, #tpu.memory_space<hbm>> -> memref<64x256xf32, #tpu.memory_space<hbm>>
    %dma_start3A_115 = arith.constant 0 : i32
    %dma_start3A_116 = tpu.memref_slice %arg5[%add3A_112, %dma_start3A_115] : memref<32768x256xf32, #tpu.memory_space<hbm>> -> memref<64x256xf32, #tpu.memory_space<hbm>>
    tpu.enqueue_dma source(%arg9 : memref<64x256xf32, #tpu.memory_space<vmem>>) target(%dma_start3A_116 : memref<64x256xf32, #tpu.memory_space<hbm>>) target_semaphore(%arg21 : memref<!tpu.dma_semaphore, #tpu.memory_space<semaphore_mem>>)
    %dma_start3A_117 = arith.constant 5 : i32
    %dma_start3A_118 = tpu.memref_slice %arg6[%dma_start3A_117, %multiple_of3A_37] : memref<16x128xi32, #tpu.memory_space<vmem>> -> memref<1x64xi32, #tpu.memory_space<vmem>>
    %dma_start3A_119 = tpu.memref_squeeze %dma_start3A_118 : memref<1x64xi32, #tpu.memory_space<vmem>> -> memref<64xi32, #tpu.memory_space<vmem>>
    %dma_start3A_120 = arith.constant 0 : i32
    %dma_start3A_121 = arith.constant 0 : i32
    %dma_start3A_122 = tpu.memref_slice %arg3[%dma_start3A_120, %dma_start3A_121] : memref<50257x256xf32, #tpu.memory_space<hbm>> -> memref<50257x256xf32, #tpu.memory_space<hbm>>
    tpu.enqueue_indirect_dma source(%dma_start3A_122 : memref<50257x256xf32, #tpu.memory_space<hbm>>) target(%arg13 : memref<64x256xf32, #tpu.memory_space<vmem>>) offsets(%dma_start3A_119 : memref<64xi32, #tpu.memory_space<vmem>>) semaphore(%arg19 : memref<!tpu.dma_semaphore, #tpu.memory_space<semaphore_mem>>)
    %dma_wait3A_123 = arith.constant 2 : i32
    %dma_wait3A_124 = tpu.memref_slice %arg6[%dma_wait3A_123, %multiple_of3A_37] : memref<16x128xi32, #tpu.memory_space<vmem>> -> memref<1x64xi32, #tpu.memory_space<vmem>>
    %dma_wait3A_125 = tpu.memref_squeeze %dma_wait3A_124 : memref<1x64xi32, #tpu.memory_space<vmem>> -> memref<64xi32, #tpu.memory_space<vmem>>
    %dma_wait3A_126 = arith.constant 0 : i32
    %dma_wait3A_127 = arith.constant 0 : i32
    %dma_wait3A_128 = tpu.memref_slice %arg3[%dma_wait3A_126, %dma_wait3A_127] : memref<50257x256xf32, #tpu.memory_space<hbm>> -> memref<50257x256xf32, #tpu.memory_space<hbm>>
    tpu.wait_indirect_dma semaphore(%arg16 : memref<!tpu.dma_semaphore, #tpu.memory_space<semaphore_mem>>) src(%dma_wait3A_128 : memref<50257x256xf32, #tpu.memory_space<hbm>>) dst(%arg10 : memref<64x256xf32, #tpu.memory_space<vmem>>)
    %scan3A_129 = arith.constant 0 : i32
    %scan3A_130 = arith.constant 0 : i32
    %scan3A_131 = arith.constant 64 : i32
    %scan3A_132 = arith.addi %scan3A_130, %scan3A_131 : i32
    %scan3A_133 = arith.constant 1 : i32
    scf.for %scan3A_499 = %scan3A_130 to %scan3A_132 step %scan3A_133  : i32 {
      %get3A = arith.index_cast %scan3A_499 : i32 to index
      %get3A_500 = arith.constant 0 : index
      %get3A_501 = tpu.vector_load %arg7[%get3A, %get3A_500] {strides = array<i32>} : memref<64x256xf32, #tpu.memory_space<vmem>>, vector<1x16xf32>,
      %get3A_502 = vector.shape_cast %get3A_501 : vector<1x16xf32> to vector<16xf32>
      %swap3A = arith.index_cast %scan3A_499 : i32 to index
      %swap3A_503 = arith.constant 0 : index
      %swap3A_504 = tpu.vector_load %arg10[%swap3A, %swap3A_503] {strides = array<i32>} : memref<64x256xf32, #tpu.memory_space<vmem>>, vector<1x16xf32>,
      %swap3A_505 = vector.shape_cast %swap3A_504 : vector<1x16xf32> to vector<16xf32>
      %swap3A_506 = vector.shape_cast %get3A_502 : vector<16xf32> to vector<1x16xf32>
      tpu.vector_store %arg10[%swap3A, %swap3A_503], %swap3A_506 {add = true, strides = array<i32>} : memref<64x256xf32, #tpu.memory_space<vmem>>, vector<1x16xf32>,
      %get3A_507 = arith.index_cast %scan3A_499 : i32 to index
      %get3A_508 = arith.constant 16 : index
      %get3A_509 = tpu.vector_load %arg7[%get3A_507, %get3A_508] {strides = array<i32>} : memref<64x256xf32, #tpu.memory_space<vmem>>, vector<1x16xf32>,
      %get3A_510 = vector.shape_cast %get3A_509 : vector<1x16xf32> to vector<16xf32>
      %swap3A_511 = arith.index_cast %scan3A_499 : i32 to index
      %swap3A_512 = arith.constant 16 : index
      %swap3A_513 = tpu.vector_load %arg10[%swap3A_511, %swap3A_512] {strides = array<i32>} : memref<64x256xf32, #tpu.memory_space<vmem>>, vector<1x16xf32>,
      %swap3A_514 = vector.shape_cast %swap3A_513 : vector<1x16xf32> to vector<16xf32>
      %swap3A_515 = vector.shape_cast %get3A_510 : vector<16xf32> to vector<1x16xf32>
      tpu.vector_store %arg10[%swap3A_511, %swap3A_512], %swap3A_515 {add = true, strides = array<i32>} : memref<64x256xf32, #tpu.memory_space<vmem>>, vector<1x16xf32>,
      %get3A_516 = arith.index_cast %scan3A_499 : i32 to index
      %get3A_517 = arith.constant 32 : index
      %get3A_518 = tpu.vector_load %arg7[%get3A_516, %get3A_517] {strides = array<i32>} : memref<64x256xf32, #tpu.memory_space<vmem>>, vector<1x16xf32>,
      %get3A_519 = vector.shape_cast %get3A_518 : vector<1x16xf32> to vector<16xf32>
      %swap3A_520 = arith.index_cast %scan3A_499 : i32 to index
      %swap3A_521 = arith.constant 32 : index
      %swap3A_522 = tpu.vector_load %arg10[%swap3A_520, %swap3A_521] {strides = array<i32>} : memref<64x256xf32, #tpu.memory_space<vmem>>, vector<1x16xf32>,
      %swap3A_523 = vector.shape_cast %swap3A_522 : vector<1x16xf32> to vector<16xf32>
      %swap3A_524 = vector.shape_cast %get3A_519 : vector<16xf32> to vector<1x16xf32>
      tpu.vector_store %arg10[%swap3A_520, %swap3A_521], %swap3A_524 {add = true, strides = array<i32>} : memref<64x256xf32, #tpu.memory_space<vmem>>, vector<1x16xf32>,
      %get3A_525 = arith.index_cast %scan3A_499 : i32 to index
      %get3A_526 = arith.constant 48 : index
      %get3A_527 = tpu.vector_load %arg7[%get3A_525, %get3A_526] {strides = array<i32>} : memref<64x256xf32, #tpu.memory_space<vmem>>, vector<1x16xf32>,
      %get3A_528 = vector.shape_cast %get3A_527 : vector<1x16xf32> to vector<16xf32>
      %swap3A_529 = arith.index_cast %scan3A_499 : i32 to index
      %swap3A_530 = arith.constant 48 : index
      %swap3A_531 = tpu.vector_load %arg10[%swap3A_529, %swap3A_530] {strides = array<i32>} : memref<64x256xf32, #tpu.memory_space<vmem>>, vector<1x16xf32>,
      %swap3A_532 = vector.shape_cast %swap3A_531 : vector<1x16xf32> to vector<16xf32>
      %swap3A_533 = vector.shape_cast %get3A_528 : vector<16xf32> to vector<1x16xf32>
      tpu.vector_store %arg10[%swap3A_529, %swap3A_530], %swap3A_533 {add = true, strides = array<i32>} : memref<64x256xf32, #tpu.memory_space<vmem>>, vector<1x16xf32>,
      %get3A_534 = arith.index_cast %scan3A_499 : i32 to index
      %get3A_535 = arith.constant 64 : index
      %get3A_536 = tpu.vector_load %arg7[%get3A_534, %get3A_535] {strides = array<i32>} : memref<64x256xf32, #tpu.memory_space<vmem>>, vector<1x16xf32>,
      %get3A_537 = vector.shape_cast %get3A_536 : vector<1x16xf32> to vector<16xf32>
      %swap3A_538 = arith.index_cast %scan3A_499 : i32 to index
      %swap3A_539 = arith.constant 64 : index
      %swap3A_540 = tpu.vector_load %arg10[%swap3A_538, %swap3A_539] {strides = array<i32>} : memref<64x256xf32, #tpu.memory_space<vmem>>, vector<1x16xf32>,
      %swap3A_541 = vector.shape_cast %swap3A_540 : vector<1x16xf32> to vector<16xf32>
      %swap3A_542 = vector.shape_cast %get3A_537 : vector<16xf32> to vector<1x16xf32>
      tpu.vector_store %arg10[%swap3A_538, %swap3A_539], %swap3A_542 {add = true, strides = array<i32>} : memref<64x256xf32, #tpu.memory_space<vmem>>, vector<1x16xf32>,
      %get3A_543 = arith.index_cast %scan3A_499 : i32 to index
      %get3A_544 = arith.constant 80 : index
      %get3A_545 = tpu.vector_load %arg7[%get3A_543, %get3A_544] {strides = array<i32>} : memref<64x256xf32, #tpu.memory_space<vmem>>, vector<1x16xf32>,
      %get3A_546 = vector.shape_cast %get3A_545 : vector<1x16xf32> to vector<16xf32>
      %swap3A_547 = arith.index_cast %scan3A_499 : i32 to index
      %swap3A_548 = arith.constant 80 : index
      %swap3A_549 = tpu.vector_load %arg10[%swap3A_547, %swap3A_548] {strides = array<i32>} : memref<64x256xf32, #tpu.memory_space<vmem>>, vector<1x16xf32>,
      %swap3A_550 = vector.shape_cast %swap3A_549 : vector<1x16xf32> to vector<16xf32>
      %swap3A_551 = vector.shape_cast %get3A_546 : vector<16xf32> to vector<1x16xf32>
      tpu.vector_store %arg10[%swap3A_547, %swap3A_548], %swap3A_551 {add = true, strides = array<i32>} : memref<64x256xf32, #tpu.memory_space<vmem>>, vector<1x16xf32>,
      %get3A_552 = arith.index_cast %scan3A_499 : i32 to index
      %get3A_553 = arith.constant 96 : index
      %get3A_554 = tpu.vector_load %arg7[%get3A_552, %get3A_553] {strides = array<i32>} : memref<64x256xf32, #tpu.memory_space<vmem>>, vector<1x16xf32>,
      %get3A_555 = vector.shape_cast %get3A_554 : vector<1x16xf32> to vector<16xf32>
      %swap3A_556 = arith.index_cast %scan3A_499 : i32 to index
      %swap3A_557 = arith.constant 96 : index
      %swap3A_558 = tpu.vector_load %arg10[%swap3A_556, %swap3A_557] {strides = array<i32>} : memref<64x256xf32, #tpu.memory_space<vmem>>, vector<1x16xf32>,
      %swap3A_559 = vector.shape_cast %swap3A_558 : vector<1x16xf32> to vector<16xf32>
      %swap3A_560 = vector.shape_cast %get3A_555 : vector<16xf32> to vector<1x16xf32>
      tpu.vector_store %arg10[%swap3A_556, %swap3A_557], %swap3A_560 {add = true, strides = array<i32>} : memref<64x256xf32, #tpu.memory_space<vmem>>, vector<1x16xf32>,
      %get3A_561 = arith.index_cast %scan3A_499 : i32 to index
      %get3A_562 = arith.constant 112 : index
      %get3A_563 = tpu.vector_load %arg7[%get3A_561, %get3A_562] {strides = array<i32>} : memref<64x256xf32, #tpu.memory_space<vmem>>, vector<1x16xf32>,
      %get3A_564 = vector.shape_cast %get3A_563 : vector<1x16xf32> to vector<16xf32>
      %swap3A_565 = arith.index_cast %scan3A_499 : i32 to index
      %swap3A_566 = arith.constant 112 : index
      %swap3A_567 = tpu.vector_load %arg10[%swap3A_565, %swap3A_566] {strides = array<i32>} : memref<64x256xf32, #tpu.memory_space<vmem>>, vector<1x16xf32>,
      %swap3A_568 = vector.shape_cast %swap3A_567 : vector<1x16xf32> to vector<16xf32>
      %swap3A_569 = vector.shape_cast %get3A_564 : vector<16xf32> to vector<1x16xf32>
      tpu.vector_store %arg10[%swap3A_565, %swap3A_566], %swap3A_569 {add = true, strides = array<i32>} : memref<64x256xf32, #tpu.memory_space<vmem>>, vector<1x16xf32>,
      %get3A_570 = arith.index_cast %scan3A_499 : i32 to index
      %get3A_571 = arith.constant 128 : index
      %get3A_572 = tpu.vector_load %arg7[%get3A_570, %get3A_571] {strides = array<i32>} : memref<64x256xf32, #tpu.memory_space<vmem>>, vector<1x16xf32>,
      %get3A_573 = vector.shape_cast %get3A_572 : vector<1x16xf32> to vector<16xf32>
      %swap3A_574 = arith.index_cast %scan3A_499 : i32 to index
      %swap3A_575 = arith.constant 128 : index
      %swap3A_576 = tpu.vector_load %arg10[%swap3A_574, %swap3A_575] {strides = array<i32>} : memref<64x256xf32, #tpu.memory_space<vmem>>, vector<1x16xf32>,
      %swap3A_577 = vector.shape_cast %swap3A_576 : vector<1x16xf32> to vector<16xf32>
      %swap3A_578 = vector.shape_cast %get3A_573 : vector<16xf32> to vector<1x16xf32>
      tpu.vector_store %arg10[%swap3A_574, %swap3A_575], %swap3A_578 {add = true, strides = array<i32>} : memref<64x256xf32, #tpu.memory_space<vmem>>, vector<1x16xf32>,
      %get3A_579 = arith.index_cast %scan3A_499 : i32 to index
      %get3A_580 = arith.constant 144 : index
      %get3A_581 = tpu.vector_load %arg7[%get3A_579, %get3A_580] {strides = array<i32>} : memref<64x256xf32, #tpu.memory_space<vmem>>, vector<1x16xf32>,
      %get3A_582 = vector.shape_cast %get3A_581 : vector<1x16xf32> to vector<16xf32>
      %swap3A_583 = arith.index_cast %scan3A_499 : i32 to index
      %swap3A_584 = arith.constant 144 : index
      %swap3A_585 = tpu.vector_load %arg10[%swap3A_583, %swap3A_584] {strides = array<i32>} : memref<64x256xf32, #tpu.memory_space<vmem>>, vector<1x16xf32>,
      %swap3A_586 = vector.shape_cast %swap3A_585 : vector<1x16xf32> to vector<16xf32>
      %swap3A_587 = vector.shape_cast %get3A_582 : vector<16xf32> to vector<1x16xf32>
      tpu.vector_store %arg10[%swap3A_583, %swap3A_584], %swap3A_587 {add = true, strides = array<i32>} : memref<64x256xf32, #tpu.memory_space<vmem>>, vector<1x16xf32>,
      %get3A_588 = arith.index_cast %scan3A_499 : i32 to index
      %get3A_589 = arith.constant 160 : index
      %get3A_590 = tpu.vector_load %arg7[%get3A_588, %get3A_589] {strides = array<i32>} : memref<64x256xf32, #tpu.memory_space<vmem>>, vector<1x16xf32>,
      %get3A_591 = vector.shape_cast %get3A_590 : vector<1x16xf32> to vector<16xf32>
      %swap3A_592 = arith.index_cast %scan3A_499 : i32 to index
      %swap3A_593 = arith.constant 160 : index
      %swap3A_594 = tpu.vector_load %arg10[%swap3A_592, %swap3A_593] {strides = array<i32>} : memref<64x256xf32, #tpu.memory_space<vmem>>, vector<1x16xf32>,
      %swap3A_595 = vector.shape_cast %swap3A_594 : vector<1x16xf32> to vector<16xf32>
      %swap3A_596 = vector.shape_cast %get3A_591 : vector<16xf32> to vector<1x16xf32>
      tpu.vector_store %arg10[%swap3A_592, %swap3A_593], %swap3A_596 {add = true, strides = array<i32>} : memref<64x256xf32, #tpu.memory_space<vmem>>, vector<1x16xf32>,
      %get3A_597 = arith.index_cast %scan3A_499 : i32 to index
      %get3A_598 = arith.constant 176 : index
      %get3A_599 = tpu.vector_load %arg7[%get3A_597, %get3A_598] {strides = array<i32>} : memref<64x256xf32, #tpu.memory_space<vmem>>, vector<1x16xf32>,
      %get3A_600 = vector.shape_cast %get3A_599 : vector<1x16xf32> to vector<16xf32>
      %swap3A_601 = arith.index_cast %scan3A_499 : i32 to index
      %swap3A_602 = arith.constant 176 : index
      %swap3A_603 = tpu.vector_load %arg10[%swap3A_601, %swap3A_602] {strides = array<i32>} : memref<64x256xf32, #tpu.memory_space<vmem>>, vector<1x16xf32>,
      %swap3A_604 = vector.shape_cast %swap3A_603 : vector<1x16xf32> to vector<16xf32>
      %swap3A_605 = vector.shape_cast %get3A_600 : vector<16xf32> to vector<1x16xf32>
      tpu.vector_store %arg10[%swap3A_601, %swap3A_602], %swap3A_605 {add = true, strides = array<i32>} : memref<64x256xf32, #tpu.memory_space<vmem>>, vector<1x16xf32>,
      %get3A_606 = arith.index_cast %scan3A_499 : i32 to index
      %get3A_607 = arith.constant 192 : index
      %get3A_608 = tpu.vector_load %arg7[%get3A_606, %get3A_607] {strides = array<i32>} : memref<64x256xf32, #tpu.memory_space<vmem>>, vector<1x16xf32>,
      %get3A_609 = vector.shape_cast %get3A_608 : vector<1x16xf32> to vector<16xf32>
      %swap3A_610 = arith.index_cast %scan3A_499 : i32 to index
      %swap3A_611 = arith.constant 192 : index
      %swap3A_612 = tpu.vector_load %arg10[%swap3A_610, %swap3A_611] {strides = array<i32>} : memref<64x256xf32, #tpu.memory_space<vmem>>, vector<1x16xf32>,
      %swap3A_613 = vector.shape_cast %swap3A_612 : vector<1x16xf32> to vector<16xf32>
      %swap3A_614 = vector.shape_cast %get3A_609 : vector<16xf32> to vector<1x16xf32>
      tpu.vector_store %arg10[%swap3A_610, %swap3A_611], %swap3A_614 {add = true, strides = array<i32>} : memref<64x256xf32, #tpu.memory_space<vmem>>, vector<1x16xf32>,
      %get3A_615 = arith.index_cast %scan3A_499 : i32 to index
      %get3A_616 = arith.constant 208 : index
      %get3A_617 = tpu.vector_load %arg7[%get3A_615, %get3A_616] {strides = array<i32>} : memref<64x256xf32, #tpu.memory_space<vmem>>, vector<1x16xf32>,
      %get3A_618 = vector.shape_cast %get3A_617 : vector<1x16xf32> to vector<16xf32>
      %swap3A_619 = arith.index_cast %scan3A_499 : i32 to index
      %swap3A_620 = arith.constant 208 : index
      %swap3A_621 = tpu.vector_load %arg10[%swap3A_619, %swap3A_620] {strides = array<i32>} : memref<64x256xf32, #tpu.memory_space<vmem>>, vector<1x16xf32>,
      %swap3A_622 = vector.shape_cast %swap3A_621 : vector<1x16xf32> to vector<16xf32>
      %swap3A_623 = vector.shape_cast %get3A_618 : vector<16xf32> to vector<1x16xf32>
      tpu.vector_store %arg10[%swap3A_619, %swap3A_620], %swap3A_623 {add = true, strides = array<i32>} : memref<64x256xf32, #tpu.memory_space<vmem>>, vector<1x16xf32>,
      %get3A_624 = arith.index_cast %scan3A_499 : i32 to index
      %get3A_625 = arith.constant 224 : index
      %get3A_626 = tpu.vector_load %arg7[%get3A_624, %get3A_625] {strides = array<i32>} : memref<64x256xf32, #tpu.memory_space<vmem>>, vector<1x16xf32>,
      %get3A_627 = vector.shape_cast %get3A_626 : vector<1x16xf32> to vector<16xf32>
      %swap3A_628 = arith.index_cast %scan3A_499 : i32 to index
      %swap3A_629 = arith.constant 224 : index
      %swap3A_630 = tpu.vector_load %arg10[%swap3A_628, %swap3A_629] {strides = array<i32>} : memref<64x256xf32, #tpu.memory_space<vmem>>, vector<1x16xf32>,
      %swap3A_631 = vector.shape_cast %swap3A_630 : vector<1x16xf32> to vector<16xf32>
      %swap3A_632 = vector.shape_cast %get3A_627 : vector<16xf32> to vector<1x16xf32>
      tpu.vector_store %arg10[%swap3A_628, %swap3A_629], %swap3A_632 {add = true, strides = array<i32>} : memref<64x256xf32, #tpu.memory_space<vmem>>, vector<1x16xf32>,
      %get3A_633 = arith.index_cast %scan3A_499 : i32 to index
      %get3A_634 = arith.constant 240 : index
      %get3A_635 = tpu.vector_load %arg7[%get3A_633, %get3A_634] {strides = array<i32>} : memref<64x256xf32, #tpu.memory_space<vmem>>, vector<1x16xf32>,
      %get3A_636 = vector.shape_cast %get3A_635 : vector<1x16xf32> to vector<16xf32>
      %swap3A_637 = arith.index_cast %scan3A_499 : i32 to index
      %swap3A_638 = arith.constant 240 : index
      %swap3A_639 = tpu.vector_load %arg10[%swap3A_637, %swap3A_638] {strides = array<i32>} : memref<64x256xf32, #tpu.memory_space<vmem>>, vector<1x16xf32>,
      %swap3A_640 = vector.shape_cast %swap3A_639 : vector<1x16xf32> to vector<16xf32>
      %swap3A_641 = vector.shape_cast %get3A_636 : vector<16xf32> to vector<1x16xf32>
      tpu.vector_store %arg10[%swap3A_637, %swap3A_638], %swap3A_641 {add = true, strides = array<i32>} : memref<64x256xf32, #tpu.memory_space<vmem>>, vector<1x16xf32>,
    }
    %scan3A_134 = arith.constant 64 : i32
    %add3A_135 = arith.constant 4096 : i32
    %add3A_136 = arith.addi %add3A_135, %mul3A_2 : i32
    %dma_start3A_137 = arith.constant 0 : i32
    %dma_start3A_138 = tpu.memref_slice %arg5[%add3A_136, %dma_start3A_137] : memref<32768x256xf32, #tpu.memory_space<hbm>> -> memref<64x256xf32, #tpu.memory_space<hbm>>
    %dma_start3A_139 = arith.constant 0 : i32
    %dma_start3A_140 = tpu.memref_slice %arg5[%add3A_136, %dma_start3A_139] : memref<32768x256xf32, #tpu.memory_space<hbm>> -> memref<64x256xf32, #tpu.memory_space<hbm>>
    tpu.enqueue_dma source(%arg10 : memref<64x256xf32, #tpu.memory_space<vmem>>) target(%dma_start3A_140 : memref<64x256xf32, #tpu.memory_space<hbm>>) target_semaphore(%arg22 : memref<!tpu.dma_semaphore, #tpu.memory_space<semaphore_mem>>)
    %dma_wait3A_141 = arith.constant 0 : i32
    %dma_wait3A_142 = tpu.memref_slice %arg5[%add3A_88, %dma_wait3A_141] : memref<32768x256xf32, #tpu.memory_space<hbm>> -> memref<64x256xf32, #tpu.memory_space<hbm>>
    %dma_wait3A_143 = arith.constant 0 : i32
    %dma_wait3A_144 = tpu.memref_slice %arg5[%add3A_88, %dma_wait3A_143] : memref<32768x256xf32, #tpu.memory_space<hbm>> -> memref<64x256xf32, #tpu.memory_space<hbm>>
    tpu.wait_dma2 semaphore(%arg20 : memref<!tpu.dma_semaphore, #tpu.memory_space<semaphore_mem>>) src(%arg8 : memref<64x256xf32, #tpu.memory_space<vmem>>) dst(%dma_wait3A_144 : memref<64x256xf32, #tpu.memory_space<hbm>>)
    %dma_start3A_145 = arith.constant 6 : i32
    %dma_start3A_146 = tpu.memref_slice %arg6[%dma_start3A_145, %multiple_of3A_37] : memref<16x128xi32, #tpu.memory_space<vmem>> -> memref<1x64xi32, #tpu.memory_space<vmem>>
    %dma_start3A_147 = tpu.memref_squeeze %dma_start3A_146 : memref<1x64xi32, #tpu.memory_space<vmem>> -> memref<64xi32, #tpu.memory_space<vmem>>
    %dma_start3A_148 = arith.constant 0 : i32
    %dma_start3A_149 = arith.constant 0 : i32
    %dma_start3A_150 = tpu.memref_slice %arg3[%dma_start3A_148, %dma_start3A_149] : memref<50257x256xf32, #tpu.memory_space<hbm>> -> memref<50257x256xf32, #tpu.memory_space<hbm>>
    tpu.enqueue_indirect_dma source(%dma_start3A_150 : memref<50257x256xf32, #tpu.memory_space<hbm>>) target(%arg8 : memref<64x256xf32, #tpu.memory_space<vmem>>) offsets(%dma_start3A_147 : memref<64xi32, #tpu.memory_space<vmem>>) semaphore(%arg14 : memref<!tpu.dma_semaphore, #tpu.memory_space<semaphore_mem>>)
    %dma_wait3A_151 = arith.constant 3 : i32
    %dma_wait3A_152 = tpu.memref_slice %arg6[%dma_wait3A_151, %multiple_of3A_37] : memref<16x128xi32, #tpu.memory_space<vmem>> -> memref<1x64xi32, #tpu.memory_space<vmem>>
    %dma_wait3A_153 = tpu.memref_squeeze %dma_wait3A_152 : memref<1x64xi32, #tpu.memory_space<vmem>> -> memref<64xi32, #tpu.memory_space<vmem>>
    %dma_wait3A_154 = arith.constant 0 : i32
    %dma_wait3A_155 = arith.constant 0 : i32
    %dma_wait3A_156 = tpu.memref_slice %arg3[%dma_wait3A_154, %dma_wait3A_155] : memref<50257x256xf32, #tpu.memory_space<hbm>> -> memref<50257x256xf32, #tpu.memory_space<hbm>>
    tpu.wait_indirect_dma semaphore(%arg17 : memref<!tpu.dma_semaphore, #tpu.memory_space<semaphore_mem>>) src(%dma_wait3A_156 : memref<50257x256xf32, #tpu.memory_space<hbm>>) dst(%arg11 : memref<64x256xf32, #tpu.memory_space<vmem>>)
    %scan3A_157 = arith.constant 0 : i32
    %scan3A_158 = arith.constant 0 : i32
    %scan3A_159 = arith.constant 64 : i32
    %scan3A_160 = arith.addi %scan3A_158, %scan3A_159 : i32
    %scan3A_161 = arith.constant 1 : i32
    scf.for %scan3A_499 = %scan3A_158 to %scan3A_160 step %scan3A_161  : i32 {
      %get3A = arith.index_cast %scan3A_499 : i32 to index
      %get3A_500 = arith.constant 0 : index
      %get3A_501 = tpu.vector_load %arg7[%get3A, %get3A_500] {strides = array<i32>} : memref<64x256xf32, #tpu.memory_space<vmem>>, vector<1x16xf32>,
      %get3A_502 = vector.shape_cast %get3A_501 : vector<1x16xf32> to vector<16xf32>
      %swap3A = arith.index_cast %scan3A_499 : i32 to index
      %swap3A_503 = arith.constant 0 : index
      %swap3A_504 = tpu.vector_load %arg11[%swap3A, %swap3A_503] {strides = array<i32>} : memref<64x256xf32, #tpu.memory_space<vmem>>, vector<1x16xf32>,
      %swap3A_505 = vector.shape_cast %swap3A_504 : vector<1x16xf32> to vector<16xf32>
      %swap3A_506 = vector.shape_cast %get3A_502 : vector<16xf32> to vector<1x16xf32>
      tpu.vector_store %arg11[%swap3A, %swap3A_503], %swap3A_506 {add = true, strides = array<i32>} : memref<64x256xf32, #tpu.memory_space<vmem>>, vector<1x16xf32>,
      %get3A_507 = arith.index_cast %scan3A_499 : i32 to index
      %get3A_508 = arith.constant 16 : index
      %get3A_509 = tpu.vector_load %arg7[%get3A_507, %get3A_508] {strides = array<i32>} : memref<64x256xf32, #tpu.memory_space<vmem>>, vector<1x16xf32>,
      %get3A_510 = vector.shape_cast %get3A_509 : vector<1x16xf32> to vector<16xf32>
      %swap3A_511 = arith.index_cast %scan3A_499 : i32 to index
      %swap3A_512 = arith.constant 16 : index
      %swap3A_513 = tpu.vector_load %arg11[%swap3A_511, %swap3A_512] {strides = array<i32>} : memref<64x256xf32, #tpu.memory_space<vmem>>, vector<1x16xf32>,
      %swap3A_514 = vector.shape_cast %swap3A_513 : vector<1x16xf32> to vector<16xf32>
      %swap3A_515 = vector.shape_cast %get3A_510 : vector<16xf32> to vector<1x16xf32>
      tpu.vector_store %arg11[%swap3A_511, %swap3A_512], %swap3A_515 {add = true, strides = array<i32>} : memref<64x256xf32, #tpu.memory_space<vmem>>, vector<1x16xf32>,
      %get3A_516 = arith.index_cast %scan3A_499 : i32 to index
      %get3A_517 = arith.constant 32 : index
      %get3A_518 = tpu.vector_load %arg7[%get3A_516, %get3A_517] {strides = array<i32>} : memref<64x256xf32, #tpu.memory_space<vmem>>, vector<1x16xf32>,
      %get3A_519 = vector.shape_cast %get3A_518 : vector<1x16xf32> to vector<16xf32>
      %swap3A_520 = arith.index_cast %scan3A_499 : i32 to index
      %swap3A_521 = arith.constant 32 : index
      %swap3A_522 = tpu.vector_load %arg11[%swap3A_520, %swap3A_521] {strides = array<i32>} : memref<64x256xf32, #tpu.memory_space<vmem>>, vector<1x16xf32>,
      %swap3A_523 = vector.shape_cast %swap3A_522 : vector<1x16xf32> to vector<16xf32>
      %swap3A_524 = vector.shape_cast %get3A_519 : vector<16xf32> to vector<1x16xf32>
      tpu.vector_store %arg11[%swap3A_520, %swap3A_521], %swap3A_524 {add = true, strides = array<i32>} : memref<64x256xf32, #tpu.memory_space<vmem>>, vector<1x16xf32>,
      %get3A_525 = arith.index_cast %scan3A_499 : i32 to index
      %get3A_526 = arith.constant 48 : index
      %get3A_527 = tpu.vector_load %arg7[%get3A_525, %get3A_526] {strides = array<i32>} : memref<64x256xf32, #tpu.memory_space<vmem>>, vector<1x16xf32>,
      %get3A_528 = vector.shape_cast %get3A_527 : vector<1x16xf32> to vector<16xf32>
      %swap3A_529 = arith.index_cast %scan3A_499 : i32 to index
      %swap3A_530 = arith.constant 48 : index
      %swap3A_531 = tpu.vector_load %arg11[%swap3A_529, %swap3A_530] {strides = array<i32>} : memref<64x256xf32, #tpu.memory_space<vmem>>, vector<1x16xf32>,
      %swap3A_532 = vector.shape_cast %swap3A_531 : vector<1x16xf32> to vector<16xf32>
      %swap3A_533 = vector.shape_cast %get3A_528 : vector<16xf32> to vector<1x16xf32>
      tpu.vector_store %arg11[%swap3A_529, %swap3A_530], %swap3A_533 {add = true, strides = array<i32>} : memref<64x256xf32, #tpu.memory_space<vmem>>, vector<1x16xf32>,
      %get3A_534 = arith.index_cast %scan3A_499 : i32 to index
      %get3A_535 = arith.constant 64 : index
      %get3A_536 = tpu.vector_load %arg7[%get3A_534, %get3A_535] {strides = array<i32>} : memref<64x256xf32, #tpu.memory_space<vmem>>, vector<1x16xf32>,
      %get3A_537 = vector.shape_cast %get3A_536 : vector<1x16xf32> to vector<16xf32>
      %swap3A_538 = arith.index_cast %scan3A_499 : i32 to index
      %swap3A_539 = arith.constant 64 : index
      %swap3A_540 = tpu.vector_load %arg11[%swap3A_538, %swap3A_539] {strides = array<i32>} : memref<64x256xf32, #tpu.memory_space<vmem>>, vector<1x16xf32>,
      %swap3A_541 = vector.shape_cast %swap3A_540 : vector<1x16xf32> to vector<16xf32>
      %swap3A_542 = vector.shape_cast %get3A_537 : vector<16xf32> to vector<1x16xf32>
      tpu.vector_store %arg11[%swap3A_538, %swap3A_539], %swap3A_542 {add = true, strides = array<i32>} : memref<64x256xf32, #tpu.memory_space<vmem>>, vector<1x16xf32>,
      %get3A_543 = arith.index_cast %scan3A_499 : i32 to index
      %get3A_544 = arith.constant 80 : index
      %get3A_545 = tpu.vector_load %arg7[%get3A_543, %get3A_544] {strides = array<i32>} : memref<64x256xf32, #tpu.memory_space<vmem>>, vector<1x16xf32>,
      %get3A_546 = vector.shape_cast %get3A_545 : vector<1x16xf32> to vector<16xf32>
      %swap3A_547 = arith.index_cast %scan3A_499 : i32 to index
      %swap3A_548 = arith.constant 80 : index
      %swap3A_549 = tpu.vector_load %arg11[%swap3A_547, %swap3A_548] {strides = array<i32>} : memref<64x256xf32, #tpu.memory_space<vmem>>, vector<1x16xf32>,
      %swap3A_550 = vector.shape_cast %swap3A_549 : vector<1x16xf32> to vector<16xf32>
      %swap3A_551 = vector.shape_cast %get3A_546 : vector<16xf32> to vector<1x16xf32>
      tpu.vector_store %arg11[%swap3A_547, %swap3A_548], %swap3A_551 {add = true, strides = array<i32>} : memref<64x256xf32, #tpu.memory_space<vmem>>, vector<1x16xf32>,
      %get3A_552 = arith.index_cast %scan3A_499 : i32 to index
      %get3A_553 = arith.constant 96 : index
      %get3A_554 = tpu.vector_load %arg7[%get3A_552, %get3A_553] {strides = array<i32>} : memref<64x256xf32, #tpu.memory_space<vmem>>, vector<1x16xf32>,
      %get3A_555 = vector.shape_cast %get3A_554 : vector<1x16xf32> to vector<16xf32>
      %swap3A_556 = arith.index_cast %scan3A_499 : i32 to index
      %swap3A_557 = arith.constant 96 : index
      %swap3A_558 = tpu.vector_load %arg11[%swap3A_556, %swap3A_557] {strides = array<i32>} : memref<64x256xf32, #tpu.memory_space<vmem>>, vector<1x16xf32>,
      %swap3A_559 = vector.shape_cast %swap3A_558 : vector<1x16xf32> to vector<16xf32>
      %swap3A_560 = vector.shape_cast %get3A_555 : vector<16xf32> to vector<1x16xf32>
      tpu.vector_store %arg11[%swap3A_556, %swap3A_557], %swap3A_560 {add = true, strides = array<i32>} : memref<64x256xf32, #tpu.memory_space<vmem>>, vector<1x16xf32>,
      %get3A_561 = arith.index_cast %scan3A_499 : i32 to index
      %get3A_562 = arith.constant 112 : index
      %get3A_563 = tpu.vector_load %arg7[%get3A_561, %get3A_562] {strides = array<i32>} : memref<64x256xf32, #tpu.memory_space<vmem>>, vector<1x16xf32>,
      %get3A_564 = vector.shape_cast %get3A_563 : vector<1x16xf32> to vector<16xf32>
      %swap3A_565 = arith.index_cast %scan3A_499 : i32 to index
      %swap3A_566 = arith.constant 112 : index
      %swap3A_567 = tpu.vector_load %arg11[%swap3A_565, %swap3A_566] {strides = array<i32>} : memref<64x256xf32, #tpu.memory_space<vmem>>, vector<1x16xf32>,
      %swap3A_568 = vector.shape_cast %swap3A_567 : vector<1x16xf32> to vector<16xf32>
      %swap3A_569 = vector.shape_cast %get3A_564 : vector<16xf32> to vector<1x16xf32>
      tpu.vector_store %arg11[%swap3A_565, %swap3A_566], %swap3A_569 {add = true, strides = array<i32>} : memref<64x256xf32, #tpu.memory_space<vmem>>, vector<1x16xf32>,
      %get3A_570 = arith.index_cast %scan3A_499 : i32 to index
      %get3A_571 = arith.constant 128 : index
      %get3A_572 = tpu.vector_load %arg7[%get3A_570, %get3A_571] {strides = array<i32>} : memref<64x256xf32, #tpu.memory_space<vmem>>, vector<1x16xf32>,
      %get3A_573 = vector.shape_cast %get3A_572 : vector<1x16xf32> to vector<16xf32>
      %swap3A_574 = arith.index_cast %scan3A_499 : i32 to index
      %swap3A_575 = arith.constant 128 : index
      %swap3A_576 = tpu.vector_load %arg11[%swap3A_574, %swap3A_575] {strides = array<i32>} : memref<64x256xf32, #tpu.memory_space<vmem>>, vector<1x16xf32>,
      %swap3A_577 = vector.shape_cast %swap3A_576 : vector<1x16xf32> to vector<16xf32>
      %swap3A_578 = vector.shape_cast %get3A_573 : vector<16xf32> to vector<1x16xf32>
      tpu.vector_store %arg11[%swap3A_574, %swap3A_575], %swap3A_578 {add = true, strides = array<i32>} : memref<64x256xf32, #tpu.memory_space<vmem>>, vector<1x16xf32>,
      %get3A_579 = arith.index_cast %scan3A_499 : i32 to index
      %get3A_580 = arith.constant 144 : index
      %get3A_581 = tpu.vector_load %arg7[%get3A_579, %get3A_580] {strides = array<i32>} : memref<64x256xf32, #tpu.memory_space<vmem>>, vector<1x16xf32>,
      %get3A_582 = vector.shape_cast %get3A_581 : vector<1x16xf32> to vector<16xf32>
      %swap3A_583 = arith.index_cast %scan3A_499 : i32 to index
      %swap3A_584 = arith.constant 144 : index
      %swap3A_585 = tpu.vector_load %arg11[%swap3A_583, %swap3A_584] {strides = array<i32>} : memref<64x256xf32, #tpu.memory_space<vmem>>, vector<1x16xf32>,
      %swap3A_586 = vector.shape_cast %swap3A_585 : vector<1x16xf32> to vector<16xf32>
      %swap3A_587 = vector.shape_cast %get3A_582 : vector<16xf32> to vector<1x16xf32>
      tpu.vector_store %arg11[%swap3A_583, %swap3A_584], %swap3A_587 {add = true, strides = array<i32>} : memref<64x256xf32, #tpu.memory_space<vmem>>, vector<1x16xf32>,
      %get3A_588 = arith.index_cast %scan3A_499 : i32 to index
      %get3A_589 = arith.constant 160 : index
      %get3A_590 = tpu.vector_load %arg7[%get3A_588, %get3A_589] {strides = array<i32>} : memref<64x256xf32, #tpu.memory_space<vmem>>, vector<1x16xf32>,
      %get3A_591 = vector.shape_cast %get3A_590 : vector<1x16xf32> to vector<16xf32>
      %swap3A_592 = arith.index_cast %scan3A_499 : i32 to index
      %swap3A_593 = arith.constant 160 : index
      %swap3A_594 = tpu.vector_load %arg11[%swap3A_592, %swap3A_593] {strides = array<i32>} : memref<64x256xf32, #tpu.memory_space<vmem>>, vector<1x16xf32>,
      %swap3A_595 = vector.shape_cast %swap3A_594 : vector<1x16xf32> to vector<16xf32>
      %swap3A_596 = vector.shape_cast %get3A_591 : vector<16xf32> to vector<1x16xf32>
      tpu.vector_store %arg11[%swap3A_592, %swap3A_593], %swap3A_596 {add = true, strides = array<i32>} : memref<64x256xf32, #tpu.memory_space<vmem>>, vector<1x16xf32>,
      %get3A_597 = arith.index_cast %scan3A_499 : i32 to index
      %get3A_598 = arith.constant 176 : index
      %get3A_599 = tpu.vector_load %arg7[%get3A_597, %get3A_598] {strides = array<i32>} : memref<64x256xf32, #tpu.memory_space<vmem>>, vector<1x16xf32>,
      %get3A_600 = vector.shape_cast %get3A_599 : vector<1x16xf32> to vector<16xf32>
      %swap3A_601 = arith.index_cast %scan3A_499 : i32 to index
      %swap3A_602 = arith.constant 176 : index
      %swap3A_603 = tpu.vector_load %arg11[%swap3A_601, %swap3A_602] {strides = array<i32>} : memref<64x256xf32, #tpu.memory_space<vmem>>, vector<1x16xf32>,
      %swap3A_604 = vector.shape_cast %swap3A_603 : vector<1x16xf32> to vector<16xf32>
      %swap3A_605 = vector.shape_cast %get3A_600 : vector<16xf32> to vector<1x16xf32>
      tpu.vector_store %arg11[%swap3A_601, %swap3A_602], %swap3A_605 {add = true, strides = array<i32>} : memref<64x256xf32, #tpu.memory_space<vmem>>, vector<1x16xf32>,
      %get3A_606 = arith.index_cast %scan3A_499 : i32 to index
      %get3A_607 = arith.constant 192 : index
      %get3A_608 = tpu.vector_load %arg7[%get3A_606, %get3A_607] {strides = array<i32>} : memref<64x256xf32, #tpu.memory_space<vmem>>, vector<1x16xf32>,
      %get3A_609 = vector.shape_cast %get3A_608 : vector<1x16xf32> to vector<16xf32>
      %swap3A_610 = arith.index_cast %scan3A_499 : i32 to index
      %swap3A_611 = arith.constant 192 : index
      %swap3A_612 = tpu.vector_load %arg11[%swap3A_610, %swap3A_611] {strides = array<i32>} : memref<64x256xf32, #tpu.memory_space<vmem>>, vector<1x16xf32>,
      %swap3A_613 = vector.shape_cast %swap3A_612 : vector<1x16xf32> to vector<16xf32>
      %swap3A_614 = vector.shape_cast %get3A_609 : vector<16xf32> to vector<1x16xf32>
      tpu.vector_store %arg11[%swap3A_610, %swap3A_611], %swap3A_614 {add = true, strides = array<i32>} : memref<64x256xf32, #tpu.memory_space<vmem>>, vector<1x16xf32>,
      %get3A_615 = arith.index_cast %scan3A_499 : i32 to index
      %get3A_616 = arith.constant 208 : index
      %get3A_617 = tpu.vector_load %arg7[%get3A_615, %get3A_616] {strides = array<i32>} : memref<64x256xf32, #tpu.memory_space<vmem>>, vector<1x16xf32>,
      %get3A_618 = vector.shape_cast %get3A_617 : vector<1x16xf32> to vector<16xf32>
      %swap3A_619 = arith.index_cast %scan3A_499 : i32 to index
      %swap3A_620 = arith.constant 208 : index
      %swap3A_621 = tpu.vector_load %arg11[%swap3A_619, %swap3A_620] {strides = array<i32>} : memref<64x256xf32, #tpu.memory_space<vmem>>, vector<1x16xf32>,
      %swap3A_622 = vector.shape_cast %swap3A_621 : vector<1x16xf32> to vector<16xf32>
      %swap3A_623 = vector.shape_cast %get3A_618 : vector<16xf32> to vector<1x16xf32>
      tpu.vector_store %arg11[%swap3A_619, %swap3A_620], %swap3A_623 {add = true, strides = array<i32>} : memref<64x256xf32, #tpu.memory_space<vmem>>, vector<1x16xf32>,
      %get3A_624 = arith.index_cast %scan3A_499 : i32 to index
      %get3A_625 = arith.constant 224 : index
      %get3A_626 = tpu.vector_load %arg7[%get3A_624, %get3A_625] {strides = array<i32>} : memref<64x256xf32, #tpu.memory_space<vmem>>, vector<1x16xf32>,
      %get3A_627 = vector.shape_cast %get3A_626 : vector<1x16xf32> to vector<16xf32>
      %swap3A_628 = arith.index_cast %scan3A_499 : i32 to index
      %swap3A_629 = arith.constant 224 : index
      %swap3A_630 = tpu.vector_load %arg11[%swap3A_628, %swap3A_629] {strides = array<i32>} : memref<64x256xf32, #tpu.memory_space<vmem>>, vector<1x16xf32>,
      %swap3A_631 = vector.shape_cast %swap3A_630 : vector<1x16xf32> to vector<16xf32>
      %swap3A_632 = vector.shape_cast %get3A_627 : vector<16xf32> to vector<1x16xf32>
      tpu.vector_store %arg11[%swap3A_628, %swap3A_629], %swap3A_632 {add = true, strides = array<i32>} : memref<64x256xf32, #tpu.memory_space<vmem>>, vector<1x16xf32>,
      %get3A_633 = arith.index_cast %scan3A_499 : i32 to index
      %get3A_634 = arith.constant 240 : index
      %get3A_635 = tpu.vector_load %arg7[%get3A_633, %get3A_634] {strides = array<i32>} : memref<64x256xf32, #tpu.memory_space<vmem>>, vector<1x16xf32>,
      %get3A_636 = vector.shape_cast %get3A_635 : vector<1x16xf32> to vector<16xf32>
      %swap3A_637 = arith.index_cast %scan3A_499 : i32 to index
      %swap3A_638 = arith.constant 240 : index
      %swap3A_639 = tpu.vector_load %arg11[%swap3A_637, %swap3A_638] {strides = array<i32>} : memref<64x256xf32, #tpu.memory_space<vmem>>, vector<1x16xf32>,
      %swap3A_640 = vector.shape_cast %swap3A_639 : vector<1x16xf32> to vector<16xf32>
      %swap3A_641 = vector.shape_cast %get3A_636 : vector<16xf32> to vector<1x16xf32>
      tpu.vector_store %arg11[%swap3A_637, %swap3A_638], %swap3A_641 {add = true, strides = array<i32>} : memref<64x256xf32, #tpu.memory_space<vmem>>, vector<1x16xf32>,
    }
    %scan3A_162 = arith.constant 64 : i32
    %add3A_163 = arith.constant 6144 : i32
    %add3A_164 = arith.addi %add3A_163, %mul3A_2 : i32
    %dma_start3A_165 = arith.constant 0 : i32
    %dma_start3A_166 = tpu.memref_slice %arg5[%add3A_164, %dma_start3A_165] : memref<32768x256xf32, #tpu.memory_space<hbm>> -> memref<64x256xf32, #tpu.memory_space<hbm>>
    %dma_start3A_167 = arith.constant 0 : i32
    %dma_start3A_168 = tpu.memref_slice %arg5[%add3A_164, %dma_start3A_167] : memref<32768x256xf32, #tpu.memory_space<hbm>> -> memref<64x256xf32, #tpu.memory_space<hbm>>
    tpu.enqueue_dma source(%arg11 : memref<64x256xf32, #tpu.memory_space<vmem>>) target(%dma_start3A_168 : memref<64x256xf32, #tpu.memory_space<hbm>>) target_semaphore(%arg23 : memref<!tpu.dma_semaphore, #tpu.memory_space<semaphore_mem>>)
    %dma_wait3A_169 = arith.constant 0 : i32
    %dma_wait3A_170 = tpu.memref_slice %arg5[%add3A_112, %dma_wait3A_169] : memref<32768x256xf32, #tpu.memory_space<hbm>> -> memref<64x256xf32, #tpu.memory_space<hbm>>
    %dma_wait3A_171 = arith.constant 0 : i32
    %dma_wait3A_172 = tpu.memref_slice %arg5[%add3A_112, %dma_wait3A_171] : memref<32768x256xf32, #tpu.memory_space<hbm>> -> memref<64x256xf32, #tpu.memory_space<hbm>>
    tpu.wait_dma2 semaphore(%arg21 : memref<!tpu.dma_semaphore, #tpu.memory_space<semaphore_mem>>) src(%arg9 : memref<64x256xf32, #tpu.memory_space<vmem>>) dst(%dma_wait3A_172 : memref<64x256xf32, #tpu.memory_space<hbm>>)
    %dma_start3A_173 = arith.constant 7 : i32
    %dma_start3A_174 = tpu.memref_slice %arg6[%dma_start3A_173, %multiple_of3A_37] : memref<16x128xi32, #tpu.memory_space<vmem>> -> memref<1x64xi32, #tpu.memory_space<vmem>>
    %dma_start3A_175 = tpu.memref_squeeze %dma_start3A_174 : memref<1x64xi32, #tpu.memory_space<vmem>> -> memref<64xi32, #tpu.memory_space<vmem>>
    %dma_start3A_176 = arith.constant 0 : i32
    %dma_start3A_177 = arith.constant 0 : i32
    %dma_start3A_178 = tpu.memref_slice %arg3[%dma_start3A_176, %dma_start3A_177] : memref<50257x256xf32, #tpu.memory_space<hbm>> -> memref<50257x256xf32, #tpu.memory_space<hbm>>
    tpu.enqueue_indirect_dma source(%dma_start3A_178 : memref<50257x256xf32, #tpu.memory_space<hbm>>) target(%arg9 : memref<64x256xf32, #tpu.memory_space<vmem>>) offsets(%dma_start3A_175 : memref<64xi32, #tpu.memory_space<vmem>>) semaphore(%arg15 : memref<!tpu.dma_semaphore, #tpu.memory_space<semaphore_mem>>)
    %dma_wait3A_179 = arith.constant 4 : i32
    %dma_wait3A_180 = tpu.memref_slice %arg6[%dma_wait3A_179, %multiple_of3A_37] : memref<16x128xi32, #tpu.memory_space<vmem>> -> memref<1x64xi32, #tpu.memory_space<vmem>>
    %dma_wait3A_181 = tpu.memref_squeeze %dma_wait3A_180 : memref<1x64xi32, #tpu.memory_space<vmem>> -> memref<64xi32, #tpu.memory_space<vmem>>
    %dma_wait3A_182 = arith.constant 0 : i32
    %dma_wait3A_183 = arith.constant 0 : i32
    %dma_wait3A_184 = tpu.memref_slice %arg3[%dma_wait3A_182, %dma_wait3A_183] : memref<50257x256xf32, #tpu.memory_space<hbm>> -> memref<50257x256xf32, #tpu.memory_space<hbm>>
    tpu.wait_indirect_dma semaphore(%arg18 : memref<!tpu.dma_semaphore, #tpu.memory_space<semaphore_mem>>) src(%dma_wait3A_184 : memref<50257x256xf32, #tpu.memory_space<hbm>>) dst(%arg12 : memref<64x256xf32, #tpu.memory_space<vmem>>)
    %scan3A_185 = arith.constant 0 : i32
    %scan3A_186 = arith.constant 0 : i32
    %scan3A_187 = arith.constant 64 : i32
    %scan3A_188 = arith.addi %scan3A_186, %scan3A_187 : i32
    %scan3A_189 = arith.constant 1 : i32
    scf.for %scan3A_499 = %scan3A_186 to %scan3A_188 step %scan3A_189  : i32 {
      %get3A = arith.index_cast %scan3A_499 : i32 to index
      %get3A_500 = arith.constant 0 : index
      %get3A_501 = tpu.vector_load %arg7[%get3A, %get3A_500] {strides = array<i32>} : memref<64x256xf32, #tpu.memory_space<vmem>>, vector<1x16xf32>,
      %get3A_502 = vector.shape_cast %get3A_501 : vector<1x16xf32> to vector<16xf32>
      %swap3A = arith.index_cast %scan3A_499 : i32 to index
      %swap3A_503 = arith.constant 0 : index
      %swap3A_504 = tpu.vector_load %arg12[%swap3A, %swap3A_503] {strides = array<i32>} : memref<64x256xf32, #tpu.memory_space<vmem>>, vector<1x16xf32>,
      %swap3A_505 = vector.shape_cast %swap3A_504 : vector<1x16xf32> to vector<16xf32>
      %swap3A_506 = vector.shape_cast %get3A_502 : vector<16xf32> to vector<1x16xf32>
      tpu.vector_store %arg12[%swap3A, %swap3A_503], %swap3A_506 {add = true, strides = array<i32>} : memref<64x256xf32, #tpu.memory_space<vmem>>, vector<1x16xf32>,
      %get3A_507 = arith.index_cast %scan3A_499 : i32 to index
      %get3A_508 = arith.constant 16 : index
      %get3A_509 = tpu.vector_load %arg7[%get3A_507, %get3A_508] {strides = array<i32>} : memref<64x256xf32, #tpu.memory_space<vmem>>, vector<1x16xf32>,
      %get3A_510 = vector.shape_cast %get3A_509 : vector<1x16xf32> to vector<16xf32>
      %swap3A_511 = arith.index_cast %scan3A_499 : i32 to index
      %swap3A_512 = arith.constant 16 : index
      %swap3A_513 = tpu.vector_load %arg12[%swap3A_511, %swap3A_512] {strides = array<i32>} : memref<64x256xf32, #tpu.memory_space<vmem>>, vector<1x16xf32>,
      %swap3A_514 = vector.shape_cast %swap3A_513 : vector<1x16xf32> to vector<16xf32>
      %swap3A_515 = vector.shape_cast %get3A_510 : vector<16xf32> to vector<1x16xf32>
      tpu.vector_store %arg12[%swap3A_511, %swap3A_512], %swap3A_515 {add = true, strides = array<i32>} : memref<64x256xf32, #tpu.memory_space<vmem>>, vector<1x16xf32>,
      %get3A_516 = arith.index_cast %scan3A_499 : i32 to index
      %get3A_517 = arith.constant 32 : index
      %get3A_518 = tpu.vector_load %arg7[%get3A_516, %get3A_517] {strides = array<i32>} : memref<64x256xf32, #tpu.memory_space<vmem>>, vector<1x16xf32>,
      %get3A_519 = vector.shape_cast %get3A_518 : vector<1x16xf32> to vector<16xf32>
      %swap3A_520 = arith.index_cast %scan3A_499 : i32 to index
      %swap3A_521 = arith.constant 32 : index
      %swap3A_522 = tpu.vector_load %arg12[%swap3A_520, %swap3A_521] {strides = array<i32>} : memref<64x256xf32, #tpu.memory_space<vmem>>, vector<1x16xf32>,
      %swap3A_523 = vector.shape_cast %swap3A_522 : vector<1x16xf32> to vector<16xf32>
      %swap3A_524 = vector.shape_cast %get3A_519 : vector<16xf32> to vector<1x16xf32>
      tpu.vector_store %arg12[%swap3A_520, %swap3A_521], %swap3A_524 {add = true, strides = array<i32>} : memref<64x256xf32, #tpu.memory_space<vmem>>, vector<1x16xf32>,
      %get3A_525 = arith.index_cast %scan3A_499 : i32 to index
      %get3A_526 = arith.constant 48 : index
      %get3A_527 = tpu.vector_load %arg7[%get3A_525, %get3A_526] {strides = array<i32>} : memref<64x256xf32, #tpu.memory_space<vmem>>, vector<1x16xf32>,
      %get3A_528 = vector.shape_cast %get3A_527 : vector<1x16xf32> to vector<16xf32>
      %swap3A_529 = arith.index_cast %scan3A_499 : i32 to index
      %swap3A_530 = arith.constant 48 : index
      %swap3A_531 = tpu.vector_load %arg12[%swap3A_529, %swap3A_530] {strides = array<i32>} : memref<64x256xf32, #tpu.memory_space<vmem>>, vector<1x16xf32>,
      %swap3A_532 = vector.shape_cast %swap3A_531 : vector<1x16xf32> to vector<16xf32>
      %swap3A_533 = vector.shape_cast %get3A_528 : vector<16xf32> to vector<1x16xf32>
      tpu.vector_store %arg12[%swap3A_529, %swap3A_530], %swap3A_533 {add = true, strides = array<i32>} : memref<64x256xf32, #tpu.memory_space<vmem>>, vector<1x16xf32>,
      %get3A_534 = arith.index_cast %scan3A_499 : i32 to index
      %get3A_535 = arith.constant 64 : index
      %get3A_536 = tpu.vector_load %arg7[%get3A_534, %get3A_535] {strides = array<i32>} : memref<64x256xf32, #tpu.memory_space<vmem>>, vector<1x16xf32>,
      %get3A_537 = vector.shape_cast %get3A_536 : vector<1x16xf32> to vector<16xf32>
      %swap3A_538 = arith.index_cast %scan3A_499 : i32 to index
      %swap3A_539 = arith.constant 64 : index
      %swap3A_540 = tpu.vector_load %arg12[%swap3A_538, %swap3A_539] {strides = array<i32>} : memref<64x256xf32, #tpu.memory_space<vmem>>, vector<1x16xf32>,
      %swap3A_541 = vector.shape_cast %swap3A_540 : vector<1x16xf32> to vector<16xf32>
      %swap3A_542 = vector.shape_cast %get3A_537 : vector<16xf32> to vector<1x16xf32>
      tpu.vector_store %arg12[%swap3A_538, %swap3A_539], %swap3A_542 {add = true, strides = array<i32>} : memref<64x256xf32, #tpu.memory_space<vmem>>, vector<1x16xf32>,
      %get3A_543 = arith.index_cast %scan3A_499 : i32 to index
      %get3A_544 = arith.constant 80 : index
      %get3A_545 = tpu.vector_load %arg7[%get3A_543, %get3A_544] {strides = array<i32>} : memref<64x256xf32, #tpu.memory_space<vmem>>, vector<1x16xf32>,
      %get3A_546 = vector.shape_cast %get3A_545 : vector<1x16xf32> to vector<16xf32>
      %swap3A_547 = arith.index_cast %scan3A_499 : i32 to index
      %swap3A_548 = arith.constant 80 : index
      %swap3A_549 = tpu.vector_load %arg12[%swap3A_547, %swap3A_548] {strides = array<i32>} : memref<64x256xf32, #tpu.memory_space<vmem>>, vector<1x16xf32>,
      %swap3A_550 = vector.shape_cast %swap3A_549 : vector<1x16xf32> to vector<16xf32>
      %swap3A_551 = vector.shape_cast %get3A_546 : vector<16xf32> to vector<1x16xf32>
      tpu.vector_store %arg12[%swap3A_547, %swap3A_548], %swap3A_551 {add = true, strides = array<i32>} : memref<64x256xf32, #tpu.memory_space<vmem>>, vector<1x16xf32>,
      %get3A_552 = arith.index_cast %scan3A_499 : i32 to index
      %get3A_553 = arith.constant 96 : index
      %get3A_554 = tpu.vector_load %arg7[%get3A_552, %get3A_553] {strides = array<i32>} : memref<64x256xf32, #tpu.memory_space<vmem>>, vector<1x16xf32>,
      %get3A_555 = vector.shape_cast %get3A_554 : vector<1x16xf32> to vector<16xf32>
      %swap3A_556 = arith.index_cast %scan3A_499 : i32 to index
      %swap3A_557 = arith.constant 96 : index
      %swap3A_558 = tpu.vector_load %arg12[%swap3A_556, %swap3A_557] {strides = array<i32>} : memref<64x256xf32, #tpu.memory_space<vmem>>, vector<1x16xf32>,
      %swap3A_559 = vector.shape_cast %swap3A_558 : vector<1x16xf32> to vector<16xf32>
      %swap3A_560 = vector.shape_cast %get3A_555 : vector<16xf32> to vector<1x16xf32>
      tpu.vector_store %arg12[%swap3A_556, %swap3A_557], %swap3A_560 {add = true, strides = array<i32>} : memref<64x256xf32, #tpu.memory_space<vmem>>, vector<1x16xf32>,
      %get3A_561 = arith.index_cast %scan3A_499 : i32 to index
      %get3A_562 = arith.constant 112 : index
      %get3A_563 = tpu.vector_load %arg7[%get3A_561, %get3A_562] {strides = array<i32>} : memref<64x256xf32, #tpu.memory_space<vmem>>, vector<1x16xf32>,
      %get3A_564 = vector.shape_cast %get3A_563 : vector<1x16xf32> to vector<16xf32>
      %swap3A_565 = arith.index_cast %scan3A_499 : i32 to index
      %swap3A_566 = arith.constant 112 : index
      %swap3A_567 = tpu.vector_load %arg12[%swap3A_565, %swap3A_566] {strides = array<i32>} : memref<64x256xf32, #tpu.memory_space<vmem>>, vector<1x16xf32>,
      %swap3A_568 = vector.shape_cast %swap3A_567 : vector<1x16xf32> to vector<16xf32>
      %swap3A_569 = vector.shape_cast %get3A_564 : vector<16xf32> to vector<1x16xf32>
      tpu.vector_store %arg12[%swap3A_565, %swap3A_566], %swap3A_569 {add = true, strides = array<i32>} : memref<64x256xf32, #tpu.memory_space<vmem>>, vector<1x16xf32>,
      %get3A_570 = arith.index_cast %scan3A_499 : i32 to index
      %get3A_571 = arith.constant 128 : index
      %get3A_572 = tpu.vector_load %arg7[%get3A_570, %get3A_571] {strides = array<i32>} : memref<64x256xf32, #tpu.memory_space<vmem>>, vector<1x16xf32>,
      %get3A_573 = vector.shape_cast %get3A_572 : vector<1x16xf32> to vector<16xf32>
      %swap3A_574 = arith.index_cast %scan3A_499 : i32 to index
      %swap3A_575 = arith.constant 128 : index
      %swap3A_576 = tpu.vector_load %arg12[%swap3A_574, %swap3A_575] {strides = array<i32>} : memref<64x256xf32, #tpu.memory_space<vmem>>, vector<1x16xf32>,
      %swap3A_577 = vector.shape_cast %swap3A_576 : vector<1x16xf32> to vector<16xf32>
      %swap3A_578 = vector.shape_cast %get3A_573 : vector<16xf32> to vector<1x16xf32>
      tpu.vector_store %arg12[%swap3A_574, %swap3A_575], %swap3A_578 {add = true, strides = array<i32>} : memref<64x256xf32, #tpu.memory_space<vmem>>, vector<1x16xf32>,
      %get3A_579 = arith.index_cast %scan3A_499 : i32 to index
      %get3A_580 = arith.constant 144 : index
      %get3A_581 = tpu.vector_load %arg7[%get3A_579, %get3A_580] {strides = array<i32>} : memref<64x256xf32, #tpu.memory_space<vmem>>, vector<1x16xf32>,
      %get3A_582 = vector.shape_cast %get3A_581 : vector<1x16xf32> to vector<16xf32>
      %swap3A_583 = arith.index_cast %scan3A_499 : i32 to index
      %swap3A_584 = arith.constant 144 : index
      %swap3A_585 = tpu.vector_load %arg12[%swap3A_583, %swap3A_584] {strides = array<i32>} : memref<64x256xf32, #tpu.memory_space<vmem>>, vector<1x16xf32>,
      %swap3A_586 = vector.shape_cast %swap3A_585 : vector<1x16xf32> to vector<16xf32>
      %swap3A_587 = vector.shape_cast %get3A_582 : vector<16xf32> to vector<1x16xf32>
      tpu.vector_store %arg12[%swap3A_583, %swap3A_584], %swap3A_587 {add = true, strides = array<i32>} : memref<64x256xf32, #tpu.memory_space<vmem>>, vector<1x16xf32>,
      %get3A_588 = arith.index_cast %scan3A_499 : i32 to index
      %get3A_589 = arith.constant 160 : index
      %get3A_590 = tpu.vector_load %arg7[%get3A_588, %get3A_589] {strides = array<i32>} : memref<64x256xf32, #tpu.memory_space<vmem>>, vector<1x16xf32>,
      %get3A_591 = vector.shape_cast %get3A_590 : vector<1x16xf32> to vector<16xf32>
      %swap3A_592 = arith.index_cast %scan3A_499 : i32 to index
      %swap3A_593 = arith.constant 160 : index
      %swap3A_594 = tpu.vector_load %arg12[%swap3A_592, %swap3A_593] {strides = array<i32>} : memref<64x256xf32, #tpu.memory_space<vmem>>, vector<1x16xf32>,
      %swap3A_595 = vector.shape_cast %swap3A_594 : vector<1x16xf32> to vector<16xf32>
      %swap3A_596 = vector.shape_cast %get3A_591 : vector<16xf32> to vector<1x16xf32>
      tpu.vector_store %arg12[%swap3A_592, %swap3A_593], %swap3A_596 {add = true, strides = array<i32>} : memref<64x256xf32, #tpu.memory_space<vmem>>, vector<1x16xf32>,
      %get3A_597 = arith.index_cast %scan3A_499 : i32 to index
      %get3A_598 = arith.constant 176 : index
      %get3A_599 = tpu.vector_load %arg7[%get3A_597, %get3A_598] {strides = array<i32>} : memref<64x256xf32, #tpu.memory_space<vmem>>, vector<1x16xf32>,
      %get3A_600 = vector.shape_cast %get3A_599 : vector<1x16xf32> to vector<16xf32>
      %swap3A_601 = arith.index_cast %scan3A_499 : i32 to index
      %swap3A_602 = arith.constant 176 : index
      %swap3A_603 = tpu.vector_load %arg12[%swap3A_601, %swap3A_602] {strides = array<i32>} : memref<64x256xf32, #tpu.memory_space<vmem>>, vector<1x16xf32>,
      %swap3A_604 = vector.shape_cast %swap3A_603 : vector<1x16xf32> to vector<16xf32>
      %swap3A_605 = vector.shape_cast %get3A_600 : vector<16xf32> to vector<1x16xf32>
      tpu.vector_store %arg12[%swap3A_601, %swap3A_602], %swap3A_605 {add = true, strides = array<i32>} : memref<64x256xf32, #tpu.memory_space<vmem>>, vector<1x16xf32>,
      %get3A_606 = arith.index_cast %scan3A_499 : i32 to index
      %get3A_607 = arith.constant 192 : index
      %get3A_608 = tpu.vector_load %arg7[%get3A_606, %get3A_607] {strides = array<i32>} : memref<64x256xf32, #tpu.memory_space<vmem>>, vector<1x16xf32>,
      %get3A_609 = vector.shape_cast %get3A_608 : vector<1x16xf32> to vector<16xf32>
      %swap3A_610 = arith.index_cast %scan3A_499 : i32 to index
      %swap3A_611 = arith.constant 192 : index
      %swap3A_612 = tpu.vector_load %arg12[%swap3A_610, %swap3A_611] {strides = array<i32>} : memref<64x256xf32, #tpu.memory_space<vmem>>, vector<1x16xf32>,
      %swap3A_613 = vector.shape_cast %swap3A_612 : vector<1x16xf32> to vector<16xf32>
      %swap3A_614 = vector.shape_cast %get3A_609 : vector<16xf32> to vector<1x16xf32>
      tpu.vector_store %arg12[%swap3A_610, %swap3A_611], %swap3A_614 {add = true, strides = array<i32>} : memref<64x256xf32, #tpu.memory_space<vmem>>, vector<1x16xf32>,
      %get3A_615 = arith.index_cast %scan3A_499 : i32 to index
      %get3A_616 = arith.constant 208 : index
      %get3A_617 = tpu.vector_load %arg7[%get3A_615, %get3A_616] {strides = array<i32>} : memref<64x256xf32, #tpu.memory_space<vmem>>, vector<1x16xf32>,
      %get3A_618 = vector.shape_cast %get3A_617 : vector<1x16xf32> to vector<16xf32>
      %swap3A_619 = arith.index_cast %scan3A_499 : i32 to index
      %swap3A_620 = arith.constant 208 : index
      %swap3A_621 = tpu.vector_load %arg12[%swap3A_619, %swap3A_620] {strides = array<i32>} : memref<64x256xf32, #tpu.memory_space<vmem>>, vector<1x16xf32>,
      %swap3A_622 = vector.shape_cast %swap3A_621 : vector<1x16xf32> to vector<16xf32>
      %swap3A_623 = vector.shape_cast %get3A_618 : vector<16xf32> to vector<1x16xf32>
      tpu.vector_store %arg12[%swap3A_619, %swap3A_620], %swap3A_623 {add = true, strides = array<i32>} : memref<64x256xf32, #tpu.memory_space<vmem>>, vector<1x16xf32>,
      %get3A_624 = arith.index_cast %scan3A_499 : i32 to index
      %get3A_625 = arith.constant 224 : index
      %get3A_626 = tpu.vector_load %arg7[%get3A_624, %get3A_625] {strides = array<i32>} : memref<64x256xf32, #tpu.memory_space<vmem>>, vector<1x16xf32>,
      %get3A_627 = vector.shape_cast %get3A_626 : vector<1x16xf32> to vector<16xf32>
      %swap3A_628 = arith.index_cast %scan3A_499 : i32 to index
      %swap3A_629 = arith.constant 224 : index
      %swap3A_630 = tpu.vector_load %arg12[%swap3A_628, %swap3A_629] {strides = array<i32>} : memref<64x256xf32, #tpu.memory_space<vmem>>, vector<1x16xf32>,
      %swap3A_631 = vector.shape_cast %swap3A_630 : vector<1x16xf32> to vector<16xf32>
      %swap3A_632 = vector.shape_cast %get3A_627 : vector<16xf32> to vector<1x16xf32>
      tpu.vector_store %arg12[%swap3A_628, %swap3A_629], %swap3A_632 {add = true, strides = array<i32>} : memref<64x256xf32, #tpu.memory_space<vmem>>, vector<1x16xf32>,
      %get3A_633 = arith.index_cast %scan3A_499 : i32 to index
      %get3A_634 = arith.constant 240 : index
      %get3A_635 = tpu.vector_load %arg7[%get3A_633, %get3A_634] {strides = array<i32>} : memref<64x256xf32, #tpu.memory_space<vmem>>, vector<1x16xf32>,
      %get3A_636 = vector.shape_cast %get3A_635 : vector<1x16xf32> to vector<16xf32>
      %swap3A_637 = arith.index_cast %scan3A_499 : i32 to index
      %swap3A_638 = arith.constant 240 : index
      %swap3A_639 = tpu.vector_load %arg12[%swap3A_637, %swap3A_638] {strides = array<i32>} : memref<64x256xf32, #tpu.memory_space<vmem>>, vector<1x16xf32>,
      %swap3A_640 = vector.shape_cast %swap3A_639 : vector<1x16xf32> to vector<16xf32>
      %swap3A_641 = vector.shape_cast %get3A_636 : vector<16xf32> to vector<1x16xf32>
      tpu.vector_store %arg12[%swap3A_637, %swap3A_638], %swap3A_641 {add = true, strides = array<i32>} : memref<64x256xf32, #tpu.memory_space<vmem>>, vector<1x16xf32>,
    }
    %scan3A_190 = arith.constant 64 : i32
    %add3A_191 = arith.constant 8192 : i32
    %add3A_192 = arith.addi %add3A_191, %mul3A_2 : i32
    %dma_start3A_193 = arith.constant 0 : i32
    %dma_start3A_194 = tpu.memref_slice %arg5[%add3A_192, %dma_start3A_193] : memref<32768x256xf32, #tpu.memory_space<hbm>> -> memref<64x256xf32, #tpu.memory_space<hbm>>
    %dma_start3A_195 = arith.constant 0 : i32
    %dma_start3A_196 = tpu.memref_slice %arg5[%add3A_192, %dma_start3A_195] : memref<32768x256xf32, #tpu.memory_space<hbm>> -> memref<64x256xf32, #tpu.memory_space<hbm>>
    tpu.enqueue_dma source(%arg12 : memref<64x256xf32, #tpu.memory_space<vmem>>) target(%dma_start3A_196 : memref<64x256xf32, #tpu.memory_space<hbm>>) target_semaphore(%arg24 : memref<!tpu.dma_semaphore, #tpu.memory_space<semaphore_mem>>)
    %dma_wait3A_197 = arith.constant 0 : i32
    %dma_wait3A_198 = tpu.memref_slice %arg5[%add3A_136, %dma_wait3A_197] : memref<32768x256xf32, #tpu.memory_space<hbm>> -> memref<64x256xf32, #tpu.memory_space<hbm>>
    %dma_wait3A_199 = arith.constant 0 : i32
    %dma_wait3A_200 = tpu.memref_slice %arg5[%add3A_136, %dma_wait3A_199] : memref<32768x256xf32, #tpu.memory_space<hbm>> -> memref<64x256xf32, #tpu.memory_space<hbm>>
    tpu.wait_dma2 semaphore(%arg22 : memref<!tpu.dma_semaphore, #tpu.memory_space<semaphore_mem>>) src(%arg10 : memref<64x256xf32, #tpu.memory_space<vmem>>) dst(%dma_wait3A_200 : memref<64x256xf32, #tpu.memory_space<hbm>>)
    %dma_start3A_201 = arith.constant 8 : i32
    %dma_start3A_202 = tpu.memref_slice %arg6[%dma_start3A_201, %multiple_of3A_37] : memref<16x128xi32, #tpu.memory_space<vmem>> -> memref<1x64xi32, #tpu.memory_space<vmem>>
    %dma_start3A_203 = tpu.memref_squeeze %dma_start3A_202 : memref<1x64xi32, #tpu.memory_space<vmem>> -> memref<64xi32, #tpu.memory_space<vmem>>
    %dma_start3A_204 = arith.constant 0 : i32
    %dma_start3A_205 = arith.constant 0 : i32
    %dma_start3A_206 = tpu.memref_slice %arg3[%dma_start3A_204, %dma_start3A_205] : memref<50257x256xf32, #tpu.memory_space<hbm>> -> memref<50257x256xf32, #tpu.memory_space<hbm>>
    tpu.enqueue_indirect_dma source(%dma_start3A_206 : memref<50257x256xf32, #tpu.memory_space<hbm>>) target(%arg10 : memref<64x256xf32, #tpu.memory_space<vmem>>) offsets(%dma_start3A_203 : memref<64xi32, #tpu.memory_space<vmem>>) semaphore(%arg16 : memref<!tpu.dma_semaphore, #tpu.memory_space<semaphore_mem>>)
    %dma_wait3A_207 = arith.constant 5 : i32
    %dma_wait3A_208 = tpu.memref_slice %arg6[%dma_wait3A_207, %multiple_of3A_37] : memref<16x128xi32, #tpu.memory_space<vmem>> -> memref<1x64xi32, #tpu.memory_space<vmem>>
    %dma_wait3A_209 = tpu.memref_squeeze %dma_wait3A_208 : memref<1x64xi32, #tpu.memory_space<vmem>> -> memref<64xi32, #tpu.memory_space<vmem>>
    %dma_wait3A_210 = arith.constant 0 : i32
    %dma_wait3A_211 = arith.constant 0 : i32
    %dma_wait3A_212 = tpu.memref_slice %arg3[%dma_wait3A_210, %dma_wait3A_211] : memref<50257x256xf32, #tpu.memory_space<hbm>> -> memref<50257x256xf32, #tpu.memory_space<hbm>>
    tpu.wait_indirect_dma semaphore(%arg19 : memref<!tpu.dma_semaphore, #tpu.memory_space<semaphore_mem>>) src(%dma_wait3A_212 : memref<50257x256xf32, #tpu.memory_space<hbm>>) dst(%arg13 : memref<64x256xf32, #tpu.memory_space<vmem>>)
    %scan3A_213 = arith.constant 0 : i32
    %scan3A_214 = arith.constant 0 : i32
    %scan3A_215 = arith.constant 64 : i32
    %scan3A_216 = arith.addi %scan3A_214, %scan3A_215 : i32
    %scan3A_217 = arith.constant 1 : i32
    scf.for %scan3A_499 = %scan3A_214 to %scan3A_216 step %scan3A_217  : i32 {
      %get3A = arith.index_cast %scan3A_499 : i32 to index
      %get3A_500 = arith.constant 0 : index
      %get3A_501 = tpu.vector_load %arg7[%get3A, %get3A_500] {strides = array<i32>} : memref<64x256xf32, #tpu.memory_space<vmem>>, vector<1x16xf32>,
      %get3A_502 = vector.shape_cast %get3A_501 : vector<1x16xf32> to vector<16xf32>
      %swap3A = arith.index_cast %scan3A_499 : i32 to index
      %swap3A_503 = arith.constant 0 : index
      %swap3A_504 = tpu.vector_load %arg13[%swap3A, %swap3A_503] {strides = array<i32>} : memref<64x256xf32, #tpu.memory_space<vmem>>, vector<1x16xf32>,
      %swap3A_505 = vector.shape_cast %swap3A_504 : vector<1x16xf32> to vector<16xf32>
      %swap3A_506 = vector.shape_cast %get3A_502 : vector<16xf32> to vector<1x16xf32>
      tpu.vector_store %arg13[%swap3A, %swap3A_503], %swap3A_506 {add = true, strides = array<i32>} : memref<64x256xf32, #tpu.memory_space<vmem>>, vector<1x16xf32>,
      %get3A_507 = arith.index_cast %scan3A_499 : i32 to index
      %get3A_508 = arith.constant 16 : index
      %get3A_509 = tpu.vector_load %arg7[%get3A_507, %get3A_508] {strides = array<i32>} : memref<64x256xf32, #tpu.memory_space<vmem>>, vector<1x16xf32>,
      %get3A_510 = vector.shape_cast %get3A_509 : vector<1x16xf32> to vector<16xf32>
      %swap3A_511 = arith.index_cast %scan3A_499 : i32 to index
      %swap3A_512 = arith.constant 16 : index
      %swap3A_513 = tpu.vector_load %arg13[%swap3A_511, %swap3A_512] {strides = array<i32>} : memref<64x256xf32, #tpu.memory_space<vmem>>, vector<1x16xf32>,
      %swap3A_514 = vector.shape_cast %swap3A_513 : vector<1x16xf32> to vector<16xf32>
      %swap3A_515 = vector.shape_cast %get3A_510 : vector<16xf32> to vector<1x16xf32>
      tpu.vector_store %arg13[%swap3A_511, %swap3A_512], %swap3A_515 {add = true, strides = array<i32>} : memref<64x256xf32, #tpu.memory_space<vmem>>, vector<1x16xf32>,
      %get3A_516 = arith.index_cast %scan3A_499 : i32 to index
      %get3A_517 = arith.constant 32 : index
      %get3A_518 = tpu.vector_load %arg7[%get3A_516, %get3A_517] {strides = array<i32>} : memref<64x256xf32, #tpu.memory_space<vmem>>, vector<1x16xf32>,
      %get3A_519 = vector.shape_cast %get3A_518 : vector<1x16xf32> to vector<16xf32>
      %swap3A_520 = arith.index_cast %scan3A_499 : i32 to index
      %swap3A_521 = arith.constant 32 : index
      %swap3A_522 = tpu.vector_load %arg13[%swap3A_520, %swap3A_521] {strides = array<i32>} : memref<64x256xf32, #tpu.memory_space<vmem>>, vector<1x16xf32>,
      %swap3A_523 = vector.shape_cast %swap3A_522 : vector<1x16xf32> to vector<16xf32>
      %swap3A_524 = vector.shape_cast %get3A_519 : vector<16xf32> to vector<1x16xf32>
      tpu.vector_store %arg13[%swap3A_520, %swap3A_521], %swap3A_524 {add = true, strides = array<i32>} : memref<64x256xf32, #tpu.memory_space<vmem>>, vector<1x16xf32>,
      %get3A_525 = arith.index_cast %scan3A_499 : i32 to index
      %get3A_526 = arith.constant 48 : index
      %get3A_527 = tpu.vector_load %arg7[%get3A_525, %get3A_526] {strides = array<i32>} : memref<64x256xf32, #tpu.memory_space<vmem>>, vector<1x16xf32>,
      %get3A_528 = vector.shape_cast %get3A_527 : vector<1x16xf32> to vector<16xf32>
      %swap3A_529 = arith.index_cast %scan3A_499 : i32 to index
      %swap3A_530 = arith.constant 48 : index
      %swap3A_531 = tpu.vector_load %arg13[%swap3A_529, %swap3A_530] {strides = array<i32>} : memref<64x256xf32, #tpu.memory_space<vmem>>, vector<1x16xf32>,
      %swap3A_532 = vector.shape_cast %swap3A_531 : vector<1x16xf32> to vector<16xf32>
      %swap3A_533 = vector.shape_cast %get3A_528 : vector<16xf32> to vector<1x16xf32>
      tpu.vector_store %arg13[%swap3A_529, %swap3A_530], %swap3A_533 {add = true, strides = array<i32>} : memref<64x256xf32, #tpu.memory_space<vmem>>, vector<1x16xf32>,
      %get3A_534 = arith.index_cast %scan3A_499 : i32 to index
      %get3A_535 = arith.constant 64 : index
      %get3A_536 = tpu.vector_load %arg7[%get3A_534, %get3A_535] {strides = array<i32>} : memref<64x256xf32, #tpu.memory_space<vmem>>, vector<1x16xf32>,
      %get3A_537 = vector.shape_cast %get3A_536 : vector<1x16xf32> to vector<16xf32>
      %swap3A_538 = arith.index_cast %scan3A_499 : i32 to index
      %swap3A_539 = arith.constant 64 : index
      %swap3A_540 = tpu.vector_load %arg13[%swap3A_538, %swap3A_539] {strides = array<i32>} : memref<64x256xf32, #tpu.memory_space<vmem>>, vector<1x16xf32>,
      %swap3A_541 = vector.shape_cast %swap3A_540 : vector<1x16xf32> to vector<16xf32>
      %swap3A_542 = vector.shape_cast %get3A_537 : vector<16xf32> to vector<1x16xf32>
      tpu.vector_store %arg13[%swap3A_538, %swap3A_539], %swap3A_542 {add = true, strides = array<i32>} : memref<64x256xf32, #tpu.memory_space<vmem>>, vector<1x16xf32>,
      %get3A_543 = arith.index_cast %scan3A_499 : i32 to index
      %get3A_544 = arith.constant 80 : index
      %get3A_545 = tpu.vector_load %arg7[%get3A_543, %get3A_544] {strides = array<i32>} : memref<64x256xf32, #tpu.memory_space<vmem>>, vector<1x16xf32>,
      %get3A_546 = vector.shape_cast %get3A_545 : vector<1x16xf32> to vector<16xf32>
      %swap3A_547 = arith.index_cast %scan3A_499 : i32 to index
      %swap3A_548 = arith.constant 80 : index
      %swap3A_549 = tpu.vector_load %arg13[%swap3A_547, %swap3A_548] {strides = array<i32>} : memref<64x256xf32, #tpu.memory_space<vmem>>, vector<1x16xf32>,
      %swap3A_550 = vector.shape_cast %swap3A_549 : vector<1x16xf32> to vector<16xf32>
      %swap3A_551 = vector.shape_cast %get3A_546 : vector<16xf32> to vector<1x16xf32>
      tpu.vector_store %arg13[%swap3A_547, %swap3A_548], %swap3A_551 {add = true, strides = array<i32>} : memref<64x256xf32, #tpu.memory_space<vmem>>, vector<1x16xf32>,
      %get3A_552 = arith.index_cast %scan3A_499 : i32 to index
      %get3A_553 = arith.constant 96 : index
      %get3A_554 = tpu.vector_load %arg7[%get3A_552, %get3A_553] {strides = array<i32>} : memref<64x256xf32, #tpu.memory_space<vmem>>, vector<1x16xf32>,
      %get3A_555 = vector.shape_cast %get3A_554 : vector<1x16xf32> to vector<16xf32>
      %swap3A_556 = arith.index_cast %scan3A_499 : i32 to index
      %swap3A_557 = arith.constant 96 : index
      %swap3A_558 = tpu.vector_load %arg13[%swap3A_556, %swap3A_557] {strides = array<i32>} : memref<64x256xf32, #tpu.memory_space<vmem>>, vector<1x16xf32>,
      %swap3A_559 = vector.shape_cast %swap3A_558 : vector<1x16xf32> to vector<16xf32>
      %swap3A_560 = vector.shape_cast %get3A_555 : vector<16xf32> to vector<1x16xf32>
      tpu.vector_store %arg13[%swap3A_556, %swap3A_557], %swap3A_560 {add = true, strides = array<i32>} : memref<64x256xf32, #tpu.memory_space<vmem>>, vector<1x16xf32>,
      %get3A_561 = arith.index_cast %scan3A_499 : i32 to index
      %get3A_562 = arith.constant 112 : index
      %get3A_563 = tpu.vector_load %arg7[%get3A_561, %get3A_562] {strides = array<i32>} : memref<64x256xf32, #tpu.memory_space<vmem>>, vector<1x16xf32>,
      %get3A_564 = vector.shape_cast %get3A_563 : vector<1x16xf32> to vector<16xf32>
      %swap3A_565 = arith.index_cast %scan3A_499 : i32 to index
      %swap3A_566 = arith.constant 112 : index
      %swap3A_567 = tpu.vector_load %arg13[%swap3A_565, %swap3A_566] {strides = array<i32>} : memref<64x256xf32, #tpu.memory_space<vmem>>, vector<1x16xf32>,
      %swap3A_568 = vector.shape_cast %swap3A_567 : vector<1x16xf32> to vector<16xf32>
      %swap3A_569 = vector.shape_cast %get3A_564 : vector<16xf32> to vector<1x16xf32>
      tpu.vector_store %arg13[%swap3A_565, %swap3A_566], %swap3A_569 {add = true, strides = array<i32>} : memref<64x256xf32, #tpu.memory_space<vmem>>, vector<1x16xf32>,
      %get3A_570 = arith.index_cast %scan3A_499 : i32 to index
      %get3A_571 = arith.constant 128 : index
      %get3A_572 = tpu.vector_load %arg7[%get3A_570, %get3A_571] {strides = array<i32>} : memref<64x256xf32, #tpu.memory_space<vmem>>, vector<1x16xf32>,
      %get3A_573 = vector.shape_cast %get3A_572 : vector<1x16xf32> to vector<16xf32>
      %swap3A_574 = arith.index_cast %scan3A_499 : i32 to index
      %swap3A_575 = arith.constant 128 : index
      %swap3A_576 = tpu.vector_load %arg13[%swap3A_574, %swap3A_575] {strides = array<i32>} : memref<64x256xf32, #tpu.memory_space<vmem>>, vector<1x16xf32>,
      %swap3A_577 = vector.shape_cast %swap3A_576 : vector<1x16xf32> to vector<16xf32>
      %swap3A_578 = vector.shape_cast %get3A_573 : vector<16xf32> to vector<1x16xf32>
      tpu.vector_store %arg13[%swap3A_574, %swap3A_575], %swap3A_578 {add = true, strides = array<i32>} : memref<64x256xf32, #tpu.memory_space<vmem>>, vector<1x16xf32>,
      %get3A_579 = arith.index_cast %scan3A_499 : i32 to index
      %get3A_580 = arith.constant 144 : index
      %get3A_581 = tpu.vector_load %arg7[%get3A_579, %get3A_580] {strides = array<i32>} : memref<64x256xf32, #tpu.memory_space<vmem>>, vector<1x16xf32>,
      %get3A_582 = vector.shape_cast %get3A_581 : vector<1x16xf32> to vector<16xf32>
      %swap3A_583 = arith.index_cast %scan3A_499 : i32 to index
      %swap3A_584 = arith.constant 144 : index
      %swap3A_585 = tpu.vector_load %arg13[%swap3A_583, %swap3A_584] {strides = array<i32>} : memref<64x256xf32, #tpu.memory_space<vmem>>, vector<1x16xf32>,
      %swap3A_586 = vector.shape_cast %swap3A_585 : vector<1x16xf32> to vector<16xf32>
      %swap3A_587 = vector.shape_cast %get3A_582 : vector<16xf32> to vector<1x16xf32>
      tpu.vector_store %arg13[%swap3A_583, %swap3A_584], %swap3A_587 {add = true, strides = array<i32>} : memref<64x256xf32, #tpu.memory_space<vmem>>, vector<1x16xf32>,
      %get3A_588 = arith.index_cast %scan3A_499 : i32 to index
      %get3A_589 = arith.constant 160 : index
      %get3A_590 = tpu.vector_load %arg7[%get3A_588, %get3A_589] {strides = array<i32>} : memref<64x256xf32, #tpu.memory_space<vmem>>, vector<1x16xf32>,
      %get3A_591 = vector.shape_cast %get3A_590 : vector<1x16xf32> to vector<16xf32>
      %swap3A_592 = arith.index_cast %scan3A_499 : i32 to index
      %swap3A_593 = arith.constant 160 : index
      %swap3A_594 = tpu.vector_load %arg13[%swap3A_592, %swap3A_593] {strides = array<i32>} : memref<64x256xf32, #tpu.memory_space<vmem>>, vector<1x16xf32>,
      %swap3A_595 = vector.shape_cast %swap3A_594 : vector<1x16xf32> to vector<16xf32>
      %swap3A_596 = vector.shape_cast %get3A_591 : vector<16xf32> to vector<1x16xf32>
      tpu.vector_store %arg13[%swap3A_592, %swap3A_593], %swap3A_596 {add = true, strides = array<i32>} : memref<64x256xf32, #tpu.memory_space<vmem>>, vector<1x16xf32>,
      %get3A_597 = arith.index_cast %scan3A_499 : i32 to index
      %get3A_598 = arith.constant 176 : index
      %get3A_599 = tpu.vector_load %arg7[%get3A_597, %get3A_598] {strides = array<i32>} : memref<64x256xf32, #tpu.memory_space<vmem>>, vector<1x16xf32>,
      %get3A_600 = vector.shape_cast %get3A_599 : vector<1x16xf32> to vector<16xf32>
      %swap3A_601 = arith.index_cast %scan3A_499 : i32 to index
      %swap3A_602 = arith.constant 176 : index
      %swap3A_603 = tpu.vector_load %arg13[%swap3A_601, %swap3A_602] {strides = array<i32>} : memref<64x256xf32, #tpu.memory_space<vmem>>, vector<1x16xf32>,
      %swap3A_604 = vector.shape_cast %swap3A_603 : vector<1x16xf32> to vector<16xf32>
      %swap3A_605 = vector.shape_cast %get3A_600 : vector<16xf32> to vector<1x16xf32>
      tpu.vector_store %arg13[%swap3A_601, %swap3A_602], %swap3A_605 {add = true, strides = array<i32>} : memref<64x256xf32, #tpu.memory_space<vmem>>, vector<1x16xf32>,
      %get3A_606 = arith.index_cast %scan3A_499 : i32 to index
      %get3A_607 = arith.constant 192 : index
      %get3A_608 = tpu.vector_load %arg7[%get3A_606, %get3A_607] {strides = array<i32>} : memref<64x256xf32, #tpu.memory_space<vmem>>, vector<1x16xf32>,
      %get3A_609 = vector.shape_cast %get3A_608 : vector<1x16xf32> to vector<16xf32>
      %swap3A_610 = arith.index_cast %scan3A_499 : i32 to index
      %swap3A_611 = arith.constant 192 : index
      %swap3A_612 = tpu.vector_load %arg13[%swap3A_610, %swap3A_611] {strides = array<i32>} : memref<64x256xf32, #tpu.memory_space<vmem>>, vector<1x16xf32>,
      %swap3A_613 = vector.shape_cast %swap3A_612 : vector<1x16xf32> to vector<16xf32>
      %swap3A_614 = vector.shape_cast %get3A_609 : vector<16xf32> to vector<1x16xf32>
      tpu.vector_store %arg13[%swap3A_610, %swap3A_611], %swap3A_614 {add = true, strides = array<i32>} : memref<64x256xf32, #tpu.memory_space<vmem>>, vector<1x16xf32>,
      %get3A_615 = arith.index_cast %scan3A_499 : i32 to index
      %get3A_616 = arith.constant 208 : index
      %get3A_617 = tpu.vector_load %arg7[%get3A_615, %get3A_616] {strides = array<i32>} : memref<64x256xf32, #tpu.memory_space<vmem>>, vector<1x16xf32>,
      %get3A_618 = vector.shape_cast %get3A_617 : vector<1x16xf32> to vector<16xf32>
      %swap3A_619 = arith.index_cast %scan3A_499 : i32 to index
      %swap3A_620 = arith.constant 208 : index
      %swap3A_621 = tpu.vector_load %arg13[%swap3A_619, %swap3A_620] {strides = array<i32>} : memref<64x256xf32, #tpu.memory_space<vmem>>, vector<1x16xf32>,
      %swap3A_622 = vector.shape_cast %swap3A_621 : vector<1x16xf32> to vector<16xf32>
      %swap3A_623 = vector.shape_cast %get3A_618 : vector<16xf32> to vector<1x16xf32>
      tpu.vector_store %arg13[%swap3A_619, %swap3A_620], %swap3A_623 {add = true, strides = array<i32>} : memref<64x256xf32, #tpu.memory_space<vmem>>, vector<1x16xf32>,
      %get3A_624 = arith.index_cast %scan3A_499 : i32 to index
      %get3A_625 = arith.constant 224 : index
      %get3A_626 = tpu.vector_load %arg7[%get3A_624, %get3A_625] {strides = array<i32>} : memref<64x256xf32, #tpu.memory_space<vmem>>, vector<1x16xf32>,
      %get3A_627 = vector.shape_cast %get3A_626 : vector<1x16xf32> to vector<16xf32>
      %swap3A_628 = arith.index_cast %scan3A_499 : i32 to index
      %swap3A_629 = arith.constant 224 : index
      %swap3A_630 = tpu.vector_load %arg13[%swap3A_628, %swap3A_629] {strides = array<i32>} : memref<64x256xf32, #tpu.memory_space<vmem>>, vector<1x16xf32>,
      %swap3A_631 = vector.shape_cast %swap3A_630 : vector<1x16xf32> to vector<16xf32>
      %swap3A_632 = vector.shape_cast %get3A_627 : vector<16xf32> to vector<1x16xf32>
      tpu.vector_store %arg13[%swap3A_628, %swap3A_629], %swap3A_632 {add = true, strides = array<i32>} : memref<64x256xf32, #tpu.memory_space<vmem>>, vector<1x16xf32>,
      %get3A_633 = arith.index_cast %scan3A_499 : i32 to index
      %get3A_634 = arith.constant 240 : index
      %get3A_635 = tpu.vector_load %arg7[%get3A_633, %get3A_634] {strides = array<i32>} : memref<64x256xf32, #tpu.memory_space<vmem>>, vector<1x16xf32>,
      %get3A_636 = vector.shape_cast %get3A_635 : vector<1x16xf32> to vector<16xf32>
      %swap3A_637 = arith.index_cast %scan3A_499 : i32 to index
      %swap3A_638 = arith.constant 240 : index
      %swap3A_639 = tpu.vector_load %arg13[%swap3A_637, %swap3A_638] {strides = array<i32>} : memref<64x256xf32, #tpu.memory_space<vmem>>, vector<1x16xf32>,
      %swap3A_640 = vector.shape_cast %swap3A_639 : vector<1x16xf32> to vector<16xf32>
      %swap3A_641 = vector.shape_cast %get3A_636 : vector<16xf32> to vector<1x16xf32>
      tpu.vector_store %arg13[%swap3A_637, %swap3A_638], %swap3A_641 {add = true, strides = array<i32>} : memref<64x256xf32, #tpu.memory_space<vmem>>, vector<1x16xf32>,
    }
    %scan3A_218 = arith.constant 64 : i32
    %add3A_219 = arith.constant 10240 : i32
    %add3A_220 = arith.addi %add3A_219, %mul3A_2 : i32
    %dma_start3A_221 = arith.constant 0 : i32
    %dma_start3A_222 = tpu.memref_slice %arg5[%add3A_220, %dma_start3A_221] : memref<32768x256xf32, #tpu.memory_space<hbm>> -> memref<64x256xf32, #tpu.memory_space<hbm>>
    %dma_start3A_223 = arith.constant 0 : i32
    %dma_start3A_224 = tpu.memref_slice %arg5[%add3A_220, %dma_start3A_223] : memref<32768x256xf32, #tpu.memory_space<hbm>> -> memref<64x256xf32, #tpu.memory_space<hbm>>
    tpu.enqueue_dma source(%arg13 : memref<64x256xf32, #tpu.memory_space<vmem>>) target(%dma_start3A_224 : memref<64x256xf32, #tpu.memory_space<hbm>>) target_semaphore(%arg25 : memref<!tpu.dma_semaphore, #tpu.memory_space<semaphore_mem>>)
    %dma_wait3A_225 = arith.constant 0 : i32
    %dma_wait3A_226 = tpu.memref_slice %arg5[%add3A_164, %dma_wait3A_225] : memref<32768x256xf32, #tpu.memory_space<hbm>> -> memref<64x256xf32, #tpu.memory_space<hbm>>
    %dma_wait3A_227 = arith.constant 0 : i32
    %dma_wait3A_228 = tpu.memref_slice %arg5[%add3A_164, %dma_wait3A_227] : memref<32768x256xf32, #tpu.memory_space<hbm>> -> memref<64x256xf32, #tpu.memory_space<hbm>>
    tpu.wait_dma2 semaphore(%arg23 : memref<!tpu.dma_semaphore, #tpu.memory_space<semaphore_mem>>) src(%arg11 : memref<64x256xf32, #tpu.memory_space<vmem>>) dst(%dma_wait3A_228 : memref<64x256xf32, #tpu.memory_space<hbm>>)
    %dma_start3A_229 = arith.constant 9 : i32
    %dma_start3A_230 = tpu.memref_slice %arg6[%dma_start3A_229, %multiple_of3A_37] : memref<16x128xi32, #tpu.memory_space<vmem>> -> memref<1x64xi32, #tpu.memory_space<vmem>>
    %dma_start3A_231 = tpu.memref_squeeze %dma_start3A_230 : memref<1x64xi32, #tpu.memory_space<vmem>> -> memref<64xi32, #tpu.memory_space<vmem>>
    %dma_start3A_232 = arith.constant 0 : i32
    %dma_start3A_233 = arith.constant 0 : i32
    %dma_start3A_234 = tpu.memref_slice %arg3[%dma_start3A_232, %dma_start3A_233] : memref<50257x256xf32, #tpu.memory_space<hbm>> -> memref<50257x256xf32, #tpu.memory_space<hbm>>
    tpu.enqueue_indirect_dma source(%dma_start3A_234 : memref<50257x256xf32, #tpu.memory_space<hbm>>) target(%arg11 : memref<64x256xf32, #tpu.memory_space<vmem>>) offsets(%dma_start3A_231 : memref<64xi32, #tpu.memory_space<vmem>>) semaphore(%arg17 : memref<!tpu.dma_semaphore, #tpu.memory_space<semaphore_mem>>)
    %dma_wait3A_235 = arith.constant 6 : i32
    %dma_wait3A_236 = tpu.memref_slice %arg6[%dma_wait3A_235, %multiple_of3A_37] : memref<16x128xi32, #tpu.memory_space<vmem>> -> memref<1x64xi32, #tpu.memory_space<vmem>>
    %dma_wait3A_237 = tpu.memref_squeeze %dma_wait3A_236 : memref<1x64xi32, #tpu.memory_space<vmem>> -> memref<64xi32, #tpu.memory_space<vmem>>
    %dma_wait3A_238 = arith.constant 0 : i32
    %dma_wait3A_239 = arith.constant 0 : i32
    %dma_wait3A_240 = tpu.memref_slice %arg3[%dma_wait3A_238, %dma_wait3A_239] : memref<50257x256xf32, #tpu.memory_space<hbm>> -> memref<50257x256xf32, #tpu.memory_space<hbm>>
    tpu.wait_indirect_dma semaphore(%arg14 : memref<!tpu.dma_semaphore, #tpu.memory_space<semaphore_mem>>) src(%dma_wait3A_240 : memref<50257x256xf32, #tpu.memory_space<hbm>>) dst(%arg8 : memref<64x256xf32, #tpu.memory_space<vmem>>)
    %scan3A_241 = arith.constant 0 : i32
    %scan3A_242 = arith.constant 0 : i32
    %scan3A_243 = arith.constant 64 : i32
    %scan3A_244 = arith.addi %scan3A_242, %scan3A_243 : i32
    %scan3A_245 = arith.constant 1 : i32
    scf.for %scan3A_499 = %scan3A_242 to %scan3A_244 step %scan3A_245  : i32 {
      %get3A = arith.index_cast %scan3A_499 : i32 to index
      %get3A_500 = arith.constant 0 : index
      %get3A_501 = tpu.vector_load %arg7[%get3A, %get3A_500] {strides = array<i32>} : memref<64x256xf32, #tpu.memory_space<vmem>>, vector<1x16xf32>,
      %get3A_502 = vector.shape_cast %get3A_501 : vector<1x16xf32> to vector<16xf32>
      %swap3A = arith.index_cast %scan3A_499 : i32 to index
      %swap3A_503 = arith.constant 0 : index
      %swap3A_504 = tpu.vector_load %arg8[%swap3A, %swap3A_503] {strides = array<i32>} : memref<64x256xf32, #tpu.memory_space<vmem>>, vector<1x16xf32>,
      %swap3A_505 = vector.shape_cast %swap3A_504 : vector<1x16xf32> to vector<16xf32>
      %swap3A_506 = vector.shape_cast %get3A_502 : vector<16xf32> to vector<1x16xf32>
      tpu.vector_store %arg8[%swap3A, %swap3A_503], %swap3A_506 {add = true, strides = array<i32>} : memref<64x256xf32, #tpu.memory_space<vmem>>, vector<1x16xf32>,
      %get3A_507 = arith.index_cast %scan3A_499 : i32 to index
      %get3A_508 = arith.constant 16 : index
      %get3A_509 = tpu.vector_load %arg7[%get3A_507, %get3A_508] {strides = array<i32>} : memref<64x256xf32, #tpu.memory_space<vmem>>, vector<1x16xf32>,
      %get3A_510 = vector.shape_cast %get3A_509 : vector<1x16xf32> to vector<16xf32>
      %swap3A_511 = arith.index_cast %scan3A_499 : i32 to index
      %swap3A_512 = arith.constant 16 : index
      %swap3A_513 = tpu.vector_load %arg8[%swap3A_511, %swap3A_512] {strides = array<i32>} : memref<64x256xf32, #tpu.memory_space<vmem>>, vector<1x16xf32>,
      %swap3A_514 = vector.shape_cast %swap3A_513 : vector<1x16xf32> to vector<16xf32>
      %swap3A_515 = vector.shape_cast %get3A_510 : vector<16xf32> to vector<1x16xf32>
      tpu.vector_store %arg8[%swap3A_511, %swap3A_512], %swap3A_515 {add = true, strides = array<i32>} : memref<64x256xf32, #tpu.memory_space<vmem>>, vector<1x16xf32>,
      %get3A_516 = arith.index_cast %scan3A_499 : i32 to index
      %get3A_517 = arith.constant 32 : index
      %get3A_518 = tpu.vector_load %arg7[%get3A_516, %get3A_517] {strides = array<i32>} : memref<64x256xf32, #tpu.memory_space<vmem>>, vector<1x16xf32>,
      %get3A_519 = vector.shape_cast %get3A_518 : vector<1x16xf32> to vector<16xf32>
      %swap3A_520 = arith.index_cast %scan3A_499 : i32 to index
      %swap3A_521 = arith.constant 32 : index
      %swap3A_522 = tpu.vector_load %arg8[%swap3A_520, %swap3A_521] {strides = array<i32>} : memref<64x256xf32, #tpu.memory_space<vmem>>, vector<1x16xf32>,
      %swap3A_523 = vector.shape_cast %swap3A_522 : vector<1x16xf32> to vector<16xf32>
      %swap3A_524 = vector.shape_cast %get3A_519 : vector<16xf32> to vector<1x16xf32>
      tpu.vector_store %arg8[%swap3A_520, %swap3A_521], %swap3A_524 {add = true, strides = array<i32>} : memref<64x256xf32, #tpu.memory_space<vmem>>, vector<1x16xf32>,
      %get3A_525 = arith.index_cast %scan3A_499 : i32 to index
      %get3A_526 = arith.constant 48 : index
      %get3A_527 = tpu.vector_load %arg7[%get3A_525, %get3A_526] {strides = array<i32>} : memref<64x256xf32, #tpu.memory_space<vmem>>, vector<1x16xf32>,
      %get3A_528 = vector.shape_cast %get3A_527 : vector<1x16xf32> to vector<16xf32>
      %swap3A_529 = arith.index_cast %scan3A_499 : i32 to index
      %swap3A_530 = arith.constant 48 : index
      %swap3A_531 = tpu.vector_load %arg8[%swap3A_529, %swap3A_530] {strides = array<i32>} : memref<64x256xf32, #tpu.memory_space<vmem>>, vector<1x16xf32>,
      %swap3A_532 = vector.shape_cast %swap3A_531 : vector<1x16xf32> to vector<16xf32>
      %swap3A_533 = vector.shape_cast %get3A_528 : vector<16xf32> to vector<1x16xf32>
      tpu.vector_store %arg8[%swap3A_529, %swap3A_530], %swap3A_533 {add = true, strides = array<i32>} : memref<64x256xf32, #tpu.memory_space<vmem>>, vector<1x16xf32>,
      %get3A_534 = arith.index_cast %scan3A_499 : i32 to index
      %get3A_535 = arith.constant 64 : index
      %get3A_536 = tpu.vector_load %arg7[%get3A_534, %get3A_535] {strides = array<i32>} : memref<64x256xf32, #tpu.memory_space<vmem>>, vector<1x16xf32>,
      %get3A_537 = vector.shape_cast %get3A_536 : vector<1x16xf32> to vector<16xf32>
      %swap3A_538 = arith.index_cast %scan3A_499 : i32 to index
      %swap3A_539 = arith.constant 64 : index
      %swap3A_540 = tpu.vector_load %arg8[%swap3A_538, %swap3A_539] {strides = array<i32>} : memref<64x256xf32, #tpu.memory_space<vmem>>, vector<1x16xf32>,
      %swap3A_541 = vector.shape_cast %swap3A_540 : vector<1x16xf32> to vector<16xf32>
      %swap3A_542 = vector.shape_cast %get3A_537 : vector<16xf32> to vector<1x16xf32>
      tpu.vector_store %arg8[%swap3A_538, %swap3A_539], %swap3A_542 {add = true, strides = array<i32>} : memref<64x256xf32, #tpu.memory_space<vmem>>, vector<1x16xf32>,
      %get3A_543 = arith.index_cast %scan3A_499 : i32 to index
      %get3A_544 = arith.constant 80 : index
      %get3A_545 = tpu.vector_load %arg7[%get3A_543, %get3A_544] {strides = array<i32>} : memref<64x256xf32, #tpu.memory_space<vmem>>, vector<1x16xf32>,
      %get3A_546 = vector.shape_cast %get3A_545 : vector<1x16xf32> to vector<16xf32>
      %swap3A_547 = arith.index_cast %scan3A_499 : i32 to index
      %swap3A_548 = arith.constant 80 : index
      %swap3A_549 = tpu.vector_load %arg8[%swap3A_547, %swap3A_548] {strides = array<i32>} : memref<64x256xf32, #tpu.memory_space<vmem>>, vector<1x16xf32>,
      %swap3A_550 = vector.shape_cast %swap3A_549 : vector<1x16xf32> to vector<16xf32>
      %swap3A_551 = vector.shape_cast %get3A_546 : vector<16xf32> to vector<1x16xf32>
      tpu.vector_store %arg8[%swap3A_547, %swap3A_548], %swap3A_551 {add = true, strides = array<i32>} : memref<64x256xf32, #tpu.memory_space<vmem>>, vector<1x16xf32>,
      %get3A_552 = arith.index_cast %scan3A_499 : i32 to index
      %get3A_553 = arith.constant 96 : index
      %get3A_554 = tpu.vector_load %arg7[%get3A_552, %get3A_553] {strides = array<i32>} : memref<64x256xf32, #tpu.memory_space<vmem>>, vector<1x16xf32>,
      %get3A_555 = vector.shape_cast %get3A_554 : vector<1x16xf32> to vector<16xf32>
      %swap3A_556 = arith.index_cast %scan3A_499 : i32 to index
      %swap3A_557 = arith.constant 96 : index
      %swap3A_558 = tpu.vector_load %arg8[%swap3A_556, %swap3A_557] {strides = array<i32>} : memref<64x256xf32, #tpu.memory_space<vmem>>, vector<1x16xf32>,
      %swap3A_559 = vector.shape_cast %swap3A_558 : vector<1x16xf32> to vector<16xf32>
      %swap3A_560 = vector.shape_cast %get3A_555 : vector<16xf32> to vector<1x16xf32>
      tpu.vector_store %arg8[%swap3A_556, %swap3A_557], %swap3A_560 {add = true, strides = array<i32>} : memref<64x256xf32, #tpu.memory_space<vmem>>, vector<1x16xf32>,
      %get3A_561 = arith.index_cast %scan3A_499 : i32 to index
      %get3A_562 = arith.constant 112 : index
      %get3A_563 = tpu.vector_load %arg7[%get3A_561, %get3A_562] {strides = array<i32>} : memref<64x256xf32, #tpu.memory_space<vmem>>, vector<1x16xf32>,
      %get3A_564 = vector.shape_cast %get3A_563 : vector<1x16xf32> to vector<16xf32>
      %swap3A_565 = arith.index_cast %scan3A_499 : i32 to index
      %swap3A_566 = arith.constant 112 : index
      %swap3A_567 = tpu.vector_load %arg8[%swap3A_565, %swap3A_566] {strides = array<i32>} : memref<64x256xf32, #tpu.memory_space<vmem>>, vector<1x16xf32>,
      %swap3A_568 = vector.shape_cast %swap3A_567 : vector<1x16xf32> to vector<16xf32>
      %swap3A_569 = vector.shape_cast %get3A_564 : vector<16xf32> to vector<1x16xf32>
      tpu.vector_store %arg8[%swap3A_565, %swap3A_566], %swap3A_569 {add = true, strides = array<i32>} : memref<64x256xf32, #tpu.memory_space<vmem>>, vector<1x16xf32>,
      %get3A_570 = arith.index_cast %scan3A_499 : i32 to index
      %get3A_571 = arith.constant 128 : index
      %get3A_572 = tpu.vector_load %arg7[%get3A_570, %get3A_571] {strides = array<i32>} : memref<64x256xf32, #tpu.memory_space<vmem>>, vector<1x16xf32>,
      %get3A_573 = vector.shape_cast %get3A_572 : vector<1x16xf32> to vector<16xf32>
      %swap3A_574 = arith.index_cast %scan3A_499 : i32 to index
      %swap3A_575 = arith.constant 128 : index
      %swap3A_576 = tpu.vector_load %arg8[%swap3A_574, %swap3A_575] {strides = array<i32>} : memref<64x256xf32, #tpu.memory_space<vmem>>, vector<1x16xf32>,
      %swap3A_577 = vector.shape_cast %swap3A_576 : vector<1x16xf32> to vector<16xf32>
      %swap3A_578 = vector.shape_cast %get3A_573 : vector<16xf32> to vector<1x16xf32>
      tpu.vector_store %arg8[%swap3A_574, %swap3A_575], %swap3A_578 {add = true, strides = array<i32>} : memref<64x256xf32, #tpu.memory_space<vmem>>, vector<1x16xf32>,
      %get3A_579 = arith.index_cast %scan3A_499 : i32 to index
      %get3A_580 = arith.constant 144 : index
      %get3A_581 = tpu.vector_load %arg7[%get3A_579, %get3A_580] {strides = array<i32>} : memref<64x256xf32, #tpu.memory_space<vmem>>, vector<1x16xf32>,
      %get3A_582 = vector.shape_cast %get3A_581 : vector<1x16xf32> to vector<16xf32>
      %swap3A_583 = arith.index_cast %scan3A_499 : i32 to index
      %swap3A_584 = arith.constant 144 : index
      %swap3A_585 = tpu.vector_load %arg8[%swap3A_583, %swap3A_584] {strides = array<i32>} : memref<64x256xf32, #tpu.memory_space<vmem>>, vector<1x16xf32>,
      %swap3A_586 = vector.shape_cast %swap3A_585 : vector<1x16xf32> to vector<16xf32>
      %swap3A_587 = vector.shape_cast %get3A_582 : vector<16xf32> to vector<1x16xf32>
      tpu.vector_store %arg8[%swap3A_583, %swap3A_584], %swap3A_587 {add = true, strides = array<i32>} : memref<64x256xf32, #tpu.memory_space<vmem>>, vector<1x16xf32>,
      %get3A_588 = arith.index_cast %scan3A_499 : i32 to index
      %get3A_589 = arith.constant 160 : index
      %get3A_590 = tpu.vector_load %arg7[%get3A_588, %get3A_589] {strides = array<i32>} : memref<64x256xf32, #tpu.memory_space<vmem>>, vector<1x16xf32>,
      %get3A_591 = vector.shape_cast %get3A_590 : vector<1x16xf32> to vector<16xf32>
      %swap3A_592 = arith.index_cast %scan3A_499 : i32 to index
      %swap3A_593 = arith.constant 160 : index
      %swap3A_594 = tpu.vector_load %arg8[%swap3A_592, %swap3A_593] {strides = array<i32>} : memref<64x256xf32, #tpu.memory_space<vmem>>, vector<1x16xf32>,
      %swap3A_595 = vector.shape_cast %swap3A_594 : vector<1x16xf32> to vector<16xf32>
      %swap3A_596 = vector.shape_cast %get3A_591 : vector<16xf32> to vector<1x16xf32>
      tpu.vector_store %arg8[%swap3A_592, %swap3A_593], %swap3A_596 {add = true, strides = array<i32>} : memref<64x256xf32, #tpu.memory_space<vmem>>, vector<1x16xf32>,
      %get3A_597 = arith.index_cast %scan3A_499 : i32 to index
      %get3A_598 = arith.constant 176 : index
      %get3A_599 = tpu.vector_load %arg7[%get3A_597, %get3A_598] {strides = array<i32>} : memref<64x256xf32, #tpu.memory_space<vmem>>, vector<1x16xf32>,
      %get3A_600 = vector.shape_cast %get3A_599 : vector<1x16xf32> to vector<16xf32>
      %swap3A_601 = arith.index_cast %scan3A_499 : i32 to index
      %swap3A_602 = arith.constant 176 : index
      %swap3A_603 = tpu.vector_load %arg8[%swap3A_601, %swap3A_602] {strides = array<i32>} : memref<64x256xf32, #tpu.memory_space<vmem>>, vector<1x16xf32>,
      %swap3A_604 = vector.shape_cast %swap3A_603 : vector<1x16xf32> to vector<16xf32>
      %swap3A_605 = vector.shape_cast %get3A_600 : vector<16xf32> to vector<1x16xf32>
      tpu.vector_store %arg8[%swap3A_601, %swap3A_602], %swap3A_605 {add = true, strides = array<i32>} : memref<64x256xf32, #tpu.memory_space<vmem>>, vector<1x16xf32>,
      %get3A_606 = arith.index_cast %scan3A_499 : i32 to index
      %get3A_607 = arith.constant 192 : index
      %get3A_608 = tpu.vector_load %arg7[%get3A_606, %get3A_607] {strides = array<i32>} : memref<64x256xf32, #tpu.memory_space<vmem>>, vector<1x16xf32>,
      %get3A_609 = vector.shape_cast %get3A_608 : vector<1x16xf32> to vector<16xf32>
      %swap3A_610 = arith.index_cast %scan3A_499 : i32 to index
      %swap3A_611 = arith.constant 192 : index
      %swap3A_612 = tpu.vector_load %arg8[%swap3A_610, %swap3A_611] {strides = array<i32>} : memref<64x256xf32, #tpu.memory_space<vmem>>, vector<1x16xf32>,
      %swap3A_613 = vector.shape_cast %swap3A_612 : vector<1x16xf32> to vector<16xf32>
      %swap3A_614 = vector.shape_cast %get3A_609 : vector<16xf32> to vector<1x16xf32>
      tpu.vector_store %arg8[%swap3A_610, %swap3A_611], %swap3A_614 {add = true, strides = array<i32>} : memref<64x256xf32, #tpu.memory_space<vmem>>, vector<1x16xf32>,
      %get3A_615 = arith.index_cast %scan3A_499 : i32 to index
      %get3A_616 = arith.constant 208 : index
      %get3A_617 = tpu.vector_load %arg7[%get3A_615, %get3A_616] {strides = array<i32>} : memref<64x256xf32, #tpu.memory_space<vmem>>, vector<1x16xf32>,
      %get3A_618 = vector.shape_cast %get3A_617 : vector<1x16xf32> to vector<16xf32>
      %swap3A_619 = arith.index_cast %scan3A_499 : i32 to index
      %swap3A_620 = arith.constant 208 : index
      %swap3A_621 = tpu.vector_load %arg8[%swap3A_619, %swap3A_620] {strides = array<i32>} : memref<64x256xf32, #tpu.memory_space<vmem>>, vector<1x16xf32>,
      %swap3A_622 = vector.shape_cast %swap3A_621 : vector<1x16xf32> to vector<16xf32>
      %swap3A_623 = vector.shape_cast %get3A_618 : vector<16xf32> to vector<1x16xf32>
      tpu.vector_store %arg8[%swap3A_619, %swap3A_620], %swap3A_623 {add = true, strides = array<i32>} : memref<64x256xf32, #tpu.memory_space<vmem>>, vector<1x16xf32>,
      %get3A_624 = arith.index_cast %scan3A_499 : i32 to index
      %get3A_625 = arith.constant 224 : index
      %get3A_626 = tpu.vector_load %arg7[%get3A_624, %get3A_625] {strides = array<i32>} : memref<64x256xf32, #tpu.memory_space<vmem>>, vector<1x16xf32>,
      %get3A_627 = vector.shape_cast %get3A_626 : vector<1x16xf32> to vector<16xf32>
      %swap3A_628 = arith.index_cast %scan3A_499 : i32 to index
      %swap3A_629 = arith.constant 224 : index
      %swap3A_630 = tpu.vector_load %arg8[%swap3A_628, %swap3A_629] {strides = array<i32>} : memref<64x256xf32, #tpu.memory_space<vmem>>, vector<1x16xf32>,
      %swap3A_631 = vector.shape_cast %swap3A_630 : vector<1x16xf32> to vector<16xf32>
      %swap3A_632 = vector.shape_cast %get3A_627 : vector<16xf32> to vector<1x16xf32>
      tpu.vector_store %arg8[%swap3A_628, %swap3A_629], %swap3A_632 {add = true, strides = array<i32>} : memref<64x256xf32, #tpu.memory_space<vmem>>, vector<1x16xf32>,
      %get3A_633 = arith.index_cast %scan3A_499 : i32 to index
      %get3A_634 = arith.constant 240 : index
      %get3A_635 = tpu.vector_load %arg7[%get3A_633, %get3A_634] {strides = array<i32>} : memref<64x256xf32, #tpu.memory_space<vmem>>, vector<1x16xf32>,
      %get3A_636 = vector.shape_cast %get3A_635 : vector<1x16xf32> to vector<16xf32>
      %swap3A_637 = arith.index_cast %scan3A_499 : i32 to index
      %swap3A_638 = arith.constant 240 : index
      %swap3A_639 = tpu.vector_load %arg8[%swap3A_637, %swap3A_638] {strides = array<i32>} : memref<64x256xf32, #tpu.memory_space<vmem>>, vector<1x16xf32>,
      %swap3A_640 = vector.shape_cast %swap3A_639 : vector<1x16xf32> to vector<16xf32>
      %swap3A_641 = vector.shape_cast %get3A_636 : vector<16xf32> to vector<1x16xf32>
      tpu.vector_store %arg8[%swap3A_637, %swap3A_638], %swap3A_641 {add = true, strides = array<i32>} : memref<64x256xf32, #tpu.memory_space<vmem>>, vector<1x16xf32>,
    }
    %scan3A_246 = arith.constant 64 : i32
    %add3A_247 = arith.constant 12288 : i32
    %add3A_248 = arith.addi %add3A_247, %mul3A_2 : i32
    %dma_start3A_249 = arith.constant 0 : i32
    %dma_start3A_250 = tpu.memref_slice %arg5[%add3A_248, %dma_start3A_249] : memref<32768x256xf32, #tpu.memory_space<hbm>> -> memref<64x256xf32, #tpu.memory_space<hbm>>
    %dma_start3A_251 = arith.constant 0 : i32
    %dma_start3A_252 = tpu.memref_slice %arg5[%add3A_248, %dma_start3A_251] : memref<32768x256xf32, #tpu.memory_space<hbm>> -> memref<64x256xf32, #tpu.memory_space<hbm>>
    tpu.enqueue_dma source(%arg8 : memref<64x256xf32, #tpu.memory_space<vmem>>) target(%dma_start3A_252 : memref<64x256xf32, #tpu.memory_space<hbm>>) target_semaphore(%arg20 : memref<!tpu.dma_semaphore, #tpu.memory_space<semaphore_mem>>)
    %dma_wait3A_253 = arith.constant 0 : i32
    %dma_wait3A_254 = tpu.memref_slice %arg5[%add3A_192, %dma_wait3A_253] : memref<32768x256xf32, #tpu.memory_space<hbm>> -> memref<64x256xf32, #tpu.memory_space<hbm>>
    %dma_wait3A_255 = arith.constant 0 : i32
    %dma_wait3A_256 = tpu.memref_slice %arg5[%add3A_192, %dma_wait3A_255] : memref<32768x256xf32, #tpu.memory_space<hbm>> -> memref<64x256xf32, #tpu.memory_space<hbm>>
    tpu.wait_dma2 semaphore(%arg24 : memref<!tpu.dma_semaphore, #tpu.memory_space<semaphore_mem>>) src(%arg12 : memref<64x256xf32, #tpu.memory_space<vmem>>) dst(%dma_wait3A_256 : memref<64x256xf32, #tpu.memory_space<hbm>>)
    %dma_start3A_257 = arith.constant 10 : i32
    %dma_start3A_258 = tpu.memref_slice %arg6[%dma_start3A_257, %multiple_of3A_37] : memref<16x128xi32, #tpu.memory_space<vmem>> -> memref<1x64xi32, #tpu.memory_space<vmem>>
    %dma_start3A_259 = tpu.memref_squeeze %dma_start3A_258 : memref<1x64xi32, #tpu.memory_space<vmem>> -> memref<64xi32, #tpu.memory_space<vmem>>
    %dma_start3A_260 = arith.constant 0 : i32
    %dma_start3A_261 = arith.constant 0 : i32
    %dma_start3A_262 = tpu.memref_slice %arg3[%dma_start3A_260, %dma_start3A_261] : memref<50257x256xf32, #tpu.memory_space<hbm>> -> memref<50257x256xf32, #tpu.memory_space<hbm>>
    tpu.enqueue_indirect_dma source(%dma_start3A_262 : memref<50257x256xf32, #tpu.memory_space<hbm>>) target(%arg12 : memref<64x256xf32, #tpu.memory_space<vmem>>) offsets(%dma_start3A_259 : memref<64xi32, #tpu.memory_space<vmem>>) semaphore(%arg18 : memref<!tpu.dma_semaphore, #tpu.memory_space<semaphore_mem>>)
    %dma_wait3A_263 = arith.constant 7 : i32
    %dma_wait3A_264 = tpu.memref_slice %arg6[%dma_wait3A_263, %multiple_of3A_37] : memref<16x128xi32, #tpu.memory_space<vmem>> -> memref<1x64xi32, #tpu.memory_space<vmem>>
    %dma_wait3A_265 = tpu.memref_squeeze %dma_wait3A_264 : memref<1x64xi32, #tpu.memory_space<vmem>> -> memref<64xi32, #tpu.memory_space<vmem>>
    %dma_wait3A_266 = arith.constant 0 : i32
    %dma_wait3A_267 = arith.constant 0 : i32
    %dma_wait3A_268 = tpu.memref_slice %arg3[%dma_wait3A_266, %dma_wait3A_267] : memref<50257x256xf32, #tpu.memory_space<hbm>> -> memref<50257x256xf32, #tpu.memory_space<hbm>>
    tpu.wait_indirect_dma semaphore(%arg15 : memref<!tpu.dma_semaphore, #tpu.memory_space<semaphore_mem>>) src(%dma_wait3A_268 : memref<50257x256xf32, #tpu.memory_space<hbm>>) dst(%arg9 : memref<64x256xf32, #tpu.memory_space<vmem>>)
    %scan3A_269 = arith.constant 0 : i32
    %scan3A_270 = arith.constant 0 : i32
    %scan3A_271 = arith.constant 64 : i32
    %scan3A_272 = arith.addi %scan3A_270, %scan3A_271 : i32
    %scan3A_273 = arith.constant 1 : i32
    scf.for %scan3A_499 = %scan3A_270 to %scan3A_272 step %scan3A_273  : i32 {
      %get3A = arith.index_cast %scan3A_499 : i32 to index
      %get3A_500 = arith.constant 0 : index
      %get3A_501 = tpu.vector_load %arg7[%get3A, %get3A_500] {strides = array<i32>} : memref<64x256xf32, #tpu.memory_space<vmem>>, vector<1x16xf32>,
      %get3A_502 = vector.shape_cast %get3A_501 : vector<1x16xf32> to vector<16xf32>
      %swap3A = arith.index_cast %scan3A_499 : i32 to index
      %swap3A_503 = arith.constant 0 : index
      %swap3A_504 = tpu.vector_load %arg9[%swap3A, %swap3A_503] {strides = array<i32>} : memref<64x256xf32, #tpu.memory_space<vmem>>, vector<1x16xf32>,
      %swap3A_505 = vector.shape_cast %swap3A_504 : vector<1x16xf32> to vector<16xf32>
      %swap3A_506 = vector.shape_cast %get3A_502 : vector<16xf32> to vector<1x16xf32>
      tpu.vector_store %arg9[%swap3A, %swap3A_503], %swap3A_506 {add = true, strides = array<i32>} : memref<64x256xf32, #tpu.memory_space<vmem>>, vector<1x16xf32>,
      %get3A_507 = arith.index_cast %scan3A_499 : i32 to index
      %get3A_508 = arith.constant 16 : index
      %get3A_509 = tpu.vector_load %arg7[%get3A_507, %get3A_508] {strides = array<i32>} : memref<64x256xf32, #tpu.memory_space<vmem>>, vector<1x16xf32>,
      %get3A_510 = vector.shape_cast %get3A_509 : vector<1x16xf32> to vector<16xf32>
      %swap3A_511 = arith.index_cast %scan3A_499 : i32 to index
      %swap3A_512 = arith.constant 16 : index
      %swap3A_513 = tpu.vector_load %arg9[%swap3A_511, %swap3A_512] {strides = array<i32>} : memref<64x256xf32, #tpu.memory_space<vmem>>, vector<1x16xf32>,
      %swap3A_514 = vector.shape_cast %swap3A_513 : vector<1x16xf32> to vector<16xf32>
      %swap3A_515 = vector.shape_cast %get3A_510 : vector<16xf32> to vector<1x16xf32>
      tpu.vector_store %arg9[%swap3A_511, %swap3A_512], %swap3A_515 {add = true, strides = array<i32>} : memref<64x256xf32, #tpu.memory_space<vmem>>, vector<1x16xf32>,
      %get3A_516 = arith.index_cast %scan3A_499 : i32 to index
      %get3A_517 = arith.constant 32 : index
      %get3A_518 = tpu.vector_load %arg7[%get3A_516, %get3A_517] {strides = array<i32>} : memref<64x256xf32, #tpu.memory_space<vmem>>, vector<1x16xf32>,
      %get3A_519 = vector.shape_cast %get3A_518 : vector<1x16xf32> to vector<16xf32>
      %swap3A_520 = arith.index_cast %scan3A_499 : i32 to index
      %swap3A_521 = arith.constant 32 : index
      %swap3A_522 = tpu.vector_load %arg9[%swap3A_520, %swap3A_521] {strides = array<i32>} : memref<64x256xf32, #tpu.memory_space<vmem>>, vector<1x16xf32>,
      %swap3A_523 = vector.shape_cast %swap3A_522 : vector<1x16xf32> to vector<16xf32>
      %swap3A_524 = vector.shape_cast %get3A_519 : vector<16xf32> to vector<1x16xf32>
      tpu.vector_store %arg9[%swap3A_520, %swap3A_521], %swap3A_524 {add = true, strides = array<i32>} : memref<64x256xf32, #tpu.memory_space<vmem>>, vector<1x16xf32>,
      %get3A_525 = arith.index_cast %scan3A_499 : i32 to index
      %get3A_526 = arith.constant 48 : index
      %get3A_527 = tpu.vector_load %arg7[%get3A_525, %get3A_526] {strides = array<i32>} : memref<64x256xf32, #tpu.memory_space<vmem>>, vector<1x16xf32>,
      %get3A_528 = vector.shape_cast %get3A_527 : vector<1x16xf32> to vector<16xf32>
      %swap3A_529 = arith.index_cast %scan3A_499 : i32 to index
      %swap3A_530 = arith.constant 48 : index
      %swap3A_531 = tpu.vector_load %arg9[%swap3A_529, %swap3A_530] {strides = array<i32>} : memref<64x256xf32, #tpu.memory_space<vmem>>, vector<1x16xf32>,
      %swap3A_532 = vector.shape_cast %swap3A_531 : vector<1x16xf32> to vector<16xf32>
      %swap3A_533 = vector.shape_cast %get3A_528 : vector<16xf32> to vector<1x16xf32>
      tpu.vector_store %arg9[%swap3A_529, %swap3A_530], %swap3A_533 {add = true, strides = array<i32>} : memref<64x256xf32, #tpu.memory_space<vmem>>, vector<1x16xf32>,
      %get3A_534 = arith.index_cast %scan3A_499 : i32 to index
      %get3A_535 = arith.constant 64 : index
      %get3A_536 = tpu.vector_load %arg7[%get3A_534, %get3A_535] {strides = array<i32>} : memref<64x256xf32, #tpu.memory_space<vmem>>, vector<1x16xf32>,
      %get3A_537 = vector.shape_cast %get3A_536 : vector<1x16xf32> to vector<16xf32>
      %swap3A_538 = arith.index_cast %scan3A_499 : i32 to index
      %swap3A_539 = arith.constant 64 : index
      %swap3A_540 = tpu.vector_load %arg9[%swap3A_538, %swap3A_539] {strides = array<i32>} : memref<64x256xf32, #tpu.memory_space<vmem>>, vector<1x16xf32>,
      %swap3A_541 = vector.shape_cast %swap3A_540 : vector<1x16xf32> to vector<16xf32>
      %swap3A_542 = vector.shape_cast %get3A_537 : vector<16xf32> to vector<1x16xf32>
      tpu.vector_store %arg9[%swap3A_538, %swap3A_539], %swap3A_542 {add = true, strides = array<i32>} : memref<64x256xf32, #tpu.memory_space<vmem>>, vector<1x16xf32>,
      %get3A_543 = arith.index_cast %scan3A_499 : i32 to index
      %get3A_544 = arith.constant 80 : index
      %get3A_545 = tpu.vector_load %arg7[%get3A_543, %get3A_544] {strides = array<i32>} : memref<64x256xf32, #tpu.memory_space<vmem>>, vector<1x16xf32>,
      %get3A_546 = vector.shape_cast %get3A_545 : vector<1x16xf32> to vector<16xf32>
      %swap3A_547 = arith.index_cast %scan3A_499 : i32 to index
      %swap3A_548 = arith.constant 80 : index
      %swap3A_549 = tpu.vector_load %arg9[%swap3A_547, %swap3A_548] {strides = array<i32>} : memref<64x256xf32, #tpu.memory_space<vmem>>, vector<1x16xf32>,
      %swap3A_550 = vector.shape_cast %swap3A_549 : vector<1x16xf32> to vector<16xf32>
      %swap3A_551 = vector.shape_cast %get3A_546 : vector<16xf32> to vector<1x16xf32>
      tpu.vector_store %arg9[%swap3A_547, %swap3A_548], %swap3A_551 {add = true, strides = array<i32>} : memref<64x256xf32, #tpu.memory_space<vmem>>, vector<1x16xf32>,
      %get3A_552 = arith.index_cast %scan3A_499 : i32 to index
      %get3A_553 = arith.constant 96 : index
      %get3A_554 = tpu.vector_load %arg7[%get3A_552, %get3A_553] {strides = array<i32>} : memref<64x256xf32, #tpu.memory_space<vmem>>, vector<1x16xf32>,
      %get3A_555 = vector.shape_cast %get3A_554 : vector<1x16xf32> to vector<16xf32>
      %swap3A_556 = arith.index_cast %scan3A_499 : i32 to index
      %swap3A_557 = arith.constant 96 : index
      %swap3A_558 = tpu.vector_load %arg9[%swap3A_556, %swap3A_557] {strides = array<i32>} : memref<64x256xf32, #tpu.memory_space<vmem>>, vector<1x16xf32>,
      %swap3A_559 = vector.shape_cast %swap3A_558 : vector<1x16xf32> to vector<16xf32>
      %swap3A_560 = vector.shape_cast %get3A_555 : vector<16xf32> to vector<1x16xf32>
      tpu.vector_store %arg9[%swap3A_556, %swap3A_557], %swap3A_560 {add = true, strides = array<i32>} : memref<64x256xf32, #tpu.memory_space<vmem>>, vector<1x16xf32>,
      %get3A_561 = arith.index_cast %scan3A_499 : i32 to index
      %get3A_562 = arith.constant 112 : index
      %get3A_563 = tpu.vector_load %arg7[%get3A_561, %get3A_562] {strides = array<i32>} : memref<64x256xf32, #tpu.memory_space<vmem>>, vector<1x16xf32>,
      %get3A_564 = vector.shape_cast %get3A_563 : vector<1x16xf32> to vector<16xf32>
      %swap3A_565 = arith.index_cast %scan3A_499 : i32 to index
      %swap3A_566 = arith.constant 112 : index
      %swap3A_567 = tpu.vector_load %arg9[%swap3A_565, %swap3A_566] {strides = array<i32>} : memref<64x256xf32, #tpu.memory_space<vmem>>, vector<1x16xf32>,
      %swap3A_568 = vector.shape_cast %swap3A_567 : vector<1x16xf32> to vector<16xf32>
      %swap3A_569 = vector.shape_cast %get3A_564 : vector<16xf32> to vector<1x16xf32>
      tpu.vector_store %arg9[%swap3A_565, %swap3A_566], %swap3A_569 {add = true, strides = array<i32>} : memref<64x256xf32, #tpu.memory_space<vmem>>, vector<1x16xf32>,
      %get3A_570 = arith.index_cast %scan3A_499 : i32 to index
      %get3A_571 = arith.constant 128 : index
      %get3A_572 = tpu.vector_load %arg7[%get3A_570, %get3A_571] {strides = array<i32>} : memref<64x256xf32, #tpu.memory_space<vmem>>, vector<1x16xf32>,
      %get3A_573 = vector.shape_cast %get3A_572 : vector<1x16xf32> to vector<16xf32>
      %swap3A_574 = arith.index_cast %scan3A_499 : i32 to index
      %swap3A_575 = arith.constant 128 : index
      %swap3A_576 = tpu.vector_load %arg9[%swap3A_574, %swap3A_575] {strides = array<i32>} : memref<64x256xf32, #tpu.memory_space<vmem>>, vector<1x16xf32>,
      %swap3A_577 = vector.shape_cast %swap3A_576 : vector<1x16xf32> to vector<16xf32>
      %swap3A_578 = vector.shape_cast %get3A_573 : vector<16xf32> to vector<1x16xf32>
      tpu.vector_store %arg9[%swap3A_574, %swap3A_575], %swap3A_578 {add = true, strides = array<i32>} : memref<64x256xf32, #tpu.memory_space<vmem>>, vector<1x16xf32>,
      %get3A_579 = arith.index_cast %scan3A_499 : i32 to index
      %get3A_580 = arith.constant 144 : index
      %get3A_581 = tpu.vector_load %arg7[%get3A_579, %get3A_580] {strides = array<i32>} : memref<64x256xf32, #tpu.memory_space<vmem>>, vector<1x16xf32>,
      %get3A_582 = vector.shape_cast %get3A_581 : vector<1x16xf32> to vector<16xf32>
      %swap3A_583 = arith.index_cast %scan3A_499 : i32 to index
      %swap3A_584 = arith.constant 144 : index
      %swap3A_585 = tpu.vector_load %arg9[%swap3A_583, %swap3A_584] {strides = array<i32>} : memref<64x256xf32, #tpu.memory_space<vmem>>, vector<1x16xf32>,
      %swap3A_586 = vector.shape_cast %swap3A_585 : vector<1x16xf32> to vector<16xf32>
      %swap3A_587 = vector.shape_cast %get3A_582 : vector<16xf32> to vector<1x16xf32>
      tpu.vector_store %arg9[%swap3A_583, %swap3A_584], %swap3A_587 {add = true, strides = array<i32>} : memref<64x256xf32, #tpu.memory_space<vmem>>, vector<1x16xf32>,
      %get3A_588 = arith.index_cast %scan3A_499 : i32 to index
      %get3A_589 = arith.constant 160 : index
      %get3A_590 = tpu.vector_load %arg7[%get3A_588, %get3A_589] {strides = array<i32>} : memref<64x256xf32, #tpu.memory_space<vmem>>, vector<1x16xf32>,
      %get3A_591 = vector.shape_cast %get3A_590 : vector<1x16xf32> to vector<16xf32>
      %swap3A_592 = arith.index_cast %scan3A_499 : i32 to index
      %swap3A_593 = arith.constant 160 : index
      %swap3A_594 = tpu.vector_load %arg9[%swap3A_592, %swap3A_593] {strides = array<i32>} : memref<64x256xf32, #tpu.memory_space<vmem>>, vector<1x16xf32>,
      %swap3A_595 = vector.shape_cast %swap3A_594 : vector<1x16xf32> to vector<16xf32>
      %swap3A_596 = vector.shape_cast %get3A_591 : vector<16xf32> to vector<1x16xf32>
      tpu.vector_store %arg9[%swap3A_592, %swap3A_593], %swap3A_596 {add = true, strides = array<i32>} : memref<64x256xf32, #tpu.memory_space<vmem>>, vector<1x16xf32>,
      %get3A_597 = arith.index_cast %scan3A_499 : i32 to index
      %get3A_598 = arith.constant 176 : index
      %get3A_599 = tpu.vector_load %arg7[%get3A_597, %get3A_598] {strides = array<i32>} : memref<64x256xf32, #tpu.memory_space<vmem>>, vector<1x16xf32>,
      %get3A_600 = vector.shape_cast %get3A_599 : vector<1x16xf32> to vector<16xf32>
      %swap3A_601 = arith.index_cast %scan3A_499 : i32 to index
      %swap3A_602 = arith.constant 176 : index
      %swap3A_603 = tpu.vector_load %arg9[%swap3A_601, %swap3A_602] {strides = array<i32>} : memref<64x256xf32, #tpu.memory_space<vmem>>, vector<1x16xf32>,
      %swap3A_604 = vector.shape_cast %swap3A_603 : vector<1x16xf32> to vector<16xf32>
      %swap3A_605 = vector.shape_cast %get3A_600 : vector<16xf32> to vector<1x16xf32>
      tpu.vector_store %arg9[%swap3A_601, %swap3A_602], %swap3A_605 {add = true, strides = array<i32>} : memref<64x256xf32, #tpu.memory_space<vmem>>, vector<1x16xf32>,
      %get3A_606 = arith.index_cast %scan3A_499 : i32 to index
      %get3A_607 = arith.constant 192 : index
      %get3A_608 = tpu.vector_load %arg7[%get3A_606, %get3A_607] {strides = array<i32>} : memref<64x256xf32, #tpu.memory_space<vmem>>, vector<1x16xf32>,
      %get3A_609 = vector.shape_cast %get3A_608 : vector<1x16xf32> to vector<16xf32>
      %swap3A_610 = arith.index_cast %scan3A_499 : i32 to index
      %swap3A_611 = arith.constant 192 : index
      %swap3A_612 = tpu.vector_load %arg9[%swap3A_610, %swap3A_611] {strides = array<i32>} : memref<64x256xf32, #tpu.memory_space<vmem>>, vector<1x16xf32>,
      %swap3A_613 = vector.shape_cast %swap3A_612 : vector<1x16xf32> to vector<16xf32>
      %swap3A_614 = vector.shape_cast %get3A_609 : vector<16xf32> to vector<1x16xf32>
      tpu.vector_store %arg9[%swap3A_610, %swap3A_611], %swap3A_614 {add = true, strides = array<i32>} : memref<64x256xf32, #tpu.memory_space<vmem>>, vector<1x16xf32>,
      %get3A_615 = arith.index_cast %scan3A_499 : i32 to index
      %get3A_616 = arith.constant 208 : index
      %get3A_617 = tpu.vector_load %arg7[%get3A_615, %get3A_616] {strides = array<i32>} : memref<64x256xf32, #tpu.memory_space<vmem>>, vector<1x16xf32>,
      %get3A_618 = vector.shape_cast %get3A_617 : vector<1x16xf32> to vector<16xf32>
      %swap3A_619 = arith.index_cast %scan3A_499 : i32 to index
      %swap3A_620 = arith.constant 208 : index
      %swap3A_621 = tpu.vector_load %arg9[%swap3A_619, %swap3A_620] {strides = array<i32>} : memref<64x256xf32, #tpu.memory_space<vmem>>, vector<1x16xf32>,
      %swap3A_622 = vector.shape_cast %swap3A_621 : vector<1x16xf32> to vector<16xf32>
      %swap3A_623 = vector.shape_cast %get3A_618 : vector<16xf32> to vector<1x16xf32>
      tpu.vector_store %arg9[%swap3A_619, %swap3A_620], %swap3A_623 {add = true, strides = array<i32>} : memref<64x256xf32, #tpu.memory_space<vmem>>, vector<1x16xf32>,
      %get3A_624 = arith.index_cast %scan3A_499 : i32 to index
      %get3A_625 = arith.constant 224 : index
      %get3A_626 = tpu.vector_load %arg7[%get3A_624, %get3A_625] {strides = array<i32>} : memref<64x256xf32, #tpu.memory_space<vmem>>, vector<1x16xf32>,
      %get3A_627 = vector.shape_cast %get3A_626 : vector<1x16xf32> to vector<16xf32>
      %swap3A_628 = arith.index_cast %scan3A_499 : i32 to index
      %swap3A_629 = arith.constant 224 : index
      %swap3A_630 = tpu.vector_load %arg9[%swap3A_628, %swap3A_629] {strides = array<i32>} : memref<64x256xf32, #tpu.memory_space<vmem>>, vector<1x16xf32>,
      %swap3A_631 = vector.shape_cast %swap3A_630 : vector<1x16xf32> to vector<16xf32>
      %swap3A_632 = vector.shape_cast %get3A_627 : vector<16xf32> to vector<1x16xf32>
      tpu.vector_store %arg9[%swap3A_628, %swap3A_629], %swap3A_632 {add = true, strides = array<i32>} : memref<64x256xf32, #tpu.memory_space<vmem>>, vector<1x16xf32>,
      %get3A_633 = arith.index_cast %scan3A_499 : i32 to index
      %get3A_634 = arith.constant 240 : index
      %get3A_635 = tpu.vector_load %arg7[%get3A_633, %get3A_634] {strides = array<i32>} : memref<64x256xf32, #tpu.memory_space<vmem>>, vector<1x16xf32>,
      %get3A_636 = vector.shape_cast %get3A_635 : vector<1x16xf32> to vector<16xf32>
      %swap3A_637 = arith.index_cast %scan3A_499 : i32 to index
      %swap3A_638 = arith.constant 240 : index
      %swap3A_639 = tpu.vector_load %arg9[%swap3A_637, %swap3A_638] {strides = array<i32>} : memref<64x256xf32, #tpu.memory_space<vmem>>, vector<1x16xf32>,
      %swap3A_640 = vector.shape_cast %swap3A_639 : vector<1x16xf32> to vector<16xf32>
      %swap3A_641 = vector.shape_cast %get3A_636 : vector<16xf32> to vector<1x16xf32>
      tpu.vector_store %arg9[%swap3A_637, %swap3A_638], %swap3A_641 {add = true, strides = array<i32>} : memref<64x256xf32, #tpu.memory_space<vmem>>, vector<1x16xf32>,
    }
    %scan3A_274 = arith.constant 64 : i32
    %add3A_275 = arith.constant 14336 : i32
    %add3A_276 = arith.addi %add3A_275, %mul3A_2 : i32
    %dma_start3A_277 = arith.constant 0 : i32
    %dma_start3A_278 = tpu.memref_slice %arg5[%add3A_276, %dma_start3A_277] : memref<32768x256xf32, #tpu.memory_space<hbm>> -> memref<64x256xf32, #tpu.memory_space<hbm>>
    %dma_start3A_279 = arith.constant 0 : i32
    %dma_start3A_280 = tpu.memref_slice %arg5[%add3A_276, %dma_start3A_279] : memref<32768x256xf32, #tpu.memory_space<hbm>> -> memref<64x256xf32, #tpu.memory_space<hbm>>
    tpu.enqueue_dma source(%arg9 : memref<64x256xf32, #tpu.memory_space<vmem>>) target(%dma_start3A_280 : memref<64x256xf32, #tpu.memory_space<hbm>>) target_semaphore(%arg21 : memref<!tpu.dma_semaphore, #tpu.memory_space<semaphore_mem>>)
    %dma_wait3A_281 = arith.constant 0 : i32
    %dma_wait3A_282 = tpu.memref_slice %arg5[%add3A_220, %dma_wait3A_281] : memref<32768x256xf32, #tpu.memory_space<hbm>> -> memref<64x256xf32, #tpu.memory_space<hbm>>
    %dma_wait3A_283 = arith.constant 0 : i32
    %dma_wait3A_284 = tpu.memref_slice %arg5[%add3A_220, %dma_wait3A_283] : memref<32768x256xf32, #tpu.memory_space<hbm>> -> memref<64x256xf32, #tpu.memory_space<hbm>>
    tpu.wait_dma2 semaphore(%arg25 : memref<!tpu.dma_semaphore, #tpu.memory_space<semaphore_mem>>) src(%arg13 : memref<64x256xf32, #tpu.memory_space<vmem>>) dst(%dma_wait3A_284 : memref<64x256xf32, #tpu.memory_space<hbm>>)
    %dma_start3A_285 = arith.constant 11 : i32
    %dma_start3A_286 = tpu.memref_slice %arg6[%dma_start3A_285, %multiple_of3A_37] : memref<16x128xi32, #tpu.memory_space<vmem>> -> memref<1x64xi32, #tpu.memory_space<vmem>>
    %dma_start3A_287 = tpu.memref_squeeze %dma_start3A_286 : memref<1x64xi32, #tpu.memory_space<vmem>> -> memref<64xi32, #tpu.memory_space<vmem>>
    %dma_start3A_288 = arith.constant 0 : i32
    %dma_start3A_289 = arith.constant 0 : i32
    %dma_start3A_290 = tpu.memref_slice %arg3[%dma_start3A_288, %dma_start3A_289] : memref<50257x256xf32, #tpu.memory_space<hbm>> -> memref<50257x256xf32, #tpu.memory_space<hbm>>
    tpu.enqueue_indirect_dma source(%dma_start3A_290 : memref<50257x256xf32, #tpu.memory_space<hbm>>) target(%arg13 : memref<64x256xf32, #tpu.memory_space<vmem>>) offsets(%dma_start3A_287 : memref<64xi32, #tpu.memory_space<vmem>>) semaphore(%arg19 : memref<!tpu.dma_semaphore, #tpu.memory_space<semaphore_mem>>)
    %dma_wait3A_291 = arith.constant 8 : i32
    %dma_wait3A_292 = tpu.memref_slice %arg6[%dma_wait3A_291, %multiple_of3A_37] : memref<16x128xi32, #tpu.memory_space<vmem>> -> memref<1x64xi32, #tpu.memory_space<vmem>>
    %dma_wait3A_293 = tpu.memref_squeeze %dma_wait3A_292 : memref<1x64xi32, #tpu.memory_space<vmem>> -> memref<64xi32, #tpu.memory_space<vmem>>
    %dma_wait3A_294 = arith.constant 0 : i32
    %dma_wait3A_295 = arith.constant 0 : i32
    %dma_wait3A_296 = tpu.memref_slice %arg3[%dma_wait3A_294, %dma_wait3A_295] : memref<50257x256xf32, #tpu.memory_space<hbm>> -> memref<50257x256xf32, #tpu.memory_space<hbm>>
    tpu.wait_indirect_dma semaphore(%arg16 : memref<!tpu.dma_semaphore, #tpu.memory_space<semaphore_mem>>) src(%dma_wait3A_296 : memref<50257x256xf32, #tpu.memory_space<hbm>>) dst(%arg10 : memref<64x256xf32, #tpu.memory_space<vmem>>)
    %scan3A_297 = arith.constant 0 : i32
    %scan3A_298 = arith.constant 0 : i32
    %scan3A_299 = arith.constant 64 : i32
    %scan3A_300 = arith.addi %scan3A_298, %scan3A_299 : i32
    %scan3A_301 = arith.constant 1 : i32
    scf.for %scan3A_499 = %scan3A_298 to %scan3A_300 step %scan3A_301  : i32 {
      %get3A = arith.index_cast %scan3A_499 : i32 to index
      %get3A_500 = arith.constant 0 : index
      %get3A_501 = tpu.vector_load %arg7[%get3A, %get3A_500] {strides = array<i32>} : memref<64x256xf32, #tpu.memory_space<vmem>>, vector<1x16xf32>,
      %get3A_502 = vector.shape_cast %get3A_501 : vector<1x16xf32> to vector<16xf32>
      %swap3A = arith.index_cast %scan3A_499 : i32 to index
      %swap3A_503 = arith.constant 0 : index
      %swap3A_504 = tpu.vector_load %arg10[%swap3A, %swap3A_503] {strides = array<i32>} : memref<64x256xf32, #tpu.memory_space<vmem>>, vector<1x16xf32>,
      %swap3A_505 = vector.shape_cast %swap3A_504 : vector<1x16xf32> to vector<16xf32>
      %swap3A_506 = vector.shape_cast %get3A_502 : vector<16xf32> to vector<1x16xf32>
      tpu.vector_store %arg10[%swap3A, %swap3A_503], %swap3A_506 {add = true, strides = array<i32>} : memref<64x256xf32, #tpu.memory_space<vmem>>, vector<1x16xf32>,
      %get3A_507 = arith.index_cast %scan3A_499 : i32 to index
      %get3A_508 = arith.constant 16 : index
      %get3A_509 = tpu.vector_load %arg7[%get3A_507, %get3A_508] {strides = array<i32>} : memref<64x256xf32, #tpu.memory_space<vmem>>, vector<1x16xf32>,
      %get3A_510 = vector.shape_cast %get3A_509 : vector<1x16xf32> to vector<16xf32>
      %swap3A_511 = arith.index_cast %scan3A_499 : i32 to index
      %swap3A_512 = arith.constant 16 : index
      %swap3A_513 = tpu.vector_load %arg10[%swap3A_511, %swap3A_512] {strides = array<i32>} : memref<64x256xf32, #tpu.memory_space<vmem>>, vector<1x16xf32>,
      %swap3A_514 = vector.shape_cast %swap3A_513 : vector<1x16xf32> to vector<16xf32>
      %swap3A_515 = vector.shape_cast %get3A_510 : vector<16xf32> to vector<1x16xf32>
      tpu.vector_store %arg10[%swap3A_511, %swap3A_512], %swap3A_515 {add = true, strides = array<i32>} : memref<64x256xf32, #tpu.memory_space<vmem>>, vector<1x16xf32>,
      %get3A_516 = arith.index_cast %scan3A_499 : i32 to index
      %get3A_517 = arith.constant 32 : index
      %get3A_518 = tpu.vector_load %arg7[%get3A_516, %get3A_517] {strides = array<i32>} : memref<64x256xf32, #tpu.memory_space<vmem>>, vector<1x16xf32>,
      %get3A_519 = vector.shape_cast %get3A_518 : vector<1x16xf32> to vector<16xf32>
      %swap3A_520 = arith.index_cast %scan3A_499 : i32 to index
      %swap3A_521 = arith.constant 32 : index
      %swap3A_522 = tpu.vector_load %arg10[%swap3A_520, %swap3A_521] {strides = array<i32>} : memref<64x256xf32, #tpu.memory_space<vmem>>, vector<1x16xf32>,
      %swap3A_523 = vector.shape_cast %swap3A_522 : vector<1x16xf32> to vector<16xf32>
      %swap3A_524 = vector.shape_cast %get3A_519 : vector<16xf32> to vector<1x16xf32>
      tpu.vector_store %arg10[%swap3A_520, %swap3A_521], %swap3A_524 {add = true, strides = array<i32>} : memref<64x256xf32, #tpu.memory_space<vmem>>, vector<1x16xf32>,
      %get3A_525 = arith.index_cast %scan3A_499 : i32 to index
      %get3A_526 = arith.constant 48 : index
      %get3A_527 = tpu.vector_load %arg7[%get3A_525, %get3A_526] {strides = array<i32>} : memref<64x256xf32, #tpu.memory_space<vmem>>, vector<1x16xf32>,
      %get3A_528 = vector.shape_cast %get3A_527 : vector<1x16xf32> to vector<16xf32>
      %swap3A_529 = arith.index_cast %scan3A_499 : i32 to index
      %swap3A_530 = arith.constant 48 : index
      %swap3A_531 = tpu.vector_load %arg10[%swap3A_529, %swap3A_530] {strides = array<i32>} : memref<64x256xf32, #tpu.memory_space<vmem>>, vector<1x16xf32>,
      %swap3A_532 = vector.shape_cast %swap3A_531 : vector<1x16xf32> to vector<16xf32>
      %swap3A_533 = vector.shape_cast %get3A_528 : vector<16xf32> to vector<1x16xf32>
      tpu.vector_store %arg10[%swap3A_529, %swap3A_530], %swap3A_533 {add = true, strides = array<i32>} : memref<64x256xf32, #tpu.memory_space<vmem>>, vector<1x16xf32>,
      %get3A_534 = arith.index_cast %scan3A_499 : i32 to index
      %get3A_535 = arith.constant 64 : index
      %get3A_536 = tpu.vector_load %arg7[%get3A_534, %get3A_535] {strides = array<i32>} : memref<64x256xf32, #tpu.memory_space<vmem>>, vector<1x16xf32>,
      %get3A_537 = vector.shape_cast %get3A_536 : vector<1x16xf32> to vector<16xf32>
      %swap3A_538 = arith.index_cast %scan3A_499 : i32 to index
      %swap3A_539 = arith.constant 64 : index
      %swap3A_540 = tpu.vector_load %arg10[%swap3A_538, %swap3A_539] {strides = array<i32>} : memref<64x256xf32, #tpu.memory_space<vmem>>, vector<1x16xf32>,
      %swap3A_541 = vector.shape_cast %swap3A_540 : vector<1x16xf32> to vector<16xf32>
      %swap3A_542 = vector.shape_cast %get3A_537 : vector<16xf32> to vector<1x16xf32>
      tpu.vector_store %arg10[%swap3A_538, %swap3A_539], %swap3A_542 {add = true, strides = array<i32>} : memref<64x256xf32, #tpu.memory_space<vmem>>, vector<1x16xf32>,
      %get3A_543 = arith.index_cast %scan3A_499 : i32 to index
      %get3A_544 = arith.constant 80 : index
      %get3A_545 = tpu.vector_load %arg7[%get3A_543, %get3A_544] {strides = array<i32>} : memref<64x256xf32, #tpu.memory_space<vmem>>, vector<1x16xf32>,
      %get3A_546 = vector.shape_cast %get3A_545 : vector<1x16xf32> to vector<16xf32>
      %swap3A_547 = arith.index_cast %scan3A_499 : i32 to index
      %swap3A_548 = arith.constant 80 : index
      %swap3A_549 = tpu.vector_load %arg10[%swap3A_547, %swap3A_548] {strides = array<i32>} : memref<64x256xf32, #tpu.memory_space<vmem>>, vector<1x16xf32>,
      %swap3A_550 = vector.shape_cast %swap3A_549 : vector<1x16xf32> to vector<16xf32>
      %swap3A_551 = vector.shape_cast %get3A_546 : vector<16xf32> to vector<1x16xf32>
      tpu.vector_store %arg10[%swap3A_547, %swap3A_548], %swap3A_551 {add = true, strides = array<i32>} : memref<64x256xf32, #tpu.memory_space<vmem>>, vector<1x16xf32>,
      %get3A_552 = arith.index_cast %scan3A_499 : i32 to index
      %get3A_553 = arith.constant 96 : index
      %get3A_554 = tpu.vector_load %arg7[%get3A_552, %get3A_553] {strides = array<i32>} : memref<64x256xf32, #tpu.memory_space<vmem>>, vector<1x16xf32>,
      %get3A_555 = vector.shape_cast %get3A_554 : vector<1x16xf32> to vector<16xf32>
      %swap3A_556 = arith.index_cast %scan3A_499 : i32 to index
      %swap3A_557 = arith.constant 96 : index
      %swap3A_558 = tpu.vector_load %arg10[%swap3A_556, %swap3A_557] {strides = array<i32>} : memref<64x256xf32, #tpu.memory_space<vmem>>, vector<1x16xf32>,
      %swap3A_559 = vector.shape_cast %swap3A_558 : vector<1x16xf32> to vector<16xf32>
      %swap3A_560 = vector.shape_cast %get3A_555 : vector<16xf32> to vector<1x16xf32>
      tpu.vector_store %arg10[%swap3A_556, %swap3A_557], %swap3A_560 {add = true, strides = array<i32>} : memref<64x256xf32, #tpu.memory_space<vmem>>, vector<1x16xf32>,
      %get3A_561 = arith.index_cast %scan3A_499 : i32 to index
      %get3A_562 = arith.constant 112 : index
      %get3A_563 = tpu.vector_load %arg7[%get3A_561, %get3A_562] {strides = array<i32>} : memref<64x256xf32, #tpu.memory_space<vmem>>, vector<1x16xf32>,
      %get3A_564 = vector.shape_cast %get3A_563 : vector<1x16xf32> to vector<16xf32>
      %swap3A_565 = arith.index_cast %scan3A_499 : i32 to index
      %swap3A_566 = arith.constant 112 : index
      %swap3A_567 = tpu.vector_load %arg10[%swap3A_565, %swap3A_566] {strides = array<i32>} : memref<64x256xf32, #tpu.memory_space<vmem>>, vector<1x16xf32>,
      %swap3A_568 = vector.shape_cast %swap3A_567 : vector<1x16xf32> to vector<16xf32>
      %swap3A_569 = vector.shape_cast %get3A_564 : vector<16xf32> to vector<1x16xf32>
      tpu.vector_store %arg10[%swap3A_565, %swap3A_566], %swap3A_569 {add = true, strides = array<i32>} : memref<64x256xf32, #tpu.memory_space<vmem>>, vector<1x16xf32>,
      %get3A_570 = arith.index_cast %scan3A_499 : i32 to index
      %get3A_571 = arith.constant 128 : index
      %get3A_572 = tpu.vector_load %arg7[%get3A_570, %get3A_571] {strides = array<i32>} : memref<64x256xf32, #tpu.memory_space<vmem>>, vector<1x16xf32>,
      %get3A_573 = vector.shape_cast %get3A_572 : vector<1x16xf32> to vector<16xf32>
      %swap3A_574 = arith.index_cast %scan3A_499 : i32 to index
      %swap3A_575 = arith.constant 128 : index
      %swap3A_576 = tpu.vector_load %arg10[%swap3A_574, %swap3A_575] {strides = array<i32>} : memref<64x256xf32, #tpu.memory_space<vmem>>, vector<1x16xf32>,
      %swap3A_577 = vector.shape_cast %swap3A_576 : vector<1x16xf32> to vector<16xf32>
      %swap3A_578 = vector.shape_cast %get3A_573 : vector<16xf32> to vector<1x16xf32>
      tpu.vector_store %arg10[%swap3A_574, %swap3A_575], %swap3A_578 {add = true, strides = array<i32>} : memref<64x256xf32, #tpu.memory_space<vmem>>, vector<1x16xf32>,
      %get3A_579 = arith.index_cast %scan3A_499 : i32 to index
      %get3A_580 = arith.constant 144 : index
      %get3A_581 = tpu.vector_load %arg7[%get3A_579, %get3A_580] {strides = array<i32>} : memref<64x256xf32, #tpu.memory_space<vmem>>, vector<1x16xf32>,
      %get3A_582 = vector.shape_cast %get3A_581 : vector<1x16xf32> to vector<16xf32>
      %swap3A_583 = arith.index_cast %scan3A_499 : i32 to index
      %swap3A_584 = arith.constant 144 : index
      %swap3A_585 = tpu.vector_load %arg10[%swap3A_583, %swap3A_584] {strides = array<i32>} : memref<64x256xf32, #tpu.memory_space<vmem>>, vector<1x16xf32>,
      %swap3A_586 = vector.shape_cast %swap3A_585 : vector<1x16xf32> to vector<16xf32>
      %swap3A_587 = vector.shape_cast %get3A_582 : vector<16xf32> to vector<1x16xf32>
      tpu.vector_store %arg10[%swap3A_583, %swap3A_584], %swap3A_587 {add = true, strides = array<i32>} : memref<64x256xf32, #tpu.memory_space<vmem>>, vector<1x16xf32>,
      %get3A_588 = arith.index_cast %scan3A_499 : i32 to index
      %get3A_589 = arith.constant 160 : index
      %get3A_590 = tpu.vector_load %arg7[%get3A_588, %get3A_589] {strides = array<i32>} : memref<64x256xf32, #tpu.memory_space<vmem>>, vector<1x16xf32>,
      %get3A_591 = vector.shape_cast %get3A_590 : vector<1x16xf32> to vector<16xf32>
      %swap3A_592 = arith.index_cast %scan3A_499 : i32 to index
      %swap3A_593 = arith.constant 160 : index
      %swap3A_594 = tpu.vector_load %arg10[%swap3A_592, %swap3A_593] {strides = array<i32>} : memref<64x256xf32, #tpu.memory_space<vmem>>, vector<1x16xf32>,
      %swap3A_595 = vector.shape_cast %swap3A_594 : vector<1x16xf32> to vector<16xf32>
      %swap3A_596 = vector.shape_cast %get3A_591 : vector<16xf32> to vector<1x16xf32>
      tpu.vector_store %arg10[%swap3A_592, %swap3A_593], %swap3A_596 {add = true, strides = array<i32>} : memref<64x256xf32, #tpu.memory_space<vmem>>, vector<1x16xf32>,
      %get3A_597 = arith.index_cast %scan3A_499 : i32 to index
      %get3A_598 = arith.constant 176 : index
      %get3A_599 = tpu.vector_load %arg7[%get3A_597, %get3A_598] {strides = array<i32>} : memref<64x256xf32, #tpu.memory_space<vmem>>, vector<1x16xf32>,
      %get3A_600 = vector.shape_cast %get3A_599 : vector<1x16xf32> to vector<16xf32>
      %swap3A_601 = arith.index_cast %scan3A_499 : i32 to index
      %swap3A_602 = arith.constant 176 : index
      %swap3A_603 = tpu.vector_load %arg10[%swap3A_601, %swap3A_602] {strides = array<i32>} : memref<64x256xf32, #tpu.memory_space<vmem>>, vector<1x16xf32>,
      %swap3A_604 = vector.shape_cast %swap3A_603 : vector<1x16xf32> to vector<16xf32>
      %swap3A_605 = vector.shape_cast %get3A_600 : vector<16xf32> to vector<1x16xf32>
      tpu.vector_store %arg10[%swap3A_601, %swap3A_602], %swap3A_605 {add = true, strides = array<i32>} : memref<64x256xf32, #tpu.memory_space<vmem>>, vector<1x16xf32>,
      %get3A_606 = arith.index_cast %scan3A_499 : i32 to index
      %get3A_607 = arith.constant 192 : index
      %get3A_608 = tpu.vector_load %arg7[%get3A_606, %get3A_607] {strides = array<i32>} : memref<64x256xf32, #tpu.memory_space<vmem>>, vector<1x16xf32>,
      %get3A_609 = vector.shape_cast %get3A_608 : vector<1x16xf32> to vector<16xf32>
      %swap3A_610 = arith.index_cast %scan3A_499 : i32 to index
      %swap3A_611 = arith.constant 192 : index
      %swap3A_612 = tpu.vector_load %arg10[%swap3A_610, %swap3A_611] {strides = array<i32>} : memref<64x256xf32, #tpu.memory_space<vmem>>, vector<1x16xf32>,
      %swap3A_613 = vector.shape_cast %swap3A_612 : vector<1x16xf32> to vector<16xf32>
      %swap3A_614 = vector.shape_cast %get3A_609 : vector<16xf32> to vector<1x16xf32>
      tpu.vector_store %arg10[%swap3A_610, %swap3A_611], %swap3A_614 {add = true, strides = array<i32>} : memref<64x256xf32, #tpu.memory_space<vmem>>, vector<1x16xf32>,
      %get3A_615 = arith.index_cast %scan3A_499 : i32 to index
      %get3A_616 = arith.constant 208 : index
      %get3A_617 = tpu.vector_load %arg7[%get3A_615, %get3A_616] {strides = array<i32>} : memref<64x256xf32, #tpu.memory_space<vmem>>, vector<1x16xf32>,
      %get3A_618 = vector.shape_cast %get3A_617 : vector<1x16xf32> to vector<16xf32>
      %swap3A_619 = arith.index_cast %scan3A_499 : i32 to index
      %swap3A_620 = arith.constant 208 : index
      %swap3A_621 = tpu.vector_load %arg10[%swap3A_619, %swap3A_620] {strides = array<i32>} : memref<64x256xf32, #tpu.memory_space<vmem>>, vector<1x16xf32>,
      %swap3A_622 = vector.shape_cast %swap3A_621 : vector<1x16xf32> to vector<16xf32>
      %swap3A_623 = vector.shape_cast %get3A_618 : vector<16xf32> to vector<1x16xf32>
      tpu.vector_store %arg10[%swap3A_619, %swap3A_620], %swap3A_623 {add = true, strides = array<i32>} : memref<64x256xf32, #tpu.memory_space<vmem>>, vector<1x16xf32>,
      %get3A_624 = arith.index_cast %scan3A_499 : i32 to index
      %get3A_625 = arith.constant 224 : index
      %get3A_626 = tpu.vector_load %arg7[%get3A_624, %get3A_625] {strides = array<i32>} : memref<64x256xf32, #tpu.memory_space<vmem>>, vector<1x16xf32>,
      %get3A_627 = vector.shape_cast %get3A_626 : vector<1x16xf32> to vector<16xf32>
      %swap3A_628 = arith.index_cast %scan3A_499 : i32 to index
      %swap3A_629 = arith.constant 224 : index
      %swap3A_630 = tpu.vector_load %arg10[%swap3A_628, %swap3A_629] {strides = array<i32>} : memref<64x256xf32, #tpu.memory_space<vmem>>, vector<1x16xf32>,
      %swap3A_631 = vector.shape_cast %swap3A_630 : vector<1x16xf32> to vector<16xf32>
      %swap3A_632 = vector.shape_cast %get3A_627 : vector<16xf32> to vector<1x16xf32>
      tpu.vector_store %arg10[%swap3A_628, %swap3A_629], %swap3A_632 {add = true, strides = array<i32>} : memref<64x256xf32, #tpu.memory_space<vmem>>, vector<1x16xf32>,
      %get3A_633 = arith.index_cast %scan3A_499 : i32 to index
      %get3A_634 = arith.constant 240 : index
      %get3A_635 = tpu.vector_load %arg7[%get3A_633, %get3A_634] {strides = array<i32>} : memref<64x256xf32, #tpu.memory_space<vmem>>, vector<1x16xf32>,
      %get3A_636 = vector.shape_cast %get3A_635 : vector<1x16xf32> to vector<16xf32>
      %swap3A_637 = arith.index_cast %scan3A_499 : i32 to index
      %swap3A_638 = arith.constant 240 : index
      %swap3A_639 = tpu.vector_load %arg10[%swap3A_637, %swap3A_638] {strides = array<i32>} : memref<64x256xf32, #tpu.memory_space<vmem>>, vector<1x16xf32>,
      %swap3A_640 = vector.shape_cast %swap3A_639 : vector<1x16xf32> to vector<16xf32>
      %swap3A_641 = vector.shape_cast %get3A_636 : vector<16xf32> to vector<1x16xf32>
      tpu.vector_store %arg10[%swap3A_637, %swap3A_638], %swap3A_641 {add = true, strides = array<i32>} : memref<64x256xf32, #tpu.memory_space<vmem>>, vector<1x16xf32>,
    }
    %scan3A_302 = arith.constant 64 : i32
    %add3A_303 = arith.constant 16384 : i32
    %add3A_304 = arith.addi %add3A_303, %mul3A_2 : i32
    %dma_start3A_305 = arith.constant 0 : i32
    %dma_start3A_306 = tpu.memref_slice %arg5[%add3A_304, %dma_start3A_305] : memref<32768x256xf32, #tpu.memory_space<hbm>> -> memref<64x256xf32, #tpu.memory_space<hbm>>
    %dma_start3A_307 = arith.constant 0 : i32
    %dma_start3A_308 = tpu.memref_slice %arg5[%add3A_304, %dma_start3A_307] : memref<32768x256xf32, #tpu.memory_space<hbm>> -> memref<64x256xf32, #tpu.memory_space<hbm>>
    tpu.enqueue_dma source(%arg10 : memref<64x256xf32, #tpu.memory_space<vmem>>) target(%dma_start3A_308 : memref<64x256xf32, #tpu.memory_space<hbm>>) target_semaphore(%arg22 : memref<!tpu.dma_semaphore, #tpu.memory_space<semaphore_mem>>)
    %dma_wait3A_309 = arith.constant 0 : i32
    %dma_wait3A_310 = tpu.memref_slice %arg5[%add3A_248, %dma_wait3A_309] : memref<32768x256xf32, #tpu.memory_space<hbm>> -> memref<64x256xf32, #tpu.memory_space<hbm>>
    %dma_wait3A_311 = arith.constant 0 : i32
    %dma_wait3A_312 = tpu.memref_slice %arg5[%add3A_248, %dma_wait3A_311] : memref<32768x256xf32, #tpu.memory_space<hbm>> -> memref<64x256xf32, #tpu.memory_space<hbm>>
    tpu.wait_dma2 semaphore(%arg20 : memref<!tpu.dma_semaphore, #tpu.memory_space<semaphore_mem>>) src(%arg8 : memref<64x256xf32, #tpu.memory_space<vmem>>) dst(%dma_wait3A_312 : memref<64x256xf32, #tpu.memory_space<hbm>>)
    %dma_start3A_313 = arith.constant 12 : i32
    %dma_start3A_314 = tpu.memref_slice %arg6[%dma_start3A_313, %multiple_of3A_37] : memref<16x128xi32, #tpu.memory_space<vmem>> -> memref<1x64xi32, #tpu.memory_space<vmem>>
    %dma_start3A_315 = tpu.memref_squeeze %dma_start3A_314 : memref<1x64xi32, #tpu.memory_space<vmem>> -> memref<64xi32, #tpu.memory_space<vmem>>
    %dma_start3A_316 = arith.constant 0 : i32
    %dma_start3A_317 = arith.constant 0 : i32
    %dma_start3A_318 = tpu.memref_slice %arg3[%dma_start3A_316, %dma_start3A_317] : memref<50257x256xf32, #tpu.memory_space<hbm>> -> memref<50257x256xf32, #tpu.memory_space<hbm>>
    tpu.enqueue_indirect_dma source(%dma_start3A_318 : memref<50257x256xf32, #tpu.memory_space<hbm>>) target(%arg8 : memref<64x256xf32, #tpu.memory_space<vmem>>) offsets(%dma_start3A_315 : memref<64xi32, #tpu.memory_space<vmem>>) semaphore(%arg14 : memref<!tpu.dma_semaphore, #tpu.memory_space<semaphore_mem>>)
    %dma_wait3A_319 = arith.constant 9 : i32
    %dma_wait3A_320 = tpu.memref_slice %arg6[%dma_wait3A_319, %multiple_of3A_37] : memref<16x128xi32, #tpu.memory_space<vmem>> -> memref<1x64xi32, #tpu.memory_space<vmem>>
    %dma_wait3A_321 = tpu.memref_squeeze %dma_wait3A_320 : memref<1x64xi32, #tpu.memory_space<vmem>> -> memref<64xi32, #tpu.memory_space<vmem>>
    %dma_wait3A_322 = arith.constant 0 : i32
    %dma_wait3A_323 = arith.constant 0 : i32
    %dma_wait3A_324 = tpu.memref_slice %arg3[%dma_wait3A_322, %dma_wait3A_323] : memref<50257x256xf32, #tpu.memory_space<hbm>> -> memref<50257x256xf32, #tpu.memory_space<hbm>>
    tpu.wait_indirect_dma semaphore(%arg17 : memref<!tpu.dma_semaphore, #tpu.memory_space<semaphore_mem>>) src(%dma_wait3A_324 : memref<50257x256xf32, #tpu.memory_space<hbm>>) dst(%arg11 : memref<64x256xf32, #tpu.memory_space<vmem>>)
    %scan3A_325 = arith.constant 0 : i32
    %scan3A_326 = arith.constant 0 : i32
    %scan3A_327 = arith.constant 64 : i32
    %scan3A_328 = arith.addi %scan3A_326, %scan3A_327 : i32
    %scan3A_329 = arith.constant 1 : i32
    scf.for %scan3A_499 = %scan3A_326 to %scan3A_328 step %scan3A_329  : i32 {
      %get3A = arith.index_cast %scan3A_499 : i32 to index
      %get3A_500 = arith.constant 0 : index
      %get3A_501 = tpu.vector_load %arg7[%get3A, %get3A_500] {strides = array<i32>} : memref<64x256xf32, #tpu.memory_space<vmem>>, vector<1x16xf32>,
      %get3A_502 = vector.shape_cast %get3A_501 : vector<1x16xf32> to vector<16xf32>
      %swap3A = arith.index_cast %scan3A_499 : i32 to index
      %swap3A_503 = arith.constant 0 : index
      %swap3A_504 = tpu.vector_load %arg11[%swap3A, %swap3A_503] {strides = array<i32>} : memref<64x256xf32, #tpu.memory_space<vmem>>, vector<1x16xf32>,
      %swap3A_505 = vector.shape_cast %swap3A_504 : vector<1x16xf32> to vector<16xf32>
      %swap3A_506 = vector.shape_cast %get3A_502 : vector<16xf32> to vector<1x16xf32>
      tpu.vector_store %arg11[%swap3A, %swap3A_503], %swap3A_506 {add = true, strides = array<i32>} : memref<64x256xf32, #tpu.memory_space<vmem>>, vector<1x16xf32>,
      %get3A_507 = arith.index_cast %scan3A_499 : i32 to index
      %get3A_508 = arith.constant 16 : index
      %get3A_509 = tpu.vector_load %arg7[%get3A_507, %get3A_508] {strides = array<i32>} : memref<64x256xf32, #tpu.memory_space<vmem>>, vector<1x16xf32>,
      %get3A_510 = vector.shape_cast %get3A_509 : vector<1x16xf32> to vector<16xf32>
      %swap3A_511 = arith.index_cast %scan3A_499 : i32 to index
      %swap3A_512 = arith.constant 16 : index
      %swap3A_513 = tpu.vector_load %arg11[%swap3A_511, %swap3A_512] {strides = array<i32>} : memref<64x256xf32, #tpu.memory_space<vmem>>, vector<1x16xf32>,
      %swap3A_514 = vector.shape_cast %swap3A_513 : vector<1x16xf32> to vector<16xf32>
      %swap3A_515 = vector.shape_cast %get3A_510 : vector<16xf32> to vector<1x16xf32>
      tpu.vector_store %arg11[%swap3A_511, %swap3A_512], %swap3A_515 {add = true, strides = array<i32>} : memref<64x256xf32, #tpu.memory_space<vmem>>, vector<1x16xf32>,
      %get3A_516 = arith.index_cast %scan3A_499 : i32 to index
      %get3A_517 = arith.constant 32 : index
      %get3A_518 = tpu.vector_load %arg7[%get3A_516, %get3A_517] {strides = array<i32>} : memref<64x256xf32, #tpu.memory_space<vmem>>, vector<1x16xf32>,
      %get3A_519 = vector.shape_cast %get3A_518 : vector<1x16xf32> to vector<16xf32>
      %swap3A_520 = arith.index_cast %scan3A_499 : i32 to index
      %swap3A_521 = arith.constant 32 : index
      %swap3A_522 = tpu.vector_load %arg11[%swap3A_520, %swap3A_521] {strides = array<i32>} : memref<64x256xf32, #tpu.memory_space<vmem>>, vector<1x16xf32>,
      %swap3A_523 = vector.shape_cast %swap3A_522 : vector<1x16xf32> to vector<16xf32>
      %swap3A_524 = vector.shape_cast %get3A_519 : vector<16xf32> to vector<1x16xf32>
      tpu.vector_store %arg11[%swap3A_520, %swap3A_521], %swap3A_524 {add = true, strides = array<i32>} : memref<64x256xf32, #tpu.memory_space<vmem>>, vector<1x16xf32>,
      %get3A_525 = arith.index_cast %scan3A_499 : i32 to index
      %get3A_526 = arith.constant 48 : index
      %get3A_527 = tpu.vector_load %arg7[%get3A_525, %get3A_526] {strides = array<i32>} : memref<64x256xf32, #tpu.memory_space<vmem>>, vector<1x16xf32>,
      %get3A_528 = vector.shape_cast %get3A_527 : vector<1x16xf32> to vector<16xf32>
      %swap3A_529 = arith.index_cast %scan3A_499 : i32 to index
      %swap3A_530 = arith.constant 48 : index
      %swap3A_531 = tpu.vector_load %arg11[%swap3A_529, %swap3A_530] {strides = array<i32>} : memref<64x256xf32, #tpu.memory_space<vmem>>, vector<1x16xf32>,
      %swap3A_532 = vector.shape_cast %swap3A_531 : vector<1x16xf32> to vector<16xf32>
      %swap3A_533 = vector.shape_cast %get3A_528 : vector<16xf32> to vector<1x16xf32>
      tpu.vector_store %arg11[%swap3A_529, %swap3A_530], %swap3A_533 {add = true, strides = array<i32>} : memref<64x256xf32, #tpu.memory_space<vmem>>, vector<1x16xf32>,
      %get3A_534 = arith.index_cast %scan3A_499 : i32 to index
      %get3A_535 = arith.constant 64 : index
      %get3A_536 = tpu.vector_load %arg7[%get3A_534, %get3A_535] {strides = array<i32>} : memref<64x256xf32, #tpu.memory_space<vmem>>, vector<1x16xf32>,
      %get3A_537 = vector.shape_cast %get3A_536 : vector<1x16xf32> to vector<16xf32>
      %swap3A_538 = arith.index_cast %scan3A_499 : i32 to index
      %swap3A_539 = arith.constant 64 : index
      %swap3A_540 = tpu.vector_load %arg11[%swap3A_538, %swap3A_539] {strides = array<i32>} : memref<64x256xf32, #tpu.memory_space<vmem>>, vector<1x16xf32>,
      %swap3A_541 = vector.shape_cast %swap3A_540 : vector<1x16xf32> to vector<16xf32>
      %swap3A_542 = vector.shape_cast %get3A_537 : vector<16xf32> to vector<1x16xf32>
      tpu.vector_store %arg11[%swap3A_538, %swap3A_539], %swap3A_542 {add = true, strides = array<i32>} : memref<64x256xf32, #tpu.memory_space<vmem>>, vector<1x16xf32>,
      %get3A_543 = arith.index_cast %scan3A_499 : i32 to index
      %get3A_544 = arith.constant 80 : index
      %get3A_545 = tpu.vector_load %arg7[%get3A_543, %get3A_544] {strides = array<i32>} : memref<64x256xf32, #tpu.memory_space<vmem>>, vector<1x16xf32>,
      %get3A_546 = vector.shape_cast %get3A_545 : vector<1x16xf32> to vector<16xf32>
      %swap3A_547 = arith.index_cast %scan3A_499 : i32 to index
      %swap3A_548 = arith.constant 80 : index
      %swap3A_549 = tpu.vector_load %arg11[%swap3A_547, %swap3A_548] {strides = array<i32>} : memref<64x256xf32, #tpu.memory_space<vmem>>, vector<1x16xf32>,
      %swap3A_550 = vector.shape_cast %swap3A_549 : vector<1x16xf32> to vector<16xf32>
      %swap3A_551 = vector.shape_cast %get3A_546 : vector<16xf32> to vector<1x16xf32>
      tpu.vector_store %arg11[%swap3A_547, %swap3A_548], %swap3A_551 {add = true, strides = array<i32>} : memref<64x256xf32, #tpu.memory_space<vmem>>, vector<1x16xf32>,
      %get3A_552 = arith.index_cast %scan3A_499 : i32 to index
      %get3A_553 = arith.constant 96 : index
      %get3A_554 = tpu.vector_load %arg7[%get3A_552, %get3A_553] {strides = array<i32>} : memref<64x256xf32, #tpu.memory_space<vmem>>, vector<1x16xf32>,
      %get3A_555 = vector.shape_cast %get3A_554 : vector<1x16xf32> to vector<16xf32>
      %swap3A_556 = arith.index_cast %scan3A_499 : i32 to index
      %swap3A_557 = arith.constant 96 : index
      %swap3A_558 = tpu.vector_load %arg11[%swap3A_556, %swap3A_557] {strides = array<i32>} : memref<64x256xf32, #tpu.memory_space<vmem>>, vector<1x16xf32>,
      %swap3A_559 = vector.shape_cast %swap3A_558 : vector<1x16xf32> to vector<16xf32>
      %swap3A_560 = vector.shape_cast %get3A_555 : vector<16xf32> to vector<1x16xf32>
      tpu.vector_store %arg11[%swap3A_556, %swap3A_557], %swap3A_560 {add = true, strides = array<i32>} : memref<64x256xf32, #tpu.memory_space<vmem>>, vector<1x16xf32>,
      %get3A_561 = arith.index_cast %scan3A_499 : i32 to index
      %get3A_562 = arith.constant 112 : index
      %get3A_563 = tpu.vector_load %arg7[%get3A_561, %get3A_562] {strides = array<i32>} : memref<64x256xf32, #tpu.memory_space<vmem>>, vector<1x16xf32>,
      %get3A_564 = vector.shape_cast %get3A_563 : vector<1x16xf32> to vector<16xf32>
      %swap3A_565 = arith.index_cast %scan3A_499 : i32 to index
      %swap3A_566 = arith.constant 112 : index
      %swap3A_567 = tpu.vector_load %arg11[%swap3A_565, %swap3A_566] {strides = array<i32>} : memref<64x256xf32, #tpu.memory_space<vmem>>, vector<1x16xf32>,
      %swap3A_568 = vector.shape_cast %swap3A_567 : vector<1x16xf32> to vector<16xf32>
      %swap3A_569 = vector.shape_cast %get3A_564 : vector<16xf32> to vector<1x16xf32>
      tpu.vector_store %arg11[%swap3A_565, %swap3A_566], %swap3A_569 {add = true, strides = array<i32>} : memref<64x256xf32, #tpu.memory_space<vmem>>, vector<1x16xf32>,
      %get3A_570 = arith.index_cast %scan3A_499 : i32 to index
      %get3A_571 = arith.constant 128 : index
      %get3A_572 = tpu.vector_load %arg7[%get3A_570, %get3A_571] {strides = array<i32>} : memref<64x256xf32, #tpu.memory_space<vmem>>, vector<1x16xf32>,
      %get3A_573 = vector.shape_cast %get3A_572 : vector<1x16xf32> to vector<16xf32>
      %swap3A_574 = arith.index_cast %scan3A_499 : i32 to index
      %swap3A_575 = arith.constant 128 : index
      %swap3A_576 = tpu.vector_load %arg11[%swap3A_574, %swap3A_575] {strides = array<i32>} : memref<64x256xf32, #tpu.memory_space<vmem>>, vector<1x16xf32>,
      %swap3A_577 = vector.shape_cast %swap3A_576 : vector<1x16xf32> to vector<16xf32>
      %swap3A_578 = vector.shape_cast %get3A_573 : vector<16xf32> to vector<1x16xf32>
      tpu.vector_store %arg11[%swap3A_574, %swap3A_575], %swap3A_578 {add = true, strides = array<i32>} : memref<64x256xf32, #tpu.memory_space<vmem>>, vector<1x16xf32>,
      %get3A_579 = arith.index_cast %scan3A_499 : i32 to index
      %get3A_580 = arith.constant 144 : index
      %get3A_581 = tpu.vector_load %arg7[%get3A_579, %get3A_580] {strides = array<i32>} : memref<64x256xf32, #tpu.memory_space<vmem>>, vector<1x16xf32>,
      %get3A_582 = vector.shape_cast %get3A_581 : vector<1x16xf32> to vector<16xf32>
      %swap3A_583 = arith.index_cast %scan3A_499 : i32 to index
      %swap3A_584 = arith.constant 144 : index
      %swap3A_585 = tpu.vector_load %arg11[%swap3A_583, %swap3A_584] {strides = array<i32>} : memref<64x256xf32, #tpu.memory_space<vmem>>, vector<1x16xf32>,
      %swap3A_586 = vector.shape_cast %swap3A_585 : vector<1x16xf32> to vector<16xf32>
      %swap3A_587 = vector.shape_cast %get3A_582 : vector<16xf32> to vector<1x16xf32>
      tpu.vector_store %arg11[%swap3A_583, %swap3A_584], %swap3A_587 {add = true, strides = array<i32>} : memref<64x256xf32, #tpu.memory_space<vmem>>, vector<1x16xf32>,
      %get3A_588 = arith.index_cast %scan3A_499 : i32 to index
      %get3A_589 = arith.constant 160 : index
      %get3A_590 = tpu.vector_load %arg7[%get3A_588, %get3A_589] {strides = array<i32>} : memref<64x256xf32, #tpu.memory_space<vmem>>, vector<1x16xf32>,
      %get3A_591 = vector.shape_cast %get3A_590 : vector<1x16xf32> to vector<16xf32>
      %swap3A_592 = arith.index_cast %scan3A_499 : i32 to index
      %swap3A_593 = arith.constant 160 : index
      %swap3A_594 = tpu.vector_load %arg11[%swap3A_592, %swap3A_593] {strides = array<i32>} : memref<64x256xf32, #tpu.memory_space<vmem>>, vector<1x16xf32>,
      %swap3A_595 = vector.shape_cast %swap3A_594 : vector<1x16xf32> to vector<16xf32>
      %swap3A_596 = vector.shape_cast %get3A_591 : vector<16xf32> to vector<1x16xf32>
      tpu.vector_store %arg11[%swap3A_592, %swap3A_593], %swap3A_596 {add = true, strides = array<i32>} : memref<64x256xf32, #tpu.memory_space<vmem>>, vector<1x16xf32>,
      %get3A_597 = arith.index_cast %scan3A_499 : i32 to index
      %get3A_598 = arith.constant 176 : index
      %get3A_599 = tpu.vector_load %arg7[%get3A_597, %get3A_598] {strides = array<i32>} : memref<64x256xf32, #tpu.memory_space<vmem>>, vector<1x16xf32>,
      %get3A_600 = vector.shape_cast %get3A_599 : vector<1x16xf32> to vector<16xf32>
      %swap3A_601 = arith.index_cast %scan3A_499 : i32 to index
      %swap3A_602 = arith.constant 176 : index
      %swap3A_603 = tpu.vector_load %arg11[%swap3A_601, %swap3A_602] {strides = array<i32>} : memref<64x256xf32, #tpu.memory_space<vmem>>, vector<1x16xf32>,
      %swap3A_604 = vector.shape_cast %swap3A_603 : vector<1x16xf32> to vector<16xf32>
      %swap3A_605 = vector.shape_cast %get3A_600 : vector<16xf32> to vector<1x16xf32>
      tpu.vector_store %arg11[%swap3A_601, %swap3A_602], %swap3A_605 {add = true, strides = array<i32>} : memref<64x256xf32, #tpu.memory_space<vmem>>, vector<1x16xf32>,
      %get3A_606 = arith.index_cast %scan3A_499 : i32 to index
      %get3A_607 = arith.constant 192 : index
      %get3A_608 = tpu.vector_load %arg7[%get3A_606, %get3A_607] {strides = array<i32>} : memref<64x256xf32, #tpu.memory_space<vmem>>, vector<1x16xf32>,
      %get3A_609 = vector.shape_cast %get3A_608 : vector<1x16xf32> to vector<16xf32>
      %swap3A_610 = arith.index_cast %scan3A_499 : i32 to index
      %swap3A_611 = arith.constant 192 : index
      %swap3A_612 = tpu.vector_load %arg11[%swap3A_610, %swap3A_611] {strides = array<i32>} : memref<64x256xf32, #tpu.memory_space<vmem>>, vector<1x16xf32>,
      %swap3A_613 = vector.shape_cast %swap3A_612 : vector<1x16xf32> to vector<16xf32>
      %swap3A_614 = vector.shape_cast %get3A_609 : vector<16xf32> to vector<1x16xf32>
      tpu.vector_store %arg11[%swap3A_610, %swap3A_611], %swap3A_614 {add = true, strides = array<i32>} : memref<64x256xf32, #tpu.memory_space<vmem>>, vector<1x16xf32>,
      %get3A_615 = arith.index_cast %scan3A_499 : i32 to index
      %get3A_616 = arith.constant 208 : index
      %get3A_617 = tpu.vector_load %arg7[%get3A_615, %get3A_616] {strides = array<i32>} : memref<64x256xf32, #tpu.memory_space<vmem>>, vector<1x16xf32>,
      %get3A_618 = vector.shape_cast %get3A_617 : vector<1x16xf32> to vector<16xf32>
      %swap3A_619 = arith.index_cast %scan3A_499 : i32 to index
      %swap3A_620 = arith.constant 208 : index
      %swap3A_621 = tpu.vector_load %arg11[%swap3A_619, %swap3A_620] {strides = array<i32>} : memref<64x256xf32, #tpu.memory_space<vmem>>, vector<1x16xf32>,
      %swap3A_622 = vector.shape_cast %swap3A_621 : vector<1x16xf32> to vector<16xf32>
      %swap3A_623 = vector.shape_cast %get3A_618 : vector<16xf32> to vector<1x16xf32>
      tpu.vector_store %arg11[%swap3A_619, %swap3A_620], %swap3A_623 {add = true, strides = array<i32>} : memref<64x256xf32, #tpu.memory_space<vmem>>, vector<1x16xf32>,
      %get3A_624 = arith.index_cast %scan3A_499 : i32 to index
      %get3A_625 = arith.constant 224 : index
      %get3A_626 = tpu.vector_load %arg7[%get3A_624, %get3A_625] {strides = array<i32>} : memref<64x256xf32, #tpu.memory_space<vmem>>, vector<1x16xf32>,
      %get3A_627 = vector.shape_cast %get3A_626 : vector<1x16xf32> to vector<16xf32>
      %swap3A_628 = arith.index_cast %scan3A_499 : i32 to index
      %swap3A_629 = arith.constant 224 : index
      %swap3A_630 = tpu.vector_load %arg11[%swap3A_628, %swap3A_629] {strides = array<i32>} : memref<64x256xf32, #tpu.memory_space<vmem>>, vector<1x16xf32>,
      %swap3A_631 = vector.shape_cast %swap3A_630 : vector<1x16xf32> to vector<16xf32>
      %swap3A_632 = vector.shape_cast %get3A_627 : vector<16xf32> to vector<1x16xf32>
      tpu.vector_store %arg11[%swap3A_628, %swap3A_629], %swap3A_632 {add = true, strides = array<i32>} : memref<64x256xf32, #tpu.memory_space<vmem>>, vector<1x16xf32>,
      %get3A_633 = arith.index_cast %scan3A_499 : i32 to index
      %get3A_634 = arith.constant 240 : index
      %get3A_635 = tpu.vector_load %arg7[%get3A_633, %get3A_634] {strides = array<i32>} : memref<64x256xf32, #tpu.memory_space<vmem>>, vector<1x16xf32>,
      %get3A_636 = vector.shape_cast %get3A_635 : vector<1x16xf32> to vector<16xf32>
      %swap3A_637 = arith.index_cast %scan3A_499 : i32 to index
      %swap3A_638 = arith.constant 240 : index
      %swap3A_639 = tpu.vector_load %arg11[%swap3A_637, %swap3A_638] {strides = array<i32>} : memref<64x256xf32, #tpu.memory_space<vmem>>, vector<1x16xf32>,
      %swap3A_640 = vector.shape_cast %swap3A_639 : vector<1x16xf32> to vector<16xf32>
      %swap3A_641 = vector.shape_cast %get3A_636 : vector<16xf32> to vector<1x16xf32>
      tpu.vector_store %arg11[%swap3A_637, %swap3A_638], %swap3A_641 {add = true, strides = array<i32>} : memref<64x256xf32, #tpu.memory_space<vmem>>, vector<1x16xf32>,
    }
    %scan3A_330 = arith.constant 64 : i32
    %add3A_331 = arith.constant 18432 : i32
    %add3A_332 = arith.addi %add3A_331, %mul3A_2 : i32
    %dma_start3A_333 = arith.constant 0 : i32
    %dma_start3A_334 = tpu.memref_slice %arg5[%add3A_332, %dma_start3A_333] : memref<32768x256xf32, #tpu.memory_space<hbm>> -> memref<64x256xf32, #tpu.memory_space<hbm>>
    %dma_start3A_335 = arith.constant 0 : i32
    %dma_start3A_336 = tpu.memref_slice %arg5[%add3A_332, %dma_start3A_335] : memref<32768x256xf32, #tpu.memory_space<hbm>> -> memref<64x256xf32, #tpu.memory_space<hbm>>
    tpu.enqueue_dma source(%arg11 : memref<64x256xf32, #tpu.memory_space<vmem>>) target(%dma_start3A_336 : memref<64x256xf32, #tpu.memory_space<hbm>>) target_semaphore(%arg23 : memref<!tpu.dma_semaphore, #tpu.memory_space<semaphore_mem>>)
    %dma_wait3A_337 = arith.constant 0 : i32
    %dma_wait3A_338 = tpu.memref_slice %arg5[%add3A_276, %dma_wait3A_337] : memref<32768x256xf32, #tpu.memory_space<hbm>> -> memref<64x256xf32, #tpu.memory_space<hbm>>
    %dma_wait3A_339 = arith.constant 0 : i32
    %dma_wait3A_340 = tpu.memref_slice %arg5[%add3A_276, %dma_wait3A_339] : memref<32768x256xf32, #tpu.memory_space<hbm>> -> memref<64x256xf32, #tpu.memory_space<hbm>>
    tpu.wait_dma2 semaphore(%arg21 : memref<!tpu.dma_semaphore, #tpu.memory_space<semaphore_mem>>) src(%arg9 : memref<64x256xf32, #tpu.memory_space<vmem>>) dst(%dma_wait3A_340 : memref<64x256xf32, #tpu.memory_space<hbm>>)
    %dma_start3A_341 = arith.constant 13 : i32
    %dma_start3A_342 = tpu.memref_slice %arg6[%dma_start3A_341, %multiple_of3A_37] : memref<16x128xi32, #tpu.memory_space<vmem>> -> memref<1x64xi32, #tpu.memory_space<vmem>>
    %dma_start3A_343 = tpu.memref_squeeze %dma_start3A_342 : memref<1x64xi32, #tpu.memory_space<vmem>> -> memref<64xi32, #tpu.memory_space<vmem>>
    %dma_start3A_344 = arith.constant 0 : i32
    %dma_start3A_345 = arith.constant 0 : i32
    %dma_start3A_346 = tpu.memref_slice %arg3[%dma_start3A_344, %dma_start3A_345] : memref<50257x256xf32, #tpu.memory_space<hbm>> -> memref<50257x256xf32, #tpu.memory_space<hbm>>
    tpu.enqueue_indirect_dma source(%dma_start3A_346 : memref<50257x256xf32, #tpu.memory_space<hbm>>) target(%arg9 : memref<64x256xf32, #tpu.memory_space<vmem>>) offsets(%dma_start3A_343 : memref<64xi32, #tpu.memory_space<vmem>>) semaphore(%arg15 : memref<!tpu.dma_semaphore, #tpu.memory_space<semaphore_mem>>)
    %dma_wait3A_347 = arith.constant 10 : i32
    %dma_wait3A_348 = tpu.memref_slice %arg6[%dma_wait3A_347, %multiple_of3A_37] : memref<16x128xi32, #tpu.memory_space<vmem>> -> memref<1x64xi32, #tpu.memory_space<vmem>>
    %dma_wait3A_349 = tpu.memref_squeeze %dma_wait3A_348 : memref<1x64xi32, #tpu.memory_space<vmem>> -> memref<64xi32, #tpu.memory_space<vmem>>
    %dma_wait3A_350 = arith.constant 0 : i32
    %dma_wait3A_351 = arith.constant 0 : i32
    %dma_wait3A_352 = tpu.memref_slice %arg3[%dma_wait3A_350, %dma_wait3A_351] : memref<50257x256xf32, #tpu.memory_space<hbm>> -> memref<50257x256xf32, #tpu.memory_space<hbm>>
    tpu.wait_indirect_dma semaphore(%arg18 : memref<!tpu.dma_semaphore, #tpu.memory_space<semaphore_mem>>) src(%dma_wait3A_352 : memref<50257x256xf32, #tpu.memory_space<hbm>>) dst(%arg12 : memref<64x256xf32, #tpu.memory_space<vmem>>)
    %scan3A_353 = arith.constant 0 : i32
    %scan3A_354 = arith.constant 0 : i32
    %scan3A_355 = arith.constant 64 : i32
    %scan3A_356 = arith.addi %scan3A_354, %scan3A_355 : i32
    %scan3A_357 = arith.constant 1 : i32
    scf.for %scan3A_499 = %scan3A_354 to %scan3A_356 step %scan3A_357  : i32 {
      %get3A = arith.index_cast %scan3A_499 : i32 to index
      %get3A_500 = arith.constant 0 : index
      %get3A_501 = tpu.vector_load %arg7[%get3A, %get3A_500] {strides = array<i32>} : memref<64x256xf32, #tpu.memory_space<vmem>>, vector<1x16xf32>,
      %get3A_502 = vector.shape_cast %get3A_501 : vector<1x16xf32> to vector<16xf32>
      %swap3A = arith.index_cast %scan3A_499 : i32 to index
      %swap3A_503 = arith.constant 0 : index
      %swap3A_504 = tpu.vector_load %arg12[%swap3A, %swap3A_503] {strides = array<i32>} : memref<64x256xf32, #tpu.memory_space<vmem>>, vector<1x16xf32>,
      %swap3A_505 = vector.shape_cast %swap3A_504 : vector<1x16xf32> to vector<16xf32>
      %swap3A_506 = vector.shape_cast %get3A_502 : vector<16xf32> to vector<1x16xf32>
      tpu.vector_store %arg12[%swap3A, %swap3A_503], %swap3A_506 {add = true, strides = array<i32>} : memref<64x256xf32, #tpu.memory_space<vmem>>, vector<1x16xf32>,
      %get3A_507 = arith.index_cast %scan3A_499 : i32 to index
      %get3A_508 = arith.constant 16 : index
      %get3A_509 = tpu.vector_load %arg7[%get3A_507, %get3A_508] {strides = array<i32>} : memref<64x256xf32, #tpu.memory_space<vmem>>, vector<1x16xf32>,
      %get3A_510 = vector.shape_cast %get3A_509 : vector<1x16xf32> to vector<16xf32>
      %swap3A_511 = arith.index_cast %scan3A_499 : i32 to index
      %swap3A_512 = arith.constant 16 : index
      %swap3A_513 = tpu.vector_load %arg12[%swap3A_511, %swap3A_512] {strides = array<i32>} : memref<64x256xf32, #tpu.memory_space<vmem>>, vector<1x16xf32>,
      %swap3A_514 = vector.shape_cast %swap3A_513 : vector<1x16xf32> to vector<16xf32>
      %swap3A_515 = vector.shape_cast %get3A_510 : vector<16xf32> to vector<1x16xf32>
      tpu.vector_store %arg12[%swap3A_511, %swap3A_512], %swap3A_515 {add = true, strides = array<i32>} : memref<64x256xf32, #tpu.memory_space<vmem>>, vector<1x16xf32>,
      %get3A_516 = arith.index_cast %scan3A_499 : i32 to index
      %get3A_517 = arith.constant 32 : index
      %get3A_518 = tpu.vector_load %arg7[%get3A_516, %get3A_517] {strides = array<i32>} : memref<64x256xf32, #tpu.memory_space<vmem>>, vector<1x16xf32>,
      %get3A_519 = vector.shape_cast %get3A_518 : vector<1x16xf32> to vector<16xf32>
      %swap3A_520 = arith.index_cast %scan3A_499 : i32 to index
      %swap3A_521 = arith.constant 32 : index
      %swap3A_522 = tpu.vector_load %arg12[%swap3A_520, %swap3A_521] {strides = array<i32>} : memref<64x256xf32, #tpu.memory_space<vmem>>, vector<1x16xf32>,
      %swap3A_523 = vector.shape_cast %swap3A_522 : vector<1x16xf32> to vector<16xf32>
      %swap3A_524 = vector.shape_cast %get3A_519 : vector<16xf32> to vector<1x16xf32>
      tpu.vector_store %arg12[%swap3A_520, %swap3A_521], %swap3A_524 {add = true, strides = array<i32>} : memref<64x256xf32, #tpu.memory_space<vmem>>, vector<1x16xf32>,
      %get3A_525 = arith.index_cast %scan3A_499 : i32 to index
      %get3A_526 = arith.constant 48 : index
      %get3A_527 = tpu.vector_load %arg7[%get3A_525, %get3A_526] {strides = array<i32>} : memref<64x256xf32, #tpu.memory_space<vmem>>, vector<1x16xf32>,
      %get3A_528 = vector.shape_cast %get3A_527 : vector<1x16xf32> to vector<16xf32>
      %swap3A_529 = arith.index_cast %scan3A_499 : i32 to index
      %swap3A_530 = arith.constant 48 : index
      %swap3A_531 = tpu.vector_load %arg12[%swap3A_529, %swap3A_530] {strides = array<i32>} : memref<64x256xf32, #tpu.memory_space<vmem>>, vector<1x16xf32>,
      %swap3A_532 = vector.shape_cast %swap3A_531 : vector<1x16xf32> to vector<16xf32>
      %swap3A_533 = vector.shape_cast %get3A_528 : vector<16xf32> to vector<1x16xf32>
      tpu.vector_store %arg12[%swap3A_529, %swap3A_530], %swap3A_533 {add = true, strides = array<i32>} : memref<64x256xf32, #tpu.memory_space<vmem>>, vector<1x16xf32>,
      %get3A_534 = arith.index_cast %scan3A_499 : i32 to index
      %get3A_535 = arith.constant 64 : index
      %get3A_536 = tpu.vector_load %arg7[%get3A_534, %get3A_535] {strides = array<i32>} : memref<64x256xf32, #tpu.memory_space<vmem>>, vector<1x16xf32>,
      %get3A_537 = vector.shape_cast %get3A_536 : vector<1x16xf32> to vector<16xf32>
      %swap3A_538 = arith.index_cast %scan3A_499 : i32 to index
      %swap3A_539 = arith.constant 64 : index
      %swap3A_540 = tpu.vector_load %arg12[%swap3A_538, %swap3A_539] {strides = array<i32>} : memref<64x256xf32, #tpu.memory_space<vmem>>, vector<1x16xf32>,
      %swap3A_541 = vector.shape_cast %swap3A_540 : vector<1x16xf32> to vector<16xf32>
      %swap3A_542 = vector.shape_cast %get3A_537 : vector<16xf32> to vector<1x16xf32>
      tpu.vector_store %arg12[%swap3A_538, %swap3A_539], %swap3A_542 {add = true, strides = array<i32>} : memref<64x256xf32, #tpu.memory_space<vmem>>, vector<1x16xf32>,
      %get3A_543 = arith.index_cast %scan3A_499 : i32 to index
      %get3A_544 = arith.constant 80 : index
      %get3A_545 = tpu.vector_load %arg7[%get3A_543, %get3A_544] {strides = array<i32>} : memref<64x256xf32, #tpu.memory_space<vmem>>, vector<1x16xf32>,
      %get3A_546 = vector.shape_cast %get3A_545 : vector<1x16xf32> to vector<16xf32>
      %swap3A_547 = arith.index_cast %scan3A_499 : i32 to index
      %swap3A_548 = arith.constant 80 : index
      %swap3A_549 = tpu.vector_load %arg12[%swap3A_547, %swap3A_548] {strides = array<i32>} : memref<64x256xf32, #tpu.memory_space<vmem>>, vector<1x16xf32>,
      %swap3A_550 = vector.shape_cast %swap3A_549 : vector<1x16xf32> to vector<16xf32>
      %swap3A_551 = vector.shape_cast %get3A_546 : vector<16xf32> to vector<1x16xf32>
      tpu.vector_store %arg12[%swap3A_547, %swap3A_548], %swap3A_551 {add = true, strides = array<i32>} : memref<64x256xf32, #tpu.memory_space<vmem>>, vector<1x16xf32>,
      %get3A_552 = arith.index_cast %scan3A_499 : i32 to index
      %get3A_553 = arith.constant 96 : index
      %get3A_554 = tpu.vector_load %arg7[%get3A_552, %get3A_553] {strides = array<i32>} : memref<64x256xf32, #tpu.memory_space<vmem>>, vector<1x16xf32>,
      %get3A_555 = vector.shape_cast %get3A_554 : vector<1x16xf32> to vector<16xf32>
      %swap3A_556 = arith.index_cast %scan3A_499 : i32 to index
      %swap3A_557 = arith.constant 96 : index
      %swap3A_558 = tpu.vector_load %arg12[%swap3A_556, %swap3A_557] {strides = array<i32>} : memref<64x256xf32, #tpu.memory_space<vmem>>, vector<1x16xf32>,
      %swap3A_559 = vector.shape_cast %swap3A_558 : vector<1x16xf32> to vector<16xf32>
      %swap3A_560 = vector.shape_cast %get3A_555 : vector<16xf32> to vector<1x16xf32>
      tpu.vector_store %arg12[%swap3A_556, %swap3A_557], %swap3A_560 {add = true, strides = array<i32>} : memref<64x256xf32, #tpu.memory_space<vmem>>, vector<1x16xf32>,
      %get3A_561 = arith.index_cast %scan3A_499 : i32 to index
      %get3A_562 = arith.constant 112 : index
      %get3A_563 = tpu.vector_load %arg7[%get3A_561, %get3A_562] {strides = array<i32>} : memref<64x256xf32, #tpu.memory_space<vmem>>, vector<1x16xf32>,
      %get3A_564 = vector.shape_cast %get3A_563 : vector<1x16xf32> to vector<16xf32>
      %swap3A_565 = arith.index_cast %scan3A_499 : i32 to index
      %swap3A_566 = arith.constant 112 : index
      %swap3A_567 = tpu.vector_load %arg12[%swap3A_565, %swap3A_566] {strides = array<i32>} : memref<64x256xf32, #tpu.memory_space<vmem>>, vector<1x16xf32>,
      %swap3A_568 = vector.shape_cast %swap3A_567 : vector<1x16xf32> to vector<16xf32>
      %swap3A_569 = vector.shape_cast %get3A_564 : vector<16xf32> to vector<1x16xf32>
      tpu.vector_store %arg12[%swap3A_565, %swap3A_566], %swap3A_569 {add = true, strides = array<i32>} : memref<64x256xf32, #tpu.memory_space<vmem>>, vector<1x16xf32>,
      %get3A_570 = arith.index_cast %scan3A_499 : i32 to index
      %get3A_571 = arith.constant 128 : index
      %get3A_572 = tpu.vector_load %arg7[%get3A_570, %get3A_571] {strides = array<i32>} : memref<64x256xf32, #tpu.memory_space<vmem>>, vector<1x16xf32>,
      %get3A_573 = vector.shape_cast %get3A_572 : vector<1x16xf32> to vector<16xf32>
      %swap3A_574 = arith.index_cast %scan3A_499 : i32 to index
      %swap3A_575 = arith.constant 128 : index
      %swap3A_576 = tpu.vector_load %arg12[%swap3A_574, %swap3A_575] {strides = array<i32>} : memref<64x256xf32, #tpu.memory_space<vmem>>, vector<1x16xf32>,
      %swap3A_577 = vector.shape_cast %swap3A_576 : vector<1x16xf32> to vector<16xf32>
      %swap3A_578 = vector.shape_cast %get3A_573 : vector<16xf32> to vector<1x16xf32>
      tpu.vector_store %arg12[%swap3A_574, %swap3A_575], %swap3A_578 {add = true, strides = array<i32>} : memref<64x256xf32, #tpu.memory_space<vmem>>, vector<1x16xf32>,
      %get3A_579 = arith.index_cast %scan3A_499 : i32 to index
      %get3A_580 = arith.constant 144 : index
      %get3A_581 = tpu.vector_load %arg7[%get3A_579, %get3A_580] {strides = array<i32>} : memref<64x256xf32, #tpu.memory_space<vmem>>, vector<1x16xf32>,
      %get3A_582 = vector.shape_cast %get3A_581 : vector<1x16xf32> to vector<16xf32>
      %swap3A_583 = arith.index_cast %scan3A_499 : i32 to index
      %swap3A_584 = arith.constant 144 : index
      %swap3A_585 = tpu.vector_load %arg12[%swap3A_583, %swap3A_584] {strides = array<i32>} : memref<64x256xf32, #tpu.memory_space<vmem>>, vector<1x16xf32>,
      %swap3A_586 = vector.shape_cast %swap3A_585 : vector<1x16xf32> to vector<16xf32>
      %swap3A_587 = vector.shape_cast %get3A_582 : vector<16xf32> to vector<1x16xf32>
      tpu.vector_store %arg12[%swap3A_583, %swap3A_584], %swap3A_587 {add = true, strides = array<i32>} : memref<64x256xf32, #tpu.memory_space<vmem>>, vector<1x16xf32>,
      %get3A_588 = arith.index_cast %scan3A_499 : i32 to index
      %get3A_589 = arith.constant 160 : index
      %get3A_590 = tpu.vector_load %arg7[%get3A_588, %get3A_589] {strides = array<i32>} : memref<64x256xf32, #tpu.memory_space<vmem>>, vector<1x16xf32>,
      %get3A_591 = vector.shape_cast %get3A_590 : vector<1x16xf32> to vector<16xf32>
      %swap3A_592 = arith.index_cast %scan3A_499 : i32 to index
      %swap3A_593 = arith.constant 160 : index
      %swap3A_594 = tpu.vector_load %arg12[%swap3A_592, %swap3A_593] {strides = array<i32>} : memref<64x256xf32, #tpu.memory_space<vmem>>, vector<1x16xf32>,
      %swap3A_595 = vector.shape_cast %swap3A_594 : vector<1x16xf32> to vector<16xf32>
      %swap3A_596 = vector.shape_cast %get3A_591 : vector<16xf32> to vector<1x16xf32>
      tpu.vector_store %arg12[%swap3A_592, %swap3A_593], %swap3A_596 {add = true, strides = array<i32>} : memref<64x256xf32, #tpu.memory_space<vmem>>, vector<1x16xf32>,
      %get3A_597 = arith.index_cast %scan3A_499 : i32 to index
      %get3A_598 = arith.constant 176 : index
      %get3A_599 = tpu.vector_load %arg7[%get3A_597, %get3A_598] {strides = array<i32>} : memref<64x256xf32, #tpu.memory_space<vmem>>, vector<1x16xf32>,
      %get3A_600 = vector.shape_cast %get3A_599 : vector<1x16xf32> to vector<16xf32>
      %swap3A_601 = arith.index_cast %scan3A_499 : i32 to index
      %swap3A_602 = arith.constant 176 : index
      %swap3A_603 = tpu.vector_load %arg12[%swap3A_601, %swap3A_602] {strides = array<i32>} : memref<64x256xf32, #tpu.memory_space<vmem>>, vector<1x16xf32>,
      %swap3A_604 = vector.shape_cast %swap3A_603 : vector<1x16xf32> to vector<16xf32>
      %swap3A_605 = vector.shape_cast %get3A_600 : vector<16xf32> to vector<1x16xf32>
      tpu.vector_store %arg12[%swap3A_601, %swap3A_602], %swap3A_605 {add = true, strides = array<i32>} : memref<64x256xf32, #tpu.memory_space<vmem>>, vector<1x16xf32>,
      %get3A_606 = arith.index_cast %scan3A_499 : i32 to index
      %get3A_607 = arith.constant 192 : index
      %get3A_608 = tpu.vector_load %arg7[%get3A_606, %get3A_607] {strides = array<i32>} : memref<64x256xf32, #tpu.memory_space<vmem>>, vector<1x16xf32>,
      %get3A_609 = vector.shape_cast %get3A_608 : vector<1x16xf32> to vector<16xf32>
      %swap3A_610 = arith.index_cast %scan3A_499 : i32 to index
      %swap3A_611 = arith.constant 192 : index
      %swap3A_612 = tpu.vector_load %arg12[%swap3A_610, %swap3A_611] {strides = array<i32>} : memref<64x256xf32, #tpu.memory_space<vmem>>, vector<1x16xf32>,
      %swap3A_613 = vector.shape_cast %swap3A_612 : vector<1x16xf32> to vector<16xf32>
      %swap3A_614 = vector.shape_cast %get3A_609 : vector<16xf32> to vector<1x16xf32>
      tpu.vector_store %arg12[%swap3A_610, %swap3A_611], %swap3A_614 {add = true, strides = array<i32>} : memref<64x256xf32, #tpu.memory_space<vmem>>, vector<1x16xf32>,
      %get3A_615 = arith.index_cast %scan3A_499 : i32 to index
      %get3A_616 = arith.constant 208 : index
      %get3A_617 = tpu.vector_load %arg7[%get3A_615, %get3A_616] {strides = array<i32>} : memref<64x256xf32, #tpu.memory_space<vmem>>, vector<1x16xf32>,
      %get3A_618 = vector.shape_cast %get3A_617 : vector<1x16xf32> to vector<16xf32>
      %swap3A_619 = arith.index_cast %scan3A_499 : i32 to index
      %swap3A_620 = arith.constant 208 : index
      %swap3A_621 = tpu.vector_load %arg12[%swap3A_619, %swap3A_620] {strides = array<i32>} : memref<64x256xf32, #tpu.memory_space<vmem>>, vector<1x16xf32>,
      %swap3A_622 = vector.shape_cast %swap3A_621 : vector<1x16xf32> to vector<16xf32>
      %swap3A_623 = vector.shape_cast %get3A_618 : vector<16xf32> to vector<1x16xf32>
      tpu.vector_store %arg12[%swap3A_619, %swap3A_620], %swap3A_623 {add = true, strides = array<i32>} : memref<64x256xf32, #tpu.memory_space<vmem>>, vector<1x16xf32>,
      %get3A_624 = arith.index_cast %scan3A_499 : i32 to index
      %get3A_625 = arith.constant 224 : index
      %get3A_626 = tpu.vector_load %arg7[%get3A_624, %get3A_625] {strides = array<i32>} : memref<64x256xf32, #tpu.memory_space<vmem>>, vector<1x16xf32>,
      %get3A_627 = vector.shape_cast %get3A_626 : vector<1x16xf32> to vector<16xf32>
      %swap3A_628 = arith.index_cast %scan3A_499 : i32 to index
      %swap3A_629 = arith.constant 224 : index
      %swap3A_630 = tpu.vector_load %arg12[%swap3A_628, %swap3A_629] {strides = array<i32>} : memref<64x256xf32, #tpu.memory_space<vmem>>, vector<1x16xf32>,
      %swap3A_631 = vector.shape_cast %swap3A_630 : vector<1x16xf32> to vector<16xf32>
      %swap3A_632 = vector.shape_cast %get3A_627 : vector<16xf32> to vector<1x16xf32>
      tpu.vector_store %arg12[%swap3A_628, %swap3A_629], %swap3A_632 {add = true, strides = array<i32>} : memref<64x256xf32, #tpu.memory_space<vmem>>, vector<1x16xf32>,
      %get3A_633 = arith.index_cast %scan3A_499 : i32 to index
      %get3A_634 = arith.constant 240 : index
      %get3A_635 = tpu.vector_load %arg7[%get3A_633, %get3A_634] {strides = array<i32>} : memref<64x256xf32, #tpu.memory_space<vmem>>, vector<1x16xf32>,
      %get3A_636 = vector.shape_cast %get3A_635 : vector<1x16xf32> to vector<16xf32>
      %swap3A_637 = arith.index_cast %scan3A_499 : i32 to index
      %swap3A_638 = arith.constant 240 : index
      %swap3A_639 = tpu.vector_load %arg12[%swap3A_637, %swap3A_638] {strides = array<i32>} : memref<64x256xf32, #tpu.memory_space<vmem>>, vector<1x16xf32>,
      %swap3A_640 = vector.shape_cast %swap3A_639 : vector<1x16xf32> to vector<16xf32>
      %swap3A_641 = vector.shape_cast %get3A_636 : vector<16xf32> to vector<1x16xf32>
      tpu.vector_store %arg12[%swap3A_637, %swap3A_638], %swap3A_641 {add = true, strides = array<i32>} : memref<64x256xf32, #tpu.memory_space<vmem>>, vector<1x16xf32>,
    }
    %scan3A_358 = arith.constant 64 : i32
    %add3A_359 = arith.constant 20480 : i32
    %add3A_360 = arith.addi %add3A_359, %mul3A_2 : i32
    %dma_start3A_361 = arith.constant 0 : i32
    %dma_start3A_362 = tpu.memref_slice %arg5[%add3A_360, %dma_start3A_361] : memref<32768x256xf32, #tpu.memory_space<hbm>> -> memref<64x256xf32, #tpu.memory_space<hbm>>
    %dma_start3A_363 = arith.constant 0 : i32
    %dma_start3A_364 = tpu.memref_slice %arg5[%add3A_360, %dma_start3A_363] : memref<32768x256xf32, #tpu.memory_space<hbm>> -> memref<64x256xf32, #tpu.memory_space<hbm>>
    tpu.enqueue_dma source(%arg12 : memref<64x256xf32, #tpu.memory_space<vmem>>) target(%dma_start3A_364 : memref<64x256xf32, #tpu.memory_space<hbm>>) target_semaphore(%arg24 : memref<!tpu.dma_semaphore, #tpu.memory_space<semaphore_mem>>)
    %dma_wait3A_365 = arith.constant 0 : i32
    %dma_wait3A_366 = tpu.memref_slice %arg5[%add3A_304, %dma_wait3A_365] : memref<32768x256xf32, #tpu.memory_space<hbm>> -> memref<64x256xf32, #tpu.memory_space<hbm>>
    %dma_wait3A_367 = arith.constant 0 : i32
    %dma_wait3A_368 = tpu.memref_slice %arg5[%add3A_304, %dma_wait3A_367] : memref<32768x256xf32, #tpu.memory_space<hbm>> -> memref<64x256xf32, #tpu.memory_space<hbm>>
    tpu.wait_dma2 semaphore(%arg22 : memref<!tpu.dma_semaphore, #tpu.memory_space<semaphore_mem>>) src(%arg10 : memref<64x256xf32, #tpu.memory_space<vmem>>) dst(%dma_wait3A_368 : memref<64x256xf32, #tpu.memory_space<hbm>>)
    %dma_start3A_369 = arith.constant 14 : i32
    %dma_start3A_370 = tpu.memref_slice %arg6[%dma_start3A_369, %multiple_of3A_37] : memref<16x128xi32, #tpu.memory_space<vmem>> -> memref<1x64xi32, #tpu.memory_space<vmem>>
    %dma_start3A_371 = tpu.memref_squeeze %dma_start3A_370 : memref<1x64xi32, #tpu.memory_space<vmem>> -> memref<64xi32, #tpu.memory_space<vmem>>
    %dma_start3A_372 = arith.constant 0 : i32
    %dma_start3A_373 = arith.constant 0 : i32
    %dma_start3A_374 = tpu.memref_slice %arg3[%dma_start3A_372, %dma_start3A_373] : memref<50257x256xf32, #tpu.memory_space<hbm>> -> memref<50257x256xf32, #tpu.memory_space<hbm>>
    tpu.enqueue_indirect_dma source(%dma_start3A_374 : memref<50257x256xf32, #tpu.memory_space<hbm>>) target(%arg10 : memref<64x256xf32, #tpu.memory_space<vmem>>) offsets(%dma_start3A_371 : memref<64xi32, #tpu.memory_space<vmem>>) semaphore(%arg16 : memref<!tpu.dma_semaphore, #tpu.memory_space<semaphore_mem>>)
    %dma_wait3A_375 = arith.constant 11 : i32
    %dma_wait3A_376 = tpu.memref_slice %arg6[%dma_wait3A_375, %multiple_of3A_37] : memref<16x128xi32, #tpu.memory_space<vmem>> -> memref<1x64xi32, #tpu.memory_space<vmem>>
    %dma_wait3A_377 = tpu.memref_squeeze %dma_wait3A_376 : memref<1x64xi32, #tpu.memory_space<vmem>> -> memref<64xi32, #tpu.memory_space<vmem>>
    %dma_wait3A_378 = arith.constant 0 : i32
    %dma_wait3A_379 = arith.constant 0 : i32
    %dma_wait3A_380 = tpu.memref_slice %arg3[%dma_wait3A_378, %dma_wait3A_379] : memref<50257x256xf32, #tpu.memory_space<hbm>> -> memref<50257x256xf32, #tpu.memory_space<hbm>>
    tpu.wait_indirect_dma semaphore(%arg19 : memref<!tpu.dma_semaphore, #tpu.memory_space<semaphore_mem>>) src(%dma_wait3A_380 : memref<50257x256xf32, #tpu.memory_space<hbm>>) dst(%arg13 : memref<64x256xf32, #tpu.memory_space<vmem>>)
    %scan3A_381 = arith.constant 0 : i32
    %scan3A_382 = arith.constant 0 : i32
    %scan3A_383 = arith.constant 64 : i32
    %scan3A_384 = arith.addi %scan3A_382, %scan3A_383 : i32
    %scan3A_385 = arith.constant 1 : i32
    scf.for %scan3A_499 = %scan3A_382 to %scan3A_384 step %scan3A_385  : i32 {
      %get3A = arith.index_cast %scan3A_499 : i32 to index
      %get3A_500 = arith.constant 0 : index
      %get3A_501 = tpu.vector_load %arg7[%get3A, %get3A_500] {strides = array<i32>} : memref<64x256xf32, #tpu.memory_space<vmem>>, vector<1x16xf32>,
      %get3A_502 = vector.shape_cast %get3A_501 : vector<1x16xf32> to vector<16xf32>
      %swap3A = arith.index_cast %scan3A_499 : i32 to index
      %swap3A_503 = arith.constant 0 : index
      %swap3A_504 = tpu.vector_load %arg13[%swap3A, %swap3A_503] {strides = array<i32>} : memref<64x256xf32, #tpu.memory_space<vmem>>, vector<1x16xf32>,
      %swap3A_505 = vector.shape_cast %swap3A_504 : vector<1x16xf32> to vector<16xf32>
      %swap3A_506 = vector.shape_cast %get3A_502 : vector<16xf32> to vector<1x16xf32>
      tpu.vector_store %arg13[%swap3A, %swap3A_503], %swap3A_506 {add = true, strides = array<i32>} : memref<64x256xf32, #tpu.memory_space<vmem>>, vector<1x16xf32>,
      %get3A_507 = arith.index_cast %scan3A_499 : i32 to index
      %get3A_508 = arith.constant 16 : index
      %get3A_509 = tpu.vector_load %arg7[%get3A_507, %get3A_508] {strides = array<i32>} : memref<64x256xf32, #tpu.memory_space<vmem>>, vector<1x16xf32>,
      %get3A_510 = vector.shape_cast %get3A_509 : vector<1x16xf32> to vector<16xf32>
      %swap3A_511 = arith.index_cast %scan3A_499 : i32 to index
      %swap3A_512 = arith.constant 16 : index
      %swap3A_513 = tpu.vector_load %arg13[%swap3A_511, %swap3A_512] {strides = array<i32>} : memref<64x256xf32, #tpu.memory_space<vmem>>, vector<1x16xf32>,
      %swap3A_514 = vector.shape_cast %swap3A_513 : vector<1x16xf32> to vector<16xf32>
      %swap3A_515 = vector.shape_cast %get3A_510 : vector<16xf32> to vector<1x16xf32>
      tpu.vector_store %arg13[%swap3A_511, %swap3A_512], %swap3A_515 {add = true, strides = array<i32>} : memref<64x256xf32, #tpu.memory_space<vmem>>, vector<1x16xf32>,
      %get3A_516 = arith.index_cast %scan3A_499 : i32 to index
      %get3A_517 = arith.constant 32 : index
      %get3A_518 = tpu.vector_load %arg7[%get3A_516, %get3A_517] {strides = array<i32>} : memref<64x256xf32, #tpu.memory_space<vmem>>, vector<1x16xf32>,
      %get3A_519 = vector.shape_cast %get3A_518 : vector<1x16xf32> to vector<16xf32>
      %swap3A_520 = arith.index_cast %scan3A_499 : i32 to index
      %swap3A_521 = arith.constant 32 : index
      %swap3A_522 = tpu.vector_load %arg13[%swap3A_520, %swap3A_521] {strides = array<i32>} : memref<64x256xf32, #tpu.memory_space<vmem>>, vector<1x16xf32>,
      %swap3A_523 = vector.shape_cast %swap3A_522 : vector<1x16xf32> to vector<16xf32>
      %swap3A_524 = vector.shape_cast %get3A_519 : vector<16xf32> to vector<1x16xf32>
      tpu.vector_store %arg13[%swap3A_520, %swap3A_521], %swap3A_524 {add = true, strides = array<i32>} : memref<64x256xf32, #tpu.memory_space<vmem>>, vector<1x16xf32>,
      %get3A_525 = arith.index_cast %scan3A_499 : i32 to index
      %get3A_526 = arith.constant 48 : index
      %get3A_527 = tpu.vector_load %arg7[%get3A_525, %get3A_526] {strides = array<i32>} : memref<64x256xf32, #tpu.memory_space<vmem>>, vector<1x16xf32>,
      %get3A_528 = vector.shape_cast %get3A_527 : vector<1x16xf32> to vector<16xf32>
      %swap3A_529 = arith.index_cast %scan3A_499 : i32 to index
      %swap3A_530 = arith.constant 48 : index
      %swap3A_531 = tpu.vector_load %arg13[%swap3A_529, %swap3A_530] {strides = array<i32>} : memref<64x256xf32, #tpu.memory_space<vmem>>, vector<1x16xf32>,
      %swap3A_532 = vector.shape_cast %swap3A_531 : vector<1x16xf32> to vector<16xf32>
      %swap3A_533 = vector.shape_cast %get3A_528 : vector<16xf32> to vector<1x16xf32>
      tpu.vector_store %arg13[%swap3A_529, %swap3A_530], %swap3A_533 {add = true, strides = array<i32>} : memref<64x256xf32, #tpu.memory_space<vmem>>, vector<1x16xf32>,
      %get3A_534 = arith.index_cast %scan3A_499 : i32 to index
      %get3A_535 = arith.constant 64 : index
      %get3A_536 = tpu.vector_load %arg7[%get3A_534, %get3A_535] {strides = array<i32>} : memref<64x256xf32, #tpu.memory_space<vmem>>, vector<1x16xf32>,
      %get3A_537 = vector.shape_cast %get3A_536 : vector<1x16xf32> to vector<16xf32>
      %swap3A_538 = arith.index_cast %scan3A_499 : i32 to index
      %swap3A_539 = arith.constant 64 : index
      %swap3A_540 = tpu.vector_load %arg13[%swap3A_538, %swap3A_539] {strides = array<i32>} : memref<64x256xf32, #tpu.memory_space<vmem>>, vector<1x16xf32>,
      %swap3A_541 = vector.shape_cast %swap3A_540 : vector<1x16xf32> to vector<16xf32>
      %swap3A_542 = vector.shape_cast %get3A_537 : vector<16xf32> to vector<1x16xf32>
      tpu.vector_store %arg13[%swap3A_538, %swap3A_539], %swap3A_542 {add = true, strides = array<i32>} : memref<64x256xf32, #tpu.memory_space<vmem>>, vector<1x16xf32>,
      %get3A_543 = arith.index_cast %scan3A_499 : i32 to index
      %get3A_544 = arith.constant 80 : index
      %get3A_545 = tpu.vector_load %arg7[%get3A_543, %get3A_544] {strides = array<i32>} : memref<64x256xf32, #tpu.memory_space<vmem>>, vector<1x16xf32>,
      %get3A_546 = vector.shape_cast %get3A_545 : vector<1x16xf32> to vector<16xf32>
      %swap3A_547 = arith.index_cast %scan3A_499 : i32 to index
      %swap3A_548 = arith.constant 80 : index
      %swap3A_549 = tpu.vector_load %arg13[%swap3A_547, %swap3A_548] {strides = array<i32>} : memref<64x256xf32, #tpu.memory_space<vmem>>, vector<1x16xf32>,
      %swap3A_550 = vector.shape_cast %swap3A_549 : vector<1x16xf32> to vector<16xf32>
      %swap3A_551 = vector.shape_cast %get3A_546 : vector<16xf32> to vector<1x16xf32>
      tpu.vector_store %arg13[%swap3A_547, %swap3A_548], %swap3A_551 {add = true, strides = array<i32>} : memref<64x256xf32, #tpu.memory_space<vmem>>, vector<1x16xf32>,
      %get3A_552 = arith.index_cast %scan3A_499 : i32 to index
      %get3A_553 = arith.constant 96 : index
      %get3A_554 = tpu.vector_load %arg7[%get3A_552, %get3A_553] {strides = array<i32>} : memref<64x256xf32, #tpu.memory_space<vmem>>, vector<1x16xf32>,
      %get3A_555 = vector.shape_cast %get3A_554 : vector<1x16xf32> to vector<16xf32>
      %swap3A_556 = arith.index_cast %scan3A_499 : i32 to index
      %swap3A_557 = arith.constant 96 : index
      %swap3A_558 = tpu.vector_load %arg13[%swap3A_556, %swap3A_557] {strides = array<i32>} : memref<64x256xf32, #tpu.memory_space<vmem>>, vector<1x16xf32>,
      %swap3A_559 = vector.shape_cast %swap3A_558 : vector<1x16xf32> to vector<16xf32>
      %swap3A_560 = vector.shape_cast %get3A_555 : vector<16xf32> to vector<1x16xf32>
      tpu.vector_store %arg13[%swap3A_556, %swap3A_557], %swap3A_560 {add = true, strides = array<i32>} : memref<64x256xf32, #tpu.memory_space<vmem>>, vector<1x16xf32>,
      %get3A_561 = arith.index_cast %scan3A_499 : i32 to index
      %get3A_562 = arith.constant 112 : index
      %get3A_563 = tpu.vector_load %arg7[%get3A_561, %get3A_562] {strides = array<i32>} : memref<64x256xf32, #tpu.memory_space<vmem>>, vector<1x16xf32>,
      %get3A_564 = vector.shape_cast %get3A_563 : vector<1x16xf32> to vector<16xf32>
      %swap3A_565 = arith.index_cast %scan3A_499 : i32 to index
      %swap3A_566 = arith.constant 112 : index
      %swap3A_567 = tpu.vector_load %arg13[%swap3A_565, %swap3A_566] {strides = array<i32>} : memref<64x256xf32, #tpu.memory_space<vmem>>, vector<1x16xf32>,
      %swap3A_568 = vector.shape_cast %swap3A_567 : vector<1x16xf32> to vector<16xf32>
      %swap3A_569 = vector.shape_cast %get3A_564 : vector<16xf32> to vector<1x16xf32>
      tpu.vector_store %arg13[%swap3A_565, %swap3A_566], %swap3A_569 {add = true, strides = array<i32>} : memref<64x256xf32, #tpu.memory_space<vmem>>, vector<1x16xf32>,
      %get3A_570 = arith.index_cast %scan3A_499 : i32 to index
      %get3A_571 = arith.constant 128 : index
      %get3A_572 = tpu.vector_load %arg7[%get3A_570, %get3A_571] {strides = array<i32>} : memref<64x256xf32, #tpu.memory_space<vmem>>, vector<1x16xf32>,
      %get3A_573 = vector.shape_cast %get3A_572 : vector<1x16xf32> to vector<16xf32>
      %swap3A_574 = arith.index_cast %scan3A_499 : i32 to index
      %swap3A_575 = arith.constant 128 : index
      %swap3A_576 = tpu.vector_load %arg13[%swap3A_574, %swap3A_575] {strides = array<i32>} : memref<64x256xf32, #tpu.memory_space<vmem>>, vector<1x16xf32>,
      %swap3A_577 = vector.shape_cast %swap3A_576 : vector<1x16xf32> to vector<16xf32>
      %swap3A_578 = vector.shape_cast %get3A_573 : vector<16xf32> to vector<1x16xf32>
      tpu.vector_store %arg13[%swap3A_574, %swap3A_575], %swap3A_578 {add = true, strides = array<i32>} : memref<64x256xf32, #tpu.memory_space<vmem>>, vector<1x16xf32>,
      %get3A_579 = arith.index_cast %scan3A_499 : i32 to index
      %get3A_580 = arith.constant 144 : index
      %get3A_581 = tpu.vector_load %arg7[%get3A_579, %get3A_580] {strides = array<i32>} : memref<64x256xf32, #tpu.memory_space<vmem>>, vector<1x16xf32>,
      %get3A_582 = vector.shape_cast %get3A_581 : vector<1x16xf32> to vector<16xf32>
      %swap3A_583 = arith.index_cast %scan3A_499 : i32 to index
      %swap3A_584 = arith.constant 144 : index
      %swap3A_585 = tpu.vector_load %arg13[%swap3A_583, %swap3A_584] {strides = array<i32>} : memref<64x256xf32, #tpu.memory_space<vmem>>, vector<1x16xf32>,
      %swap3A_586 = vector.shape_cast %swap3A_585 : vector<1x16xf32> to vector<16xf32>
      %swap3A_587 = vector.shape_cast %get3A_582 : vector<16xf32> to vector<1x16xf32>
      tpu.vector_store %arg13[%swap3A_583, %swap3A_584], %swap3A_587 {add = true, strides = array<i32>} : memref<64x256xf32, #tpu.memory_space<vmem>>, vector<1x16xf32>,
      %get3A_588 = arith.index_cast %scan3A_499 : i32 to index
      %get3A_589 = arith.constant 160 : index
      %get3A_590 = tpu.vector_load %arg7[%get3A_588, %get3A_589] {strides = array<i32>} : memref<64x256xf32, #tpu.memory_space<vmem>>, vector<1x16xf32>,
      %get3A_591 = vector.shape_cast %get3A_590 : vector<1x16xf32> to vector<16xf32>
      %swap3A_592 = arith.index_cast %scan3A_499 : i32 to index
      %swap3A_593 = arith.constant 160 : index
      %swap3A_594 = tpu.vector_load %arg13[%swap3A_592, %swap3A_593] {strides = array<i32>} : memref<64x256xf32, #tpu.memory_space<vmem>>, vector<1x16xf32>,
      %swap3A_595 = vector.shape_cast %swap3A_594 : vector<1x16xf32> to vector<16xf32>
      %swap3A_596 = vector.shape_cast %get3A_591 : vector<16xf32> to vector<1x16xf32>
      tpu.vector_store %arg13[%swap3A_592, %swap3A_593], %swap3A_596 {add = true, strides = array<i32>} : memref<64x256xf32, #tpu.memory_space<vmem>>, vector<1x16xf32>,
      %get3A_597 = arith.index_cast %scan3A_499 : i32 to index
      %get3A_598 = arith.constant 176 : index
      %get3A_599 = tpu.vector_load %arg7[%get3A_597, %get3A_598] {strides = array<i32>} : memref<64x256xf32, #tpu.memory_space<vmem>>, vector<1x16xf32>,
      %get3A_600 = vector.shape_cast %get3A_599 : vector<1x16xf32> to vector<16xf32>
      %swap3A_601 = arith.index_cast %scan3A_499 : i32 to index
      %swap3A_602 = arith.constant 176 : index
      %swap3A_603 = tpu.vector_load %arg13[%swap3A_601, %swap3A_602] {strides = array<i32>} : memref<64x256xf32, #tpu.memory_space<vmem>>, vector<1x16xf32>,
      %swap3A_604 = vector.shape_cast %swap3A_603 : vector<1x16xf32> to vector<16xf32>
      %swap3A_605 = vector.shape_cast %get3A_600 : vector<16xf32> to vector<1x16xf32>
      tpu.vector_store %arg13[%swap3A_601, %swap3A_602], %swap3A_605 {add = true, strides = array<i32>} : memref<64x256xf32, #tpu.memory_space<vmem>>, vector<1x16xf32>,
      %get3A_606 = arith.index_cast %scan3A_499 : i32 to index
      %get3A_607 = arith.constant 192 : index
      %get3A_608 = tpu.vector_load %arg7[%get3A_606, %get3A_607] {strides = array<i32>} : memref<64x256xf32, #tpu.memory_space<vmem>>, vector<1x16xf32>,
      %get3A_609 = vector.shape_cast %get3A_608 : vector<1x16xf32> to vector<16xf32>
      %swap3A_610 = arith.index_cast %scan3A_499 : i32 to index
      %swap3A_611 = arith.constant 192 : index
      %swap3A_612 = tpu.vector_load %arg13[%swap3A_610, %swap3A_611] {strides = array<i32>} : memref<64x256xf32, #tpu.memory_space<vmem>>, vector<1x16xf32>,
      %swap3A_613 = vector.shape_cast %swap3A_612 : vector<1x16xf32> to vector<16xf32>
      %swap3A_614 = vector.shape_cast %get3A_609 : vector<16xf32> to vector<1x16xf32>
      tpu.vector_store %arg13[%swap3A_610, %swap3A_611], %swap3A_614 {add = true, strides = array<i32>} : memref<64x256xf32, #tpu.memory_space<vmem>>, vector<1x16xf32>,
      %get3A_615 = arith.index_cast %scan3A_499 : i32 to index
      %get3A_616 = arith.constant 208 : index
      %get3A_617 = tpu.vector_load %arg7[%get3A_615, %get3A_616] {strides = array<i32>} : memref<64x256xf32, #tpu.memory_space<vmem>>, vector<1x16xf32>,
      %get3A_618 = vector.shape_cast %get3A_617 : vector<1x16xf32> to vector<16xf32>
      %swap3A_619 = arith.index_cast %scan3A_499 : i32 to index
      %swap3A_620 = arith.constant 208 : index
      %swap3A_621 = tpu.vector_load %arg13[%swap3A_619, %swap3A_620] {strides = array<i32>} : memref<64x256xf32, #tpu.memory_space<vmem>>, vector<1x16xf32>,
      %swap3A_622 = vector.shape_cast %swap3A_621 : vector<1x16xf32> to vector<16xf32>
      %swap3A_623 = vector.shape_cast %get3A_618 : vector<16xf32> to vector<1x16xf32>
      tpu.vector_store %arg13[%swap3A_619, %swap3A_620], %swap3A_623 {add = true, strides = array<i32>} : memref<64x256xf32, #tpu.memory_space<vmem>>, vector<1x16xf32>,
      %get3A_624 = arith.index_cast %scan3A_499 : i32 to index
      %get3A_625 = arith.constant 224 : index
      %get3A_626 = tpu.vector_load %arg7[%get3A_624, %get3A_625] {strides = array<i32>} : memref<64x256xf32, #tpu.memory_space<vmem>>, vector<1x16xf32>,
      %get3A_627 = vector.shape_cast %get3A_626 : vector<1x16xf32> to vector<16xf32>
      %swap3A_628 = arith.index_cast %scan3A_499 : i32 to index
      %swap3A_629 = arith.constant 224 : index
      %swap3A_630 = tpu.vector_load %arg13[%swap3A_628, %swap3A_629] {strides = array<i32>} : memref<64x256xf32, #tpu.memory_space<vmem>>, vector<1x16xf32>,
      %swap3A_631 = vector.shape_cast %swap3A_630 : vector<1x16xf32> to vector<16xf32>
      %swap3A_632 = vector.shape_cast %get3A_627 : vector<16xf32> to vector<1x16xf32>
      tpu.vector_store %arg13[%swap3A_628, %swap3A_629], %swap3A_632 {add = true, strides = array<i32>} : memref<64x256xf32, #tpu.memory_space<vmem>>, vector<1x16xf32>,
      %get3A_633 = arith.index_cast %scan3A_499 : i32 to index
      %get3A_634 = arith.constant 240 : index
      %get3A_635 = tpu.vector_load %arg7[%get3A_633, %get3A_634] {strides = array<i32>} : memref<64x256xf32, #tpu.memory_space<vmem>>, vector<1x16xf32>,
      %get3A_636 = vector.shape_cast %get3A_635 : vector<1x16xf32> to vector<16xf32>
      %swap3A_637 = arith.index_cast %scan3A_499 : i32 to index
      %swap3A_638 = arith.constant 240 : index
      %swap3A_639 = tpu.vector_load %arg13[%swap3A_637, %swap3A_638] {strides = array<i32>} : memref<64x256xf32, #tpu.memory_space<vmem>>, vector<1x16xf32>,
      %swap3A_640 = vector.shape_cast %swap3A_639 : vector<1x16xf32> to vector<16xf32>
      %swap3A_641 = vector.shape_cast %get3A_636 : vector<16xf32> to vector<1x16xf32>
      tpu.vector_store %arg13[%swap3A_637, %swap3A_638], %swap3A_641 {add = true, strides = array<i32>} : memref<64x256xf32, #tpu.memory_space<vmem>>, vector<1x16xf32>,
    }
    %scan3A_386 = arith.constant 64 : i32
    %add3A_387 = arith.constant 22528 : i32
    %add3A_388 = arith.addi %add3A_387, %mul3A_2 : i32
    %dma_start3A_389 = arith.constant 0 : i32
    %dma_start3A_390 = tpu.memref_slice %arg5[%add3A_388, %dma_start3A_389] : memref<32768x256xf32, #tpu.memory_space<hbm>> -> memref<64x256xf32, #tpu.memory_space<hbm>>
    %dma_start3A_391 = arith.constant 0 : i32
    %dma_start3A_392 = tpu.memref_slice %arg5[%add3A_388, %dma_start3A_391] : memref<32768x256xf32, #tpu.memory_space<hbm>> -> memref<64x256xf32, #tpu.memory_space<hbm>>
    tpu.enqueue_dma source(%arg13 : memref<64x256xf32, #tpu.memory_space<vmem>>) target(%dma_start3A_392 : memref<64x256xf32, #tpu.memory_space<hbm>>) target_semaphore(%arg25 : memref<!tpu.dma_semaphore, #tpu.memory_space<semaphore_mem>>)
    %dma_wait3A_393 = arith.constant 0 : i32
    %dma_wait3A_394 = tpu.memref_slice %arg5[%add3A_332, %dma_wait3A_393] : memref<32768x256xf32, #tpu.memory_space<hbm>> -> memref<64x256xf32, #tpu.memory_space<hbm>>
    %dma_wait3A_395 = arith.constant 0 : i32
    %dma_wait3A_396 = tpu.memref_slice %arg5[%add3A_332, %dma_wait3A_395] : memref<32768x256xf32, #tpu.memory_space<hbm>> -> memref<64x256xf32, #tpu.memory_space<hbm>>
    tpu.wait_dma2 semaphore(%arg23 : memref<!tpu.dma_semaphore, #tpu.memory_space<semaphore_mem>>) src(%arg11 : memref<64x256xf32, #tpu.memory_space<vmem>>) dst(%dma_wait3A_396 : memref<64x256xf32, #tpu.memory_space<hbm>>)
    %dma_start3A_397 = arith.constant 15 : i32
    %dma_start3A_398 = tpu.memref_slice %arg6[%dma_start3A_397, %multiple_of3A_37] : memref<16x128xi32, #tpu.memory_space<vmem>> -> memref<1x64xi32, #tpu.memory_space<vmem>>
    %dma_start3A_399 = tpu.memref_squeeze %dma_start3A_398 : memref<1x64xi32, #tpu.memory_space<vmem>> -> memref<64xi32, #tpu.memory_space<vmem>>
    %dma_start3A_400 = arith.constant 0 : i32
    %dma_start3A_401 = arith.constant 0 : i32
    %dma_start3A_402 = tpu.memref_slice %arg3[%dma_start3A_400, %dma_start3A_401] : memref<50257x256xf32, #tpu.memory_space<hbm>> -> memref<50257x256xf32, #tpu.memory_space<hbm>>
    tpu.enqueue_indirect_dma source(%dma_start3A_402 : memref<50257x256xf32, #tpu.memory_space<hbm>>) target(%arg11 : memref<64x256xf32, #tpu.memory_space<vmem>>) offsets(%dma_start3A_399 : memref<64xi32, #tpu.memory_space<vmem>>) semaphore(%arg17 : memref<!tpu.dma_semaphore, #tpu.memory_space<semaphore_mem>>)
    %dma_wait3A_403 = arith.constant 12 : i32
    %dma_wait3A_404 = tpu.memref_slice %arg6[%dma_wait3A_403, %multiple_of3A_37] : memref<16x128xi32, #tpu.memory_space<vmem>> -> memref<1x64xi32, #tpu.memory_space<vmem>>
    %dma_wait3A_405 = tpu.memref_squeeze %dma_wait3A_404 : memref<1x64xi32, #tpu.memory_space<vmem>> -> memref<64xi32, #tpu.memory_space<vmem>>
    %dma_wait3A_406 = arith.constant 0 : i32
    %dma_wait3A_407 = arith.constant 0 : i32
    %dma_wait3A_408 = tpu.memref_slice %arg3[%dma_wait3A_406, %dma_wait3A_407] : memref<50257x256xf32, #tpu.memory_space<hbm>> -> memref<50257x256xf32, #tpu.memory_space<hbm>>
    tpu.wait_indirect_dma semaphore(%arg14 : memref<!tpu.dma_semaphore, #tpu.memory_space<semaphore_mem>>) src(%dma_wait3A_408 : memref<50257x256xf32, #tpu.memory_space<hbm>>) dst(%arg8 : memref<64x256xf32, #tpu.memory_space<vmem>>)
    %scan3A_409 = arith.constant 0 : i32
    %scan3A_410 = arith.constant 0 : i32
    %scan3A_411 = arith.constant 64 : i32
    %scan3A_412 = arith.addi %scan3A_410, %scan3A_411 : i32
    %scan3A_413 = arith.constant 1 : i32
    scf.for %scan3A_499 = %scan3A_410 to %scan3A_412 step %scan3A_413  : i32 {
      %get3A = arith.index_cast %scan3A_499 : i32 to index
      %get3A_500 = arith.constant 0 : index
      %get3A_501 = tpu.vector_load %arg7[%get3A, %get3A_500] {strides = array<i32>} : memref<64x256xf32, #tpu.memory_space<vmem>>, vector<1x16xf32>,
      %get3A_502 = vector.shape_cast %get3A_501 : vector<1x16xf32> to vector<16xf32>
      %swap3A = arith.index_cast %scan3A_499 : i32 to index
      %swap3A_503 = arith.constant 0 : index
      %swap3A_504 = tpu.vector_load %arg8[%swap3A, %swap3A_503] {strides = array<i32>} : memref<64x256xf32, #tpu.memory_space<vmem>>, vector<1x16xf32>,
      %swap3A_505 = vector.shape_cast %swap3A_504 : vector<1x16xf32> to vector<16xf32>
      %swap3A_506 = vector.shape_cast %get3A_502 : vector<16xf32> to vector<1x16xf32>
      tpu.vector_store %arg8[%swap3A, %swap3A_503], %swap3A_506 {add = true, strides = array<i32>} : memref<64x256xf32, #tpu.memory_space<vmem>>, vector<1x16xf32>,
      %get3A_507 = arith.index_cast %scan3A_499 : i32 to index
      %get3A_508 = arith.constant 16 : index
      %get3A_509 = tpu.vector_load %arg7[%get3A_507, %get3A_508] {strides = array<i32>} : memref<64x256xf32, #tpu.memory_space<vmem>>, vector<1x16xf32>,
      %get3A_510 = vector.shape_cast %get3A_509 : vector<1x16xf32> to vector<16xf32>
      %swap3A_511 = arith.index_cast %scan3A_499 : i32 to index
      %swap3A_512 = arith.constant 16 : index
      %swap3A_513 = tpu.vector_load %arg8[%swap3A_511, %swap3A_512] {strides = array<i32>} : memref<64x256xf32, #tpu.memory_space<vmem>>, vector<1x16xf32>,
      %swap3A_514 = vector.shape_cast %swap3A_513 : vector<1x16xf32> to vector<16xf32>
      %swap3A_515 = vector.shape_cast %get3A_510 : vector<16xf32> to vector<1x16xf32>
      tpu.vector_store %arg8[%swap3A_511, %swap3A_512], %swap3A_515 {add = true, strides = array<i32>} : memref<64x256xf32, #tpu.memory_space<vmem>>, vector<1x16xf32>,
      %get3A_516 = arith.index_cast %scan3A_499 : i32 to index
      %get3A_517 = arith.constant 32 : index
      %get3A_518 = tpu.vector_load %arg7[%get3A_516, %get3A_517] {strides = array<i32>} : memref<64x256xf32, #tpu.memory_space<vmem>>, vector<1x16xf32>,
      %get3A_519 = vector.shape_cast %get3A_518 : vector<1x16xf32> to vector<16xf32>
      %swap3A_520 = arith.index_cast %scan3A_499 : i32 to index
      %swap3A_521 = arith.constant 32 : index
      %swap3A_522 = tpu.vector_load %arg8[%swap3A_520, %swap3A_521] {strides = array<i32>} : memref<64x256xf32, #tpu.memory_space<vmem>>, vector<1x16xf32>,
      %swap3A_523 = vector.shape_cast %swap3A_522 : vector<1x16xf32> to vector<16xf32>
      %swap3A_524 = vector.shape_cast %get3A_519 : vector<16xf32> to vector<1x16xf32>
      tpu.vector_store %arg8[%swap3A_520, %swap3A_521], %swap3A_524 {add = true, strides = array<i32>} : memref<64x256xf32, #tpu.memory_space<vmem>>, vector<1x16xf32>,
      %get3A_525 = arith.index_cast %scan3A_499 : i32 to index
      %get3A_526 = arith.constant 48 : index
      %get3A_527 = tpu.vector_load %arg7[%get3A_525, %get3A_526] {strides = array<i32>} : memref<64x256xf32, #tpu.memory_space<vmem>>, vector<1x16xf32>,
      %get3A_528 = vector.shape_cast %get3A_527 : vector<1x16xf32> to vector<16xf32>
      %swap3A_529 = arith.index_cast %scan3A_499 : i32 to index
      %swap3A_530 = arith.constant 48 : index
      %swap3A_531 = tpu.vector_load %arg8[%swap3A_529, %swap3A_530] {strides = array<i32>} : memref<64x256xf32, #tpu.memory_space<vmem>>, vector<1x16xf32>,
      %swap3A_532 = vector.shape_cast %swap3A_531 : vector<1x16xf32> to vector<16xf32>
      %swap3A_533 = vector.shape_cast %get3A_528 : vector<16xf32> to vector<1x16xf32>
      tpu.vector_store %arg8[%swap3A_529, %swap3A_530], %swap3A_533 {add = true, strides = array<i32>} : memref<64x256xf32, #tpu.memory_space<vmem>>, vector<1x16xf32>,
      %get3A_534 = arith.index_cast %scan3A_499 : i32 to index
      %get3A_535 = arith.constant 64 : index
      %get3A_536 = tpu.vector_load %arg7[%get3A_534, %get3A_535] {strides = array<i32>} : memref<64x256xf32, #tpu.memory_space<vmem>>, vector<1x16xf32>,
      %get3A_537 = vector.shape_cast %get3A_536 : vector<1x16xf32> to vector<16xf32>
      %swap3A_538 = arith.index_cast %scan3A_499 : i32 to index
      %swap3A_539 = arith.constant 64 : index
      %swap3A_540 = tpu.vector_load %arg8[%swap3A_538, %swap3A_539] {strides = array<i32>} : memref<64x256xf32, #tpu.memory_space<vmem>>, vector<1x16xf32>,
      %swap3A_541 = vector.shape_cast %swap3A_540 : vector<1x16xf32> to vector<16xf32>
      %swap3A_542 = vector.shape_cast %get3A_537 : vector<16xf32> to vector<1x16xf32>
      tpu.vector_store %arg8[%swap3A_538, %swap3A_539], %swap3A_542 {add = true, strides = array<i32>} : memref<64x256xf32, #tpu.memory_space<vmem>>, vector<1x16xf32>,
      %get3A_543 = arith.index_cast %scan3A_499 : i32 to index
      %get3A_544 = arith.constant 80 : index
      %get3A_545 = tpu.vector_load %arg7[%get3A_543, %get3A_544] {strides = array<i32>} : memref<64x256xf32, #tpu.memory_space<vmem>>, vector<1x16xf32>,
      %get3A_546 = vector.shape_cast %get3A_545 : vector<1x16xf32> to vector<16xf32>
      %swap3A_547 = arith.index_cast %scan3A_499 : i32 to index
      %swap3A_548 = arith.constant 80 : index
      %swap3A_549 = tpu.vector_load %arg8[%swap3A_547, %swap3A_548] {strides = array<i32>} : memref<64x256xf32, #tpu.memory_space<vmem>>, vector<1x16xf32>,
      %swap3A_550 = vector.shape_cast %swap3A_549 : vector<1x16xf32> to vector<16xf32>
      %swap3A_551 = vector.shape_cast %get3A_546 : vector<16xf32> to vector<1x16xf32>
      tpu.vector_store %arg8[%swap3A_547, %swap3A_548], %swap3A_551 {add = true, strides = array<i32>} : memref<64x256xf32, #tpu.memory_space<vmem>>, vector<1x16xf32>,
      %get3A_552 = arith.index_cast %scan3A_499 : i32 to index
      %get3A_553 = arith.constant 96 : index
      %get3A_554 = tpu.vector_load %arg7[%get3A_552, %get3A_553] {strides = array<i32>} : memref<64x256xf32, #tpu.memory_space<vmem>>, vector<1x16xf32>,
      %get3A_555 = vector.shape_cast %get3A_554 : vector<1x16xf32> to vector<16xf32>
      %swap3A_556 = arith.index_cast %scan3A_499 : i32 to index
      %swap3A_557 = arith.constant 96 : index
      %swap3A_558 = tpu.vector_load %arg8[%swap3A_556, %swap3A_557] {strides = array<i32>} : memref<64x256xf32, #tpu.memory_space<vmem>>, vector<1x16xf32>,
      %swap3A_559 = vector.shape_cast %swap3A_558 : vector<1x16xf32> to vector<16xf32>
      %swap3A_560 = vector.shape_cast %get3A_555 : vector<16xf32> to vector<1x16xf32>
      tpu.vector_store %arg8[%swap3A_556, %swap3A_557], %swap3A_560 {add = true, strides = array<i32>} : memref<64x256xf32, #tpu.memory_space<vmem>>, vector<1x16xf32>,
      %get3A_561 = arith.index_cast %scan3A_499 : i32 to index
      %get3A_562 = arith.constant 112 : index
      %get3A_563 = tpu.vector_load %arg7[%get3A_561, %get3A_562] {strides = array<i32>} : memref<64x256xf32, #tpu.memory_space<vmem>>, vector<1x16xf32>,
      %get3A_564 = vector.shape_cast %get3A_563 : vector<1x16xf32> to vector<16xf32>
      %swap3A_565 = arith.index_cast %scan3A_499 : i32 to index
      %swap3A_566 = arith.constant 112 : index
      %swap3A_567 = tpu.vector_load %arg8[%swap3A_565, %swap3A_566] {strides = array<i32>} : memref<64x256xf32, #tpu.memory_space<vmem>>, vector<1x16xf32>,
      %swap3A_568 = vector.shape_cast %swap3A_567 : vector<1x16xf32> to vector<16xf32>
      %swap3A_569 = vector.shape_cast %get3A_564 : vector<16xf32> to vector<1x16xf32>
      tpu.vector_store %arg8[%swap3A_565, %swap3A_566], %swap3A_569 {add = true, strides = array<i32>} : memref<64x256xf32, #tpu.memory_space<vmem>>, vector<1x16xf32>,
      %get3A_570 = arith.index_cast %scan3A_499 : i32 to index
      %get3A_571 = arith.constant 128 : index
      %get3A_572 = tpu.vector_load %arg7[%get3A_570, %get3A_571] {strides = array<i32>} : memref<64x256xf32, #tpu.memory_space<vmem>>, vector<1x16xf32>,
      %get3A_573 = vector.shape_cast %get3A_572 : vector<1x16xf32> to vector<16xf32>
      %swap3A_574 = arith.index_cast %scan3A_499 : i32 to index
      %swap3A_575 = arith.constant 128 : index
      %swap3A_576 = tpu.vector_load %arg8[%swap3A_574, %swap3A_575] {strides = array<i32>} : memref<64x256xf32, #tpu.memory_space<vmem>>, vector<1x16xf32>,
      %swap3A_577 = vector.shape_cast %swap3A_576 : vector<1x16xf32> to vector<16xf32>
      %swap3A_578 = vector.shape_cast %get3A_573 : vector<16xf32> to vector<1x16xf32>
      tpu.vector_store %arg8[%swap3A_574, %swap3A_575], %swap3A_578 {add = true, strides = array<i32>} : memref<64x256xf32, #tpu.memory_space<vmem>>, vector<1x16xf32>,
      %get3A_579 = arith.index_cast %scan3A_499 : i32 to index
      %get3A_580 = arith.constant 144 : index
      %get3A_581 = tpu.vector_load %arg7[%get3A_579, %get3A_580] {strides = array<i32>} : memref<64x256xf32, #tpu.memory_space<vmem>>, vector<1x16xf32>,
      %get3A_582 = vector.shape_cast %get3A_581 : vector<1x16xf32> to vector<16xf32>
      %swap3A_583 = arith.index_cast %scan3A_499 : i32 to index
      %swap3A_584 = arith.constant 144 : index
      %swap3A_585 = tpu.vector_load %arg8[%swap3A_583, %swap3A_584] {strides = array<i32>} : memref<64x256xf32, #tpu.memory_space<vmem>>, vector<1x16xf32>,
      %swap3A_586 = vector.shape_cast %swap3A_585 : vector<1x16xf32> to vector<16xf32>
      %swap3A_587 = vector.shape_cast %get3A_582 : vector<16xf32> to vector<1x16xf32>
      tpu.vector_store %arg8[%swap3A_583, %swap3A_584], %swap3A_587 {add = true, strides = array<i32>} : memref<64x256xf32, #tpu.memory_space<vmem>>, vector<1x16xf32>,
      %get3A_588 = arith.index_cast %scan3A_499 : i32 to index
      %get3A_589 = arith.constant 160 : index
      %get3A_590 = tpu.vector_load %arg7[%get3A_588, %get3A_589] {strides = array<i32>} : memref<64x256xf32, #tpu.memory_space<vmem>>, vector<1x16xf32>,
      %get3A_591 = vector.shape_cast %get3A_590 : vector<1x16xf32> to vector<16xf32>
      %swap3A_592 = arith.index_cast %scan3A_499 : i32 to index
      %swap3A_593 = arith.constant 160 : index
      %swap3A_594 = tpu.vector_load %arg8[%swap3A_592, %swap3A_593] {strides = array<i32>} : memref<64x256xf32, #tpu.memory_space<vmem>>, vector<1x16xf32>,
      %swap3A_595 = vector.shape_cast %swap3A_594 : vector<1x16xf32> to vector<16xf32>
      %swap3A_596 = vector.shape_cast %get3A_591 : vector<16xf32> to vector<1x16xf32>
      tpu.vector_store %arg8[%swap3A_592, %swap3A_593], %swap3A_596 {add = true, strides = array<i32>} : memref<64x256xf32, #tpu.memory_space<vmem>>, vector<1x16xf32>,
      %get3A_597 = arith.index_cast %scan3A_499 : i32 to index
      %get3A_598 = arith.constant 176 : index
      %get3A_599 = tpu.vector_load %arg7[%get3A_597, %get3A_598] {strides = array<i32>} : memref<64x256xf32, #tpu.memory_space<vmem>>, vector<1x16xf32>,
      %get3A_600 = vector.shape_cast %get3A_599 : vector<1x16xf32> to vector<16xf32>
      %swap3A_601 = arith.index_cast %scan3A_499 : i32 to index
      %swap3A_602 = arith.constant 176 : index
      %swap3A_603 = tpu.vector_load %arg8[%swap3A_601, %swap3A_602] {strides = array<i32>} : memref<64x256xf32, #tpu.memory_space<vmem>>, vector<1x16xf32>,
      %swap3A_604 = vector.shape_cast %swap3A_603 : vector<1x16xf32> to vector<16xf32>
      %swap3A_605 = vector.shape_cast %get3A_600 : vector<16xf32> to vector<1x16xf32>
      tpu.vector_store %arg8[%swap3A_601, %swap3A_602], %swap3A_605 {add = true, strides = array<i32>} : memref<64x256xf32, #tpu.memory_space<vmem>>, vector<1x16xf32>,
      %get3A_606 = arith.index_cast %scan3A_499 : i32 to index
      %get3A_607 = arith.constant 192 : index
      %get3A_608 = tpu.vector_load %arg7[%get3A_606, %get3A_607] {strides = array<i32>} : memref<64x256xf32, #tpu.memory_space<vmem>>, vector<1x16xf32>,
      %get3A_609 = vector.shape_cast %get3A_608 : vector<1x16xf32> to vector<16xf32>
      %swap3A_610 = arith.index_cast %scan3A_499 : i32 to index
      %swap3A_611 = arith.constant 192 : index
      %swap3A_612 = tpu.vector_load %arg8[%swap3A_610, %swap3A_611] {strides = array<i32>} : memref<64x256xf32, #tpu.memory_space<vmem>>, vector<1x16xf32>,
      %swap3A_613 = vector.shape_cast %swap3A_612 : vector<1x16xf32> to vector<16xf32>
      %swap3A_614 = vector.shape_cast %get3A_609 : vector<16xf32> to vector<1x16xf32>
      tpu.vector_store %arg8[%swap3A_610, %swap3A_611], %swap3A_614 {add = true, strides = array<i32>} : memref<64x256xf32, #tpu.memory_space<vmem>>, vector<1x16xf32>,
      %get3A_615 = arith.index_cast %scan3A_499 : i32 to index
      %get3A_616 = arith.constant 208 : index
      %get3A_617 = tpu.vector_load %arg7[%get3A_615, %get3A_616] {strides = array<i32>} : memref<64x256xf32, #tpu.memory_space<vmem>>, vector<1x16xf32>,
      %get3A_618 = vector.shape_cast %get3A_617 : vector<1x16xf32> to vector<16xf32>
      %swap3A_619 = arith.index_cast %scan3A_499 : i32 to index
      %swap3A_620 = arith.constant 208 : index
      %swap3A_621 = tpu.vector_load %arg8[%swap3A_619, %swap3A_620] {strides = array<i32>} : memref<64x256xf32, #tpu.memory_space<vmem>>, vector<1x16xf32>,
      %swap3A_622 = vector.shape_cast %swap3A_621 : vector<1x16xf32> to vector<16xf32>
      %swap3A_623 = vector.shape_cast %get3A_618 : vector<16xf32> to vector<1x16xf32>
      tpu.vector_store %arg8[%swap3A_619, %swap3A_620], %swap3A_623 {add = true, strides = array<i32>} : memref<64x256xf32, #tpu.memory_space<vmem>>, vector<1x16xf32>,
      %get3A_624 = arith.index_cast %scan3A_499 : i32 to index
      %get3A_625 = arith.constant 224 : index
      %get3A_626 = tpu.vector_load %arg7[%get3A_624, %get3A_625] {strides = array<i32>} : memref<64x256xf32, #tpu.memory_space<vmem>>, vector<1x16xf32>,
      %get3A_627 = vector.shape_cast %get3A_626 : vector<1x16xf32> to vector<16xf32>
      %swap3A_628 = arith.index_cast %scan3A_499 : i32 to index
      %swap3A_629 = arith.constant 224 : index
      %swap3A_630 = tpu.vector_load %arg8[%swap3A_628, %swap3A_629] {strides = array<i32>} : memref<64x256xf32, #tpu.memory_space<vmem>>, vector<1x16xf32>,
      %swap3A_631 = vector.shape_cast %swap3A_630 : vector<1x16xf32> to vector<16xf32>
      %swap3A_632 = vector.shape_cast %get3A_627 : vector<16xf32> to vector<1x16xf32>
      tpu.vector_store %arg8[%swap3A_628, %swap3A_629], %swap3A_632 {add = true, strides = array<i32>} : memref<64x256xf32, #tpu.memory_space<vmem>>, vector<1x16xf32>,
      %get3A_633 = arith.index_cast %scan3A_499 : i32 to index
      %get3A_634 = arith.constant 240 : index
      %get3A_635 = tpu.vector_load %arg7[%get3A_633, %get3A_634] {strides = array<i32>} : memref<64x256xf32, #tpu.memory_space<vmem>>, vector<1x16xf32>,
      %get3A_636 = vector.shape_cast %get3A_635 : vector<1x16xf32> to vector<16xf32>
      %swap3A_637 = arith.index_cast %scan3A_499 : i32 to index
      %swap3A_638 = arith.constant 240 : index
      %swap3A_639 = tpu.vector_load %arg8[%swap3A_637, %swap3A_638] {strides = array<i32>} : memref<64x256xf32, #tpu.memory_space<vmem>>, vector<1x16xf32>,
      %swap3A_640 = vector.shape_cast %swap3A_639 : vector<1x16xf32> to vector<16xf32>
      %swap3A_641 = vector.shape_cast %get3A_636 : vector<16xf32> to vector<1x16xf32>
      tpu.vector_store %arg8[%swap3A_637, %swap3A_638], %swap3A_641 {add = true, strides = array<i32>} : memref<64x256xf32, #tpu.memory_space<vmem>>, vector<1x16xf32>,
    }
    %scan3A_414 = arith.constant 64 : i32
    %add3A_415 = arith.constant 24576 : i32
    %add3A_416 = arith.addi %add3A_415, %mul3A_2 : i32
    %dma_start3A_417 = arith.constant 0 : i32
    %dma_start3A_418 = tpu.memref_slice %arg5[%add3A_416, %dma_start3A_417] : memref<32768x256xf32, #tpu.memory_space<hbm>> -> memref<64x256xf32, #tpu.memory_space<hbm>>
    %dma_start3A_419 = arith.constant 0 : i32
    %dma_start3A_420 = tpu.memref_slice %arg5[%add3A_416, %dma_start3A_419] : memref<32768x256xf32, #tpu.memory_space<hbm>> -> memref<64x256xf32, #tpu.memory_space<hbm>>
    tpu.enqueue_dma source(%arg8 : memref<64x256xf32, #tpu.memory_space<vmem>>) target(%dma_start3A_420 : memref<64x256xf32, #tpu.memory_space<hbm>>) target_semaphore(%arg20 : memref<!tpu.dma_semaphore, #tpu.memory_space<semaphore_mem>>)
    %dma_wait3A_421 = arith.constant 13 : i32
    %dma_wait3A_422 = tpu.memref_slice %arg6[%dma_wait3A_421, %multiple_of3A_37] : memref<16x128xi32, #tpu.memory_space<vmem>> -> memref<1x64xi32, #tpu.memory_space<vmem>>
    %dma_wait3A_423 = tpu.memref_squeeze %dma_wait3A_422 : memref<1x64xi32, #tpu.memory_space<vmem>> -> memref<64xi32, #tpu.memory_space<vmem>>
    %dma_wait3A_424 = arith.constant 0 : i32
    %dma_wait3A_425 = arith.constant 0 : i32
    %dma_wait3A_426 = tpu.memref_slice %arg3[%dma_wait3A_424, %dma_wait3A_425] : memref<50257x256xf32, #tpu.memory_space<hbm>> -> memref<50257x256xf32, #tpu.memory_space<hbm>>
    tpu.wait_indirect_dma semaphore(%arg15 : memref<!tpu.dma_semaphore, #tpu.memory_space<semaphore_mem>>) src(%dma_wait3A_426 : memref<50257x256xf32, #tpu.memory_space<hbm>>) dst(%arg9 : memref<64x256xf32, #tpu.memory_space<vmem>>)
    %scan3A_427 = arith.constant 0 : i32
    %scan3A_428 = arith.constant 0 : i32
    %scan3A_429 = arith.constant 64 : i32
    %scan3A_430 = arith.addi %scan3A_428, %scan3A_429 : i32
    %scan3A_431 = arith.constant 1 : i32
    scf.for %scan3A_499 = %scan3A_428 to %scan3A_430 step %scan3A_431  : i32 {
      %get3A = arith.index_cast %scan3A_499 : i32 to index
      %get3A_500 = arith.constant 0 : index
      %get3A_501 = tpu.vector_load %arg7[%get3A, %get3A_500] {strides = array<i32>} : memref<64x256xf32, #tpu.memory_space<vmem>>, vector<1x16xf32>,
      %get3A_502 = vector.shape_cast %get3A_501 : vector<1x16xf32> to vector<16xf32>
      %swap3A = arith.index_cast %scan3A_499 : i32 to index
      %swap3A_503 = arith.constant 0 : index
      %swap3A_504 = tpu.vector_load %arg9[%swap3A, %swap3A_503] {strides = array<i32>} : memref<64x256xf32, #tpu.memory_space<vmem>>, vector<1x16xf32>,
      %swap3A_505 = vector.shape_cast %swap3A_504 : vector<1x16xf32> to vector<16xf32>
      %swap3A_506 = vector.shape_cast %get3A_502 : vector<16xf32> to vector<1x16xf32>
      tpu.vector_store %arg9[%swap3A, %swap3A_503], %swap3A_506 {add = true, strides = array<i32>} : memref<64x256xf32, #tpu.memory_space<vmem>>, vector<1x16xf32>,
      %get3A_507 = arith.index_cast %scan3A_499 : i32 to index
      %get3A_508 = arith.constant 16 : index
      %get3A_509 = tpu.vector_load %arg7[%get3A_507, %get3A_508] {strides = array<i32>} : memref<64x256xf32, #tpu.memory_space<vmem>>, vector<1x16xf32>,
      %get3A_510 = vector.shape_cast %get3A_509 : vector<1x16xf32> to vector<16xf32>
      %swap3A_511 = arith.index_cast %scan3A_499 : i32 to index
      %swap3A_512 = arith.constant 16 : index
      %swap3A_513 = tpu.vector_load %arg9[%swap3A_511, %swap3A_512] {strides = array<i32>} : memref<64x256xf32, #tpu.memory_space<vmem>>, vector<1x16xf32>,
      %swap3A_514 = vector.shape_cast %swap3A_513 : vector<1x16xf32> to vector<16xf32>
      %swap3A_515 = vector.shape_cast %get3A_510 : vector<16xf32> to vector<1x16xf32>
      tpu.vector_store %arg9[%swap3A_511, %swap3A_512], %swap3A_515 {add = true, strides = array<i32>} : memref<64x256xf32, #tpu.memory_space<vmem>>, vector<1x16xf32>,
      %get3A_516 = arith.index_cast %scan3A_499 : i32 to index
      %get3A_517 = arith.constant 32 : index
      %get3A_518 = tpu.vector_load %arg7[%get3A_516, %get3A_517] {strides = array<i32>} : memref<64x256xf32, #tpu.memory_space<vmem>>, vector<1x16xf32>,
      %get3A_519 = vector.shape_cast %get3A_518 : vector<1x16xf32> to vector<16xf32>
      %swap3A_520 = arith.index_cast %scan3A_499 : i32 to index
      %swap3A_521 = arith.constant 32 : index
      %swap3A_522 = tpu.vector_load %arg9[%swap3A_520, %swap3A_521] {strides = array<i32>} : memref<64x256xf32, #tpu.memory_space<vmem>>, vector<1x16xf32>,
      %swap3A_523 = vector.shape_cast %swap3A_522 : vector<1x16xf32> to vector<16xf32>
      %swap3A_524 = vector.shape_cast %get3A_519 : vector<16xf32> to vector<1x16xf32>
      tpu.vector_store %arg9[%swap3A_520, %swap3A_521], %swap3A_524 {add = true, strides = array<i32>} : memref<64x256xf32, #tpu.memory_space<vmem>>, vector<1x16xf32>,
      %get3A_525 = arith.index_cast %scan3A_499 : i32 to index
      %get3A_526 = arith.constant 48 : index
      %get3A_527 = tpu.vector_load %arg7[%get3A_525, %get3A_526] {strides = array<i32>} : memref<64x256xf32, #tpu.memory_space<vmem>>, vector<1x16xf32>,
      %get3A_528 = vector.shape_cast %get3A_527 : vector<1x16xf32> to vector<16xf32>
      %swap3A_529 = arith.index_cast %scan3A_499 : i32 to index
      %swap3A_530 = arith.constant 48 : index
      %swap3A_531 = tpu.vector_load %arg9[%swap3A_529, %swap3A_530] {strides = array<i32>} : memref<64x256xf32, #tpu.memory_space<vmem>>, vector<1x16xf32>,
      %swap3A_532 = vector.shape_cast %swap3A_531 : vector<1x16xf32> to vector<16xf32>
      %swap3A_533 = vector.shape_cast %get3A_528 : vector<16xf32> to vector<1x16xf32>
      tpu.vector_store %arg9[%swap3A_529, %swap3A_530], %swap3A_533 {add = true, strides = array<i32>} : memref<64x256xf32, #tpu.memory_space<vmem>>, vector<1x16xf32>,
      %get3A_534 = arith.index_cast %scan3A_499 : i32 to index
      %get3A_535 = arith.constant 64 : index
      %get3A_536 = tpu.vector_load %arg7[%get3A_534, %get3A_535] {strides = array<i32>} : memref<64x256xf32, #tpu.memory_space<vmem>>, vector<1x16xf32>,
      %get3A_537 = vector.shape_cast %get3A_536 : vector<1x16xf32> to vector<16xf32>
      %swap3A_538 = arith.index_cast %scan3A_499 : i32 to index
      %swap3A_539 = arith.constant 64 : index
      %swap3A_540 = tpu.vector_load %arg9[%swap3A_538, %swap3A_539] {strides = array<i32>} : memref<64x256xf32, #tpu.memory_space<vmem>>, vector<1x16xf32>,
      %swap3A_541 = vector.shape_cast %swap3A_540 : vector<1x16xf32> to vector<16xf32>
      %swap3A_542 = vector.shape_cast %get3A_537 : vector<16xf32> to vector<1x16xf32>
      tpu.vector_store %arg9[%swap3A_538, %swap3A_539], %swap3A_542 {add = true, strides = array<i32>} : memref<64x256xf32, #tpu.memory_space<vmem>>, vector<1x16xf32>,
      %get3A_543 = arith.index_cast %scan3A_499 : i32 to index
      %get3A_544 = arith.constant 80 : index
      %get3A_545 = tpu.vector_load %arg7[%get3A_543, %get3A_544] {strides = array<i32>} : memref<64x256xf32, #tpu.memory_space<vmem>>, vector<1x16xf32>,
      %get3A_546 = vector.shape_cast %get3A_545 : vector<1x16xf32> to vector<16xf32>
      %swap3A_547 = arith.index_cast %scan3A_499 : i32 to index
      %swap3A_548 = arith.constant 80 : index
      %swap3A_549 = tpu.vector_load %arg9[%swap3A_547, %swap3A_548] {strides = array<i32>} : memref<64x256xf32, #tpu.memory_space<vmem>>, vector<1x16xf32>,
      %swap3A_550 = vector.shape_cast %swap3A_549 : vector<1x16xf32> to vector<16xf32>
      %swap3A_551 = vector.shape_cast %get3A_546 : vector<16xf32> to vector<1x16xf32>
      tpu.vector_store %arg9[%swap3A_547, %swap3A_548], %swap3A_551 {add = true, strides = array<i32>} : memref<64x256xf32, #tpu.memory_space<vmem>>, vector<1x16xf32>,
      %get3A_552 = arith.index_cast %scan3A_499 : i32 to index
      %get3A_553 = arith.constant 96 : index
      %get3A_554 = tpu.vector_load %arg7[%get3A_552, %get3A_553] {strides = array<i32>} : memref<64x256xf32, #tpu.memory_space<vmem>>, vector<1x16xf32>,
      %get3A_555 = vector.shape_cast %get3A_554 : vector<1x16xf32> to vector<16xf32>
      %swap3A_556 = arith.index_cast %scan3A_499 : i32 to index
      %swap3A_557 = arith.constant 96 : index
      %swap3A_558 = tpu.vector_load %arg9[%swap3A_556, %swap3A_557] {strides = array<i32>} : memref<64x256xf32, #tpu.memory_space<vmem>>, vector<1x16xf32>,
      %swap3A_559 = vector.shape_cast %swap3A_558 : vector<1x16xf32> to vector<16xf32>
      %swap3A_560 = vector.shape_cast %get3A_555 : vector<16xf32> to vector<1x16xf32>
      tpu.vector_store %arg9[%swap3A_556, %swap3A_557], %swap3A_560 {add = true, strides = array<i32>} : memref<64x256xf32, #tpu.memory_space<vmem>>, vector<1x16xf32>,
      %get3A_561 = arith.index_cast %scan3A_499 : i32 to index
      %get3A_562 = arith.constant 112 : index
      %get3A_563 = tpu.vector_load %arg7[%get3A_561, %get3A_562] {strides = array<i32>} : memref<64x256xf32, #tpu.memory_space<vmem>>, vector<1x16xf32>,
      %get3A_564 = vector.shape_cast %get3A_563 : vector<1x16xf32> to vector<16xf32>
      %swap3A_565 = arith.index_cast %scan3A_499 : i32 to index
      %swap3A_566 = arith.constant 112 : index
      %swap3A_567 = tpu.vector_load %arg9[%swap3A_565, %swap3A_566] {strides = array<i32>} : memref<64x256xf32, #tpu.memory_space<vmem>>, vector<1x16xf32>,
      %swap3A_568 = vector.shape_cast %swap3A_567 : vector<1x16xf32> to vector<16xf32>
      %swap3A_569 = vector.shape_cast %get3A_564 : vector<16xf32> to vector<1x16xf32>
      tpu.vector_store %arg9[%swap3A_565, %swap3A_566], %swap3A_569 {add = true, strides = array<i32>} : memref<64x256xf32, #tpu.memory_space<vmem>>, vector<1x16xf32>,
      %get3A_570 = arith.index_cast %scan3A_499 : i32 to index
      %get3A_571 = arith.constant 128 : index
      %get3A_572 = tpu.vector_load %arg7[%get3A_570, %get3A_571] {strides = array<i32>} : memref<64x256xf32, #tpu.memory_space<vmem>>, vector<1x16xf32>,
      %get3A_573 = vector.shape_cast %get3A_572 : vector<1x16xf32> to vector<16xf32>
      %swap3A_574 = arith.index_cast %scan3A_499 : i32 to index
      %swap3A_575 = arith.constant 128 : index
      %swap3A_576 = tpu.vector_load %arg9[%swap3A_574, %swap3A_575] {strides = array<i32>} : memref<64x256xf32, #tpu.memory_space<vmem>>, vector<1x16xf32>,
      %swap3A_577 = vector.shape_cast %swap3A_576 : vector<1x16xf32> to vector<16xf32>
      %swap3A_578 = vector.shape_cast %get3A_573 : vector<16xf32> to vector<1x16xf32>
      tpu.vector_store %arg9[%swap3A_574, %swap3A_575], %swap3A_578 {add = true, strides = array<i32>} : memref<64x256xf32, #tpu.memory_space<vmem>>, vector<1x16xf32>,
      %get3A_579 = arith.index_cast %scan3A_499 : i32 to index
      %get3A_580 = arith.constant 144 : index
      %get3A_581 = tpu.vector_load %arg7[%get3A_579, %get3A_580] {strides = array<i32>} : memref<64x256xf32, #tpu.memory_space<vmem>>, vector<1x16xf32>,
      %get3A_582 = vector.shape_cast %get3A_581 : vector<1x16xf32> to vector<16xf32>
      %swap3A_583 = arith.index_cast %scan3A_499 : i32 to index
      %swap3A_584 = arith.constant 144 : index
      %swap3A_585 = tpu.vector_load %arg9[%swap3A_583, %swap3A_584] {strides = array<i32>} : memref<64x256xf32, #tpu.memory_space<vmem>>, vector<1x16xf32>,
      %swap3A_586 = vector.shape_cast %swap3A_585 : vector<1x16xf32> to vector<16xf32>
      %swap3A_587 = vector.shape_cast %get3A_582 : vector<16xf32> to vector<1x16xf32>
      tpu.vector_store %arg9[%swap3A_583, %swap3A_584], %swap3A_587 {add = true, strides = array<i32>} : memref<64x256xf32, #tpu.memory_space<vmem>>, vector<1x16xf32>,
      %get3A_588 = arith.index_cast %scan3A_499 : i32 to index
      %get3A_589 = arith.constant 160 : index
      %get3A_590 = tpu.vector_load %arg7[%get3A_588, %get3A_589] {strides = array<i32>} : memref<64x256xf32, #tpu.memory_space<vmem>>, vector<1x16xf32>,
      %get3A_591 = vector.shape_cast %get3A_590 : vector<1x16xf32> to vector<16xf32>
      %swap3A_592 = arith.index_cast %scan3A_499 : i32 to index
      %swap3A_593 = arith.constant 160 : index
      %swap3A_594 = tpu.vector_load %arg9[%swap3A_592, %swap3A_593] {strides = array<i32>} : memref<64x256xf32, #tpu.memory_space<vmem>>, vector<1x16xf32>,
      %swap3A_595 = vector.shape_cast %swap3A_594 : vector<1x16xf32> to vector<16xf32>
      %swap3A_596 = vector.shape_cast %get3A_591 : vector<16xf32> to vector<1x16xf32>
      tpu.vector_store %arg9[%swap3A_592, %swap3A_593], %swap3A_596 {add = true, strides = array<i32>} : memref<64x256xf32, #tpu.memory_space<vmem>>, vector<1x16xf32>,
      %get3A_597 = arith.index_cast %scan3A_499 : i32 to index
      %get3A_598 = arith.constant 176 : index
      %get3A_599 = tpu.vector_load %arg7[%get3A_597, %get3A_598] {strides = array<i32>} : memref<64x256xf32, #tpu.memory_space<vmem>>, vector<1x16xf32>,
      %get3A_600 = vector.shape_cast %get3A_599 : vector<1x16xf32> to vector<16xf32>
      %swap3A_601 = arith.index_cast %scan3A_499 : i32 to index
      %swap3A_602 = arith.constant 176 : index
      %swap3A_603 = tpu.vector_load %arg9[%swap3A_601, %swap3A_602] {strides = array<i32>} : memref<64x256xf32, #tpu.memory_space<vmem>>, vector<1x16xf32>,
      %swap3A_604 = vector.shape_cast %swap3A_603 : vector<1x16xf32> to vector<16xf32>
      %swap3A_605 = vector.shape_cast %get3A_600 : vector<16xf32> to vector<1x16xf32>
      tpu.vector_store %arg9[%swap3A_601, %swap3A_602], %swap3A_605 {add = true, strides = array<i32>} : memref<64x256xf32, #tpu.memory_space<vmem>>, vector<1x16xf32>,
      %get3A_606 = arith.index_cast %scan3A_499 : i32 to index
      %get3A_607 = arith.constant 192 : index
      %get3A_608 = tpu.vector_load %arg7[%get3A_606, %get3A_607] {strides = array<i32>} : memref<64x256xf32, #tpu.memory_space<vmem>>, vector<1x16xf32>,
      %get3A_609 = vector.shape_cast %get3A_608 : vector<1x16xf32> to vector<16xf32>
      %swap3A_610 = arith.index_cast %scan3A_499 : i32 to index
      %swap3A_611 = arith.constant 192 : index
      %swap3A_612 = tpu.vector_load %arg9[%swap3A_610, %swap3A_611] {strides = array<i32>} : memref<64x256xf32, #tpu.memory_space<vmem>>, vector<1x16xf32>,
      %swap3A_613 = vector.shape_cast %swap3A_612 : vector<1x16xf32> to vector<16xf32>
      %swap3A_614 = vector.shape_cast %get3A_609 : vector<16xf32> to vector<1x16xf32>
      tpu.vector_store %arg9[%swap3A_610, %swap3A_611], %swap3A_614 {add = true, strides = array<i32>} : memref<64x256xf32, #tpu.memory_space<vmem>>, vector<1x16xf32>,
      %get3A_615 = arith.index_cast %scan3A_499 : i32 to index
      %get3A_616 = arith.constant 208 : index
      %get3A_617 = tpu.vector_load %arg7[%get3A_615, %get3A_616] {strides = array<i32>} : memref<64x256xf32, #tpu.memory_space<vmem>>, vector<1x16xf32>,
      %get3A_618 = vector.shape_cast %get3A_617 : vector<1x16xf32> to vector<16xf32>
      %swap3A_619 = arith.index_cast %scan3A_499 : i32 to index
      %swap3A_620 = arith.constant 208 : index
      %swap3A_621 = tpu.vector_load %arg9[%swap3A_619, %swap3A_620] {strides = array<i32>} : memref<64x256xf32, #tpu.memory_space<vmem>>, vector<1x16xf32>,
      %swap3A_622 = vector.shape_cast %swap3A_621 : vector<1x16xf32> to vector<16xf32>
      %swap3A_623 = vector.shape_cast %get3A_618 : vector<16xf32> to vector<1x16xf32>
      tpu.vector_store %arg9[%swap3A_619, %swap3A_620], %swap3A_623 {add = true, strides = array<i32>} : memref<64x256xf32, #tpu.memory_space<vmem>>, vector<1x16xf32>,
      %get3A_624 = arith.index_cast %scan3A_499 : i32 to index
      %get3A_625 = arith.constant 224 : index
      %get3A_626 = tpu.vector_load %arg7[%get3A_624, %get3A_625] {strides = array<i32>} : memref<64x256xf32, #tpu.memory_space<vmem>>, vector<1x16xf32>,
      %get3A_627 = vector.shape_cast %get3A_626 : vector<1x16xf32> to vector<16xf32>
      %swap3A_628 = arith.index_cast %scan3A_499 : i32 to index
      %swap3A_629 = arith.constant 224 : index
      %swap3A_630 = tpu.vector_load %arg9[%swap3A_628, %swap3A_629] {strides = array<i32>} : memref<64x256xf32, #tpu.memory_space<vmem>>, vector<1x16xf32>,
      %swap3A_631 = vector.shape_cast %swap3A_630 : vector<1x16xf32> to vector<16xf32>
      %swap3A_632 = vector.shape_cast %get3A_627 : vector<16xf32> to vector<1x16xf32>
      tpu.vector_store %arg9[%swap3A_628, %swap3A_629], %swap3A_632 {add = true, strides = array<i32>} : memref<64x256xf32, #tpu.memory_space<vmem>>, vector<1x16xf32>,
      %get3A_633 = arith.index_cast %scan3A_499 : i32 to index
      %get3A_634 = arith.constant 240 : index
      %get3A_635 = tpu.vector_load %arg7[%get3A_633, %get3A_634] {strides = array<i32>} : memref<64x256xf32, #tpu.memory_space<vmem>>, vector<1x16xf32>,
      %get3A_636 = vector.shape_cast %get3A_635 : vector<1x16xf32> to vector<16xf32>
      %swap3A_637 = arith.index_cast %scan3A_499 : i32 to index
      %swap3A_638 = arith.constant 240 : index
      %swap3A_639 = tpu.vector_load %arg9[%swap3A_637, %swap3A_638] {strides = array<i32>} : memref<64x256xf32, #tpu.memory_space<vmem>>, vector<1x16xf32>,
      %swap3A_640 = vector.shape_cast %swap3A_639 : vector<1x16xf32> to vector<16xf32>
      %swap3A_641 = vector.shape_cast %get3A_636 : vector<16xf32> to vector<1x16xf32>
      tpu.vector_store %arg9[%swap3A_637, %swap3A_638], %swap3A_641 {add = true, strides = array<i32>} : memref<64x256xf32, #tpu.memory_space<vmem>>, vector<1x16xf32>,
    }
    %scan3A_432 = arith.constant 64 : i32
    %add3A_433 = arith.constant 26624 : i32
    %add3A_434 = arith.addi %add3A_433, %mul3A_2 : i32
    %dma_start3A_435 = arith.constant 0 : i32
    %dma_start3A_436 = tpu.memref_slice %arg5[%add3A_434, %dma_start3A_435] : memref<32768x256xf32, #tpu.memory_space<hbm>> -> memref<64x256xf32, #tpu.memory_space<hbm>>
    %dma_start3A_437 = arith.constant 0 : i32
    %dma_start3A_438 = tpu.memref_slice %arg5[%add3A_434, %dma_start3A_437] : memref<32768x256xf32, #tpu.memory_space<hbm>> -> memref<64x256xf32, #tpu.memory_space<hbm>>
    tpu.enqueue_dma source(%arg9 : memref<64x256xf32, #tpu.memory_space<vmem>>) target(%dma_start3A_438 : memref<64x256xf32, #tpu.memory_space<hbm>>) target_semaphore(%arg21 : memref<!tpu.dma_semaphore, #tpu.memory_space<semaphore_mem>>)
    %dma_wait3A_439 = arith.constant 14 : i32
    %dma_wait3A_440 = tpu.memref_slice %arg6[%dma_wait3A_439, %multiple_of3A_37] : memref<16x128xi32, #tpu.memory_space<vmem>> -> memref<1x64xi32, #tpu.memory_space<vmem>>
    %dma_wait3A_441 = tpu.memref_squeeze %dma_wait3A_440 : memref<1x64xi32, #tpu.memory_space<vmem>> -> memref<64xi32, #tpu.memory_space<vmem>>
    %dma_wait3A_442 = arith.constant 0 : i32
    %dma_wait3A_443 = arith.constant 0 : i32
    %dma_wait3A_444 = tpu.memref_slice %arg3[%dma_wait3A_442, %dma_wait3A_443] : memref<50257x256xf32, #tpu.memory_space<hbm>> -> memref<50257x256xf32, #tpu.memory_space<hbm>>
    tpu.wait_indirect_dma semaphore(%arg16 : memref<!tpu.dma_semaphore, #tpu.memory_space<semaphore_mem>>) src(%dma_wait3A_444 : memref<50257x256xf32, #tpu.memory_space<hbm>>) dst(%arg10 : memref<64x256xf32, #tpu.memory_space<vmem>>)
    %scan3A_445 = arith.constant 0 : i32
    %scan3A_446 = arith.constant 0 : i32
    %scan3A_447 = arith.constant 64 : i32
    %scan3A_448 = arith.addi %scan3A_446, %scan3A_447 : i32
    %scan3A_449 = arith.constant 1 : i32
    scf.for %scan3A_499 = %scan3A_446 to %scan3A_448 step %scan3A_449  : i32 {
      %get3A = arith.index_cast %scan3A_499 : i32 to index
      %get3A_500 = arith.constant 0 : index
      %get3A_501 = tpu.vector_load %arg7[%get3A, %get3A_500] {strides = array<i32>} : memref<64x256xf32, #tpu.memory_space<vmem>>, vector<1x16xf32>,
      %get3A_502 = vector.shape_cast %get3A_501 : vector<1x16xf32> to vector<16xf32>
      %swap3A = arith.index_cast %scan3A_499 : i32 to index
      %swap3A_503 = arith.constant 0 : index
      %swap3A_504 = tpu.vector_load %arg10[%swap3A, %swap3A_503] {strides = array<i32>} : memref<64x256xf32, #tpu.memory_space<vmem>>, vector<1x16xf32>,
      %swap3A_505 = vector.shape_cast %swap3A_504 : vector<1x16xf32> to vector<16xf32>
      %swap3A_506 = vector.shape_cast %get3A_502 : vector<16xf32> to vector<1x16xf32>
      tpu.vector_store %arg10[%swap3A, %swap3A_503], %swap3A_506 {add = true, strides = array<i32>} : memref<64x256xf32, #tpu.memory_space<vmem>>, vector<1x16xf32>,
      %get3A_507 = arith.index_cast %scan3A_499 : i32 to index
      %get3A_508 = arith.constant 16 : index
      %get3A_509 = tpu.vector_load %arg7[%get3A_507, %get3A_508] {strides = array<i32>} : memref<64x256xf32, #tpu.memory_space<vmem>>, vector<1x16xf32>,
      %get3A_510 = vector.shape_cast %get3A_509 : vector<1x16xf32> to vector<16xf32>
      %swap3A_511 = arith.index_cast %scan3A_499 : i32 to index
      %swap3A_512 = arith.constant 16 : index
      %swap3A_513 = tpu.vector_load %arg10[%swap3A_511, %swap3A_512] {strides = array<i32>} : memref<64x256xf32, #tpu.memory_space<vmem>>, vector<1x16xf32>,
      %swap3A_514 = vector.shape_cast %swap3A_513 : vector<1x16xf32> to vector<16xf32>
      %swap3A_515 = vector.shape_cast %get3A_510 : vector<16xf32> to vector<1x16xf32>
      tpu.vector_store %arg10[%swap3A_511, %swap3A_512], %swap3A_515 {add = true, strides = array<i32>} : memref<64x256xf32, #tpu.memory_space<vmem>>, vector<1x16xf32>,
      %get3A_516 = arith.index_cast %scan3A_499 : i32 to index
      %get3A_517 = arith.constant 32 : index
      %get3A_518 = tpu.vector_load %arg7[%get3A_516, %get3A_517] {strides = array<i32>} : memref<64x256xf32, #tpu.memory_space<vmem>>, vector<1x16xf32>,
      %get3A_519 = vector.shape_cast %get3A_518 : vector<1x16xf32> to vector<16xf32>
      %swap3A_520 = arith.index_cast %scan3A_499 : i32 to index
      %swap3A_521 = arith.constant 32 : index
      %swap3A_522 = tpu.vector_load %arg10[%swap3A_520, %swap3A_521] {strides = array<i32>} : memref<64x256xf32, #tpu.memory_space<vmem>>, vector<1x16xf32>,
      %swap3A_523 = vector.shape_cast %swap3A_522 : vector<1x16xf32> to vector<16xf32>
      %swap3A_524 = vector.shape_cast %get3A_519 : vector<16xf32> to vector<1x16xf32>
      tpu.vector_store %arg10[%swap3A_520, %swap3A_521], %swap3A_524 {add = true, strides = array<i32>} : memref<64x256xf32, #tpu.memory_space<vmem>>, vector<1x16xf32>,
      %get3A_525 = arith.index_cast %scan3A_499 : i32 to index
      %get3A_526 = arith.constant 48 : index
      %get3A_527 = tpu.vector_load %arg7[%get3A_525, %get3A_526] {strides = array<i32>} : memref<64x256xf32, #tpu.memory_space<vmem>>, vector<1x16xf32>,
      %get3A_528 = vector.shape_cast %get3A_527 : vector<1x16xf32> to vector<16xf32>
      %swap3A_529 = arith.index_cast %scan3A_499 : i32 to index
      %swap3A_530 = arith.constant 48 : index
      %swap3A_531 = tpu.vector_load %arg10[%swap3A_529, %swap3A_530] {strides = array<i32>} : memref<64x256xf32, #tpu.memory_space<vmem>>, vector<1x16xf32>,
      %swap3A_532 = vector.shape_cast %swap3A_531 : vector<1x16xf32> to vector<16xf32>
      %swap3A_533 = vector.shape_cast %get3A_528 : vector<16xf32> to vector<1x16xf32>
      tpu.vector_store %arg10[%swap3A_529, %swap3A_530], %swap3A_533 {add = true, strides = array<i32>} : memref<64x256xf32, #tpu.memory_space<vmem>>, vector<1x16xf32>,
      %get3A_534 = arith.index_cast %scan3A_499 : i32 to index
      %get3A_535 = arith.constant 64 : index
      %get3A_536 = tpu.vector_load %arg7[%get3A_534, %get3A_535] {strides = array<i32>} : memref<64x256xf32, #tpu.memory_space<vmem>>, vector<1x16xf32>,
      %get3A_537 = vector.shape_cast %get3A_536 : vector<1x16xf32> to vector<16xf32>
      %swap3A_538 = arith.index_cast %scan3A_499 : i32 to index
      %swap3A_539 = arith.constant 64 : index
      %swap3A_540 = tpu.vector_load %arg10[%swap3A_538, %swap3A_539] {strides = array<i32>} : memref<64x256xf32, #tpu.memory_space<vmem>>, vector<1x16xf32>,
      %swap3A_541 = vector.shape_cast %swap3A_540 : vector<1x16xf32> to vector<16xf32>
      %swap3A_542 = vector.shape_cast %get3A_537 : vector<16xf32> to vector<1x16xf32>
      tpu.vector_store %arg10[%swap3A_538, %swap3A_539], %swap3A_542 {add = true, strides = array<i32>} : memref<64x256xf32, #tpu.memory_space<vmem>>, vector<1x16xf32>,
      %get3A_543 = arith.index_cast %scan3A_499 : i32 to index
      %get3A_544 = arith.constant 80 : index
      %get3A_545 = tpu.vector_load %arg7[%get3A_543, %get3A_544] {strides = array<i32>} : memref<64x256xf32, #tpu.memory_space<vmem>>, vector<1x16xf32>,
      %get3A_546 = vector.shape_cast %get3A_545 : vector<1x16xf32> to vector<16xf32>
      %swap3A_547 = arith.index_cast %scan3A_499 : i32 to index
      %swap3A_548 = arith.constant 80 : index
      %swap3A_549 = tpu.vector_load %arg10[%swap3A_547, %swap3A_548] {strides = array<i32>} : memref<64x256xf32, #tpu.memory_space<vmem>>, vector<1x16xf32>,
      %swap3A_550 = vector.shape_cast %swap3A_549 : vector<1x16xf32> to vector<16xf32>
      %swap3A_551 = vector.shape_cast %get3A_546 : vector<16xf32> to vector<1x16xf32>
      tpu.vector_store %arg10[%swap3A_547, %swap3A_548], %swap3A_551 {add = true, strides = array<i32>} : memref<64x256xf32, #tpu.memory_space<vmem>>, vector<1x16xf32>,
      %get3A_552 = arith.index_cast %scan3A_499 : i32 to index
      %get3A_553 = arith.constant 96 : index
      %get3A_554 = tpu.vector_load %arg7[%get3A_552, %get3A_553] {strides = array<i32>} : memref<64x256xf32, #tpu.memory_space<vmem>>, vector<1x16xf32>,
      %get3A_555 = vector.shape_cast %get3A_554 : vector<1x16xf32> to vector<16xf32>
      %swap3A_556 = arith.index_cast %scan3A_499 : i32 to index
      %swap3A_557 = arith.constant 96 : index
      %swap3A_558 = tpu.vector_load %arg10[%swap3A_556, %swap3A_557] {strides = array<i32>} : memref<64x256xf32, #tpu.memory_space<vmem>>, vector<1x16xf32>,
      %swap3A_559 = vector.shape_cast %swap3A_558 : vector<1x16xf32> to vector<16xf32>
      %swap3A_560 = vector.shape_cast %get3A_555 : vector<16xf32> to vector<1x16xf32>
      tpu.vector_store %arg10[%swap3A_556, %swap3A_557], %swap3A_560 {add = true, strides = array<i32>} : memref<64x256xf32, #tpu.memory_space<vmem>>, vector<1x16xf32>,
      %get3A_561 = arith.index_cast %scan3A_499 : i32 to index
      %get3A_562 = arith.constant 112 : index
      %get3A_563 = tpu.vector_load %arg7[%get3A_561, %get3A_562] {strides = array<i32>} : memref<64x256xf32, #tpu.memory_space<vmem>>, vector<1x16xf32>,
      %get3A_564 = vector.shape_cast %get3A_563 : vector<1x16xf32> to vector<16xf32>
      %swap3A_565 = arith.index_cast %scan3A_499 : i32 to index
      %swap3A_566 = arith.constant 112 : index
      %swap3A_567 = tpu.vector_load %arg10[%swap3A_565, %swap3A_566] {strides = array<i32>} : memref<64x256xf32, #tpu.memory_space<vmem>>, vector<1x16xf32>,
      %swap3A_568 = vector.shape_cast %swap3A_567 : vector<1x16xf32> to vector<16xf32>
      %swap3A_569 = vector.shape_cast %get3A_564 : vector<16xf32> to vector<1x16xf32>
      tpu.vector_store %arg10[%swap3A_565, %swap3A_566], %swap3A_569 {add = true, strides = array<i32>} : memref<64x256xf32, #tpu.memory_space<vmem>>, vector<1x16xf32>,
      %get3A_570 = arith.index_cast %scan3A_499 : i32 to index
      %get3A_571 = arith.constant 128 : index
      %get3A_572 = tpu.vector_load %arg7[%get3A_570, %get3A_571] {strides = array<i32>} : memref<64x256xf32, #tpu.memory_space<vmem>>, vector<1x16xf32>,
      %get3A_573 = vector.shape_cast %get3A_572 : vector<1x16xf32> to vector<16xf32>
      %swap3A_574 = arith.index_cast %scan3A_499 : i32 to index
      %swap3A_575 = arith.constant 128 : index
      %swap3A_576 = tpu.vector_load %arg10[%swap3A_574, %swap3A_575] {strides = array<i32>} : memref<64x256xf32, #tpu.memory_space<vmem>>, vector<1x16xf32>,
      %swap3A_577 = vector.shape_cast %swap3A_576 : vector<1x16xf32> to vector<16xf32>
      %swap3A_578 = vector.shape_cast %get3A_573 : vector<16xf32> to vector<1x16xf32>
      tpu.vector_store %arg10[%swap3A_574, %swap3A_575], %swap3A_578 {add = true, strides = array<i32>} : memref<64x256xf32, #tpu.memory_space<vmem>>, vector<1x16xf32>,
      %get3A_579 = arith.index_cast %scan3A_499 : i32 to index
      %get3A_580 = arith.constant 144 : index
      %get3A_581 = tpu.vector_load %arg7[%get3A_579, %get3A_580] {strides = array<i32>} : memref<64x256xf32, #tpu.memory_space<vmem>>, vector<1x16xf32>,
      %get3A_582 = vector.shape_cast %get3A_581 : vector<1x16xf32> to vector<16xf32>
      %swap3A_583 = arith.index_cast %scan3A_499 : i32 to index
      %swap3A_584 = arith.constant 144 : index
      %swap3A_585 = tpu.vector_load %arg10[%swap3A_583, %swap3A_584] {strides = array<i32>} : memref<64x256xf32, #tpu.memory_space<vmem>>, vector<1x16xf32>,
      %swap3A_586 = vector.shape_cast %swap3A_585 : vector<1x16xf32> to vector<16xf32>
      %swap3A_587 = vector.shape_cast %get3A_582 : vector<16xf32> to vector<1x16xf32>
      tpu.vector_store %arg10[%swap3A_583, %swap3A_584], %swap3A_587 {add = true, strides = array<i32>} : memref<64x256xf32, #tpu.memory_space<vmem>>, vector<1x16xf32>,
      %get3A_588 = arith.index_cast %scan3A_499 : i32 to index
      %get3A_589 = arith.constant 160 : index
      %get3A_590 = tpu.vector_load %arg7[%get3A_588, %get3A_589] {strides = array<i32>} : memref<64x256xf32, #tpu.memory_space<vmem>>, vector<1x16xf32>,
      %get3A_591 = vector.shape_cast %get3A_590 : vector<1x16xf32> to vector<16xf32>
      %swap3A_592 = arith.index_cast %scan3A_499 : i32 to index
      %swap3A_593 = arith.constant 160 : index
      %swap3A_594 = tpu.vector_load %arg10[%swap3A_592, %swap3A_593] {strides = array<i32>} : memref<64x256xf32, #tpu.memory_space<vmem>>, vector<1x16xf32>,
      %swap3A_595 = vector.shape_cast %swap3A_594 : vector<1x16xf32> to vector<16xf32>
      %swap3A_596 = vector.shape_cast %get3A_591 : vector<16xf32> to vector<1x16xf32>
      tpu.vector_store %arg10[%swap3A_592, %swap3A_593], %swap3A_596 {add = true, strides = array<i32>} : memref<64x256xf32, #tpu.memory_space<vmem>>, vector<1x16xf32>,
      %get3A_597 = arith.index_cast %scan3A_499 : i32 to index
      %get3A_598 = arith.constant 176 : index
      %get3A_599 = tpu.vector_load %arg7[%get3A_597, %get3A_598] {strides = array<i32>} : memref<64x256xf32, #tpu.memory_space<vmem>>, vector<1x16xf32>,
      %get3A_600 = vector.shape_cast %get3A_599 : vector<1x16xf32> to vector<16xf32>
      %swap3A_601 = arith.index_cast %scan3A_499 : i32 to index
      %swap3A_602 = arith.constant 176 : index
      %swap3A_603 = tpu.vector_load %arg10[%swap3A_601, %swap3A_602] {strides = array<i32>} : memref<64x256xf32, #tpu.memory_space<vmem>>, vector<1x16xf32>,
      %swap3A_604 = vector.shape_cast %swap3A_603 : vector<1x16xf32> to vector<16xf32>
      %swap3A_605 = vector.shape_cast %get3A_600 : vector<16xf32> to vector<1x16xf32>
      tpu.vector_store %arg10[%swap3A_601, %swap3A_602], %swap3A_605 {add = true, strides = array<i32>} : memref<64x256xf32, #tpu.memory_space<vmem>>, vector<1x16xf32>,
      %get3A_606 = arith.index_cast %scan3A_499 : i32 to index
      %get3A_607 = arith.constant 192 : index
      %get3A_608 = tpu.vector_load %arg7[%get3A_606, %get3A_607] {strides = array<i32>} : memref<64x256xf32, #tpu.memory_space<vmem>>, vector<1x16xf32>,
      %get3A_609 = vector.shape_cast %get3A_608 : vector<1x16xf32> to vector<16xf32>
      %swap3A_610 = arith.index_cast %scan3A_499 : i32 to index
      %swap3A_611 = arith.constant 192 : index
      %swap3A_612 = tpu.vector_load %arg10[%swap3A_610, %swap3A_611] {strides = array<i32>} : memref<64x256xf32, #tpu.memory_space<vmem>>, vector<1x16xf32>,
      %swap3A_613 = vector.shape_cast %swap3A_612 : vector<1x16xf32> to vector<16xf32>
      %swap3A_614 = vector.shape_cast %get3A_609 : vector<16xf32> to vector<1x16xf32>
      tpu.vector_store %arg10[%swap3A_610, %swap3A_611], %swap3A_614 {add = true, strides = array<i32>} : memref<64x256xf32, #tpu.memory_space<vmem>>, vector<1x16xf32>,
      %get3A_615 = arith.index_cast %scan3A_499 : i32 to index
      %get3A_616 = arith.constant 208 : index
      %get3A_617 = tpu.vector_load %arg7[%get3A_615, %get3A_616] {strides = array<i32>} : memref<64x256xf32, #tpu.memory_space<vmem>>, vector<1x16xf32>,
      %get3A_618 = vector.shape_cast %get3A_617 : vector<1x16xf32> to vector<16xf32>
      %swap3A_619 = arith.index_cast %scan3A_499 : i32 to index
      %swap3A_620 = arith.constant 208 : index
      %swap3A_621 = tpu.vector_load %arg10[%swap3A_619, %swap3A_620] {strides = array<i32>} : memref<64x256xf32, #tpu.memory_space<vmem>>, vector<1x16xf32>,
      %swap3A_622 = vector.shape_cast %swap3A_621 : vector<1x16xf32> to vector<16xf32>
      %swap3A_623 = vector.shape_cast %get3A_618 : vector<16xf32> to vector<1x16xf32>
      tpu.vector_store %arg10[%swap3A_619, %swap3A_620], %swap3A_623 {add = true, strides = array<i32>} : memref<64x256xf32, #tpu.memory_space<vmem>>, vector<1x16xf32>,
      %get3A_624 = arith.index_cast %scan3A_499 : i32 to index
      %get3A_625 = arith.constant 224 : index
      %get3A_626 = tpu.vector_load %arg7[%get3A_624, %get3A_625] {strides = array<i32>} : memref<64x256xf32, #tpu.memory_space<vmem>>, vector<1x16xf32>,
      %get3A_627 = vector.shape_cast %get3A_626 : vector<1x16xf32> to vector<16xf32>
      %swap3A_628 = arith.index_cast %scan3A_499 : i32 to index
      %swap3A_629 = arith.constant 224 : index
      %swap3A_630 = tpu.vector_load %arg10[%swap3A_628, %swap3A_629] {strides = array<i32>} : memref<64x256xf32, #tpu.memory_space<vmem>>, vector<1x16xf32>,
      %swap3A_631 = vector.shape_cast %swap3A_630 : vector<1x16xf32> to vector<16xf32>
      %swap3A_632 = vector.shape_cast %get3A_627 : vector<16xf32> to vector<1x16xf32>
      tpu.vector_store %arg10[%swap3A_628, %swap3A_629], %swap3A_632 {add = true, strides = array<i32>} : memref<64x256xf32, #tpu.memory_space<vmem>>, vector<1x16xf32>,
      %get3A_633 = arith.index_cast %scan3A_499 : i32 to index
      %get3A_634 = arith.constant 240 : index
      %get3A_635 = tpu.vector_load %arg7[%get3A_633, %get3A_634] {strides = array<i32>} : memref<64x256xf32, #tpu.memory_space<vmem>>, vector<1x16xf32>,
      %get3A_636 = vector.shape_cast %get3A_635 : vector<1x16xf32> to vector<16xf32>
      %swap3A_637 = arith.index_cast %scan3A_499 : i32 to index
      %swap3A_638 = arith.constant 240 : index
      %swap3A_639 = tpu.vector_load %arg10[%swap3A_637, %swap3A_638] {strides = array<i32>} : memref<64x256xf32, #tpu.memory_space<vmem>>, vector<1x16xf32>,
      %swap3A_640 = vector.shape_cast %swap3A_639 : vector<1x16xf32> to vector<16xf32>
      %swap3A_641 = vector.shape_cast %get3A_636 : vector<16xf32> to vector<1x16xf32>
      tpu.vector_store %arg10[%swap3A_637, %swap3A_638], %swap3A_641 {add = true, strides = array<i32>} : memref<64x256xf32, #tpu.memory_space<vmem>>, vector<1x16xf32>,
    }
    %scan3A_450 = arith.constant 64 : i32
    %add3A_451 = arith.constant 28672 : i32
    %add3A_452 = arith.addi %add3A_451, %mul3A_2 : i32
    %dma_start3A_453 = arith.constant 0 : i32
    %dma_start3A_454 = tpu.memref_slice %arg5[%add3A_452, %dma_start3A_453] : memref<32768x256xf32, #tpu.memory_space<hbm>> -> memref<64x256xf32, #tpu.memory_space<hbm>>
    %dma_start3A_455 = arith.constant 0 : i32
    %dma_start3A_456 = tpu.memref_slice %arg5[%add3A_452, %dma_start3A_455] : memref<32768x256xf32, #tpu.memory_space<hbm>> -> memref<64x256xf32, #tpu.memory_space<hbm>>
    tpu.enqueue_dma source(%arg10 : memref<64x256xf32, #tpu.memory_space<vmem>>) target(%dma_start3A_456 : memref<64x256xf32, #tpu.memory_space<hbm>>) target_semaphore(%arg22 : memref<!tpu.dma_semaphore, #tpu.memory_space<semaphore_mem>>)
    %dma_wait3A_457 = arith.constant 15 : i32
    %dma_wait3A_458 = tpu.memref_slice %arg6[%dma_wait3A_457, %multiple_of3A_37] : memref<16x128xi32, #tpu.memory_space<vmem>> -> memref<1x64xi32, #tpu.memory_space<vmem>>
    %dma_wait3A_459 = tpu.memref_squeeze %dma_wait3A_458 : memref<1x64xi32, #tpu.memory_space<vmem>> -> memref<64xi32, #tpu.memory_space<vmem>>
    %dma_wait3A_460 = arith.constant 0 : i32
    %dma_wait3A_461 = arith.constant 0 : i32
    %dma_wait3A_462 = tpu.memref_slice %arg3[%dma_wait3A_460, %dma_wait3A_461] : memref<50257x256xf32, #tpu.memory_space<hbm>> -> memref<50257x256xf32, #tpu.memory_space<hbm>>
    tpu.wait_indirect_dma semaphore(%arg17 : memref<!tpu.dma_semaphore, #tpu.memory_space<semaphore_mem>>) src(%dma_wait3A_462 : memref<50257x256xf32, #tpu.memory_space<hbm>>) dst(%arg11 : memref<64x256xf32, #tpu.memory_space<vmem>>)
    %scan3A_463 = arith.constant 0 : i32
    %scan3A_464 = arith.constant 0 : i32
    %scan3A_465 = arith.constant 64 : i32
    %scan3A_466 = arith.addi %scan3A_464, %scan3A_465 : i32
    %scan3A_467 = arith.constant 1 : i32
    scf.for %scan3A_499 = %scan3A_464 to %scan3A_466 step %scan3A_467  : i32 {
      %get3A = arith.index_cast %scan3A_499 : i32 to index
      %get3A_500 = arith.constant 0 : index
      %get3A_501 = tpu.vector_load %arg7[%get3A, %get3A_500] {strides = array<i32>} : memref<64x256xf32, #tpu.memory_space<vmem>>, vector<1x16xf32>,
      %get3A_502 = vector.shape_cast %get3A_501 : vector<1x16xf32> to vector<16xf32>
      %swap3A = arith.index_cast %scan3A_499 : i32 to index
      %swap3A_503 = arith.constant 0 : index
      %swap3A_504 = tpu.vector_load %arg11[%swap3A, %swap3A_503] {strides = array<i32>} : memref<64x256xf32, #tpu.memory_space<vmem>>, vector<1x16xf32>,
      %swap3A_505 = vector.shape_cast %swap3A_504 : vector<1x16xf32> to vector<16xf32>
      %swap3A_506 = vector.shape_cast %get3A_502 : vector<16xf32> to vector<1x16xf32>
      tpu.vector_store %arg11[%swap3A, %swap3A_503], %swap3A_506 {add = true, strides = array<i32>} : memref<64x256xf32, #tpu.memory_space<vmem>>, vector<1x16xf32>,
      %get3A_507 = arith.index_cast %scan3A_499 : i32 to index
      %get3A_508 = arith.constant 16 : index
      %get3A_509 = tpu.vector_load %arg7[%get3A_507, %get3A_508] {strides = array<i32>} : memref<64x256xf32, #tpu.memory_space<vmem>>, vector<1x16xf32>,
      %get3A_510 = vector.shape_cast %get3A_509 : vector<1x16xf32> to vector<16xf32>
      %swap3A_511 = arith.index_cast %scan3A_499 : i32 to index
      %swap3A_512 = arith.constant 16 : index
      %swap3A_513 = tpu.vector_load %arg11[%swap3A_511, %swap3A_512] {strides = array<i32>} : memref<64x256xf32, #tpu.memory_space<vmem>>, vector<1x16xf32>,
      %swap3A_514 = vector.shape_cast %swap3A_513 : vector<1x16xf32> to vector<16xf32>
      %swap3A_515 = vector.shape_cast %get3A_510 : vector<16xf32> to vector<1x16xf32>
      tpu.vector_store %arg11[%swap3A_511, %swap3A_512], %swap3A_515 {add = true, strides = array<i32>} : memref<64x256xf32, #tpu.memory_space<vmem>>, vector<1x16xf32>,
      %get3A_516 = arith.index_cast %scan3A_499 : i32 to index
      %get3A_517 = arith.constant 32 : index
      %get3A_518 = tpu.vector_load %arg7[%get3A_516, %get3A_517] {strides = array<i32>} : memref<64x256xf32, #tpu.memory_space<vmem>>, vector<1x16xf32>,
      %get3A_519 = vector.shape_cast %get3A_518 : vector<1x16xf32> to vector<16xf32>
      %swap3A_520 = arith.index_cast %scan3A_499 : i32 to index
      %swap3A_521 = arith.constant 32 : index
      %swap3A_522 = tpu.vector_load %arg11[%swap3A_520, %swap3A_521] {strides = array<i32>} : memref<64x256xf32, #tpu.memory_space<vmem>>, vector<1x16xf32>,
      %swap3A_523 = vector.shape_cast %swap3A_522 : vector<1x16xf32> to vector<16xf32>
      %swap3A_524 = vector.shape_cast %get3A_519 : vector<16xf32> to vector<1x16xf32>
      tpu.vector_store %arg11[%swap3A_520, %swap3A_521], %swap3A_524 {add = true, strides = array<i32>} : memref<64x256xf32, #tpu.memory_space<vmem>>, vector<1x16xf32>,
      %get3A_525 = arith.index_cast %scan3A_499 : i32 to index
      %get3A_526 = arith.constant 48 : index
      %get3A_527 = tpu.vector_load %arg7[%get3A_525, %get3A_526] {strides = array<i32>} : memref<64x256xf32, #tpu.memory_space<vmem>>, vector<1x16xf32>,
      %get3A_528 = vector.shape_cast %get3A_527 : vector<1x16xf32> to vector<16xf32>
      %swap3A_529 = arith.index_cast %scan3A_499 : i32 to index
      %swap3A_530 = arith.constant 48 : index
      %swap3A_531 = tpu.vector_load %arg11[%swap3A_529, %swap3A_530] {strides = array<i32>} : memref<64x256xf32, #tpu.memory_space<vmem>>, vector<1x16xf32>,
      %swap3A_532 = vector.shape_cast %swap3A_531 : vector<1x16xf32> to vector<16xf32>
      %swap3A_533 = vector.shape_cast %get3A_528 : vector<16xf32> to vector<1x16xf32>
      tpu.vector_store %arg11[%swap3A_529, %swap3A_530], %swap3A_533 {add = true, strides = array<i32>} : memref<64x256xf32, #tpu.memory_space<vmem>>, vector<1x16xf32>,
      %get3A_534 = arith.index_cast %scan3A_499 : i32 to index
      %get3A_535 = arith.constant 64 : index
      %get3A_536 = tpu.vector_load %arg7[%get3A_534, %get3A_535] {strides = array<i32>} : memref<64x256xf32, #tpu.memory_space<vmem>>, vector<1x16xf32>,
      %get3A_537 = vector.shape_cast %get3A_536 : vector<1x16xf32> to vector<16xf32>
      %swap3A_538 = arith.index_cast %scan3A_499 : i32 to index
      %swap3A_539 = arith.constant 64 : index
      %swap3A_540 = tpu.vector_load %arg11[%swap3A_538, %swap3A_539] {strides = array<i32>} : memref<64x256xf32, #tpu.memory_space<vmem>>, vector<1x16xf32>,
      %swap3A_541 = vector.shape_cast %swap3A_540 : vector<1x16xf32> to vector<16xf32>
      %swap3A_542 = vector.shape_cast %get3A_537 : vector<16xf32> to vector<1x16xf32>
      tpu.vector_store %arg11[%swap3A_538, %swap3A_539], %swap3A_542 {add = true, strides = array<i32>} : memref<64x256xf32, #tpu.memory_space<vmem>>, vector<1x16xf32>,
      %get3A_543 = arith.index_cast %scan3A_499 : i32 to index
      %get3A_544 = arith.constant 80 : index
      %get3A_545 = tpu.vector_load %arg7[%get3A_543, %get3A_544] {strides = array<i32>} : memref<64x256xf32, #tpu.memory_space<vmem>>, vector<1x16xf32>,
      %get3A_546 = vector.shape_cast %get3A_545 : vector<1x16xf32> to vector<16xf32>
      %swap3A_547 = arith.index_cast %scan3A_499 : i32 to index
      %swap3A_548 = arith.constant 80 : index
      %swap3A_549 = tpu.vector_load %arg11[%swap3A_547, %swap3A_548] {strides = array<i32>} : memref<64x256xf32, #tpu.memory_space<vmem>>, vector<1x16xf32>,
      %swap3A_550 = vector.shape_cast %swap3A_549 : vector<1x16xf32> to vector<16xf32>
      %swap3A_551 = vector.shape_cast %get3A_546 : vector<16xf32> to vector<1x16xf32>
      tpu.vector_store %arg11[%swap3A_547, %swap3A_548], %swap3A_551 {add = true, strides = array<i32>} : memref<64x256xf32, #tpu.memory_space<vmem>>, vector<1x16xf32>,
      %get3A_552 = arith.index_cast %scan3A_499 : i32 to index
      %get3A_553 = arith.constant 96 : index
      %get3A_554 = tpu.vector_load %arg7[%get3A_552, %get3A_553] {strides = array<i32>} : memref<64x256xf32, #tpu.memory_space<vmem>>, vector<1x16xf32>,
      %get3A_555 = vector.shape_cast %get3A_554 : vector<1x16xf32> to vector<16xf32>
      %swap3A_556 = arith.index_cast %scan3A_499 : i32 to index
      %swap3A_557 = arith.constant 96 : index
      %swap3A_558 = tpu.vector_load %arg11[%swap3A_556, %swap3A_557] {strides = array<i32>} : memref<64x256xf32, #tpu.memory_space<vmem>>, vector<1x16xf32>,
      %swap3A_559 = vector.shape_cast %swap3A_558 : vector<1x16xf32> to vector<16xf32>
      %swap3A_560 = vector.shape_cast %get3A_555 : vector<16xf32> to vector<1x16xf32>
      tpu.vector_store %arg11[%swap3A_556, %swap3A_557], %swap3A_560 {add = true, strides = array<i32>} : memref<64x256xf32, #tpu.memory_space<vmem>>, vector<1x16xf32>,
      %get3A_561 = arith.index_cast %scan3A_499 : i32 to index
      %get3A_562 = arith.constant 112 : index
      %get3A_563 = tpu.vector_load %arg7[%get3A_561, %get3A_562] {strides = array<i32>} : memref<64x256xf32, #tpu.memory_space<vmem>>, vector<1x16xf32>,
      %get3A_564 = vector.shape_cast %get3A_563 : vector<1x16xf32> to vector<16xf32>
      %swap3A_565 = arith.index_cast %scan3A_499 : i32 to index
      %swap3A_566 = arith.constant 112 : index
      %swap3A_567 = tpu.vector_load %arg11[%swap3A_565, %swap3A_566] {strides = array<i32>} : memref<64x256xf32, #tpu.memory_space<vmem>>, vector<1x16xf32>,
      %swap3A_568 = vector.shape_cast %swap3A_567 : vector<1x16xf32> to vector<16xf32>
      %swap3A_569 = vector.shape_cast %get3A_564 : vector<16xf32> to vector<1x16xf32>
      tpu.vector_store %arg11[%swap3A_565, %swap3A_566], %swap3A_569 {add = true, strides = array<i32>} : memref<64x256xf32, #tpu.memory_space<vmem>>, vector<1x16xf32>,
      %get3A_570 = arith.index_cast %scan3A_499 : i32 to index
      %get3A_571 = arith.constant 128 : index
      %get3A_572 = tpu.vector_load %arg7[%get3A_570, %get3A_571] {strides = array<i32>} : memref<64x256xf32, #tpu.memory_space<vmem>>, vector<1x16xf32>,
      %get3A_573 = vector.shape_cast %get3A_572 : vector<1x16xf32> to vector<16xf32>
      %swap3A_574 = arith.index_cast %scan3A_499 : i32 to index
      %swap3A_575 = arith.constant 128 : index
      %swap3A_576 = tpu.vector_load %arg11[%swap3A_574, %swap3A_575] {strides = array<i32>} : memref<64x256xf32, #tpu.memory_space<vmem>>, vector<1x16xf32>,
      %swap3A_577 = vector.shape_cast %swap3A_576 : vector<1x16xf32> to vector<16xf32>
      %swap3A_578 = vector.shape_cast %get3A_573 : vector<16xf32> to vector<1x16xf32>
      tpu.vector_store %arg11[%swap3A_574, %swap3A_575], %swap3A_578 {add = true, strides = array<i32>} : memref<64x256xf32, #tpu.memory_space<vmem>>, vector<1x16xf32>,
      %get3A_579 = arith.index_cast %scan3A_499 : i32 to index
      %get3A_580 = arith.constant 144 : index
      %get3A_581 = tpu.vector_load %arg7[%get3A_579, %get3A_580] {strides = array<i32>} : memref<64x256xf32, #tpu.memory_space<vmem>>, vector<1x16xf32>,
      %get3A_582 = vector.shape_cast %get3A_581 : vector<1x16xf32> to vector<16xf32>
      %swap3A_583 = arith.index_cast %scan3A_499 : i32 to index
      %swap3A_584 = arith.constant 144 : index
      %swap3A_585 = tpu.vector_load %arg11[%swap3A_583, %swap3A_584] {strides = array<i32>} : memref<64x256xf32, #tpu.memory_space<vmem>>, vector<1x16xf32>,
      %swap3A_586 = vector.shape_cast %swap3A_585 : vector<1x16xf32> to vector<16xf32>
      %swap3A_587 = vector.shape_cast %get3A_582 : vector<16xf32> to vector<1x16xf32>
      tpu.vector_store %arg11[%swap3A_583, %swap3A_584], %swap3A_587 {add = true, strides = array<i32>} : memref<64x256xf32, #tpu.memory_space<vmem>>, vector<1x16xf32>,
      %get3A_588 = arith.index_cast %scan3A_499 : i32 to index
      %get3A_589 = arith.constant 160 : index
      %get3A_590 = tpu.vector_load %arg7[%get3A_588, %get3A_589] {strides = array<i32>} : memref<64x256xf32, #tpu.memory_space<vmem>>, vector<1x16xf32>,
      %get3A_591 = vector.shape_cast %get3A_590 : vector<1x16xf32> to vector<16xf32>
      %swap3A_592 = arith.index_cast %scan3A_499 : i32 to index
      %swap3A_593 = arith.constant 160 : index
      %swap3A_594 = tpu.vector_load %arg11[%swap3A_592, %swap3A_593] {strides = array<i32>} : memref<64x256xf32, #tpu.memory_space<vmem>>, vector<1x16xf32>,
      %swap3A_595 = vector.shape_cast %swap3A_594 : vector<1x16xf32> to vector<16xf32>
      %swap3A_596 = vector.shape_cast %get3A_591 : vector<16xf32> to vector<1x16xf32>
      tpu.vector_store %arg11[%swap3A_592, %swap3A_593], %swap3A_596 {add = true, strides = array<i32>} : memref<64x256xf32, #tpu.memory_space<vmem>>, vector<1x16xf32>,
      %get3A_597 = arith.index_cast %scan3A_499 : i32 to index
      %get3A_598 = arith.constant 176 : index
      %get3A_599 = tpu.vector_load %arg7[%get3A_597, %get3A_598] {strides = array<i32>} : memref<64x256xf32, #tpu.memory_space<vmem>>, vector<1x16xf32>,
      %get3A_600 = vector.shape_cast %get3A_599 : vector<1x16xf32> to vector<16xf32>
      %swap3A_601 = arith.index_cast %scan3A_499 : i32 to index
      %swap3A_602 = arith.constant 176 : index
      %swap3A_603 = tpu.vector_load %arg11[%swap3A_601, %swap3A_602] {strides = array<i32>} : memref<64x256xf32, #tpu.memory_space<vmem>>, vector<1x16xf32>,
      %swap3A_604 = vector.shape_cast %swap3A_603 : vector<1x16xf32> to vector<16xf32>
      %swap3A_605 = vector.shape_cast %get3A_600 : vector<16xf32> to vector<1x16xf32>
      tpu.vector_store %arg11[%swap3A_601, %swap3A_602], %swap3A_605 {add = true, strides = array<i32>} : memref<64x256xf32, #tpu.memory_space<vmem>>, vector<1x16xf32>,
      %get3A_606 = arith.index_cast %scan3A_499 : i32 to index
      %get3A_607 = arith.constant 192 : index
      %get3A_608 = tpu.vector_load %arg7[%get3A_606, %get3A_607] {strides = array<i32>} : memref<64x256xf32, #tpu.memory_space<vmem>>, vector<1x16xf32>,
      %get3A_609 = vector.shape_cast %get3A_608 : vector<1x16xf32> to vector<16xf32>
      %swap3A_610 = arith.index_cast %scan3A_499 : i32 to index
      %swap3A_611 = arith.constant 192 : index
      %swap3A_612 = tpu.vector_load %arg11[%swap3A_610, %swap3A_611] {strides = array<i32>} : memref<64x256xf32, #tpu.memory_space<vmem>>, vector<1x16xf32>,
      %swap3A_613 = vector.shape_cast %swap3A_612 : vector<1x16xf32> to vector<16xf32>
      %swap3A_614 = vector.shape_cast %get3A_609 : vector<16xf32> to vector<1x16xf32>
      tpu.vector_store %arg11[%swap3A_610, %swap3A_611], %swap3A_614 {add = true, strides = array<i32>} : memref<64x256xf32, #tpu.memory_space<vmem>>, vector<1x16xf32>,
      %get3A_615 = arith.index_cast %scan3A_499 : i32 to index
      %get3A_616 = arith.constant 208 : index
      %get3A_617 = tpu.vector_load %arg7[%get3A_615, %get3A_616] {strides = array<i32>} : memref<64x256xf32, #tpu.memory_space<vmem>>, vector<1x16xf32>,
      %get3A_618 = vector.shape_cast %get3A_617 : vector<1x16xf32> to vector<16xf32>
      %swap3A_619 = arith.index_cast %scan3A_499 : i32 to index
      %swap3A_620 = arith.constant 208 : index
      %swap3A_621 = tpu.vector_load %arg11[%swap3A_619, %swap3A_620] {strides = array<i32>} : memref<64x256xf32, #tpu.memory_space<vmem>>, vector<1x16xf32>,
      %swap3A_622 = vector.shape_cast %swap3A_621 : vector<1x16xf32> to vector<16xf32>
      %swap3A_623 = vector.shape_cast %get3A_618 : vector<16xf32> to vector<1x16xf32>
      tpu.vector_store %arg11[%swap3A_619, %swap3A_620], %swap3A_623 {add = true, strides = array<i32>} : memref<64x256xf32, #tpu.memory_space<vmem>>, vector<1x16xf32>,
      %get3A_624 = arith.index_cast %scan3A_499 : i32 to index
      %get3A_625 = arith.constant 224 : index
      %get3A_626 = tpu.vector_load %arg7[%get3A_624, %get3A_625] {strides = array<i32>} : memref<64x256xf32, #tpu.memory_space<vmem>>, vector<1x16xf32>,
      %get3A_627 = vector.shape_cast %get3A_626 : vector<1x16xf32> to vector<16xf32>
      %swap3A_628 = arith.index_cast %scan3A_499 : i32 to index
      %swap3A_629 = arith.constant 224 : index
      %swap3A_630 = tpu.vector_load %arg11[%swap3A_628, %swap3A_629] {strides = array<i32>} : memref<64x256xf32, #tpu.memory_space<vmem>>, vector<1x16xf32>,
      %swap3A_631 = vector.shape_cast %swap3A_630 : vector<1x16xf32> to vector<16xf32>
      %swap3A_632 = vector.shape_cast %get3A_627 : vector<16xf32> to vector<1x16xf32>
      tpu.vector_store %arg11[%swap3A_628, %swap3A_629], %swap3A_632 {add = true, strides = array<i32>} : memref<64x256xf32, #tpu.memory_space<vmem>>, vector<1x16xf32>,
      %get3A_633 = arith.index_cast %scan3A_499 : i32 to index
      %get3A_634 = arith.constant 240 : index
      %get3A_635 = tpu.vector_load %arg7[%get3A_633, %get3A_634] {strides = array<i32>} : memref<64x256xf32, #tpu.memory_space<vmem>>, vector<1x16xf32>,
      %get3A_636 = vector.shape_cast %get3A_635 : vector<1x16xf32> to vector<16xf32>
      %swap3A_637 = arith.index_cast %scan3A_499 : i32 to index
      %swap3A_638 = arith.constant 240 : index
      %swap3A_639 = tpu.vector_load %arg11[%swap3A_637, %swap3A_638] {strides = array<i32>} : memref<64x256xf32, #tpu.memory_space<vmem>>, vector<1x16xf32>,
      %swap3A_640 = vector.shape_cast %swap3A_639 : vector<1x16xf32> to vector<16xf32>
      %swap3A_641 = vector.shape_cast %get3A_636 : vector<16xf32> to vector<1x16xf32>
      tpu.vector_store %arg11[%swap3A_637, %swap3A_638], %swap3A_641 {add = true, strides = array<i32>} : memref<64x256xf32, #tpu.memory_space<vmem>>, vector<1x16xf32>,
    }
    %scan3A_468 = arith.constant 64 : i32
    %add3A_469 = arith.constant 30720 : i32
    %add3A_470 = arith.addi %add3A_469, %mul3A_2 : i32
    %dma_start3A_471 = arith.constant 0 : i32
    %dma_start3A_472 = tpu.memref_slice %arg5[%add3A_470, %dma_start3A_471] : memref<32768x256xf32, #tpu.memory_space<hbm>> -> memref<64x256xf32, #tpu.memory_space<hbm>>
    %dma_start3A_473 = arith.constant 0 : i32
    %dma_start3A_474 = tpu.memref_slice %arg5[%add3A_470, %dma_start3A_473] : memref<32768x256xf32, #tpu.memory_space<hbm>> -> memref<64x256xf32, #tpu.memory_space<hbm>>
    tpu.enqueue_dma source(%arg11 : memref<64x256xf32, #tpu.memory_space<vmem>>) target(%dma_start3A_474 : memref<64x256xf32, #tpu.memory_space<hbm>>) target_semaphore(%arg23 : memref<!tpu.dma_semaphore, #tpu.memory_space<semaphore_mem>>)
    %dma_wait3A_475 = arith.constant 0 : i32
    %dma_wait3A_476 = tpu.memref_slice %arg5[%add3A_416, %dma_wait3A_475] : memref<32768x256xf32, #tpu.memory_space<hbm>> -> memref<64x256xf32, #tpu.memory_space<hbm>>
    %dma_wait3A_477 = arith.constant 0 : i32
    %dma_wait3A_478 = tpu.memref_slice %arg5[%add3A_416, %dma_wait3A_477] : memref<32768x256xf32, #tpu.memory_space<hbm>> -> memref<64x256xf32, #tpu.memory_space<hbm>>
    tpu.wait_dma2 semaphore(%arg20 : memref<!tpu.dma_semaphore, #tpu.memory_space<semaphore_mem>>) src(%arg8 : memref<64x256xf32, #tpu.memory_space<vmem>>) dst(%dma_wait3A_478 : memref<64x256xf32, #tpu.memory_space<hbm>>)
    %dma_wait3A_479 = arith.constant 0 : i32
    %dma_wait3A_480 = tpu.memref_slice %arg5[%add3A_434, %dma_wait3A_479] : memref<32768x256xf32, #tpu.memory_space<hbm>> -> memref<64x256xf32, #tpu.memory_space<hbm>>
    %dma_wait3A_481 = arith.constant 0 : i32
    %dma_wait3A_482 = tpu.memref_slice %arg5[%add3A_434, %dma_wait3A_481] : memref<32768x256xf32, #tpu.memory_space<hbm>> -> memref<64x256xf32, #tpu.memory_space<hbm>>
    tpu.wait_dma2 semaphore(%arg21 : memref<!tpu.dma_semaphore, #tpu.memory_space<semaphore_mem>>) src(%arg9 : memref<64x256xf32, #tpu.memory_space<vmem>>) dst(%dma_wait3A_482 : memref<64x256xf32, #tpu.memory_space<hbm>>)
    %dma_wait3A_483 = arith.constant 0 : i32
    %dma_wait3A_484 = tpu.memref_slice %arg5[%add3A_452, %dma_wait3A_483] : memref<32768x256xf32, #tpu.memory_space<hbm>> -> memref<64x256xf32, #tpu.memory_space<hbm>>
    %dma_wait3A_485 = arith.constant 0 : i32
    %dma_wait3A_486 = tpu.memref_slice %arg5[%add3A_452, %dma_wait3A_485] : memref<32768x256xf32, #tpu.memory_space<hbm>> -> memref<64x256xf32, #tpu.memory_space<hbm>>
    tpu.wait_dma2 semaphore(%arg22 : memref<!tpu.dma_semaphore, #tpu.memory_space<semaphore_mem>>) src(%arg10 : memref<64x256xf32, #tpu.memory_space<vmem>>) dst(%dma_wait3A_486 : memref<64x256xf32, #tpu.memory_space<hbm>>)
    %dma_wait3A_487 = arith.constant 0 : i32
    %dma_wait3A_488 = tpu.memref_slice %arg5[%add3A_470, %dma_wait3A_487] : memref<32768x256xf32, #tpu.memory_space<hbm>> -> memref<64x256xf32, #tpu.memory_space<hbm>>
    %dma_wait3A_489 = arith.constant 0 : i32
    %dma_wait3A_490 = tpu.memref_slice %arg5[%add3A_470, %dma_wait3A_489] : memref<32768x256xf32, #tpu.memory_space<hbm>> -> memref<64x256xf32, #tpu.memory_space<hbm>>
    tpu.wait_dma2 semaphore(%arg23 : memref<!tpu.dma_semaphore, #tpu.memory_space<semaphore_mem>>) src(%arg11 : memref<64x256xf32, #tpu.memory_space<vmem>>) dst(%dma_wait3A_490 : memref<64x256xf32, #tpu.memory_space<hbm>>)
    %dma_wait3A_491 = arith.constant 0 : i32
    %dma_wait3A_492 = tpu.memref_slice %arg5[%add3A_360, %dma_wait3A_491] : memref<32768x256xf32, #tpu.memory_space<hbm>> -> memref<64x256xf32, #tpu.memory_space<hbm>>
    %dma_wait3A_493 = arith.constant 0 : i32
    %dma_wait3A_494 = tpu.memref_slice %arg5[%add3A_360, %dma_wait3A_493] : memref<32768x256xf32, #tpu.memory_space<hbm>> -> memref<64x256xf32, #tpu.memory_space<hbm>>
    tpu.wait_dma2 semaphore(%arg24 : memref<!tpu.dma_semaphore, #tpu.memory_space<semaphore_mem>>) src(%arg12 : memref<64x256xf32, #tpu.memory_space<vmem>>) dst(%dma_wait3A_494 : memref<64x256xf32, #tpu.memory_space<hbm>>)
    %dma_wait3A_495 = arith.constant 0 : i32
    %dma_wait3A_496 = tpu.memref_slice %arg5[%add3A_388, %dma_wait3A_495] : memref<32768x256xf32, #tpu.memory_space<hbm>> -> memref<64x256xf32, #tpu.memory_space<hbm>>
    %dma_wait3A_497 = arith.constant 0 : i32
    %dma_wait3A_498 = tpu.memref_slice %arg5[%add3A_388, %dma_wait3A_497] : memref<32768x256xf32, #tpu.memory_space<hbm>> -> memref<64x256xf32, #tpu.memory_space<hbm>>
    tpu.wait_dma2 semaphore(%arg25 : memref<!tpu.dma_semaphore, #tpu.memory_space<semaphore_mem>>) src(%arg13 : memref<64x256xf32, #tpu.memory_space<vmem>>) dst(%dma_wait3A_498 : memref<64x256xf32, #tpu.memory_space<hbm>>)
    return
  }
}

</mosaic_0001>

<sc_bundles>
// kernel: kernel.3.cloned.1.call-start
scs
__scs_entry_jumppad:
0x0: {  	(pc) =	sbr.rel $0x88, $3  }
0x1: {  	(tag) =	ssettag $0x0;
	lr =	simm.s32 $0x1  }
0x2: {  	[smem:$0x3F9E] =	sst lr;
	_ =	strace $0xD0000000  }
0x3: {  	_ = 	snop  }
0x4: {  	_ = 	snop  }
0x5: {  	_ = 	snop  }
0x6: {  	_ = 	snop  }
0x7: {  	_ = 	snop  }
__scs_overlays_trampoline_lowered:
0x8: {  	[smem:$0x3FAD] =	sst s0  }
0x9: {  	[smem:$0x3FAE] =	sst s1  }
0xa: {  	[smem:$0x3FAF] =	sst s2  }
0xb: {  	[smem:$0x3FB0] =	sst s3  }
0xc: {  	[smem:$0x3FB1] =	sst s4  }
0xd: {  	[smem:$0x3FB2] =	sst s5  }
0xe: {  	[smem:$0x3FB3] =	sst s6  }
0xf: {  	[smem:$0x3FB4] =	sst s7  }
0x10: {  	[smem:$0x3FB5] =	sst s8  }
0x11: {  	[smem:$0x3FB6] =	sst s9;
	s0 =	simm.s32 @!p0 $0x0  }
0x12: {  	s1 =	sld [smem:$0x3F9C];
	s0 =	simm.s32 @p0 $0x1  }
0x13: {  	[smem:$0x3FB7] =	sst s0;
	s0 =	simm.s32 @!p1 $0x0  }
0x14: {  	s2 =	sld [smem:$0x3F9B];
	s0 =	simm.s32 @p1 $0x1  }
0x15: {  	[smem:$0x3FB8] =	sst s0;
	s0 =	simm.s32 @!p2 $0x0  }
0x16: {  	s3 =	sld [smem:$0x3FDB];
	s0 =	simm.s32 @p2 $0x1  }
0x17: {  	s4 =	simm.s32 $0x1BF5;
	[smem:$0x3FBA] =	sst s0  }
0x18: {  	s0 =	sld [smem:$0x3F9D];
	_ =	swait.ge [sflag:s4], $0x0  }
0x19: {  	s7 =	sld [smem:$0x3F9E]  }
0x1a: {  	s8 =	sadd.s32 $0xFFFFE003, lr  }
0x1b: {  	s9 =	sadd.s32 $0xFFFFFEF7, lr;
	s5 =	simm.s32 $0xFFFFFFFF;
	p2 =	slt.u32 s8, $0xFFFFF086  }
0x1c: {  	p1 =	slt.u32 s9, $0xF7A;
	s5 =	simm.s32 @!p2 $0x0  }
0x1d: {  	s5 =	simm.s32 @p1 $0x1;
	p0 =	seq.s32 s7, s2  }
0x1e: {  	s7 =	smul.u32 @!p0 $0xF7A, s2;
	p2 =	seq.s32 @!p0 s5, $0x0  }
0x1f: {  	s9 =	smul.u32 $0xF7A, s1;
	s8 =	simm.s32 @!p0 $0x1BF5;
	p2 =	por !p2, p0  }
0x20: {  	[sflag:s8] =	ssyncset.s32 @!p0 $0xFFFFF086;
	s6 =	sadd.s32 @!p0 s3, s7;
	s7 =	simm.s32 @!p0 $0x108  }
0x21: {  	s3 =	sadd.s32 s3, s9;
	s6 =	sadd.s32 @!p0 $0x88, s6;
	s7 =	simm.s32 @p2 $0x1082  }
0x22: {  	[simem:s7], [sflag:s8] =	dma.local @!p0 [hbm:s6], $0xF7A  }
0x23: {  	s9 =	sor.u32 $0xD0000000, s2;
	s6 =	simm.s32 $0x108;
	_ =	swait.ge @!p0 [sflag:s8], $0x0  }
0x24: {  	s3 =	sadd.s32 $0x88, s3;
	s6 =	simm.s32 @!p1 $0x1082;
	[sflag:s4] =	ssyncset.s32 $0xFFFFF086  }
0x25: {  	[simem:s6], [sflag:s4] =	dma.local [hbm:s3], $0xF7A  }
0x26: {  	[smem:$0x3F9E] =	sst s1;
	(tag) =	ssettag s2;
	_ =	strace s9  }
0x27: {  	s1 =	sld [smem:$0x3FAE]  }
0x28: {  	s2 =	sld [smem:$0x3FAF]  }
0x29: {  	s4 =	sld [smem:$0x3FB1]  }
0x2a: {  	p0 =	seq.s32 s5, $0x0;
	s5 =	sld [smem:$0x3FB2]  }
0x2b: {  	s6 =	sld [smem:$0x3FB3]  }
0x2c: {  	s7 =	sld [smem:$0x3FB4]  }
0x2d: {  	s3 =	simm.s32 $0x108;
	s8 =	sld [smem:$0x3FB5]  }
0x2e: {  	s3 =	simm.s32 @!p0 $0x1082;
	s9 =	sld [smem:$0x3FB6]  }
0x2f: {  	lr =	sadd.s32 s0, s3;
	s0 =	sld [smem:$0x3FAD]  }
0x30: {  	s3 =	sld [smem:$0x3FB0]  }
0x31: {  	[smem:$0x3FB9] =	sst s10  }
0x32: {  	s10 =	sld [smem:$0x3FB7];
	_ =	sdelay $0x3  }
0x33: {  	p0 =	seq.s32 s10, $0x1;
	s10 =	sld [smem:$0x3FB9];
	_ =	sdelay $0x3  }
0x34: {  	[smem:$0x3FB9] =	sst s10  }
0x35: {  	s10 =	sld [smem:$0x3FB8];
	_ =	sdelay $0x3  }
0x36: {  	p1 =	seq.s32 s10, $0x1;
	s10 =	sld [smem:$0x3FB9];
	_ =	sdelay $0x3  }
0x37: {  	[smem:$0x3FB9] =	sst s10  }
0x38: {  	s10 =	sld [smem:$0x3FBA]  }
0x39: {  	_ = 	snop;
	(pc) =	sbr.ind lr, $3  }
0x3a: {  	_ = 	snop  }
0x3b: {  	_ = 	snop  }
0x3c: {  	p2 =	seq.s32 s10, $0x1;
	s10 =	sld [smem:$0x3FB9]  }
0x3d: {  	_ =	shalt  }
0x3e: {  	_ =	shalt  }
0x3f: {  	_ =	shalt  }
0x40: {  	_ =	shalt  }
0x41: {  	_ =	shalt  }
0x42: {  	_ =	shalt  }
0x43: {  	_ =	shalt  }
0x44: {  	_ =	shalt  }
0x45: {  	_ =	shalt  }
0x46: {  	_ =	shalt  }
0x47: {  	_ =	shalt  }
0x48: {  	_ =	shalt  }
0x49: {  	_ =	shalt  }
0x4a: {  	_ =	shalt  }
0x4b: {  	_ =	shalt  }
0x4c: {  	_ =	shalt  }
0x4d: {  	_ =	shalt  }
0x4e: {  	_ =	shalt  }
0x4f: {  	_ =	shalt  }
0x50: {  	_ =	shalt  }
0x51: {  	_ =	shalt  }
0x52: {  	_ =	shalt  }
0x53: {  	_ =	shalt  }
0x54: {  	_ =	shalt  }
0x55: {  	_ =	shalt  }
0x56: {  	_ =	shalt  }
0x57: {  	_ =	shalt  }
0x58: {  	_ =	shalt  }
0x59: {  	_ =	shalt  }
0x5a: {  	_ =	shalt  }
0x5b: {  	_ =	shalt  }
0x5c: {  	_ =	shalt  }
0x5d: {  	_ =	shalt  }
0x5e: {  	_ =	shalt  }
0x5f: {  	_ =	shalt  }
0x60: {  	_ =	shalt  }
0x61: {  	_ =	shalt  }
0x62: {  	_ =	shalt  }
0x63: {  	_ =	shalt  }
0x64: {  	_ =	shalt  }
0x65: {  	_ =	shalt  }
0x66: {  	_ =	shalt  }
0x67: {  	_ =	shalt  }
0x68: {  	_ =	shalt  }
0x69: {  	_ =	shalt  }
0x6a: {  	_ =	shalt  }
0x6b: {  	_ =	shalt  }
0x6c: {  	_ =	shalt  }
0x6d: {  	_ =	shalt  }
0x6e: {  	_ =	shalt  }
0x6f: {  	_ =	shalt  }
0x70: {  	_ =	shalt  }
0x71: {  	_ =	shalt  }
0x72: {  	_ =	shalt  }
0x73: {  	_ =	shalt  }
0x74: {  	_ =	shalt  }
0x75: {  	_ =	shalt  }
0x76: {  	_ =	shalt  }
0x77: {  	_ =	shalt  }
0x78: {  	_ =	shalt  }
0x79: {  	_ =	shalt  }
0x7a: {  	_ =	shalt  }
0x7b: {  	_ =	shalt  }
0x7c: {  	_ =	shalt  }
0x7d: {  	_ =	shalt  }
0x7e: {  	_ =	shalt  }
0x7f: {  	_ =	shalt  }
0x80: {  	_ =	shalt  }
0x81: {  	_ =	shalt  }
0x82: {  	_ =	shalt  }
0x83: {  	_ =	shalt  }
0x84: {  	_ =	shalt  }
0x85: {  	_ =	shalt  }
0x86: {  	_ =	shalt  }
0x87: {  	_ =	shalt  }
.Lfunc_end0:
.L_simem_size_0:
called_computation_lowered:
.L_overlay_start_0:
0x88: {  	s2 =	sld [smem:$0x3FD9]  }
0x89: {  	s3 =	sld [smem:$0x3FFE];
	_ =	sdelay $0x1  }
0x8a: {  	s1 =	srdreg.scid  }
0x8b: {  	s0 =	sand.u32 $0x1, s1  }
0x8c: {  	s18 =	sshll.u32 s0, $0xA;
	s2 =	sadd.s32 s3, s2  }
0x8d: {  	s2 =	sadd.s32 s2, s18  }
0x8e: {  	[smem:$0x3FC5] =	sst s2  }
0x8f: {  	_ = 	snop  }
0x90: {  	s2 =	sld [smem:$0x3FC9]  }
0x91: {  	s19 =	sld [smem:$0x3FC8]  }
0x92: {  	s4 =	sld [smem:$0x3FC7]  }
0x93: {  	s5 =	sld [smem:$0x3FD0];
	(tm) =	ssettm $0x1  }
0x94: {  	s6 =	sld [smem:$0x3FFB];
	_ =	sdelay $0x3  }
0x95: {  	_ =	strace s6  }
0x96: {  	s6 =	sld [smem:$0x3FFC];
	_ =	sdelay $0x3  }
0x97: {  	_ =	strace s6  }
0x98: {  	s6 =	sld [smem:$0x3FFD];
	_ =	sdelay $0x3  }
0x99: {  	_ =	strace s6  }
0x9a: {  	_ =	strace $0x8FFFFFFF  }
0x9b: {  	s20 =	sld [smem:$0x3FDB];
	_ =	sdelay $0x1  }
0x9c: {  	s7 =	simm.s32 $_scs_section_size  }
0x9d: {  	s8 =	simm.s32 $_size__tile_overlayer_lowered;
	s9 =	simm.s32 $_tile_overlayer_lowered  }
0x9e: {  	s23 =	simm.s32 $0x1BFF;
	s22 =	sshll.u32 s9, $0x1;
	s6 =	sadd.s32 s7, s20  }
0x9f: {  	s10 =	simm.s32 $0x0;
	s21 =	sshll.u32 s8, $0x1;
	s8 =	sadd.s32 s22, s6  }
0xa0: {  	[timem:s10], [sflag:s23] =	dma.local [hbm:s8], s21  }
0xa1: {  	_ =	swait.ge [sflag:s23], s21  }
0xa2: {  	s7 =	ssub.s32 $0x0, s21;
	[sflag:s23] =	ssyncset.done $0x0  }
0xa3: {  	[sflag:s23] =	ssyncadd.s32 s7;
	_ =	sdelay $0x1  }
0xa4: {  	s24 =	simm.s32 $0x1B8B  }
0xa5: {  	_ =	swait.ge [sflag:s24], $0x1  }
0xa6: {  	[sflag:s24] =	ssyncset.done $0x0  }
0xa7: {  	s25 =	simm.s32 $0x1B8E;
	[sflag:s24] =	ssyncadd.s32 $0xFFFFFFFF  }
0xa8: {  	s26 =	simm.s32 $execute0_lowered;
	[smem:$0x3FD2] =	sst s25  }
0xa9: {  	s7 =	sshll.u32 s26, $0x1;
	_ =	strace $0x80000046;
	[dreg:$0x1] =	wrdreg $0xFFFFFFFF  }
0xaa: {  	s28 =	simm.s32 $_size_execute0_lowered;
	s6 =	sadd.s32 s6, s7;
	[dreg:$0x0] =	wrdreg $0x0  }
0xab: {  	s7 =	sshll.u32 s28, $0x1;
	[dreg:$0x2] =	wrdreg s6  }
0xac: {  	[dreg:$0x3] =	wrdreg s7  }
0xad: {  	[dreg:$0x4] =	wrdreg $0xC0  }
0xae: {  	_ =	task [dreg:s10], $0x5FFFF  }
0xaf: {  	[dreg:$0x1] =	wrdreg $0xFFFFFFFF  }
0xb0: {  	[dreg:$0x0] =	wrdreg $0x60  }
0xb1: {  	[dreg:$0x2] =	wrdreg s2  }
0xb2: {  	[dreg:$0x3] =	wrdreg s19  }
0xb3: {  	[dreg:$0x4] =	wrdreg s4  }
0xb4: {  	[dreg:$0x5] =	wrdreg s5  }
0xb5: {  	[dreg:$0x6] =	wrdreg $0x9  }
0xb6: {  	_ =	task.clear_ibuf [dreg:s10], $0x7FFFF;
	_ =	strace $0x90000046  }
0xb7: {  	s29 =	simm.s32 $0x9;
	_ =	strace $0x80000048  }
0xb8: {  	_ =	swait.ge [sflag:s29], $0x1  }
0xb9: {  	[sflag:s29] =	ssyncadd.s32 $0xFFFFFFFF  }
0xba: {  	_ =	strace $0x90000048  }
0xbb: {  	_ =	sfence  }
0xbc: {  	s30 =	sld [smem:$0x0];
	_ =	sdelay $0x2  }
0xbd: {  	s31 =	sshll.u32 s1, $0xD;
	s1 =	sshrl.u32 s1, $0x2  }
0xbe: {  	s3 =	sand.u32 $0x4000, s31;
	s1 =	sadd.s32 s1, s30  }
0xbf: {  	s0 =	sor.u32 s3, s0;
	s1 =	sshll.u32 s1, $0x11  }
0xc0: {  	s0 =	sor.u32 s1, s0  }
0xc1: {  	s0 =	sadd.s32 $0x8F2B, s0  }
0xc2: {  	[sflag:s0] =	ssyncadd.remote.s32 $0x1  }
0xc3: {  	_ =	sfence.sel $0xFFFF  }
0xc4: {  	[dreg:$0x0] =	wrdreg $0xFFFFFFFF;
	(pc) =	sbr.abs _section_cstart, $3  }
0xc5: {  	[dreg:$0x1] =	wrdreg $0xFFFFFFFF  }
0xc6: {  	_ =	task.clear_ibuf [dreg:s10], $0x2FFFF;
	_ =	strace $0x9FFFFFFF  }
0xc7: {  	(tm) =	ssettm $0x7FFFFFFF  }
tec
execute0_lowered:
.L_overlay_start_1:
0x0: {  	(tag) =	ssettag $0x1  }
0x1: {  	s0 =	srdreg.scid;
	s2 =	rddreg [dreg:$0x0]  }
0x2: {  	s10 =	stileid.u32;
	s1 =	rddreg [dreg:$0x1]  }
0x3: {  	s5 =	rddreg [dreg:$0x2];
	s0 =	sand.u32 $0x1, s0;
	s3 =	sshll.u32 s10, $0x1  }
0x4: {  	s6 =	rddreg [dreg:$0x3];
	s4 =	sor.u32 s0, s3  }
0x5: {  	s7 =	simm.s32 $0x1;
	s3 =	simm.s32 $0x0;
	s31 =	sshll.u32 s4, $0xB  }
0x6: {  	s29 =	simm.s32 $0xD;
	[smem:$0x7FF] =	sst s3;
	s11 =	sadd.s32 s6, s31  }
0x7: {  	_ =	strace $0x80000047;
	s12 =	sadd.s32 $0x10000, s11;
	[dreg:$0x7] =	wrdreg s11  }
0x8: {  	s30 =	simm.s32 $0x4800;
	s13 =	sadd.s32 $0x20000, s11;
	[dreg:$0x8] =	wrdreg s12  }
0x9: {  	s28 =	simm.s32 $0x14000;
	s14 =	sadd.s32 $0x30000, s11;
	[dreg:$0x9] =	wrdreg s13  }
0xa: {  	p1 =	seq.s32 s0, $0x1;
	s15 =	sadd.s32 $0x40000, s11;
	[dreg:$0xa] =	wrdreg s14  }
0xb: {  	s8 =	ssub.s32 $0x2, s0;
	s16 =	sadd.s32 $0x50000, s11;
	[dreg:$0xb] =	wrdreg s15  }
0xc: {  	p0 =	seq.s32 s4, $0x0;
	s17 =	sadd.s32 $0x60000, s11;
	[dreg:$0xc] =	wrdreg s16  }
0xd: {  	s9 =	sshrl.u32 s8, $0x1;
	s18 =	sadd.s32 $0x70000, s11;
	[dreg:$0xd] =	wrdreg s17  }
0xe: {  	s4 =	simm.s32 $0x1;
	s19 =	sadd.s32 $0x80000, s11;
	[dreg:$0xe] =	wrdreg s18  }
0xf: {  	p0 =	por !p0, !p1;
	s20 =	sadd.s32 $0x90000, s11;
	[dreg:$0xf] =	wrdreg s19  }
0x10: {  	s9 =	ssub.s32 s8, s9;
	s21 =	sadd.s32 $0xA0000, s11;
	[dreg:$0x10] =	wrdreg s20  }
0x11: {  	s8 =	sshll.u32 s0, $0x6;
	s22 =	sadd.s32 $0xB0000, s11;
	[dreg:$0x11] =	wrdreg s21  }
0x12: {  	s6 =	simm.s32 $0x8800;
	s23 =	sadd.s32 $0xC0000, s11;
	[dreg:$0x12] =	wrdreg s22  }
0x13: {  	p0 =	por !p0, !p0;
	s24 =	sadd.s32 $0xD0000, s11;
	[dreg:$0x13] =	wrdreg s23  }
0x14: {  	s25 =	sadd.s32 $0xE0000, s11;
	s26 =	sadd.s32 $0xF0000, s11;
	[dreg:$0x14] =	wrdreg s24  }
0x15: {  	s11 =	simm.s32 $0x3;
	s7 =	simm.s32 @!p0 $0x0;
	[dreg:$0x15] =	wrdreg s25  }
0x16: {  	[dreg:$0x16] =	wrdreg s26;
	s16 =	simm.s32 $0xC800;
	s24 =	simm.s32 $0x10800  }
0x17: {  	s25 =	simm.s32 $0x13000;
	s26 =	simm.s32 $0x13800;
	s12 =	simm.s32 $0x7  }
0x18: {  	s13 =	simm.s32 $0x4;
	s14 =	simm.s32 $0x8;
	s15 =	simm.s32 $0x5  }
0x19: {  	s17 =	simm.s32 $0x9;
	s18 =	simm.s32 $0x6;
	s19 =	simm.s32 $0xA  }
0x1a: {  	s20 =	simm.s32 $0xB;
	s21 =	simm.s32 $0xC;
	s7 =	ssub.s32 s10, s7  }
0x1b: {  	s22 =	simm.s32 $0x0;
	s10 =	sadd.s32 s5, s31;
	s7 =	sshll.u32 s7, $0x7  }
0x1c: {  	v2 =	vlaneseq.u32;
	s31 =	smax.u32 s9, $0x1;
	[dreg:$0x6] =	wrdreg s10;
	s7 =	sand.u32 $0x1FFFFF80, s7  }
0x1d: {  	vm0 =	vmmov $0xffff;
	v1 =	vshrl.u32 v2, $0x3;
	s5 =	simm.s32 $0x14800;
	[dreg:$0x17] =	wrdreg s31;
	s2 =	sadd.s32 s2, s7  }
0x1e: {  	v0 =	vand.u32 $0x7, v2;
	v2 =	vor.u32 $0x8, v2;
	v1 =	vmul.u32 $0x8, v1;
	s9 =	simm.s32 $0x2;
	s10 =	simm.s32 $0x18800;
	[dreg:$0x5] =	wrdreg s2  }
.LBB2_1:
0x1f: {  	s0 =	rddreg [dreg:$0x5];
	s2 =	simm.s32 $0x400;
	s7 =	simm.s32 $0x4000  }
0x20: {  	[tilespmem:s3], [sflag:$0xD] =	stream.strided.gather [hbm4b:s0+s2], $0x800, s7, s2, $0x38;
	[tilespmem:$0x1C800] =	vst v63  }
0x21: {  	s23 =	simm.s32 $0x800;
	s7 =	rddreg [dreg:$0x6]  }
0x22: {  	[tilespmem:s23], [sflag:$0xD] =	stream.linear.gather [hbm4b:s7+s3], $0x4000, $0x38;
	[tilespmem:$0x1C800] =	vst v63  }
0x23: {  	_ =	swait.ge [sflag:s29], $0x800  }
0x24: {  	[sflag:s29] =	ssyncset.done $0x0  }
0x25: {  	[sflag:s29] =	ssyncadd.s32 $0xFFFFF800  }
0x26: {  	_ =	swait.ge [sflag:s29], $0x4000  }
0x27: {  	[sflag:s29] =	ssyncset.done $0x0  }
0x28: {  	[sflag:s29] =	ssyncadd.s32 $0xFFFFC000  }
0x29: {  	v3 =	vld [tilespmem:s8+$0x0];
	_ =	sdelay $0x4  }
0x2a: {  	v4 =	vshll.u32 v3, $0x1  }
0x2b: {  	v3 =	vand.u32 $0x7, v3;
	v4 =	vand.u32 $0xFFFFFFF0, v4  }
0x2c: {  	v3 =	vor.u32 v3, v4  }
0x2d: {  	v4 =	vperm.xlane v3, v0;
	_ =	sdelay $0x1  }
0x2e: {  	v3 =	vperm.xlane v3, v2;
	v4 =	vadd.s32 v1, v4;
	_ =	sdelay $0x1  }
0x2f: {  	v3 =	vadd.s32 v1, v3;
	_ =	sdelay $0x2  }
0x30: {  	[tilespmem:s30], [sflag:$0x1] =	stream.indirect_vreg.gather [hbm4b:s1+s3], $0x80, v4, vm0, $0xb8;
	[tilespmem:$0x1C800] =	vst v63  }
0x31: {  	s2 =	simm.s32 $0x5000  }
0x32: {  	[tilespmem:s2], [sflag:$0x1] =	stream.indirect_vreg.gather [hbm4b:s1+s3], $0x80, v3, vm0, $0xb8;
	[tilespmem:$0x1C800] =	vst v63  }
0x33: {  	v3 =	vld [tilespmem:s8+$0x10];
	_ =	sdelay $0x4  }
0x34: {  	v4 =	vshll.u32 v3, $0x1  }
0x35: {  	v3 =	vand.u32 $0x7, v3;
	v4 =	vand.u32 $0xFFFFFFF0, v4  }
0x36: {  	v3 =	vor.u32 v3, v4  }
0x37: {  	v4 =	vperm.xlane v3, v0;
	_ =	sdelay $0x1  }
0x38: {  	v3 =	vperm.xlane v3, v2;
	v4 =	vadd.s32 v1, v4;
	_ =	sdelay $0x1  }
0x39: {  	v3 =	vadd.s32 v1, v3;
	_ =	sdelay $0x1  }
0x3a: {  	s7 =	simm.s32 $0x5800  }
0x3b: {  	[tilespmem:s7], [sflag:$0x1] =	stream.indirect_vreg.gather [hbm4b:s1+s3], $0x80, v4, vm0, $0xb8;
	[tilespmem:$0x1C800] =	vst v63  }
0x3c: {  	s23 =	simm.s32 $0x6000  }
0x3d: {  	[tilespmem:s23], [sflag:$0x1] =	stream.indirect_vreg.gather [hbm4b:s1+s3], $0x80, v3, vm0, $0xb8;
	[tilespmem:$0x1C800] =	vst v63  }
0x3e: {  	v3 =	vld [tilespmem:s8+$0x20];
	_ =	sdelay $0x4  }
0x3f: {  	v4 =	vshll.u32 v3, $0x1  }
0x40: {  	v3 =	vand.u32 $0x7, v3;
	v4 =	vand.u32 $0xFFFFFFF0, v4  }
0x41: {  	v3 =	vor.u32 v3, v4  }
0x42: {  	v4 =	vperm.xlane v3, v0;
	_ =	sdelay $0x1  }
0x43: {  	v3 =	vperm.xlane v3, v2;
	v4 =	vadd.s32 v1, v4;
	_ =	sdelay $0x1  }
0x44: {  	v3 =	vadd.s32 v1, v3;
	_ =	sdelay $0x1  }
0x45: {  	s2 =	simm.s32 $0x6800  }
0x46: {  	[tilespmem:s2], [sflag:$0x1] =	stream.indirect_vreg.gather [hbm4b:s1+s3], $0x80, v4, vm0, $0xb8;
	[tilespmem:$0x1C800] =	vst v63  }
0x47: {  	s7 =	simm.s32 $0x7000  }
0x48: {  	[tilespmem:s7], [sflag:$0x1] =	stream.indirect_vreg.gather [hbm4b:s1+s3], $0x80, v3, vm0, $0xb8;
	[tilespmem:$0x1C800] =	vst v63  }
0x49: {  	v3 =	vld [tilespmem:s8+$0x30];
	_ =	sdelay $0x4  }
0x4a: {  	v4 =	vshll.u32 v3, $0x1  }
0x4b: {  	v3 =	vand.u32 $0x7, v3;
	v4 =	vand.u32 $0xFFFFFFF0, v4  }
0x4c: {  	v3 =	vor.u32 v3, v4  }
0x4d: {  	v4 =	vperm.xlane v3, v0;
	_ =	sdelay $0x1  }
0x4e: {  	v3 =	vperm.xlane v3, v2;
	v4 =	vadd.s32 v1, v4;
	_ =	sdelay $0x1  }
0x4f: {  	v3 =	vadd.s32 v1, v3;
	_ =	sdelay $0x1  }
0x50: {  	s23 =	simm.s32 $0x7800  }
0x51: {  	[tilespmem:s23], [sflag:$0x1] =	stream.indirect_vreg.gather [hbm4b:s1+s3], $0x80, v4, vm0, $0xb8;
	[tilespmem:$0x1C800] =	vst v63  }
0x52: {  	s2 =	simm.s32 $0x8000  }
0x53: {  	[tilespmem:s2], [sflag:$0x1] =	stream.indirect_vreg.gather [hbm4b:s1+s3], $0x80, v3, vm0, $0xb8;
	[tilespmem:$0x1C800] =	vst v63  }
0x54: {  	v3 =	vld [tilespmem:s8+$0x80];
	_ =	sdelay $0x4  }
0x55: {  	v4 =	vshll.u32 v3, $0x1  }
0x56: {  	v3 =	vand.u32 $0x7, v3;
	v4 =	vand.u32 $0xFFFFFFF0, v4  }
0x57: {  	v3 =	vor.u32 v3, v4  }
0x58: {  	v4 =	vperm.xlane v3, v0;
	_ =	sdelay $0x1  }
0x59: {  	v3 =	vperm.xlane v3, v2;
	v4 =	vadd.s32 v1, v4;
	_ =	sdelay $0x1  }
0x5a: {  	v3 =	vadd.s32 v1, v3;
	_ =	sdelay $0x2  }
0x5b: {  	[tilespmem:s6], [sflag:$0x2] =	stream.indirect_vreg.gather [hbm4b:s1+s3], $0x80, v4, vm0, $0xb8;
	[tilespmem:$0x1C800] =	vst v63  }
0x5c: {  	s7 =	simm.s32 $0x9000  }
0x5d: {  	[tilespmem:s7], [sflag:$0x2] =	stream.indirect_vreg.gather [hbm4b:s1+s3], $0x80, v3, vm0, $0xb8;
	[tilespmem:$0x1C800] =	vst v63  }
0x5e: {  	v3 =	vld [tilespmem:s8+$0x90];
	_ =	sdelay $0x4  }
0x5f: {  	v4 =	vshll.u32 v3, $0x1  }
0x60: {  	v3 =	vand.u32 $0x7, v3;
	v4 =	vand.u32 $0xFFFFFFF0, v4  }
0x61: {  	v3 =	vor.u32 v3, v4  }
0x62: {  	v4 =	vperm.xlane v3, v0;
	_ =	sdelay $0x1  }
0x63: {  	v3 =	vperm.xlane v3, v2;
	v4 =	vadd.s32 v1, v4;
	_ =	sdelay $0x1  }
0x64: {  	v3 =	vadd.s32 v1, v3;
	_ =	sdelay $0x1  }
0x65: {  	s23 =	simm.s32 $0x9800  }
0x66: {  	[tilespmem:s23], [sflag:$0x2] =	stream.indirect_vreg.gather [hbm4b:s1+s3], $0x80, v4, vm0, $0xb8;
	[tilespmem:$0x1C800] =	vst v63  }
0x67: {  	s2 =	simm.s32 $0xA000  }
0x68: {  	[tilespmem:s2], [sflag:$0x2] =	stream.indirect_vreg.gather [hbm4b:s1+s3], $0x80, v3, vm0, $0xb8;
	[tilespmem:$0x1C800] =	vst v63  }
0x69: {  	v3 =	vld [tilespmem:s8+$0xA0];
	_ =	sdelay $0x4  }
0x6a: {  	v4 =	vshll.u32 v3, $0x1  }
0x6b: {  	v3 =	vand.u32 $0x7, v3;
	v4 =	vand.u32 $0xFFFFFFF0, v4  }
0x6c: {  	v3 =	vor.u32 v3, v4  }
0x6d: {  	v4 =	vperm.xlane v3, v0;
	_ =	sdelay $0x1  }
0x6e: {  	v3 =	vperm.xlane v3, v2;
	v4 =	vadd.s32 v1, v4;
	_ =	sdelay $0x1  }
0x6f: {  	v3 =	vadd.s32 v1, v3;
	_ =	sdelay $0x1  }
0x70: {  	s7 =	simm.s32 $0xA800  }
0x71: {  	[tilespmem:s7], [sflag:$0x2] =	stream.indirect_vreg.gather [hbm4b:s1+s3], $0x80, v4, vm0, $0xb8;
	[tilespmem:$0x1C800] =	vst v63  }
0x72: {  	s23 =	simm.s32 $0xB000  }
0x73: {  	[tilespmem:s23], [sflag:$0x2] =	stream.indirect_vreg.gather [hbm4b:s1+s3], $0x80, v3, vm0, $0xb8;
	[tilespmem:$0x1C800] =	vst v63  }
0x74: {  	v3 =	vld [tilespmem:s8+$0xB0];
	_ =	sdelay $0x4  }
0x75: {  	v4 =	vshll.u32 v3, $0x1  }
0x76: {  	v3 =	vand.u32 $0x7, v3;
	v4 =	vand.u32 $0xFFFFFFF0, v4  }
0x77: {  	v3 =	vor.u32 v3, v4  }
0x78: {  	v4 =	vperm.xlane v3, v0;
	_ =	sdelay $0x1  }
0x79: {  	v3 =	vperm.xlane v3, v2;
	v4 =	vadd.s32 v1, v4;
	_ =	sdelay $0x1  }
0x7a: {  	v3 =	vadd.s32 v1, v3;
	_ =	sdelay $0x1  }
0x7b: {  	s2 =	simm.s32 $0xB800  }
0x7c: {  	[tilespmem:s2], [sflag:$0x2] =	stream.indirect_vreg.gather [hbm4b:s1+s3], $0x80, v4, vm0, $0xb8;
	[tilespmem:$0x1C800] =	vst v63  }
0x7d: {  	s7 =	simm.s32 $0xC000  }
0x7e: {  	[tilespmem:s7], [sflag:$0x2] =	stream.indirect_vreg.gather [hbm4b:s1+s3], $0x80, v3, vm0, $0xb8;
	[tilespmem:$0x1C800] =	vst v63  }
0x7f: {  	v3 =	vld [tilespmem:s8+$0x100];
	_ =	sdelay $0x4  }
0x80: {  	v4 =	vshll.u32 v3, $0x1  }
0x81: {  	v3 =	vand.u32 $0x7, v3;
	v4 =	vand.u32 $0xFFFFFFF0, v4  }
0x82: {  	v3 =	vor.u32 v3, v4  }
0x83: {  	v4 =	vperm.xlane v3, v0;
	_ =	sdelay $0x1  }
0x84: {  	v3 =	vperm.xlane v3, v2;
	v4 =	vadd.s32 v1, v4;
	_ =	sdelay $0x1  }
0x85: {  	v3 =	vadd.s32 v1, v3;
	_ =	sdelay $0x2  }
0x86: {  	[tilespmem:s16], [sflag:$0x3] =	stream.indirect_vreg.gather [hbm4b:s1+s3], $0x80, v4, vm0, $0xb8;
	[tilespmem:$0x1C800] =	vst v63  }
0x87: {  	s23 =	simm.s32 $0xD000  }
0x88: {  	[tilespmem:s23], [sflag:$0x3] =	stream.indirect_vreg.gather [hbm4b:s1+s3], $0x80, v3, vm0, $0xb8;
	[tilespmem:$0x1C800] =	vst v63  }
0x89: {  	v3 =	vld [tilespmem:s8+$0x110];
	_ =	sdelay $0x4  }
0x8a: {  	v4 =	vshll.u32 v3, $0x1  }
0x8b: {  	v3 =	vand.u32 $0x7, v3;
	v4 =	vand.u32 $0xFFFFFFF0, v4  }
0x8c: {  	v3 =	vor.u32 v3, v4  }
0x8d: {  	v4 =	vperm.xlane v3, v0;
	_ =	sdelay $0x1  }
0x8e: {  	v3 =	vperm.xlane v3, v2;
	v4 =	vadd.s32 v1, v4;
	_ =	sdelay $0x1  }
0x8f: {  	v3 =	vadd.s32 v1, v3;
	_ =	sdelay $0x1  }
0x90: {  	s2 =	simm.s32 $0xD800  }
0x91: {  	[tilespmem:s2], [sflag:$0x3] =	stream.indirect_vreg.gather [hbm4b:s1+s3], $0x80, v4, vm0, $0xb8;
	[tilespmem:$0x1C800] =	vst v63  }
0x92: {  	s7 =	simm.s32 $0xE000  }
0x93: {  	[tilespmem:s7], [sflag:$0x3] =	stream.indirect_vreg.gather [hbm4b:s1+s3], $0x80, v3, vm0, $0xb8;
	[tilespmem:$0x1C800] =	vst v63  }
0x94: {  	v3 =	vld [tilespmem:s8+$0x120];
	_ =	sdelay $0x4  }
0x95: {  	v4 =	vshll.u32 v3, $0x1  }
0x96: {  	v3 =	vand.u32 $0x7, v3;
	v4 =	vand.u32 $0xFFFFFFF0, v4  }
0x97: {  	v3 =	vor.u32 v3, v4  }
0x98: {  	v4 =	vperm.xlane v3, v0;
	_ =	sdelay $0x1  }
0x99: {  	v3 =	vperm.xlane v3, v2;
	v4 =	vadd.s32 v1, v4;
	_ =	sdelay $0x1  }
0x9a: {  	v3 =	vadd.s32 v1, v3;
	_ =	sdelay $0x1  }
0x9b: {  	s23 =	simm.s32 $0xE800  }
0x9c: {  	[tilespmem:s23], [sflag:$0x3] =	stream.indirect_vreg.gather [hbm4b:s1+s3], $0x80, v4, vm0, $0xb8;
	[tilespmem:$0x1C800] =	vst v63  }
0x9d: {  	s2 =	simm.s32 $0xF000  }
0x9e: {  	[tilespmem:s2], [sflag:$0x3] =	stream.indirect_vreg.gather [hbm4b:s1+s3], $0x80, v3, vm0, $0xb8;
	[tilespmem:$0x1C800] =	vst v63  }
0x9f: {  	v3 =	vld [tilespmem:s8+$0x130];
	_ =	sdelay $0x4  }
0xa0: {  	v4 =	vshll.u32 v3, $0x1  }
0xa1: {  	v3 =	vand.u32 $0x7, v3;
	v4 =	vand.u32 $0xFFFFFFF0, v4  }
0xa2: {  	v3 =	vor.u32 v3, v4  }
0xa3: {  	v4 =	vperm.xlane v3, v0;
	_ =	sdelay $0x1  }
0xa4: {  	v3 =	vperm.xlane v3, v2;
	v4 =	vadd.s32 v1, v4;
	_ =	sdelay $0x1  }
0xa5: {  	v3 =	vadd.s32 v1, v3;
	_ =	sdelay $0x1  }
0xa6: {  	s7 =	simm.s32 $0xF800  }
0xa7: {  	[tilespmem:s7], [sflag:$0x3] =	stream.indirect_vreg.gather [hbm4b:s1+s3], $0x80, v4, vm0, $0xb8;
	[tilespmem:$0x1C800] =	vst v63  }
0xa8: {  	s23 =	simm.s32 $0x10000  }
0xa9: {  	[tilespmem:s23], [sflag:$0x3] =	stream.indirect_vreg.gather [hbm4b:s1+s3], $0x80, v3, vm0, $0xb8;
	[tilespmem:$0x1C800] =	vst v63  }
0xaa: {  	v3 =	vld [tilespmem:s8+$0x180];
	_ =	sdelay $0x4  }
0xab: {  	v4 =	vshll.u32 v3, $0x1  }
0xac: {  	v3 =	vand.u32 $0x7, v3;
	v4 =	vand.u32 $0xFFFFFFF0, v4  }
0xad: {  	v3 =	vor.u32 v3, v4  }
0xae: {  	v4 =	vperm.xlane v3, v0;
	_ =	sdelay $0x1  }
0xaf: {  	v3 =	vperm.xlane v3, v2;
	v4 =	vadd.s32 v1, v4;
	_ =	sdelay $0x1  }
0xb0: {  	v3 =	vadd.s32 v1, v3;
	_ =	sdelay $0x2  }
0xb1: {  	[tilespmem:s24], [sflag:$0x4] =	stream.indirect_vreg.gather [hbm4b:s1+s3], $0x80, v4, vm0, $0xb8;
	[tilespmem:$0x1C800] =	vst v63  }
0xb2: {  	s2 =	simm.s32 $0x11000  }
0xb3: {  	[tilespmem:s2], [sflag:$0x4] =	stream.indirect_vreg.gather [hbm4b:s1+s3], $0x80, v3, vm0, $0xb8;
	[tilespmem:$0x1C800] =	vst v63  }
0xb4: {  	v3 =	vld [tilespmem:s8+$0x190];
	_ =	sdelay $0x4  }
0xb5: {  	v4 =	vshll.u32 v3, $0x1  }
0xb6: {  	v3 =	vand.u32 $0x7, v3;
	v4 =	vand.u32 $0xFFFFFFF0, v4  }
0xb7: {  	v3 =	vor.u32 v3, v4  }
0xb8: {  	v4 =	vperm.xlane v3, v0;
	_ =	sdelay $0x1  }
0xb9: {  	v3 =	vperm.xlane v3, v2;
	v4 =	vadd.s32 v1, v4;
	_ =	sdelay $0x1  }
0xba: {  	v3 =	vadd.s32 v1, v3;
	_ =	sdelay $0x1  }
0xbb: {  	s7 =	simm.s32 $0x11800  }
0xbc: {  	[tilespmem:s7], [sflag:$0x4] =	stream.indirect_vreg.gather [hbm4b:s1+s3], $0x80, v4, vm0, $0xb8;
	[tilespmem:$0x1C800] =	vst v63  }
0xbd: {  	s23 =	simm.s32 $0x12000  }
0xbe: {  	[tilespmem:s23], [sflag:$0x4] =	stream.indirect_vreg.gather [hbm4b:s1+s3], $0x80, v3, vm0, $0xb8;
	[tilespmem:$0x1C800] =	vst v63  }
0xbf: {  	v3 =	vld [tilespmem:s8+$0x1A0];
	_ =	sdelay $0x4  }
0xc0: {  	v4 =	vshll.u32 v3, $0x1  }
0xc1: {  	v3 =	vand.u32 $0x7, v3;
	v4 =	vand.u32 $0xFFFFFFF0, v4  }
0xc2: {  	v3 =	vor.u32 v3, v4  }
0xc3: {  	v4 =	vperm.xlane v3, v0;
	_ =	sdelay $0x1  }
0xc4: {  	v3 =	vperm.xlane v3, v2;
	v4 =	vadd.s32 v1, v4;
	_ =	sdelay $0x1  }
0xc5: {  	v3 =	vadd.s32 v1, v3;
	_ =	sdelay $0x1  }
0xc6: {  	s2 =	simm.s32 $0x12800  }
0xc7: {  	[tilespmem:s2], [sflag:$0x4] =	stream.indirect_vreg.gather [hbm4b:s1+s3], $0x80, v4, vm0, $0xb8;
	[tilespmem:$0x1C800] =	vst v63  }
0xc8: {  	_ = 	snop  }
0xc9: {  	[tilespmem:s25], [sflag:$0x4] =	stream.indirect_vreg.gather [hbm4b:s1+s3], $0x80, v3, vm0, $0xb8;
	[tilespmem:$0x1C800] =	vst v63  }
0xca: {  	v3 =	vld [tilespmem:s8+$0x1B0];
	_ =	sdelay $0x4  }
0xcb: {  	v4 =	vshll.u32 v3, $0x1  }
0xcc: {  	v3 =	vand.u32 $0x7, v3;
	v4 =	vand.u32 $0xFFFFFFF0, v4  }
0xcd: {  	v3 =	vor.u32 v3, v4  }
0xce: {  	v4 =	vperm.xlane v3, v0;
	_ =	sdelay $0x1  }
0xcf: {  	v3 =	vperm.xlane v3, v2;
	v4 =	vadd.s32 v1, v4;
	_ =	sdelay $0x1  }
0xd0: {  	v3 =	vadd.s32 v1, v3;
	_ =	sdelay $0x2  }
0xd1: {  	[tilespmem:s26], [sflag:$0x4] =	stream.indirect_vreg.gather [hbm4b:s1+s3], $0x80, v4, vm0, $0xb8;
	[tilespmem:$0x1C800] =	vst v63  }
0xd2: {  	_ = 	snop  }
0xd3: {  	[tilespmem:s28], [sflag:$0x4] =	stream.indirect_vreg.gather [hbm4b:s1+s3], $0x80, v3, vm0, $0xb8;
	[tilespmem:$0x1C800] =	vst v63  }
0xd4: {  	_ =	swait.ge [sflag:s4], $0x4000  }
0xd5: {  	s7 =	sand.u32 $0x3800, s3;
	s23 =	sand.u32 $0x380, s3;
	[sflag:s4] =	ssyncset.done $0x0  }
0xd6: {  	s23 =	sor.u32 s23, s7;
	[sflag:s4] =	ssyncadd.s32 $0xFFFFC000  }
0xd7: {  	v3 =	vld [tilespmem:s23+$0xC70]  }
0xd8: {  	v4 =	vld [tilespmem:s23+$0x800]  }
0xd9: {  	v5 =	vld [tilespmem:s23+$0x810]  }
0xda: {  	v6 =	vld [tilespmem:s23+$0x820]  }
0xdb: {  	v7 =	vld [tilespmem:s23+$0x830]  }
0xdc: {  	v8 =	vld [tilespmem:s23+$0x840]  }
0xdd: {  	v9 =	vld [tilespmem:s23+$0x850]  }
0xde: {  	v10 =	vld [tilespmem:s23+$0x860]  }
0xdf: {  	v11 =	vld [tilespmem:s23+$0x870]  }
0xe0: {  	v12 =	vld [tilespmem:s23+$0xC00]  }
0xe1: {  	v13 =	vld [tilespmem:s23+$0xC10]  }
0xe2: {  	v14 =	vld [tilespmem:s23+$0xC20]  }
0xe3: {  	v15 =	vld [tilespmem:s23+$0xC30]  }
0xe4: {  	v16 =	vld [tilespmem:s23+$0xC40]  }
0xe5: {  	v17 =	vld [tilespmem:s23+$0xC50]  }
0xe6: {  	[tilespmem:s23+$0x4C70] =	vst.add.f32.msk $0xffff, v3  }
0xe7: {  	v3 =	vld [tilespmem:s23+$0xC60]  }
0xe8: {  	[tilespmem:s23+$0x4800] =	vst.add.f32.msk $0xffff, v4  }
0xe9: {  	[tilespmem:s23+$0x4810] =	vst.add.f32.msk $0xffff, v5  }
0xea: {  	[tilespmem:s23+$0x4820] =	vst.add.f32.msk $0xffff, v6  }
0xeb: {  	[tilespmem:s23+$0x4830] =	vst.add.f32.msk $0xffff, v7  }
0xec: {  	[tilespmem:s23+$0x4840] =	vst.add.f32.msk $0xffff, v8  }
0xed: {  	[tilespmem:s23+$0x4850] =	vst.add.f32.msk $0xffff, v9  }
0xee: {  	[tilespmem:s23+$0x4860] =	vst.add.f32.msk $0xffff, v10  }
0xef: {  	[tilespmem:s23+$0x4870] =	vst.add.f32.msk $0xffff, v11  }
0xf0: {  	[tilespmem:s23+$0x4C00] =	vst.add.f32.msk $0xffff, v12  }
0xf1: {  	[tilespmem:s23+$0x4C10] =	vst.add.f32.msk $0xffff, v13  }
0xf2: {  	[tilespmem:s23+$0x4C20] =	vst.add.f32.msk $0xffff, v14  }
0xf3: {  	[tilespmem:s23+$0x4C30] =	vst.add.f32.msk $0xffff, v15  }
0xf4: {  	s7 =	simm.s32 $0x80;
	s2 =	simm.s32 $0x100;
	[tilespmem:s23+$0x4C40] =	vst.add.f32.msk $0xffff, v16  }
0xf5: {  	s31 =	simm.s32 $0x200;
	s0 =	sand.u32 $0x380, s7;
	s2 =	sand.u32 $0x3800, s2;
	[tilespmem:s23+$0x4C50] =	vst.add.f32.msk $0xffff, v17  }
.LBB2_2:
0xf6: {  	p0 =	sne.s32 s31, $0x3F00;
	[tilespmem:s23+$0x4C60] =	vst.add.f32.msk $0xffff, v3;
	s23 =	sor.u32 s0, s2  }
0xf7: {  	v3 =	vld [tilespmem:s23+$0xC70]  }
0xf8: {  	v4 =	vld [tilespmem:s23+$0x800]  }
0xf9: {  	v5 =	vld [tilespmem:s23+$0x810]  }
0xfa: {  	v6 =	vld [tilespmem:s23+$0x820]  }
0xfb: {  	v7 =	vld [tilespmem:s23+$0x830]  }
0xfc: {  	[tilespmem:s23+$0x4C70] =	vst.add.f32.msk $0xffff, v3  }
0xfd: {  	v8 =	vld [tilespmem:s23+$0x840]  }
0xfe: {  	v9 =	vld [tilespmem:s23+$0x850]  }
0xff: {  	v10 =	vld [tilespmem:s23+$0x860]  }
0x100: {  	v11 =	vld [tilespmem:s23+$0x870]  }
0x101: {  	v12 =	vld [tilespmem:s23+$0xC00]  }
0x102: {  	v13 =	vld [tilespmem:s23+$0xC10]  }
0x103: {  	v14 =	vld [tilespmem:s23+$0xC20]  }
0x104: {  	v15 =	vld [tilespmem:s23+$0xC30]  }
0x105: {  	v16 =	vld [tilespmem:s23+$0xC40]  }
0x106: {  	v17 =	vld [tilespmem:s23+$0xC50]  }
0x107: {  	v3 =	vld [tilespmem:s23+$0xC60]  }
0x108: {  	[tilespmem:s23+$0x4800] =	vst.add.f32.msk $0xffff, v4  }
0x109: {  	[tilespmem:s23+$0x4810] =	vst.add.f32.msk $0xffff, v5  }
0x10a: {  	[tilespmem:s23+$0x4820] =	vst.add.f32.msk $0xffff, v6  }
0x10b: {  	[tilespmem:s23+$0x4830] =	vst.add.f32.msk $0xffff, v7  }
0x10c: {  	[tilespmem:s23+$0x4840] =	vst.add.f32.msk $0xffff, v8  }
0x10d: {  	[tilespmem:s23+$0x4850] =	vst.add.f32.msk $0xffff, v9  }
0x10e: {  	[tilespmem:s23+$0x4860] =	vst.add.f32.msk $0xffff, v10  }
0x10f: {  	[tilespmem:s23+$0x4870] =	vst.add.f32.msk $0xffff, v11  }
0x110: {  	[tilespmem:s23+$0x4C00] =	vst.add.f32.msk $0xffff, v12  }
.Ltmp0:
0x111: {  	[tilespmem:s23+$0x4C10] =	vst.add.f32.msk $0xffff, v13;
	(pc) =	sbr.rel @p0 .LBB2_2-.Ltmp0, $4  }
0x112: {  	[tilespmem:s23+$0x4C20] =	vst.add.f32.msk $0xffff, v14  }
0x113: {  	[tilespmem:s23+$0x4C30] =	vst.add.f32.msk $0xffff, v15  }
0x114: {  	s7 =	sadd.s32 $0x80, s7;
	[tilespmem:s23+$0x4C40] =	vst.add.f32.msk $0xffff, v16  }
0x115: {  	s2 =	sand.u32 $0x3800, s31;
	s31 =	sadd.s32 $0x100, s31;
	s0 =	sand.u32 $0x380, s7;
	[tilespmem:s23+$0x4C50] =	vst.add.f32.msk $0xffff, v17  }
0x116: {  	s0 =	sor.u32 s0, s2;
	[tilespmem:s23+$0x4C60] =	vst.add.f32.msk $0xffff, v3  }
0x117: {  	v3 =	vld [tilespmem:s0+$0xC70]  }
0x118: {  	v4 =	vld [tilespmem:s0+$0x800]  }
0x119: {  	v5 =	vld [tilespmem:s0+$0x810]  }
0x11a: {  	v6 =	vld [tilespmem:s0+$0x820]  }
0x11b: {  	v7 =	vld [tilespmem:s0+$0x830]  }
0x11c: {  	v8 =	vld [tilespmem:s0+$0x850]  }
0x11d: {  	v9 =	vld [tilespmem:s0+$0x860]  }
0x11e: {  	v10 =	vld [tilespmem:s0+$0x870]  }
0x11f: {  	v11 =	vld [tilespmem:s0+$0xC00]  }
0x120: {  	v12 =	vld [tilespmem:s0+$0xC10]  }
0x121: {  	v13 =	vld [tilespmem:s0+$0xC20]  }
0x122: {  	v14 =	vld [tilespmem:s0+$0xC30]  }
0x123: {  	v15 =	vld [tilespmem:s0+$0xC40]  }
0x124: {  	v16 =	vld [tilespmem:s0+$0xC50]  }
0x125: {  	v17 =	vld [tilespmem:s0+$0xC60]  }
0x126: {  	[tilespmem:s0+$0x4C70] =	vst.add.f32.msk $0xffff, v3  }
0x127: {  	v3 =	vld [tilespmem:s0+$0x840]  }
0x128: {  	[tilespmem:s0+$0x4800] =	vst.add.f32.msk $0xffff, v4  }
0x129: {  	[tilespmem:s0+$0x4810] =	vst.add.f32.msk $0xffff, v5  }
0x12a: {  	[tilespmem:s0+$0x4820] =	vst.add.f32.msk $0xffff, v6  }
0x12b: {  	[tilespmem:s0+$0x4830] =	vst.add.f32.msk $0xffff, v7  }
0x12c: {  	[tilespmem:s0+$0x4850] =	vst.add.f32.msk $0xffff, v8  }
0x12d: {  	[tilespmem:s0+$0x4860] =	vst.add.f32.msk $0xffff, v9  }
0x12e: {  	[tilespmem:s0+$0x4870] =	vst.add.f32.msk $0xffff, v10  }
0x12f: {  	[tilespmem:s0+$0x4C00] =	vst.add.f32.msk $0xffff, v11  }
0x130: {  	[tilespmem:s0+$0x4C10] =	vst.add.f32.msk $0xffff, v12  }
0x131: {  	[tilespmem:s0+$0x4C20] =	vst.add.f32.msk $0xffff, v13  }
0x132: {  	[tilespmem:s0+$0x4C30] =	vst.add.f32.msk $0xffff, v14  }
0x133: {  	[tilespmem:s0+$0x4C40] =	vst.add.f32.msk $0xffff, v15  }
0x134: {  	[tilespmem:s0+$0x4C50] =	vst.add.f32.msk $0xffff, v16  }
0x135: {  	[tilespmem:s0+$0x4C60] =	vst.add.f32.msk $0xffff, v17  }
0x136: {  	s23 =	rddreg [dreg:$0x7];
	[tilespmem:s0+$0x4840] =	vst.add.f32.msk $0xffff, v3;
	s0 =	simm.s32 $0x0  }
0x137: {  	[hbm4b:s23+s0] =	stream.linear.scatter [tilespmem:s30], [sflag:$0x7], $0x4000, $0x38;
	[tilespmem:$0x1C800] =	vst v63  }
0x138: {  	v3 =	vld [tilespmem:s8+$0x200];
	_ =	sdelay $0x4  }
0x139: {  	v4 =	vshll.u32 v3, $0x1  }
0x13a: {  	v3 =	vand.u32 $0x7, v3;
	v4 =	vand.u32 $0xFFFFFFF0, v4  }
0x13b: {  	v3 =	vor.u32 v3, v4  }
0x13c: {  	v4 =	vperm.xlane v3, v0;
	_ =	sdelay $0x1  }
0x13d: {  	v3 =	vperm.xlane v3, v2;
	v4 =	vadd.s32 v1, v4;
	_ =	sdelay $0x1  }
0x13e: {  	v3 =	vadd.s32 v1, v3;
	_ =	sdelay $0x2  }
0x13f: {  	[tilespmem:s5], [sflag:$0x5] =	stream.indirect_vreg.gather [hbm4b:s1+s0], $0x80, v4, vm0, $0xb8;
	[tilespmem:$0x1C800] =	vst v63  }
0x140: {  	s7 =	simm.s32 $0x15000  }
0x141: {  	[tilespmem:s7], [sflag:$0x5] =	stream.indirect_vreg.gather [hbm4b:s1+s0], $0x80, v3, vm0, $0xb8;
	[tilespmem:$0x1C800] =	vst v63  }
0x142: {  	v3 =	vld [tilespmem:s8+$0x210];
	_ =	sdelay $0x4  }
0x143: {  	v4 =	vshll.u32 v3, $0x1  }
0x144: {  	v3 =	vand.u32 $0x7, v3;
	v4 =	vand.u32 $0xFFFFFFF0, v4  }
0x145: {  	v3 =	vor.u32 v3, v4  }
0x146: {  	v4 =	vperm.xlane v3, v0;
	_ =	sdelay $0x1  }
0x147: {  	v3 =	vperm.xlane v3, v2;
	v4 =	vadd.s32 v1, v4;
	_ =	sdelay $0x1  }
0x148: {  	v3 =	vadd.s32 v1, v3;
	_ =	sdelay $0x1  }
0x149: {  	s23 =	simm.s32 $0x15800  }
0x14a: {  	[tilespmem:s23], [sflag:$0x5] =	stream.indirect_vreg.gather [hbm4b:s1+s0], $0x80, v4, vm0, $0xb8;
	[tilespmem:$0x1C800] =	vst v63  }
0x14b: {  	s7 =	simm.s32 $0x16000  }
0x14c: {  	[tilespmem:s7], [sflag:$0x5] =	stream.indirect_vreg.gather [hbm4b:s1+s0], $0x80, v3, vm0, $0xb8;
	[tilespmem:$0x1C800] =	vst v63  }
0x14d: {  	v3 =	vld [tilespmem:s8+$0x220];
	_ =	sdelay $0x4  }
0x14e: {  	v4 =	vshll.u32 v3, $0x1  }
0x14f: {  	v3 =	vand.u32 $0x7, v3;
	v4 =	vand.u32 $0xFFFFFFF0, v4  }
0x150: {  	v3 =	vor.u32 v3, v4  }
0x151: {  	v4 =	vperm.xlane v3, v0;
	_ =	sdelay $0x1  }
0x152: {  	v3 =	vperm.xlane v3, v2;
	v4 =	vadd.s32 v1, v4;
	_ =	sdelay $0x1  }
0x153: {  	v3 =	vadd.s32 v1, v3;
	_ =	sdelay $0x1  }
0x154: {  	s23 =	simm.s32 $0x16800  }
0x155: {  	[tilespmem:s23], [sflag:$0x5] =	stream.indirect_vreg.gather [hbm4b:s1+s0], $0x80, v4, vm0, $0xb8;
	[tilespmem:$0x1C800] =	vst v63  }
0x156: {  	s7 =	simm.s32 $0x17000  }
0x157: {  	[tilespmem:s7], [sflag:$0x5] =	stream.indirect_vreg.gather [hbm4b:s1+s0], $0x80, v3, vm0, $0xb8;
	[tilespmem:$0x1C800] =	vst v63  }
0x158: {  	v3 =	vld [tilespmem:s8+$0x230];
	_ =	sdelay $0x4  }
0x159: {  	v4 =	vshll.u32 v3, $0x1  }
0x15a: {  	v3 =	vand.u32 $0x7, v3;
	v4 =	vand.u32 $0xFFFFFFF0, v4  }
0x15b: {  	v3 =	vor.u32 v3, v4  }
0x15c: {  	v4 =	vperm.xlane v3, v0;
	_ =	sdelay $0x1  }
0x15d: {  	v3 =	vperm.xlane v3, v2;
	v4 =	vadd.s32 v1, v4;
	_ =	sdelay $0x1  }
0x15e: {  	v3 =	vadd.s32 v1, v3;
	_ =	sdelay $0x1  }
0x15f: {  	s23 =	simm.s32 $0x17800  }
0x160: {  	[tilespmem:s23], [sflag:$0x5] =	stream.indirect_vreg.gather [hbm4b:s1+s0], $0x80, v4, vm0, $0xb8;
	[tilespmem:$0x1C800] =	vst v63  }
0x161: {  	s7 =	simm.s32 $0x18000  }
0x162: {  	[tilespmem:s7], [sflag:$0x5] =	stream.indirect_vreg.gather [hbm4b:s1+s0], $0x80, v3, vm0, $0xb8;
	[tilespmem:$0x1C800] =	vst v63  }
0x163: {  	_ =	swait.ge [sflag:s9], $0x4000  }
0x164: {  	s23 =	sand.u32 $0x3800, s0;
	s0 =	sand.u32 $0x380, s0;
	[sflag:s9] =	ssyncset.done $0x0  }
0x165: {  	s23 =	sor.u32 s0, s23;
	[sflag:s9] =	ssyncadd.s32 $0xFFFFC000  }
0x166: {  	v3 =	vld [tilespmem:s23+$0xC70]  }
0x167: {  	v4 =	vld [tilespmem:s23+$0x800]  }
0x168: {  	v5 =	vld [tilespmem:s23+$0x810]  }
0x169: {  	v52 =	vld [tilespmem:s23+$0x820]  }
0x16a: {  	v53 =	vld [tilespmem:s23+$0x830]  }
0x16b: {  	v54 =	vld [tilespmem:s23+$0x840]  }
0x16c: {  	v55 =	vld [tilespmem:s23+$0x850]  }
0x16d: {  	v56 =	vld [tilespmem:s23+$0x860]  }
0x16e: {  	v57 =	vld [tilespmem:s23+$0x870]  }
0x16f: {  	v58 =	vld [tilespmem:s23+$0xC00]  }
0x170: {  	v59 =	vld [tilespmem:s23+$0xC10]  }
0x171: {  	v60 =	vld [tilespmem:s23+$0xC20]  }
0x172: {  	v61 =	vld [tilespmem:s23+$0xC30]  }
0x173: {  	v62 =	vld [tilespmem:s23+$0xC40]  }
0x174: {  	v63 =	vld [tilespmem:s23+$0xC50]  }
0x175: {  	[tilespmem:s23+$0x8C70] =	vst.add.f32.msk $0xffff, v3  }
0x176: {  	v3 =	vld [tilespmem:s23+$0xC60]  }
0x177: {  	[tilespmem:s23+$0x8800] =	vst.add.f32.msk $0xffff, v4  }
0x178: {  	[tilespmem:s23+$0x8810] =	vst.add.f32.msk $0xffff, v5  }
0x179: {  	[tilespmem:s23+$0x8820] =	vst.add.f32.msk $0xffff, v52  }
0x17a: {  	[tilespmem:s23+$0x8830] =	vst.add.f32.msk $0xffff, v53  }
0x17b: {  	[tilespmem:s23+$0x8840] =	vst.add.f32.msk $0xffff, v54  }
0x17c: {  	[tilespmem:s23+$0x8850] =	vst.add.f32.msk $0xffff, v55  }
0x17d: {  	[tilespmem:s23+$0x8860] =	vst.add.f32.msk $0xffff, v56  }
0x17e: {  	[tilespmem:s23+$0x8870] =	vst.add.f32.msk $0xffff, v57  }
0x17f: {  	[tilespmem:s23+$0x8C00] =	vst.add.f32.msk $0xffff, v58  }
0x180: {  	[tilespmem:s23+$0x8C10] =	vst.add.f32.msk $0xffff, v59  }
0x181: {  	[tilespmem:s23+$0x8C20] =	vst.add.f32.msk $0xffff, v60  }
0x182: {  	[tilespmem:s23+$0x8C30] =	vst.add.f32.msk $0xffff, v61  }
0x183: {  	s2 =	simm.s32 $0x100;
	s7 =	simm.s32 $0x80;
	[tilespmem:s23+$0x8C40] =	vst.add.f32.msk $0xffff, v62  }
0x184: {  	s31 =	simm.s32 $0x200;
	s2 =	sand.u32 $0x3800, s2;
	s0 =	sand.u32 $0x380, s7;
	[tilespmem:s23+$0x8C50] =	vst.add.f32.msk $0xffff, v63  }
.LBB2_4:
0x185: {  	p0 =	sne.s32 s31, $0x3F00;
	[tilespmem:s23+$0x8C60] =	vst.add.f32.msk $0xffff, v3;
	s23 =	sor.u32 s0, s2  }
0x186: {  	v3 =	vld [tilespmem:s23+$0xC70]  }
0x187: {  	v4 =	vld [tilespmem:s23+$0x800]  }
0x188: {  	v5 =	vld [tilespmem:s23+$0x810]  }
0x189: {  	v6 =	vld [tilespmem:s23+$0x820]  }
0x18a: {  	v7 =	vld [tilespmem:s23+$0x830]  }
0x18b: {  	[tilespmem:s23+$0x8C70] =	vst.add.f32.msk $0xffff, v3  }
0x18c: {  	v8 =	vld [tilespmem:s23+$0x840]  }
0x18d: {  	v9 =	vld [tilespmem:s23+$0x850]  }
0x18e: {  	v10 =	vld [tilespmem:s23+$0x860]  }
0x18f: {  	v11 =	vld [tilespmem:s23+$0x870]  }
0x190: {  	v12 =	vld [tilespmem:s23+$0xC00]  }
0x191: {  	v13 =	vld [tilespmem:s23+$0xC10]  }
0x192: {  	v14 =	vld [tilespmem:s23+$0xC20]  }
0x193: {  	v15 =	vld [tilespmem:s23+$0xC30]  }
0x194: {  	v16 =	vld [tilespmem:s23+$0xC40]  }
0x195: {  	v17 =	vld [tilespmem:s23+$0xC50]  }
0x196: {  	v3 =	vld [tilespmem:s23+$0xC60]  }
0x197: {  	[tilespmem:s23+$0x8800] =	vst.add.f32.msk $0xffff, v4  }
0x198: {  	[tilespmem:s23+$0x8810] =	vst.add.f32.msk $0xffff, v5  }
0x199: {  	[tilespmem:s23+$0x8820] =	vst.add.f32.msk $0xffff, v6  }
0x19a: {  	[tilespmem:s23+$0x8830] =	vst.add.f32.msk $0xffff, v7  }
0x19b: {  	[tilespmem:s23+$0x8840] =	vst.add.f32.msk $0xffff, v8  }
0x19c: {  	[tilespmem:s23+$0x8850] =	vst.add.f32.msk $0xffff, v9  }
0x19d: {  	[tilespmem:s23+$0x8860] =	vst.add.f32.msk $0xffff, v10  }
0x19e: {  	[tilespmem:s23+$0x8870] =	vst.add.f32.msk $0xffff, v11  }
0x19f: {  	[tilespmem:s23+$0x8C00] =	vst.add.f32.msk $0xffff, v12  }
.Ltmp1:
0x1a0: {  	[tilespmem:s23+$0x8C10] =	vst.add.f32.msk $0xffff, v13;
	(pc) =	sbr.rel @p0 .LBB2_4-.Ltmp1, $4  }
0x1a1: {  	[tilespmem:s23+$0x8C20] =	vst.add.f32.msk $0xffff, v14  }
0x1a2: {  	[tilespmem:s23+$0x8C30] =	vst.add.f32.msk $0xffff, v15  }
0x1a3: {  	s7 =	sadd.s32 $0x80, s7;
	[tilespmem:s23+$0x8C40] =	vst.add.f32.msk $0xffff, v16  }
0x1a4: {  	s2 =	sand.u32 $0x3800, s31;
	s31 =	sadd.s32 $0x100, s31;
	s0 =	sand.u32 $0x380, s7;
	[tilespmem:s23+$0x8C50] =	vst.add.f32.msk $0xffff, v17  }
0x1a5: {  	s0 =	sor.u32 s0, s2;
	[tilespmem:s23+$0x8C60] =	vst.add.f32.msk $0xffff, v3  }
0x1a6: {  	v3 =	vld [tilespmem:s0+$0xC70]  }
0x1a7: {  	v4 =	vld [tilespmem:s0+$0x800]  }
0x1a8: {  	v5 =	vld [tilespmem:s0+$0x810]  }
0x1a9: {  	v6 =	vld [tilespmem:s0+$0x820]  }
0x1aa: {  	v7 =	vld [tilespmem:s0+$0x830]  }
0x1ab: {  	v8 =	vld [tilespmem:s0+$0x850]  }
0x1ac: {  	v9 =	vld [tilespmem:s0+$0x860]  }
0x1ad: {  	v10 =	vld [tilespmem:s0+$0x870]  }
0x1ae: {  	v11 =	vld [tilespmem:s0+$0xC00]  }
0x1af: {  	v12 =	vld [tilespmem:s0+$0xC10]  }
0x1b0: {  	v13 =	vld [tilespmem:s0+$0xC20]  }
0x1b1: {  	v14 =	vld [tilespmem:s0+$0xC30]  }
0x1b2: {  	v15 =	vld [tilespmem:s0+$0xC40]  }
0x1b3: {  	v16 =	vld [tilespmem:s0+$0xC50]  }
0x1b4: {  	v17 =	vld [tilespmem:s0+$0xC60]  }
0x1b5: {  	[tilespmem:s0+$0x8C70] =	vst.add.f32.msk $0xffff, v3  }
0x1b6: {  	v3 =	vld [tilespmem:s0+$0x840]  }
0x1b7: {  	[tilespmem:s0+$0x8800] =	vst.add.f32.msk $0xffff, v4  }
0x1b8: {  	[tilespmem:s0+$0x8810] =	vst.add.f32.msk $0xffff, v5  }
0x1b9: {  	[tilespmem:s0+$0x8820] =	vst.add.f32.msk $0xffff, v6  }
0x1ba: {  	[tilespmem:s0+$0x8830] =	vst.add.f32.msk $0xffff, v7  }
0x1bb: {  	[tilespmem:s0+$0x8850] =	vst.add.f32.msk $0xffff, v8  }
0x1bc: {  	[tilespmem:s0+$0x8860] =	vst.add.f32.msk $0xffff, v9  }
0x1bd: {  	[tilespmem:s0+$0x8870] =	vst.add.f32.msk $0xffff, v10  }
0x1be: {  	[tilespmem:s0+$0x8C00] =	vst.add.f32.msk $0xffff, v11  }
0x1bf: {  	[tilespmem:s0+$0x8C10] =	vst.add.f32.msk $0xffff, v12  }
0x1c0: {  	[tilespmem:s0+$0x8C20] =	vst.add.f32.msk $0xffff, v13  }
0x1c1: {  	[tilespmem:s0+$0x8C30] =	vst.add.f32.msk $0xffff, v14  }
0x1c2: {  	[tilespmem:s0+$0x8C40] =	vst.add.f32.msk $0xffff, v15  }
0x1c3: {  	[tilespmem:s0+$0x8C50] =	vst.add.f32.msk $0xffff, v16  }
0x1c4: {  	[tilespmem:s0+$0x8C60] =	vst.add.f32.msk $0xffff, v17  }
0x1c5: {  	s23 =	rddreg [dreg:$0x8];
	[tilespmem:s0+$0x8840] =	vst.add.f32.msk $0xffff, v3;
	s0 =	simm.s32 $0x0  }
0x1c6: {  	[hbm4b:s23+s0] =	stream.linear.scatter [tilespmem:s6], [sflag:$0x8], $0x4000, $0x38;
	[tilespmem:$0x1C800] =	vst v63  }
0x1c7: {  	v3 =	vld [tilespmem:s8+$0x280];
	_ =	sdelay $0x4  }
0x1c8: {  	v4 =	vshll.u32 v3, $0x1  }
0x1c9: {  	v3 =	vand.u32 $0x7, v3;
	v4 =	vand.u32 $0xFFFFFFF0, v4  }
0x1ca: {  	v3 =	vor.u32 v3, v4  }
0x1cb: {  	v4 =	vperm.xlane v3, v0;
	_ =	sdelay $0x1  }
0x1cc: {  	v3 =	vperm.xlane v3, v2;
	v4 =	vadd.s32 v1, v4;
	_ =	sdelay $0x1  }
0x1cd: {  	v3 =	vadd.s32 v1, v3;
	_ =	sdelay $0x2  }
0x1ce: {  	[tilespmem:s10], [sflag:$0x6] =	stream.indirect_vreg.gather [hbm4b:s1+s0], $0x80, v4, vm0, $0xb8;
	[tilespmem:$0x1C800] =	vst v63  }
0x1cf: {  	s7 =	simm.s32 $0x19000  }
0x1d0: {  	[tilespmem:s7], [sflag:$0x6] =	stream.indirect_vreg.gather [hbm4b:s1+s0], $0x80, v3, vm0, $0xb8;
	[tilespmem:$0x1C800] =	vst v63  }
0x1d1: {  	v3 =	vld [tilespmem:s8+$0x290];
	_ =	sdelay $0x4  }
0x1d2: {  	v4 =	vshll.u32 v3, $0x1  }
0x1d3: {  	v3 =	vand.u32 $0x7, v3;
	v4 =	vand.u32 $0xFFFFFFF0, v4  }
0x1d4: {  	v3 =	vor.u32 v3, v4  }
0x1d5: {  	v4 =	vperm.xlane v3, v0;
	_ =	sdelay $0x1  }
0x1d6: {  	v3 =	vperm.xlane v3, v2;
	v4 =	vadd.s32 v1, v4;
	_ =	sdelay $0x1  }
0x1d7: {  	v3 =	vadd.s32 v1, v3;
	_ =	sdelay $0x1  }
0x1d8: {  	s23 =	simm.s32 $0x19800  }
0x1d9: {  	[tilespmem:s23], [sflag:$0x6] =	stream.indirect_vreg.gather [hbm4b:s1+s0], $0x80, v4, vm0, $0xb8;
	[tilespmem:$0x1C800] =	vst v63  }
0x1da: {  	s7 =	simm.s32 $0x1A000  }
0x1db: {  	[tilespmem:s7], [sflag:$0x6] =	stream.indirect_vreg.gather [hbm4b:s1+s0], $0x80, v3, vm0, $0xb8;
	[tilespmem:$0x1C800] =	vst v63  }
0x1dc: {  	v3 =	vld [tilespmem:s8+$0x2A0];
	_ =	sdelay $0x4  }
0x1dd: {  	v4 =	vshll.u32 v3, $0x1  }
0x1de: {  	v3 =	vand.u32 $0x7, v3;
	v4 =	vand.u32 $0xFFFFFFF0, v4  }
0x1df: {  	v3 =	vor.u32 v3, v4  }
0x1e0: {  	v4 =	vperm.xlane v3, v0;
	_ =	sdelay $0x1  }
0x1e1: {  	v3 =	vperm.xlane v3, v2;
	v4 =	vadd.s32 v1, v4;
	_ =	sdelay $0x1  }
0x1e2: {  	v3 =	vadd.s32 v1, v3;
	_ =	sdelay $0x1  }
0x1e3: {  	s23 =	simm.s32 $0x1A800  }
0x1e4: {  	[tilespmem:s23], [sflag:$0x6] =	stream.indirect_vreg.gather [hbm4b:s1+s0], $0x80, v4, vm0, $0xb8;
	[tilespmem:$0x1C800] =	vst v63  }
0x1e5: {  	s7 =	simm.s32 $0x1B000  }
0x1e6: {  	[tilespmem:s7], [sflag:$0x6] =	stream.indirect_vreg.gather [hbm4b:s1+s0], $0x80, v3, vm0, $0xb8;
	[tilespmem:$0x1C800] =	vst v63  }
0x1e7: {  	v3 =	vld [tilespmem:s8+$0x2B0];
	_ =	sdelay $0x4  }
0x1e8: {  	v4 =	vshll.u32 v3, $0x1  }
0x1e9: {  	v3 =	vand.u32 $0x7, v3;
	v4 =	vand.u32 $0xFFFFFFF0, v4  }
0x1ea: {  	v3 =	vor.u32 v3, v4  }
0x1eb: {  	v4 =	vperm.xlane v3, v0;
	_ =	sdelay $0x1  }
0x1ec: {  	v3 =	vperm.xlane v3, v2;
	v4 =	vadd.s32 v1, v4;
	_ =	sdelay $0x1  }
0x1ed: {  	v3 =	vadd.s32 v1, v3;
	_ =	sdelay $0x1  }
0x1ee: {  	s23 =	simm.s32 $0x1B800  }
0x1ef: {  	[tilespmem:s23], [sflag:$0x6] =	stream.indirect_vreg.gather [hbm4b:s1+s0], $0x80, v4, vm0, $0xb8;
	[tilespmem:$0x1C800] =	vst v63  }
0x1f0: {  	s7 =	simm.s32 $0x1C000  }
0x1f1: {  	[tilespmem:s7], [sflag:$0x6] =	stream.indirect_vreg.gather [hbm4b:s1+s0], $0x80, v3, vm0, $0xb8;
	[tilespmem:$0x1C800] =	vst v63  }
0x1f2: {  	_ =	swait.ge [sflag:s11], $0x4000  }
0x1f3: {  	s23 =	sand.u32 $0x3800, s0;
	s0 =	sand.u32 $0x380, s0;
	[sflag:s11] =	ssyncset.done $0x0  }
0x1f4: {  	s23 =	sor.u32 s0, s23;
	[sflag:s11] =	ssyncadd.s32 $0xFFFFC000  }
0x1f5: {  	v3 =	vld [tilespmem:s23+$0xC70]  }
0x1f6: {  	v4 =	vld [tilespmem:s23+$0x800]  }
0x1f7: {  	v5 =	vld [tilespmem:s23+$0x810]  }
0x1f8: {  	v52 =	vld [tilespmem:s23+$0x820]  }
0x1f9: {  	v53 =	vld [tilespmem:s23+$0x830]  }
0x1fa: {  	v54 =	vld [tilespmem:s23+$0x840]  }
0x1fb: {  	v55 =	vld [tilespmem:s23+$0x850]  }
0x1fc: {  	v56 =	vld [tilespmem:s23+$0x860]  }
0x1fd: {  	v57 =	vld [tilespmem:s23+$0x870]  }
0x1fe: {  	v58 =	vld [tilespmem:s23+$0xC00]  }
0x1ff: {  	v59 =	vld [tilespmem:s23+$0xC10]  }
0x200: {  	v60 =	vld [tilespmem:s23+$0xC20]  }
0x201: {  	v61 =	vld [tilespmem:s23+$0xC30]  }
0x202: {  	v62 =	vld [tilespmem:s23+$0xC40]  }
0x203: {  	v63 =	vld [tilespmem:s23+$0xC50]  }
0x204: {  	[tilespmem:s23+$0xCC70] =	vst.add.f32.msk $0xffff, v3  }
0x205: {  	v3 =	vld [tilespmem:s23+$0xC60]  }
0x206: {  	[tilespmem:s23+$0xC800] =	vst.add.f32.msk $0xffff, v4  }
0x207: {  	[tilespmem:s23+$0xC810] =	vst.add.f32.msk $0xffff, v5  }
0x208: {  	[tilespmem:s23+$0xC820] =	vst.add.f32.msk $0xffff, v52  }
0x209: {  	[tilespmem:s23+$0xC830] =	vst.add.f32.msk $0xffff, v53  }
0x20a: {  	[tilespmem:s23+$0xC840] =	vst.add.f32.msk $0xffff, v54  }
0x20b: {  	[tilespmem:s23+$0xC850] =	vst.add.f32.msk $0xffff, v55  }
0x20c: {  	[tilespmem:s23+$0xC860] =	vst.add.f32.msk $0xffff, v56  }
0x20d: {  	[tilespmem:s23+$0xC870] =	vst.add.f32.msk $0xffff, v57  }
0x20e: {  	[tilespmem:s23+$0xCC00] =	vst.add.f32.msk $0xffff, v58  }
0x20f: {  	[tilespmem:s23+$0xCC10] =	vst.add.f32.msk $0xffff, v59  }
0x210: {  	[tilespmem:s23+$0xCC20] =	vst.add.f32.msk $0xffff, v60  }
0x211: {  	[tilespmem:s23+$0xCC30] =	vst.add.f32.msk $0xffff, v61  }
0x212: {  	s2 =	simm.s32 $0x100;
	s7 =	simm.s32 $0x80;
	[tilespmem:s23+$0xCC40] =	vst.add.f32.msk $0xffff, v62  }
0x213: {  	s31 =	simm.s32 $0x200;
	s2 =	sand.u32 $0x3800, s2;
	s0 =	sand.u32 $0x380, s7;
	[tilespmem:s23+$0xCC50] =	vst.add.f32.msk $0xffff, v63  }
.LBB2_6:
0x214: {  	p0 =	sne.s32 s31, $0x3F00;
	[tilespmem:s23+$0xCC60] =	vst.add.f32.msk $0xffff, v3;
	s23 =	sor.u32 s0, s2  }
0x215: {  	v3 =	vld [tilespmem:s23+$0xC70]  }
0x216: {  	v4 =	vld [tilespmem:s23+$0x800]  }
0x217: {  	v5 =	vld [tilespmem:s23+$0x810]  }
0x218: {  	v6 =	vld [tilespmem:s23+$0x820]  }
0x219: {  	v7 =	vld [tilespmem:s23+$0x830]  }
0x21a: {  	[tilespmem:s23+$0xCC70] =	vst.add.f32.msk $0xffff, v3  }
0x21b: {  	v8 =	vld [tilespmem:s23+$0x840]  }
0x21c: {  	v9 =	vld [tilespmem:s23+$0x850]  }
0x21d: {  	v10 =	vld [tilespmem:s23+$0x860]  }
0x21e: {  	v11 =	vld [tilespmem:s23+$0x870]  }
0x21f: {  	v12 =	vld [tilespmem:s23+$0xC00]  }
0x220: {  	v13 =	vld [tilespmem:s23+$0xC10]  }
0x221: {  	v14 =	vld [tilespmem:s23+$0xC20]  }
0x222: {  	v15 =	vld [tilespmem:s23+$0xC30]  }
0x223: {  	v16 =	vld [tilespmem:s23+$0xC40]  }
0x224: {  	v17 =	vld [tilespmem:s23+$0xC50]  }
0x225: {  	v3 =	vld [tilespmem:s23+$0xC60]  }
0x226: {  	[tilespmem:s23+$0xC800] =	vst.add.f32.msk $0xffff, v4  }
0x227: {  	[tilespmem:s23+$0xC810] =	vst.add.f32.msk $0xffff, v5  }
0x228: {  	[tilespmem:s23+$0xC820] =	vst.add.f32.msk $0xffff, v6  }
0x229: {  	[tilespmem:s23+$0xC830] =	vst.add.f32.msk $0xffff, v7  }
0x22a: {  	[tilespmem:s23+$0xC840] =	vst.add.f32.msk $0xffff, v8  }
0x22b: {  	[tilespmem:s23+$0xC850] =	vst.add.f32.msk $0xffff, v9  }
0x22c: {  	[tilespmem:s23+$0xC860] =	vst.add.f32.msk $0xffff, v10  }
0x22d: {  	[tilespmem:s23+$0xC870] =	vst.add.f32.msk $0xffff, v11  }
0x22e: {  	[tilespmem:s23+$0xCC00] =	vst.add.f32.msk $0xffff, v12  }
.Ltmp2:
0x22f: {  	[tilespmem:s23+$0xCC10] =	vst.add.f32.msk $0xffff, v13;
	(pc) =	sbr.rel @p0 .LBB2_6-.Ltmp2, $4  }
0x230: {  	[tilespmem:s23+$0xCC20] =	vst.add.f32.msk $0xffff, v14  }
0x231: {  	[tilespmem:s23+$0xCC30] =	vst.add.f32.msk $0xffff, v15  }
0x232: {  	s7 =	sadd.s32 $0x80, s7;
	[tilespmem:s23+$0xCC40] =	vst.add.f32.msk $0xffff, v16  }
0x233: {  	s2 =	sand.u32 $0x3800, s31;
	s31 =	sadd.s32 $0x100, s31;
	s0 =	sand.u32 $0x380, s7;
	[tilespmem:s23+$0xCC50] =	vst.add.f32.msk $0xffff, v17  }
0x234: {  	s0 =	sor.u32 s0, s2;
	[tilespmem:s23+$0xCC60] =	vst.add.f32.msk $0xffff, v3  }
0x235: {  	v3 =	vld [tilespmem:s0+$0xC70]  }
0x236: {  	v4 =	vld [tilespmem:s0+$0x800]  }
0x237: {  	v5 =	vld [tilespmem:s0+$0x810]  }
0x238: {  	v6 =	vld [tilespmem:s0+$0x820]  }
0x239: {  	v7 =	vld [tilespmem:s0+$0x830]  }
0x23a: {  	v8 =	vld [tilespmem:s0+$0x850]  }
0x23b: {  	v9 =	vld [tilespmem:s0+$0x860]  }
0x23c: {  	v10 =	vld [tilespmem:s0+$0x870]  }
0x23d: {  	v11 =	vld [tilespmem:s0+$0xC00]  }
0x23e: {  	v12 =	vld [tilespmem:s0+$0xC10]  }
0x23f: {  	v13 =	vld [tilespmem:s0+$0xC20]  }
0x240: {  	v14 =	vld [tilespmem:s0+$0xC30]  }
0x241: {  	v15 =	vld [tilespmem:s0+$0xC40]  }
0x242: {  	v16 =	vld [tilespmem:s0+$0xC50]  }
0x243: {  	v17 =	vld [tilespmem:s0+$0xC60]  }
0x244: {  	[tilespmem:s0+$0xCC70] =	vst.add.f32.msk $0xffff, v3  }
0x245: {  	v3 =	vld [tilespmem:s0+$0x840]  }
0x246: {  	[tilespmem:s0+$0xC800] =	vst.add.f32.msk $0xffff, v4  }
0x247: {  	[tilespmem:s0+$0xC810] =	vst.add.f32.msk $0xffff, v5  }
0x248: {  	[tilespmem:s0+$0xC820] =	vst.add.f32.msk $0xffff, v6  }
0x249: {  	[tilespmem:s0+$0xC830] =	vst.add.f32.msk $0xffff, v7  }
0x24a: {  	[tilespmem:s0+$0xC850] =	vst.add.f32.msk $0xffff, v8  }
0x24b: {  	[tilespmem:s0+$0xC860] =	vst.add.f32.msk $0xffff, v9  }
0x24c: {  	[tilespmem:s0+$0xC870] =	vst.add.f32.msk $0xffff, v10  }
0x24d: {  	[tilespmem:s0+$0xCC00] =	vst.add.f32.msk $0xffff, v11  }
0x24e: {  	[tilespmem:s0+$0xCC10] =	vst.add.f32.msk $0xffff, v12  }
0x24f: {  	[tilespmem:s0+$0xCC20] =	vst.add.f32.msk $0xffff, v13  }
0x250: {  	[tilespmem:s0+$0xCC30] =	vst.add.f32.msk $0xffff, v14  }
0x251: {  	[tilespmem:s0+$0xCC40] =	vst.add.f32.msk $0xffff, v15  }
0x252: {  	[tilespmem:s0+$0xCC50] =	vst.add.f32.msk $0xffff, v16  }
0x253: {  	[tilespmem:s0+$0xCC60] =	vst.add.f32.msk $0xffff, v17  }
0x254: {  	s23 =	rddreg [dreg:$0x9];
	[tilespmem:s0+$0xC840] =	vst.add.f32.msk $0xffff, v3;
	s0 =	simm.s32 $0x0  }
0x255: {  	[hbm4b:s23+s0] =	stream.linear.scatter [tilespmem:s16], [sflag:$0x9], $0x4000, $0x38;
	[tilespmem:$0x1C800] =	vst v63  }
0x256: {  	_ =	swait.ge [sflag:s12], $0x4000  }
0x257: {  	[sflag:s12] =	ssyncset.done $0x0  }
0x258: {  	[sflag:s12] =	ssyncadd.s32 $0xFFFFC000  }
0x259: {  	v3 =	vld [tilespmem:s8+$0x300];
	_ =	sdelay $0x4  }
0x25a: {  	v4 =	vshll.u32 v3, $0x1  }
0x25b: {  	v3 =	vand.u32 $0x7, v3;
	v4 =	vand.u32 $0xFFFFFFF0, v4  }
0x25c: {  	v3 =	vor.u32 v3, v4  }
0x25d: {  	v4 =	vperm.xlane v3, v0;
	_ =	sdelay $0x1  }
0x25e: {  	v3 =	vperm.xlane v3, v2;
	v4 =	vadd.s32 v1, v4;
	_ =	sdelay $0x1  }
0x25f: {  	v3 =	vadd.s32 v1, v3;
	_ =	sdelay $0x2  }
0x260: {  	[tilespmem:s30], [sflag:$0x1] =	stream.indirect_vreg.gather [hbm4b:s1+s0], $0x80, v4, vm0, $0xb8;
	[tilespmem:$0x1C800] =	vst v63  }
0x261: {  	s7 =	simm.s32 $0x5000  }
0x262: {  	[tilespmem:s7], [sflag:$0x1] =	stream.indirect_vreg.gather [hbm4b:s1+s0], $0x80, v3, vm0, $0xb8;
	[tilespmem:$0x1C800] =	vst v63  }
0x263: {  	v3 =	vld [tilespmem:s8+$0x310];
	_ =	sdelay $0x4  }
0x264: {  	v4 =	vshll.u32 v3, $0x1  }
0x265: {  	v3 =	vand.u32 $0x7, v3;
	v4 =	vand.u32 $0xFFFFFFF0, v4  }
0x266: {  	v3 =	vor.u32 v3, v4  }
0x267: {  	v4 =	vperm.xlane v3, v0;
	_ =	sdelay $0x1  }
0x268: {  	v3 =	vperm.xlane v3, v2;
	v4 =	vadd.s32 v1, v4;
	_ =	sdelay $0x1  }
0x269: {  	v3 =	vadd.s32 v1, v3;
	_ =	sdelay $0x1  }
0x26a: {  	s23 =	simm.s32 $0x5800  }
0x26b: {  	[tilespmem:s23], [sflag:$0x1] =	stream.indirect_vreg.gather [hbm4b:s1+s0], $0x80, v4, vm0, $0xb8;
	[tilespmem:$0x1C800] =	vst v63  }
0x26c: {  	s7 =	simm.s32 $0x6000  }
0x26d: {  	[tilespmem:s7], [sflag:$0x1] =	stream.indirect_vreg.gather [hbm4b:s1+s0], $0x80, v3, vm0, $0xb8;
	[tilespmem:$0x1C800] =	vst v63  }
0x26e: {  	v3 =	vld [tilespmem:s8+$0x320];
	_ =	sdelay $0x4  }
0x26f: {  	v4 =	vshll.u32 v3, $0x1  }
0x270: {  	v3 =	vand.u32 $0x7, v3;
	v4 =	vand.u32 $0xFFFFFFF0, v4  }
0x271: {  	v3 =	vor.u32 v3, v4  }
0x272: {  	v4 =	vperm.xlane v3, v0;
	_ =	sdelay $0x1  }
0x273: {  	v3 =	vperm.xlane v3, v2;
	v4 =	vadd.s32 v1, v4;
	_ =	sdelay $0x1  }
0x274: {  	v3 =	vadd.s32 v1, v3;
	_ =	sdelay $0x1  }
0x275: {  	s23 =	simm.s32 $0x6800  }
0x276: {  	[tilespmem:s23], [sflag:$0x1] =	stream.indirect_vreg.gather [hbm4b:s1+s0], $0x80, v4, vm0, $0xb8;
	[tilespmem:$0x1C800] =	vst v63  }
0x277: {  	s7 =	simm.s32 $0x7000  }
0x278: {  	[tilespmem:s7], [sflag:$0x1] =	stream.indirect_vreg.gather [hbm4b:s1+s0], $0x80, v3, vm0, $0xb8;
	[tilespmem:$0x1C800] =	vst v63  }
0x279: {  	v3 =	vld [tilespmem:s8+$0x330];
	_ =	sdelay $0x4  }
0x27a: {  	v4 =	vshll.u32 v3, $0x1  }
0x27b: {  	v3 =	vand.u32 $0x7, v3;
	v4 =	vand.u32 $0xFFFFFFF0, v4  }
0x27c: {  	v3 =	vor.u32 v3, v4  }
0x27d: {  	v4 =	vperm.xlane v3, v0;
	_ =	sdelay $0x1  }
0x27e: {  	v3 =	vperm.xlane v3, v2;
	v4 =	vadd.s32 v1, v4;
	_ =	sdelay $0x1  }
0x27f: {  	v3 =	vadd.s32 v1, v3;
	_ =	sdelay $0x1  }
0x280: {  	s23 =	simm.s32 $0x7800  }
0x281: {  	[tilespmem:s23], [sflag:$0x1] =	stream.indirect_vreg.gather [hbm4b:s1+s0], $0x80, v4, vm0, $0xb8;
	[tilespmem:$0x1C800] =	vst v63  }
0x282: {  	s7 =	simm.s32 $0x8000  }
0x283: {  	[tilespmem:s7], [sflag:$0x1] =	stream.indirect_vreg.gather [hbm4b:s1+s0], $0x80, v3, vm0, $0xb8;
	[tilespmem:$0x1C800] =	vst v63  }
0x284: {  	_ =	swait.ge [sflag:s13], $0x4000  }
0x285: {  	s23 =	sand.u32 $0x3800, s0;
	s0 =	sand.u32 $0x380, s0;
	[sflag:s13] =	ssyncset.done $0x0  }
0x286: {  	s23 =	sor.u32 s0, s23;
	[sflag:s13] =	ssyncadd.s32 $0xFFFFC000  }
0x287: {  	v3 =	vld [tilespmem:s23+$0xC70]  }
0x288: {  	v4 =	vld [tilespmem:s23+$0x800]  }
0x289: {  	v5 =	vld [tilespmem:s23+$0x810]  }
0x28a: {  	v52 =	vld [tilespmem:s23+$0x820]  }
0x28b: {  	v53 =	vld [tilespmem:s23+$0x830]  }
0x28c: {  	v54 =	vld [tilespmem:s23+$0x840]  }
0x28d: {  	v55 =	vld [tilespmem:s23+$0x850]  }
0x28e: {  	v56 =	vld [tilespmem:s23+$0x860]  }
0x28f: {  	v57 =	vld [tilespmem:s23+$0x870]  }
0x290: {  	v58 =	vld [tilespmem:s23+$0xC00]  }
0x291: {  	v59 =	vld [tilespmem:s23+$0xC10]  }
0x292: {  	v60 =	vld [tilespmem:s23+$0xC20]  }
0x293: {  	v61 =	vld [tilespmem:s23+$0xC30]  }
0x294: {  	v62 =	vld [tilespmem:s23+$0xC40]  }
0x295: {  	v63 =	vld [tilespmem:s23+$0xC50]  }
0x296: {  	[tilespmem:s23+$0x10C70] =	vst.add.f32.msk $0xffff, v3  }
0x297: {  	v3 =	vld [tilespmem:s23+$0xC60]  }
0x298: {  	[tilespmem:s23+$0x10800] =	vst.add.f32.msk $0xffff, v4  }
0x299: {  	[tilespmem:s23+$0x10810] =	vst.add.f32.msk $0xffff, v5  }
0x29a: {  	[tilespmem:s23+$0x10820] =	vst.add.f32.msk $0xffff, v52  }
0x29b: {  	[tilespmem:s23+$0x10830] =	vst.add.f32.msk $0xffff, v53  }
0x29c: {  	[tilespmem:s23+$0x10840] =	vst.add.f32.msk $0xffff, v54  }
0x29d: {  	[tilespmem:s23+$0x10850] =	vst.add.f32.msk $0xffff, v55  }
0x29e: {  	[tilespmem:s23+$0x10860] =	vst.add.f32.msk $0xffff, v56  }
0x29f: {  	[tilespmem:s23+$0x10870] =	vst.add.f32.msk $0xffff, v57  }
0x2a0: {  	[tilespmem:s23+$0x10C00] =	vst.add.f32.msk $0xffff, v58  }
0x2a1: {  	[tilespmem:s23+$0x10C10] =	vst.add.f32.msk $0xffff, v59  }
0x2a2: {  	[tilespmem:s23+$0x10C20] =	vst.add.f32.msk $0xffff, v60  }
0x2a3: {  	[tilespmem:s23+$0x10C30] =	vst.add.f32.msk $0xffff, v61  }
0x2a4: {  	s2 =	simm.s32 $0x100;
	s7 =	simm.s32 $0x80;
	[tilespmem:s23+$0x10C40] =	vst.add.f32.msk $0xffff, v62  }
0x2a5: {  	s31 =	simm.s32 $0x200;
	s2 =	sand.u32 $0x3800, s2;
	s0 =	sand.u32 $0x380, s7;
	[tilespmem:s23+$0x10C50] =	vst.add.f32.msk $0xffff, v63  }
.LBB2_8:
0x2a6: {  	p0 =	sne.s32 s31, $0x3F00;
	[tilespmem:s23+$0x10C60] =	vst.add.f32.msk $0xffff, v3;
	s23 =	sor.u32 s0, s2  }
0x2a7: {  	v3 =	vld [tilespmem:s23+$0xC70]  }
0x2a8: {  	v4 =	vld [tilespmem:s23+$0x800]  }
0x2a9: {  	v5 =	vld [tilespmem:s23+$0x810]  }
0x2aa: {  	v6 =	vld [tilespmem:s23+$0x820]  }
0x2ab: {  	v7 =	vld [tilespmem:s23+$0x830]  }
0x2ac: {  	[tilespmem:s23+$0x10C70] =	vst.add.f32.msk $0xffff, v3  }
0x2ad: {  	v8 =	vld [tilespmem:s23+$0x840]  }
0x2ae: {  	v9 =	vld [tilespmem:s23+$0x850]  }
0x2af: {  	v10 =	vld [tilespmem:s23+$0x860]  }
0x2b0: {  	v11 =	vld [tilespmem:s23+$0x870]  }
0x2b1: {  	v12 =	vld [tilespmem:s23+$0xC00]  }
0x2b2: {  	v13 =	vld [tilespmem:s23+$0xC10]  }
0x2b3: {  	v14 =	vld [tilespmem:s23+$0xC20]  }
0x2b4: {  	v15 =	vld [tilespmem:s23+$0xC30]  }
0x2b5: {  	v16 =	vld [tilespmem:s23+$0xC40]  }
0x2b6: {  	v17 =	vld [tilespmem:s23+$0xC50]  }
0x2b7: {  	v3 =	vld [tilespmem:s23+$0xC60]  }
0x2b8: {  	[tilespmem:s23+$0x10800] =	vst.add.f32.msk $0xffff, v4  }
0x2b9: {  	[tilespmem:s23+$0x10810] =	vst.add.f32.msk $0xffff, v5  }
0x2ba: {  	[tilespmem:s23+$0x10820] =	vst.add.f32.msk $0xffff, v6  }
0x2bb: {  	[tilespmem:s23+$0x10830] =	vst.add.f32.msk $0xffff, v7  }
0x2bc: {  	[tilespmem:s23+$0x10840] =	vst.add.f32.msk $0xffff, v8  }
0x2bd: {  	[tilespmem:s23+$0x10850] =	vst.add.f32.msk $0xffff, v9  }
0x2be: {  	[tilespmem:s23+$0x10860] =	vst.add.f32.msk $0xffff, v10  }
0x2bf: {  	[tilespmem:s23+$0x10870] =	vst.add.f32.msk $0xffff, v11  }
0x2c0: {  	[tilespmem:s23+$0x10C00] =	vst.add.f32.msk $0xffff, v12  }
.Ltmp3:
0x2c1: {  	[tilespmem:s23+$0x10C10] =	vst.add.f32.msk $0xffff, v13;
	(pc) =	sbr.rel @p0 .LBB2_8-.Ltmp3, $4  }
0x2c2: {  	[tilespmem:s23+$0x10C20] =	vst.add.f32.msk $0xffff, v14  }
0x2c3: {  	[tilespmem:s23+$0x10C30] =	vst.add.f32.msk $0xffff, v15  }
0x2c4: {  	s7 =	sadd.s32 $0x80, s7;
	[tilespmem:s23+$0x10C40] =	vst.add.f32.msk $0xffff, v16  }
0x2c5: {  	s2 =	sand.u32 $0x3800, s31;
	s31 =	sadd.s32 $0x100, s31;
	s0 =	sand.u32 $0x380, s7;
	[tilespmem:s23+$0x10C50] =	vst.add.f32.msk $0xffff, v17  }
0x2c6: {  	s0 =	sor.u32 s0, s2;
	[tilespmem:s23+$0x10C60] =	vst.add.f32.msk $0xffff, v3  }
0x2c7: {  	v3 =	vld [tilespmem:s0+$0xC70]  }
0x2c8: {  	v4 =	vld [tilespmem:s0+$0x800]  }
0x2c9: {  	v5 =	vld [tilespmem:s0+$0x810]  }
0x2ca: {  	v6 =	vld [tilespmem:s0+$0x820]  }
0x2cb: {  	v7 =	vld [tilespmem:s0+$0x830]  }
0x2cc: {  	v8 =	vld [tilespmem:s0+$0x850]  }
0x2cd: {  	v9 =	vld [tilespmem:s0+$0x860]  }
0x2ce: {  	v10 =	vld [tilespmem:s0+$0x870]  }
0x2cf: {  	v11 =	vld [tilespmem:s0+$0xC00]  }
0x2d0: {  	v12 =	vld [tilespmem:s0+$0xC10]  }
0x2d1: {  	v13 =	vld [tilespmem:s0+$0xC20]  }
0x2d2: {  	v14 =	vld [tilespmem:s0+$0xC30]  }
0x2d3: {  	v15 =	vld [tilespmem:s0+$0xC40]  }
0x2d4: {  	v16 =	vld [tilespmem:s0+$0xC50]  }
0x2d5: {  	v17 =	vld [tilespmem:s0+$0xC60]  }
0x2d6: {  	[tilespmem:s0+$0x10C70] =	vst.add.f32.msk $0xffff, v3  }
0x2d7: {  	v3 =	vld [tilespmem:s0+$0x840]  }
0x2d8: {  	[tilespmem:s0+$0x10800] =	vst.add.f32.msk $0xffff, v4  }
0x2d9: {  	[tilespmem:s0+$0x10810] =	vst.add.f32.msk $0xffff, v5  }
0x2da: {  	[tilespmem:s0+$0x10820] =	vst.add.f32.msk $0xffff, v6  }
0x2db: {  	[tilespmem:s0+$0x10830] =	vst.add.f32.msk $0xffff, v7  }
0x2dc: {  	[tilespmem:s0+$0x10850] =	vst.add.f32.msk $0xffff, v8  }
0x2dd: {  	[tilespmem:s0+$0x10860] =	vst.add.f32.msk $0xffff, v9  }
0x2de: {  	[tilespmem:s0+$0x10870] =	vst.add.f32.msk $0xffff, v10  }
0x2df: {  	[tilespmem:s0+$0x10C00] =	vst.add.f32.msk $0xffff, v11  }
0x2e0: {  	[tilespmem:s0+$0x10C10] =	vst.add.f32.msk $0xffff, v12  }
0x2e1: {  	[tilespmem:s0+$0x10C20] =	vst.add.f32.msk $0xffff, v13  }
0x2e2: {  	[tilespmem:s0+$0x10C30] =	vst.add.f32.msk $0xffff, v14  }
0x2e3: {  	[tilespmem:s0+$0x10C40] =	vst.add.f32.msk $0xffff, v15  }
0x2e4: {  	[tilespmem:s0+$0x10C50] =	vst.add.f32.msk $0xffff, v16  }
0x2e5: {  	[tilespmem:s0+$0x10C60] =	vst.add.f32.msk $0xffff, v17  }
0x2e6: {  	s23 =	rddreg [dreg:$0xa];
	[tilespmem:s0+$0x10840] =	vst.add.f32.msk $0xffff, v3;
	s0 =	simm.s32 $0x0  }
0x2e7: {  	[hbm4b:s23+s0] =	stream.linear.scatter [tilespmem:s24], [sflag:$0xA], $0x4000, $0x38;
	[tilespmem:$0x1C800] =	vst v63  }
0x2e8: {  	_ =	swait.ge [sflag:s14], $0x4000  }
0x2e9: {  	[sflag:s14] =	ssyncset.done $0x0  }
0x2ea: {  	[sflag:s14] =	ssyncadd.s32 $0xFFFFC000  }
0x2eb: {  	v3 =	vld [tilespmem:s8+$0x380];
	_ =	sdelay $0x4  }
0x2ec: {  	v4 =	vshll.u32 v3, $0x1  }
0x2ed: {  	v3 =	vand.u32 $0x7, v3;
	v4 =	vand.u32 $0xFFFFFFF0, v4  }
0x2ee: {  	v3 =	vor.u32 v3, v4  }
0x2ef: {  	v4 =	vperm.xlane v3, v0;
	_ =	sdelay $0x1  }
0x2f0: {  	v3 =	vperm.xlane v3, v2;
	v4 =	vadd.s32 v1, v4;
	_ =	sdelay $0x1  }
0x2f1: {  	v3 =	vadd.s32 v1, v3;
	_ =	sdelay $0x2  }
0x2f2: {  	[tilespmem:s6], [sflag:$0x2] =	stream.indirect_vreg.gather [hbm4b:s1+s0], $0x80, v4, vm0, $0xb8;
	[tilespmem:$0x1C800] =	vst v63  }
0x2f3: {  	s7 =	simm.s32 $0x9000  }
0x2f4: {  	[tilespmem:s7], [sflag:$0x2] =	stream.indirect_vreg.gather [hbm4b:s1+s0], $0x80, v3, vm0, $0xb8;
	[tilespmem:$0x1C800] =	vst v63  }
0x2f5: {  	v3 =	vld [tilespmem:s8+$0x390];
	_ =	sdelay $0x4  }
0x2f6: {  	v4 =	vshll.u32 v3, $0x1  }
0x2f7: {  	v3 =	vand.u32 $0x7, v3;
	v4 =	vand.u32 $0xFFFFFFF0, v4  }
0x2f8: {  	v3 =	vor.u32 v3, v4  }
0x2f9: {  	v4 =	vperm.xlane v3, v0;
	_ =	sdelay $0x1  }
0x2fa: {  	v3 =	vperm.xlane v3, v2;
	v4 =	vadd.s32 v1, v4;
	_ =	sdelay $0x1  }
0x2fb: {  	v3 =	vadd.s32 v1, v3;
	_ =	sdelay $0x1  }
0x2fc: {  	s23 =	simm.s32 $0x9800  }
0x2fd: {  	[tilespmem:s23], [sflag:$0x2] =	stream.indirect_vreg.gather [hbm4b:s1+s0], $0x80, v4, vm0, $0xb8;
	[tilespmem:$0x1C800] =	vst v63  }
0x2fe: {  	s7 =	simm.s32 $0xA000  }
0x2ff: {  	[tilespmem:s7], [sflag:$0x2] =	stream.indirect_vreg.gather [hbm4b:s1+s0], $0x80, v3, vm0, $0xb8;
	[tilespmem:$0x1C800] =	vst v63  }
0x300: {  	v3 =	vld [tilespmem:s8+$0x3A0];
	_ =	sdelay $0x4  }
0x301: {  	v4 =	vshll.u32 v3, $0x1  }
0x302: {  	v3 =	vand.u32 $0x7, v3;
	v4 =	vand.u32 $0xFFFFFFF0, v4  }
0x303: {  	v3 =	vor.u32 v3, v4  }
0x304: {  	v4 =	vperm.xlane v3, v0;
	_ =	sdelay $0x1  }
0x305: {  	v3 =	vperm.xlane v3, v2;
	v4 =	vadd.s32 v1, v4;
	_ =	sdelay $0x1  }
0x306: {  	v3 =	vadd.s32 v1, v3;
	_ =	sdelay $0x1  }
0x307: {  	s23 =	simm.s32 $0xA800  }
0x308: {  	[tilespmem:s23], [sflag:$0x2] =	stream.indirect_vreg.gather [hbm4b:s1+s0], $0x80, v4, vm0, $0xb8;
	[tilespmem:$0x1C800] =	vst v63  }
0x309: {  	s7 =	simm.s32 $0xB000  }
0x30a: {  	[tilespmem:s7], [sflag:$0x2] =	stream.indirect_vreg.gather [hbm4b:s1+s0], $0x80, v3, vm0, $0xb8;
	[tilespmem:$0x1C800] =	vst v63  }
0x30b: {  	v3 =	vld [tilespmem:s8+$0x3B0];
	_ =	sdelay $0x4  }
0x30c: {  	v4 =	vshll.u32 v3, $0x1  }
0x30d: {  	v3 =	vand.u32 $0x7, v3;
	v4 =	vand.u32 $0xFFFFFFF0, v4  }
0x30e: {  	v3 =	vor.u32 v3, v4  }
0x30f: {  	v4 =	vperm.xlane v3, v0;
	_ =	sdelay $0x1  }
0x310: {  	v3 =	vperm.xlane v3, v2;
	v4 =	vadd.s32 v1, v4;
	_ =	sdelay $0x1  }
0x311: {  	v3 =	vadd.s32 v1, v3;
	_ =	sdelay $0x1  }
0x312: {  	s23 =	simm.s32 $0xB800  }
0x313: {  	[tilespmem:s23], [sflag:$0x2] =	stream.indirect_vreg.gather [hbm4b:s1+s0], $0x80, v4, vm0, $0xb8;
	[tilespmem:$0x1C800] =	vst v63  }
0x314: {  	s7 =	simm.s32 $0xC000  }
0x315: {  	[tilespmem:s7], [sflag:$0x2] =	stream.indirect_vreg.gather [hbm4b:s1+s0], $0x80, v3, vm0, $0xb8;
	[tilespmem:$0x1C800] =	vst v63  }
0x316: {  	_ =	swait.ge [sflag:s15], $0x4000  }
0x317: {  	s23 =	sand.u32 $0x3800, s0;
	s0 =	sand.u32 $0x380, s0;
	[sflag:s15] =	ssyncset.done $0x0  }
0x318: {  	s23 =	sor.u32 s0, s23;
	[sflag:s15] =	ssyncadd.s32 $0xFFFFC000  }
0x319: {  	v3 =	vld [tilespmem:s23+$0xC70]  }
0x31a: {  	v4 =	vld [tilespmem:s23+$0x800]  }
0x31b: {  	v5 =	vld [tilespmem:s23+$0x810]  }
0x31c: {  	v52 =	vld [tilespmem:s23+$0x820]  }
0x31d: {  	v53 =	vld [tilespmem:s23+$0x830]  }
0x31e: {  	v54 =	vld [tilespmem:s23+$0x840]  }
0x31f: {  	v55 =	vld [tilespmem:s23+$0x850]  }
0x320: {  	v56 =	vld [tilespmem:s23+$0x860]  }
0x321: {  	v57 =	vld [tilespmem:s23+$0x870]  }
0x322: {  	v58 =	vld [tilespmem:s23+$0xC00]  }
0x323: {  	v59 =	vld [tilespmem:s23+$0xC10]  }
0x324: {  	v60 =	vld [tilespmem:s23+$0xC20]  }
0x325: {  	v61 =	vld [tilespmem:s23+$0xC30]  }
0x326: {  	v62 =	vld [tilespmem:s23+$0xC40]  }
0x327: {  	v63 =	vld [tilespmem:s23+$0xC50]  }
0x328: {  	[tilespmem:s23+$0x14C70] =	vst.add.f32.msk $0xffff, v3  }
0x329: {  	v3 =	vld [tilespmem:s23+$0xC60]  }
0x32a: {  	[tilespmem:s23+$0x14800] =	vst.add.f32.msk $0xffff, v4  }
0x32b: {  	[tilespmem:s23+$0x14810] =	vst.add.f32.msk $0xffff, v5  }
0x32c: {  	[tilespmem:s23+$0x14820] =	vst.add.f32.msk $0xffff, v52  }
0x32d: {  	[tilespmem:s23+$0x14830] =	vst.add.f32.msk $0xffff, v53  }
0x32e: {  	[tilespmem:s23+$0x14840] =	vst.add.f32.msk $0xffff, v54  }
0x32f: {  	[tilespmem:s23+$0x14850] =	vst.add.f32.msk $0xffff, v55  }
0x330: {  	[tilespmem:s23+$0x14860] =	vst.add.f32.msk $0xffff, v56  }
0x331: {  	[tilespmem:s23+$0x14870] =	vst.add.f32.msk $0xffff, v57  }
0x332: {  	[tilespmem:s23+$0x14C00] =	vst.add.f32.msk $0xffff, v58  }
0x333: {  	[tilespmem:s23+$0x14C10] =	vst.add.f32.msk $0xffff, v59  }
0x334: {  	[tilespmem:s23+$0x14C20] =	vst.add.f32.msk $0xffff, v60  }
0x335: {  	[tilespmem:s23+$0x14C30] =	vst.add.f32.msk $0xffff, v61  }
0x336: {  	s2 =	simm.s32 $0x100;
	s7 =	simm.s32 $0x80;
	[tilespmem:s23+$0x14C40] =	vst.add.f32.msk $0xffff, v62  }
0x337: {  	s31 =	simm.s32 $0x200;
	s2 =	sand.u32 $0x3800, s2;
	s0 =	sand.u32 $0x380, s7;
	[tilespmem:s23+$0x14C50] =	vst.add.f32.msk $0xffff, v63  }
.LBB2_10:
0x338: {  	p0 =	sne.s32 s31, $0x3F00;
	[tilespmem:s23+$0x14C60] =	vst.add.f32.msk $0xffff, v3;
	s23 =	sor.u32 s0, s2  }
0x339: {  	v3 =	vld [tilespmem:s23+$0xC70]  }
0x33a: {  	v4 =	vld [tilespmem:s23+$0x800]  }
0x33b: {  	v5 =	vld [tilespmem:s23+$0x810]  }
0x33c: {  	v6 =	vld [tilespmem:s23+$0x820]  }
0x33d: {  	v7 =	vld [tilespmem:s23+$0x830]  }
0x33e: {  	[tilespmem:s23+$0x14C70] =	vst.add.f32.msk $0xffff, v3  }
0x33f: {  	v8 =	vld [tilespmem:s23+$0x840]  }
0x340: {  	v9 =	vld [tilespmem:s23+$0x850]  }
0x341: {  	v10 =	vld [tilespmem:s23+$0x860]  }
0x342: {  	v11 =	vld [tilespmem:s23+$0x870]  }
0x343: {  	v12 =	vld [tilespmem:s23+$0xC00]  }
0x344: {  	v13 =	vld [tilespmem:s23+$0xC10]  }
0x345: {  	v14 =	vld [tilespmem:s23+$0xC20]  }
0x346: {  	v15 =	vld [tilespmem:s23+$0xC30]  }
0x347: {  	v16 =	vld [tilespmem:s23+$0xC40]  }
0x348: {  	v17 =	vld [tilespmem:s23+$0xC50]  }
0x349: {  	v3 =	vld [tilespmem:s23+$0xC60]  }
0x34a: {  	[tilespmem:s23+$0x14800] =	vst.add.f32.msk $0xffff, v4  }
0x34b: {  	[tilespmem:s23+$0x14810] =	vst.add.f32.msk $0xffff, v5  }
0x34c: {  	[tilespmem:s23+$0x14820] =	vst.add.f32.msk $0xffff, v6  }
0x34d: {  	[tilespmem:s23+$0x14830] =	vst.add.f32.msk $0xffff, v7  }
0x34e: {  	[tilespmem:s23+$0x14840] =	vst.add.f32.msk $0xffff, v8  }
0x34f: {  	[tilespmem:s23+$0x14850] =	vst.add.f32.msk $0xffff, v9  }
0x350: {  	[tilespmem:s23+$0x14860] =	vst.add.f32.msk $0xffff, v10  }
0x351: {  	[tilespmem:s23+$0x14870] =	vst.add.f32.msk $0xffff, v11  }
0x352: {  	[tilespmem:s23+$0x14C00] =	vst.add.f32.msk $0xffff, v12  }
.Ltmp4:
0x353: {  	[tilespmem:s23+$0x14C10] =	vst.add.f32.msk $0xffff, v13;
	(pc) =	sbr.rel @p0 .LBB2_10-.Ltmp4, $4  }
0x354: {  	[tilespmem:s23+$0x14C20] =	vst.add.f32.msk $0xffff, v14  }
0x355: {  	[tilespmem:s23+$0x14C30] =	vst.add.f32.msk $0xffff, v15  }
0x356: {  	s7 =	sadd.s32 $0x80, s7;
	[tilespmem:s23+$0x14C40] =	vst.add.f32.msk $0xffff, v16  }
0x357: {  	s2 =	sand.u32 $0x3800, s31;
	s31 =	sadd.s32 $0x100, s31;
	s0 =	sand.u32 $0x380, s7;
	[tilespmem:s23+$0x14C50] =	vst.add.f32.msk $0xffff, v17  }
0x358: {  	s0 =	sor.u32 s0, s2;
	[tilespmem:s23+$0x14C60] =	vst.add.f32.msk $0xffff, v3  }
0x359: {  	v3 =	vld [tilespmem:s0+$0xC70]  }
0x35a: {  	v4 =	vld [tilespmem:s0+$0x800]  }
0x35b: {  	v5 =	vld [tilespmem:s0+$0x810]  }
0x35c: {  	v6 =	vld [tilespmem:s0+$0x820]  }
0x35d: {  	v7 =	vld [tilespmem:s0+$0x830]  }
0x35e: {  	v8 =	vld [tilespmem:s0+$0x850]  }
0x35f: {  	v9 =	vld [tilespmem:s0+$0x860]  }
0x360: {  	v10 =	vld [tilespmem:s0+$0x870]  }
0x361: {  	v11 =	vld [tilespmem:s0+$0xC00]  }
0x362: {  	v12 =	vld [tilespmem:s0+$0xC10]  }
0x363: {  	v13 =	vld [tilespmem:s0+$0xC20]  }
0x364: {  	v14 =	vld [tilespmem:s0+$0xC30]  }
0x365: {  	v15 =	vld [tilespmem:s0+$0xC40]  }
0x366: {  	v16 =	vld [tilespmem:s0+$0xC50]  }
0x367: {  	v17 =	vld [tilespmem:s0+$0xC60]  }
0x368: {  	[tilespmem:s0+$0x14C70] =	vst.add.f32.msk $0xffff, v3  }
0x369: {  	v3 =	vld [tilespmem:s0+$0x840]  }
0x36a: {  	[tilespmem:s0+$0x14800] =	vst.add.f32.msk $0xffff, v4  }
0x36b: {  	[tilespmem:s0+$0x14810] =	vst.add.f32.msk $0xffff, v5  }
0x36c: {  	[tilespmem:s0+$0x14820] =	vst.add.f32.msk $0xffff, v6  }
0x36d: {  	[tilespmem:s0+$0x14830] =	vst.add.f32.msk $0xffff, v7  }
0x36e: {  	[tilespmem:s0+$0x14850] =	vst.add.f32.msk $0xffff, v8  }
0x36f: {  	[tilespmem:s0+$0x14860] =	vst.add.f32.msk $0xffff, v9  }
0x370: {  	[tilespmem:s0+$0x14870] =	vst.add.f32.msk $0xffff, v10  }
0x371: {  	[tilespmem:s0+$0x14C00] =	vst.add.f32.msk $0xffff, v11  }
0x372: {  	[tilespmem:s0+$0x14C10] =	vst.add.f32.msk $0xffff, v12  }
0x373: {  	[tilespmem:s0+$0x14C20] =	vst.add.f32.msk $0xffff, v13  }
0x374: {  	[tilespmem:s0+$0x14C30] =	vst.add.f32.msk $0xffff, v14  }
0x375: {  	[tilespmem:s0+$0x14C40] =	vst.add.f32.msk $0xffff, v15  }
0x376: {  	[tilespmem:s0+$0x14C50] =	vst.add.f32.msk $0xffff, v16  }
0x377: {  	[tilespmem:s0+$0x14C60] =	vst.add.f32.msk $0xffff, v17  }
0x378: {  	s23 =	rddreg [dreg:$0xb];
	[tilespmem:s0+$0x14840] =	vst.add.f32.msk $0xffff, v3;
	s0 =	simm.s32 $0x0  }
0x379: {  	[hbm4b:s23+s0] =	stream.linear.scatter [tilespmem:s5], [sflag:$0xB], $0x4000, $0x38;
	[tilespmem:$0x1C800] =	vst v63  }
0x37a: {  	_ =	swait.ge [sflag:s17], $0x4000  }
0x37b: {  	[sflag:s17] =	ssyncset.done $0x0  }
0x37c: {  	[sflag:s17] =	ssyncadd.s32 $0xFFFFC000  }
0x37d: {  	v3 =	vld [tilespmem:s8+$0x400];
	_ =	sdelay $0x4  }
0x37e: {  	v4 =	vshll.u32 v3, $0x1  }
0x37f: {  	v3 =	vand.u32 $0x7, v3;
	v4 =	vand.u32 $0xFFFFFFF0, v4  }
0x380: {  	v3 =	vor.u32 v3, v4  }
0x381: {  	v4 =	vperm.xlane v3, v0;
	_ =	sdelay $0x1  }
0x382: {  	v3 =	vperm.xlane v3, v2;
	v4 =	vadd.s32 v1, v4;
	_ =	sdelay $0x1  }
0x383: {  	v3 =	vadd.s32 v1, v3;
	_ =	sdelay $0x2  }
0x384: {  	[tilespmem:s16], [sflag:$0x3] =	stream.indirect_vreg.gather [hbm4b:s1+s0], $0x80, v4, vm0, $0xb8;
	[tilespmem:$0x1C800] =	vst v63  }
0x385: {  	s7 =	simm.s32 $0xD000  }
0x386: {  	[tilespmem:s7], [sflag:$0x3] =	stream.indirect_vreg.gather [hbm4b:s1+s0], $0x80, v3, vm0, $0xb8;
	[tilespmem:$0x1C800] =	vst v63  }
0x387: {  	v3 =	vld [tilespmem:s8+$0x410];
	_ =	sdelay $0x4  }
0x388: {  	v4 =	vshll.u32 v3, $0x1  }
0x389: {  	v3 =	vand.u32 $0x7, v3;
	v4 =	vand.u32 $0xFFFFFFF0, v4  }
0x38a: {  	v3 =	vor.u32 v3, v4  }
0x38b: {  	v4 =	vperm.xlane v3, v0;
	_ =	sdelay $0x1  }
0x38c: {  	v3 =	vperm.xlane v3, v2;
	v4 =	vadd.s32 v1, v4;
	_ =	sdelay $0x1  }
0x38d: {  	v3 =	vadd.s32 v1, v3;
	_ =	sdelay $0x1  }
0x38e: {  	s23 =	simm.s32 $0xD800  }
0x38f: {  	[tilespmem:s23], [sflag:$0x3] =	stream.indirect_vreg.gather [hbm4b:s1+s0], $0x80, v4, vm0, $0xb8;
	[tilespmem:$0x1C800] =	vst v63  }
0x390: {  	s7 =	simm.s32 $0xE000  }
0x391: {  	[tilespmem:s7], [sflag:$0x3] =	stream.indirect_vreg.gather [hbm4b:s1+s0], $0x80, v3, vm0, $0xb8;
	[tilespmem:$0x1C800] =	vst v63  }
0x392: {  	v3 =	vld [tilespmem:s8+$0x420];
	_ =	sdelay $0x4  }
0x393: {  	v4 =	vshll.u32 v3, $0x1  }
0x394: {  	v3 =	vand.u32 $0x7, v3;
	v4 =	vand.u32 $0xFFFFFFF0, v4  }
0x395: {  	v3 =	vor.u32 v3, v4  }
0x396: {  	v4 =	vperm.xlane v3, v0;
	_ =	sdelay $0x1  }
0x397: {  	v3 =	vperm.xlane v3, v2;
	v4 =	vadd.s32 v1, v4;
	_ =	sdelay $0x1  }
0x398: {  	v3 =	vadd.s32 v1, v3;
	_ =	sdelay $0x1  }
0x399: {  	s23 =	simm.s32 $0xE800  }
0x39a: {  	[tilespmem:s23], [sflag:$0x3] =	stream.indirect_vreg.gather [hbm4b:s1+s0], $0x80, v4, vm0, $0xb8;
	[tilespmem:$0x1C800] =	vst v63  }
0x39b: {  	s7 =	simm.s32 $0xF000  }
0x39c: {  	[tilespmem:s7], [sflag:$0x3] =	stream.indirect_vreg.gather [hbm4b:s1+s0], $0x80, v3, vm0, $0xb8;
	[tilespmem:$0x1C800] =	vst v63  }
0x39d: {  	v3 =	vld [tilespmem:s8+$0x430];
	_ =	sdelay $0x4  }
0x39e: {  	v4 =	vshll.u32 v3, $0x1  }
0x39f: {  	v3 =	vand.u32 $0x7, v3;
	v4 =	vand.u32 $0xFFFFFFF0, v4  }
0x3a0: {  	v3 =	vor.u32 v3, v4  }
0x3a1: {  	v4 =	vperm.xlane v3, v0;
	_ =	sdelay $0x1  }
0x3a2: {  	v3 =	vperm.xlane v3, v2;
	v4 =	vadd.s32 v1, v4;
	_ =	sdelay $0x1  }
0x3a3: {  	v3 =	vadd.s32 v1, v3;
	_ =	sdelay $0x1  }
0x3a4: {  	s23 =	simm.s32 $0xF800  }
0x3a5: {  	[tilespmem:s23], [sflag:$0x3] =	stream.indirect_vreg.gather [hbm4b:s1+s0], $0x80, v4, vm0, $0xb8;
	[tilespmem:$0x1C800] =	vst v63  }
0x3a6: {  	s7 =	simm.s32 $0x10000  }
0x3a7: {  	[tilespmem:s7], [sflag:$0x3] =	stream.indirect_vreg.gather [hbm4b:s1+s0], $0x80, v3, vm0, $0xb8;
	[tilespmem:$0x1C800] =	vst v63  }
0x3a8: {  	_ =	swait.ge [sflag:s18], $0x4000  }
0x3a9: {  	s23 =	sand.u32 $0x3800, s0;
	s0 =	sand.u32 $0x380, s0;
	[sflag:s18] =	ssyncset.done $0x0  }
0x3aa: {  	s23 =	sor.u32 s0, s23;
	[sflag:s18] =	ssyncadd.s32 $0xFFFFC000  }
0x3ab: {  	v3 =	vld [tilespmem:s23+$0xC70]  }
0x3ac: {  	v4 =	vld [tilespmem:s23+$0x800]  }
0x3ad: {  	v5 =	vld [tilespmem:s23+$0x810]  }
0x3ae: {  	v52 =	vld [tilespmem:s23+$0x820]  }
0x3af: {  	v53 =	vld [tilespmem:s23+$0x830]  }
0x3b0: {  	v54 =	vld [tilespmem:s23+$0x840]  }
0x3b1: {  	v55 =	vld [tilespmem:s23+$0x850]  }
0x3b2: {  	v56 =	vld [tilespmem:s23+$0x860]  }
0x3b3: {  	v57 =	vld [tilespmem:s23+$0x870]  }
0x3b4: {  	v58 =	vld [tilespmem:s23+$0xC00]  }
0x3b5: {  	v59 =	vld [tilespmem:s23+$0xC10]  }
0x3b6: {  	v60 =	vld [tilespmem:s23+$0xC20]  }
0x3b7: {  	v61 =	vld [tilespmem:s23+$0xC30]  }
0x3b8: {  	v62 =	vld [tilespmem:s23+$0xC40]  }
0x3b9: {  	v63 =	vld [tilespmem:s23+$0xC50]  }
0x3ba: {  	[tilespmem:s23+$0x18C70] =	vst.add.f32.msk $0xffff, v3  }
0x3bb: {  	v3 =	vld [tilespmem:s23+$0xC60]  }
0x3bc: {  	[tilespmem:s23+$0x18800] =	vst.add.f32.msk $0xffff, v4  }
0x3bd: {  	[tilespmem:s23+$0x18810] =	vst.add.f32.msk $0xffff, v5  }
0x3be: {  	[tilespmem:s23+$0x18820] =	vst.add.f32.msk $0xffff, v52  }
0x3bf: {  	[tilespmem:s23+$0x18830] =	vst.add.f32.msk $0xffff, v53  }
0x3c0: {  	[tilespmem:s23+$0x18840] =	vst.add.f32.msk $0xffff, v54  }
0x3c1: {  	[tilespmem:s23+$0x18850] =	vst.add.f32.msk $0xffff, v55  }
0x3c2: {  	[tilespmem:s23+$0x18860] =	vst.add.f32.msk $0xffff, v56  }
0x3c3: {  	[tilespmem:s23+$0x18870] =	vst.add.f32.msk $0xffff, v57  }
0x3c4: {  	[tilespmem:s23+$0x18C00] =	vst.add.f32.msk $0xffff, v58  }
0x3c5: {  	[tilespmem:s23+$0x18C10] =	vst.add.f32.msk $0xffff, v59  }
0x3c6: {  	[tilespmem:s23+$0x18C20] =	vst.add.f32.msk $0xffff, v60  }
0x3c7: {  	[tilespmem:s23+$0x18C30] =	vst.add.f32.msk $0xffff, v61  }
0x3c8: {  	s2 =	simm.s32 $0x100;
	s7 =	simm.s32 $0x80;
	[tilespmem:s23+$0x18C40] =	vst.add.f32.msk $0xffff, v62  }
0x3c9: {  	s31 =	simm.s32 $0x200;
	s2 =	sand.u32 $0x3800, s2;
	s0 =	sand.u32 $0x380, s7;
	[tilespmem:s23+$0x18C50] =	vst.add.f32.msk $0xffff, v63  }
.LBB2_12:
0x3ca: {  	p0 =	sne.s32 s31, $0x3F00;
	[tilespmem:s23+$0x18C60] =	vst.add.f32.msk $0xffff, v3;
	s23 =	sor.u32 s0, s2  }
0x3cb: {  	v3 =	vld [tilespmem:s23+$0xC70]  }
0x3cc: {  	v4 =	vld [tilespmem:s23+$0x800]  }
0x3cd: {  	v5 =	vld [tilespmem:s23+$0x810]  }
0x3ce: {  	v6 =	vld [tilespmem:s23+$0x820]  }
0x3cf: {  	v7 =	vld [tilespmem:s23+$0x830]  }
0x3d0: {  	[tilespmem:s23+$0x18C70] =	vst.add.f32.msk $0xffff, v3  }
0x3d1: {  	v8 =	vld [tilespmem:s23+$0x840]  }
0x3d2: {  	v9 =	vld [tilespmem:s23+$0x850]  }
0x3d3: {  	v10 =	vld [tilespmem:s23+$0x860]  }
0x3d4: {  	v11 =	vld [tilespmem:s23+$0x870]  }
0x3d5: {  	v12 =	vld [tilespmem:s23+$0xC00]  }
0x3d6: {  	v13 =	vld [tilespmem:s23+$0xC10]  }
0x3d7: {  	v14 =	vld [tilespmem:s23+$0xC20]  }
0x3d8: {  	v15 =	vld [tilespmem:s23+$0xC30]  }
0x3d9: {  	v16 =	vld [tilespmem:s23+$0xC40]  }
0x3da: {  	v17 =	vld [tilespmem:s23+$0xC50]  }
0x3db: {  	v3 =	vld [tilespmem:s23+$0xC60]  }
0x3dc: {  	[tilespmem:s23+$0x18800] =	vst.add.f32.msk $0xffff, v4  }
0x3dd: {  	[tilespmem:s23+$0x18810] =	vst.add.f32.msk $0xffff, v5  }
0x3de: {  	[tilespmem:s23+$0x18820] =	vst.add.f32.msk $0xffff, v6  }
0x3df: {  	[tilespmem:s23+$0x18830] =	vst.add.f32.msk $0xffff, v7  }
0x3e0: {  	[tilespmem:s23+$0x18840] =	vst.add.f32.msk $0xffff, v8  }
0x3e1: {  	[tilespmem:s23+$0x18850] =	vst.add.f32.msk $0xffff, v9  }
0x3e2: {  	[tilespmem:s23+$0x18860] =	vst.add.f32.msk $0xffff, v10  }
0x3e3: {  	[tilespmem:s23+$0x18870] =	vst.add.f32.msk $0xffff, v11  }
0x3e4: {  	[tilespmem:s23+$0x18C00] =	vst.add.f32.msk $0xffff, v12  }
.Ltmp5:
0x3e5: {  	[tilespmem:s23+$0x18C10] =	vst.add.f32.msk $0xffff, v13;
	(pc) =	sbr.rel @p0 .LBB2_12-.Ltmp5, $4  }
0x3e6: {  	[tilespmem:s23+$0x18C20] =	vst.add.f32.msk $0xffff, v14  }
0x3e7: {  	[tilespmem:s23+$0x18C30] =	vst.add.f32.msk $0xffff, v15  }
0x3e8: {  	s7 =	sadd.s32 $0x80, s7;
	[tilespmem:s23+$0x18C40] =	vst.add.f32.msk $0xffff, v16  }
0x3e9: {  	s2 =	sand.u32 $0x3800, s31;
	s31 =	sadd.s32 $0x100, s31;
	s0 =	sand.u32 $0x380, s7;
	[tilespmem:s23+$0x18C50] =	vst.add.f32.msk $0xffff, v17  }
0x3ea: {  	s0 =	sor.u32 s0, s2;
	[tilespmem:s23+$0x18C60] =	vst.add.f32.msk $0xffff, v3  }
0x3eb: {  	v3 =	vld [tilespmem:s0+$0xC70]  }
0x3ec: {  	v4 =	vld [tilespmem:s0+$0x800]  }
0x3ed: {  	v5 =	vld [tilespmem:s0+$0x810]  }
0x3ee: {  	v6 =	vld [tilespmem:s0+$0x820]  }
0x3ef: {  	v7 =	vld [tilespmem:s0+$0x830]  }
0x3f0: {  	v8 =	vld [tilespmem:s0+$0x850]  }
0x3f1: {  	v9 =	vld [tilespmem:s0+$0x860]  }
0x3f2: {  	v10 =	vld [tilespmem:s0+$0x870]  }
0x3f3: {  	v11 =	vld [tilespmem:s0+$0xC00]  }
0x3f4: {  	v12 =	vld [tilespmem:s0+$0xC10]  }
0x3f5: {  	v13 =	vld [tilespmem:s0+$0xC20]  }
0x3f6: {  	v14 =	vld [tilespmem:s0+$0xC30]  }
0x3f7: {  	v15 =	vld [tilespmem:s0+$0xC40]  }
0x3f8: {  	v16 =	vld [tilespmem:s0+$0xC50]  }
0x3f9: {  	v17 =	vld [tilespmem:s0+$0xC60]  }
0x3fa: {  	[tilespmem:s0+$0x18C70] =	vst.add.f32.msk $0xffff, v3  }
0x3fb: {  	v3 =	vld [tilespmem:s0+$0x840]  }
0x3fc: {  	[tilespmem:s0+$0x18800] =	vst.add.f32.msk $0xffff, v4  }
0x3fd: {  	[tilespmem:s0+$0x18810] =	vst.add.f32.msk $0xffff, v5  }
0x3fe: {  	[tilespmem:s0+$0x18820] =	vst.add.f32.msk $0xffff, v6  }
0x3ff: {  	[tilespmem:s0+$0x18830] =	vst.add.f32.msk $0xffff, v7  }
0x400: {  	[tilespmem:s0+$0x18850] =	vst.add.f32.msk $0xffff, v8  }
0x401: {  	[tilespmem:s0+$0x18860] =	vst.add.f32.msk $0xffff, v9  }
0x402: {  	[tilespmem:s0+$0x18870] =	vst.add.f32.msk $0xffff, v10  }
0x403: {  	[tilespmem:s0+$0x18C00] =	vst.add.f32.msk $0xffff, v11  }
0x404: {  	[tilespmem:s0+$0x18C10] =	vst.add.f32.msk $0xffff, v12  }
0x405: {  	[tilespmem:s0+$0x18C20] =	vst.add.f32.msk $0xffff, v13  }
0x406: {  	[tilespmem:s0+$0x18C30] =	vst.add.f32.msk $0xffff, v14  }
0x407: {  	[tilespmem:s0+$0x18C40] =	vst.add.f32.msk $0xffff, v15  }
0x408: {  	[tilespmem:s0+$0x18C50] =	vst.add.f32.msk $0xffff, v16  }
0x409: {  	[tilespmem:s0+$0x18C60] =	vst.add.f32.msk $0xffff, v17  }
0x40a: {  	s7 =	rddreg [dreg:$0xc];
	[tilespmem:s0+$0x18840] =	vst.add.f32.msk $0xffff, v3;
	s0 =	simm.s32 $0x0  }
0x40b: {  	[hbm4b:s7+s0] =	stream.linear.scatter [tilespmem:s10], [sflag:$0xC], $0x4000, $0x38;
	[tilespmem:$0x1C800] =	vst v63  }
0x40c: {  	_ =	swait.ge [sflag:s19], $0x4000  }
0x40d: {  	[sflag:s19] =	ssyncset.done $0x0  }
0x40e: {  	[sflag:s19] =	ssyncadd.s32 $0xFFFFC000  }
0x40f: {  	v3 =	vld [tilespmem:s8+$0x480];
	_ =	sdelay $0x4  }
0x410: {  	v4 =	vshll.u32 v3, $0x1  }
0x411: {  	v3 =	vand.u32 $0x7, v3;
	v4 =	vand.u32 $0xFFFFFFF0, v4  }
0x412: {  	v3 =	vor.u32 v3, v4  }
0x413: {  	v4 =	vperm.xlane v3, v0;
	_ =	sdelay $0x1  }
0x414: {  	v3 =	vperm.xlane v3, v2;
	v4 =	vadd.s32 v1, v4;
	_ =	sdelay $0x1  }
0x415: {  	v3 =	vadd.s32 v1, v3;
	_ =	sdelay $0x2  }
0x416: {  	[tilespmem:s24], [sflag:$0x4] =	stream.indirect_vreg.gather [hbm4b:s1+s0], $0x80, v4, vm0, $0xb8;
	[tilespmem:$0x1C800] =	vst v63  }
0x417: {  	s23 =	simm.s32 $0x11000  }
0x418: {  	[tilespmem:s23], [sflag:$0x4] =	stream.indirect_vreg.gather [hbm4b:s1+s0], $0x80, v3, vm0, $0xb8;
	[tilespmem:$0x1C800] =	vst v63  }
0x419: {  	v3 =	vld [tilespmem:s8+$0x490];
	_ =	sdelay $0x4  }
0x41a: {  	v4 =	vshll.u32 v3, $0x1  }
0x41b: {  	v3 =	vand.u32 $0x7, v3;
	v4 =	vand.u32 $0xFFFFFFF0, v4  }
0x41c: {  	v3 =	vor.u32 v3, v4  }
0x41d: {  	v4 =	vperm.xlane v3, v0;
	_ =	sdelay $0x1  }
0x41e: {  	v3 =	vperm.xlane v3, v2;
	v4 =	vadd.s32 v1, v4;
	_ =	sdelay $0x1  }
0x41f: {  	v3 =	vadd.s32 v1, v3;
	_ =	sdelay $0x1  }
0x420: {  	s7 =	simm.s32 $0x11800  }
0x421: {  	[tilespmem:s7], [sflag:$0x4] =	stream.indirect_vreg.gather [hbm4b:s1+s0], $0x80, v4, vm0, $0xb8;
	[tilespmem:$0x1C800] =	vst v63  }
0x422: {  	s23 =	simm.s32 $0x12000  }
0x423: {  	[tilespmem:s23], [sflag:$0x4] =	stream.indirect_vreg.gather [hbm4b:s1+s0], $0x80, v3, vm0, $0xb8;
	[tilespmem:$0x1C800] =	vst v63  }
0x424: {  	v3 =	vld [tilespmem:s8+$0x4A0];
	_ =	sdelay $0x4  }
0x425: {  	v4 =	vshll.u32 v3, $0x1  }
0x426: {  	v3 =	vand.u32 $0x7, v3;
	v4 =	vand.u32 $0xFFFFFFF0, v4  }
0x427: {  	v3 =	vor.u32 v3, v4  }
0x428: {  	v4 =	vperm.xlane v3, v0;
	_ =	sdelay $0x1  }
0x429: {  	v3 =	vperm.xlane v3, v2;
	v4 =	vadd.s32 v1, v4;
	_ =	sdelay $0x1  }
0x42a: {  	v3 =	vadd.s32 v1, v3;
	_ =	sdelay $0x1  }
0x42b: {  	s7 =	simm.s32 $0x12800  }
0x42c: {  	[tilespmem:s7], [sflag:$0x4] =	stream.indirect_vreg.gather [hbm4b:s1+s0], $0x80, v4, vm0, $0xb8;
	[tilespmem:$0x1C800] =	vst v63  }
0x42d: {  	_ = 	snop  }
0x42e: {  	[tilespmem:s25], [sflag:$0x4] =	stream.indirect_vreg.gather [hbm4b:s1+s0], $0x80, v3, vm0, $0xb8;
	[tilespmem:$0x1C800] =	vst v63  }
0x42f: {  	v3 =	vld [tilespmem:s8+$0x4B0];
	_ =	sdelay $0x4  }
0x430: {  	v4 =	vshll.u32 v3, $0x1  }
0x431: {  	v3 =	vand.u32 $0x7, v3;
	v4 =	vand.u32 $0xFFFFFFF0, v4  }
0x432: {  	v3 =	vor.u32 v3, v4  }
0x433: {  	v4 =	vperm.xlane v3, v0;
	_ =	sdelay $0x1  }
0x434: {  	v3 =	vperm.xlane v3, v2;
	v4 =	vadd.s32 v1, v4;
	_ =	sdelay $0x1  }
0x435: {  	v3 =	vadd.s32 v1, v3;
	_ =	sdelay $0x2  }
0x436: {  	[tilespmem:s26], [sflag:$0x4] =	stream.indirect_vreg.gather [hbm4b:s1+s0], $0x80, v4, vm0, $0xb8;
	[tilespmem:$0x1C800] =	vst v63  }
0x437: {  	_ = 	snop  }
0x438: {  	[tilespmem:s28], [sflag:$0x4] =	stream.indirect_vreg.gather [hbm4b:s1+s0], $0x80, v3, vm0, $0xb8;
	[tilespmem:$0x1C800] =	vst v63  }
0x439: {  	_ =	swait.ge [sflag:s4], $0x4000  }
0x43a: {  	s23 =	sand.u32 $0x3800, s0;
	s0 =	sand.u32 $0x380, s0;
	[sflag:s4] =	ssyncset.done $0x0  }
0x43b: {  	s23 =	sor.u32 s0, s23;
	[sflag:s4] =	ssyncadd.s32 $0xFFFFC000  }
0x43c: {  	v3 =	vld [tilespmem:s23+$0xC70]  }
0x43d: {  	v4 =	vld [tilespmem:s23+$0x800]  }
0x43e: {  	v5 =	vld [tilespmem:s23+$0x810]  }
0x43f: {  	v52 =	vld [tilespmem:s23+$0x820]  }
0x440: {  	v53 =	vld [tilespmem:s23+$0x830]  }
0x441: {  	v54 =	vld [tilespmem:s23+$0x840]  }
0x442: {  	v55 =	vld [tilespmem:s23+$0x850]  }
0x443: {  	v56 =	vld [tilespmem:s23+$0x860]  }
0x444: {  	v57 =	vld [tilespmem:s23+$0x870]  }
0x445: {  	v58 =	vld [tilespmem:s23+$0xC00]  }
0x446: {  	v59 =	vld [tilespmem:s23+$0xC10]  }
0x447: {  	v60 =	vld [tilespmem:s23+$0xC20]  }
0x448: {  	v61 =	vld [tilespmem:s23+$0xC30]  }
0x449: {  	v62 =	vld [tilespmem:s23+$0xC40]  }
0x44a: {  	v63 =	vld [tilespmem:s23+$0xC50]  }
0x44b: {  	[tilespmem:s23+$0x4C70] =	vst.add.f32.msk $0xffff, v3  }
0x44c: {  	v3 =	vld [tilespmem:s23+$0xC60]  }
0x44d: {  	[tilespmem:s23+$0x4800] =	vst.add.f32.msk $0xffff, v4  }
0x44e: {  	[tilespmem:s23+$0x4810] =	vst.add.f32.msk $0xffff, v5  }
0x44f: {  	[tilespmem:s23+$0x4820] =	vst.add.f32.msk $0xffff, v52  }
0x450: {  	[tilespmem:s23+$0x4830] =	vst.add.f32.msk $0xffff, v53  }
0x451: {  	[tilespmem:s23+$0x4840] =	vst.add.f32.msk $0xffff, v54  }
0x452: {  	[tilespmem:s23+$0x4850] =	vst.add.f32.msk $0xffff, v55  }
0x453: {  	[tilespmem:s23+$0x4860] =	vst.add.f32.msk $0xffff, v56  }
0x454: {  	[tilespmem:s23+$0x4870] =	vst.add.f32.msk $0xffff, v57  }
0x455: {  	[tilespmem:s23+$0x4C00] =	vst.add.f32.msk $0xffff, v58  }
0x456: {  	[tilespmem:s23+$0x4C10] =	vst.add.f32.msk $0xffff, v59  }
0x457: {  	[tilespmem:s23+$0x4C20] =	vst.add.f32.msk $0xffff, v60  }
0x458: {  	[tilespmem:s23+$0x4C30] =	vst.add.f32.msk $0xffff, v61  }
0x459: {  	s2 =	simm.s32 $0x100;
	s7 =	simm.s32 $0x80;
	[tilespmem:s23+$0x4C40] =	vst.add.f32.msk $0xffff, v62  }
0x45a: {  	s31 =	simm.s32 $0x200;
	s2 =	sand.u32 $0x3800, s2;
	s0 =	sand.u32 $0x380, s7;
	[tilespmem:s23+$0x4C50] =	vst.add.f32.msk $0xffff, v63  }
.LBB2_14:
0x45b: {  	p0 =	sne.s32 s31, $0x3F00;
	[tilespmem:s23+$0x4C60] =	vst.add.f32.msk $0xffff, v3;
	s23 =	sor.u32 s0, s2  }
0x45c: {  	v3 =	vld [tilespmem:s23+$0xC70]  }
0x45d: {  	v4 =	vld [tilespmem:s23+$0x800]  }
0x45e: {  	v5 =	vld [tilespmem:s23+$0x810]  }
0x45f: {  	v6 =	vld [tilespmem:s23+$0x820]  }
0x460: {  	v7 =	vld [tilespmem:s23+$0x830]  }
0x461: {  	[tilespmem:s23+$0x4C70] =	vst.add.f32.msk $0xffff, v3  }
0x462: {  	v8 =	vld [tilespmem:s23+$0x840]  }
0x463: {  	v9 =	vld [tilespmem:s23+$0x850]  }
0x464: {  	v10 =	vld [tilespmem:s23+$0x860]  }
0x465: {  	v11 =	vld [tilespmem:s23+$0x870]  }
0x466: {  	v12 =	vld [tilespmem:s23+$0xC00]  }
0x467: {  	v13 =	vld [tilespmem:s23+$0xC10]  }
0x468: {  	v14 =	vld [tilespmem:s23+$0xC20]  }
0x469: {  	v15 =	vld [tilespmem:s23+$0xC30]  }
0x46a: {  	v16 =	vld [tilespmem:s23+$0xC40]  }
0x46b: {  	v17 =	vld [tilespmem:s23+$0xC50]  }
0x46c: {  	v3 =	vld [tilespmem:s23+$0xC60]  }
0x46d: {  	[tilespmem:s23+$0x4800] =	vst.add.f32.msk $0xffff, v4  }
0x46e: {  	[tilespmem:s23+$0x4810] =	vst.add.f32.msk $0xffff, v5  }
0x46f: {  	[tilespmem:s23+$0x4820] =	vst.add.f32.msk $0xffff, v6  }
0x470: {  	[tilespmem:s23+$0x4830] =	vst.add.f32.msk $0xffff, v7  }
0x471: {  	[tilespmem:s23+$0x4840] =	vst.add.f32.msk $0xffff, v8  }
0x472: {  	[tilespmem:s23+$0x4850] =	vst.add.f32.msk $0xffff, v9  }
0x473: {  	[tilespmem:s23+$0x4860] =	vst.add.f32.msk $0xffff, v10  }
0x474: {  	[tilespmem:s23+$0x4870] =	vst.add.f32.msk $0xffff, v11  }
0x475: {  	[tilespmem:s23+$0x4C00] =	vst.add.f32.msk $0xffff, v12  }
.Ltmp6:
0x476: {  	[tilespmem:s23+$0x4C10] =	vst.add.f32.msk $0xffff, v13;
	(pc) =	sbr.rel @p0 .LBB2_14-.Ltmp6, $4  }
0x477: {  	[tilespmem:s23+$0x4C20] =	vst.add.f32.msk $0xffff, v14  }
0x478: {  	[tilespmem:s23+$0x4C30] =	vst.add.f32.msk $0xffff, v15  }
0x479: {  	s7 =	sadd.s32 $0x80, s7;
	[tilespmem:s23+$0x4C40] =	vst.add.f32.msk $0xffff, v16  }
0x47a: {  	s2 =	sand.u32 $0x3800, s31;
	s31 =	sadd.s32 $0x100, s31;
	s0 =	sand.u32 $0x380, s7;
	[tilespmem:s23+$0x4C50] =	vst.add.f32.msk $0xffff, v17  }
0x47b: {  	s0 =	sor.u32 s0, s2;
	[tilespmem:s23+$0x4C60] =	vst.add.f32.msk $0xffff, v3  }
0x47c: {  	v3 =	vld [tilespmem:s0+$0xC70]  }
0x47d: {  	v4 =	vld [tilespmem:s0+$0x800]  }
0x47e: {  	v5 =	vld [tilespmem:s0+$0x810]  }
0x47f: {  	v6 =	vld [tilespmem:s0+$0x820]  }
0x480: {  	v7 =	vld [tilespmem:s0+$0x830]  }
0x481: {  	v8 =	vld [tilespmem:s0+$0x850]  }
0x482: {  	v9 =	vld [tilespmem:s0+$0x860]  }
0x483: {  	v10 =	vld [tilespmem:s0+$0x870]  }
0x484: {  	v11 =	vld [tilespmem:s0+$0xC00]  }
0x485: {  	v12 =	vld [tilespmem:s0+$0xC10]  }
0x486: {  	v13 =	vld [tilespmem:s0+$0xC20]  }
0x487: {  	v14 =	vld [tilespmem:s0+$0xC30]  }
0x488: {  	v15 =	vld [tilespmem:s0+$0xC40]  }
0x489: {  	v16 =	vld [tilespmem:s0+$0xC50]  }
0x48a: {  	v17 =	vld [tilespmem:s0+$0xC60]  }
0x48b: {  	[tilespmem:s0+$0x4C70] =	vst.add.f32.msk $0xffff, v3  }
0x48c: {  	v3 =	vld [tilespmem:s0+$0x840]  }
0x48d: {  	[tilespmem:s0+$0x4800] =	vst.add.f32.msk $0xffff, v4  }
0x48e: {  	[tilespmem:s0+$0x4810] =	vst.add.f32.msk $0xffff, v5  }
0x48f: {  	[tilespmem:s0+$0x4820] =	vst.add.f32.msk $0xffff, v6  }
0x490: {  	[tilespmem:s0+$0x4830] =	vst.add.f32.msk $0xffff, v7  }
0x491: {  	[tilespmem:s0+$0x4850] =	vst.add.f32.msk $0xffff, v8  }
0x492: {  	[tilespmem:s0+$0x4860] =	vst.add.f32.msk $0xffff, v9  }
0x493: {  	[tilespmem:s0+$0x4870] =	vst.add.f32.msk $0xffff, v10  }
0x494: {  	[tilespmem:s0+$0x4C00] =	vst.add.f32.msk $0xffff, v11  }
0x495: {  	[tilespmem:s0+$0x4C10] =	vst.add.f32.msk $0xffff, v12  }
0x496: {  	[tilespmem:s0+$0x4C20] =	vst.add.f32.msk $0xffff, v13  }
0x497: {  	[tilespmem:s0+$0x4C30] =	vst.add.f32.msk $0xffff, v14  }
0x498: {  	[tilespmem:s0+$0x4C40] =	vst.add.f32.msk $0xffff, v15  }
0x499: {  	[tilespmem:s0+$0x4C50] =	vst.add.f32.msk $0xffff, v16  }
0x49a: {  	[tilespmem:s0+$0x4C60] =	vst.add.f32.msk $0xffff, v17  }
0x49b: {  	s23 =	rddreg [dreg:$0xd];
	[tilespmem:s0+$0x4840] =	vst.add.f32.msk $0xffff, v3;
	s0 =	simm.s32 $0x0  }
0x49c: {  	[hbm4b:s23+s0] =	stream.linear.scatter [tilespmem:s30], [sflag:$0x7], $0x4000, $0x38;
	[tilespmem:$0x1C800] =	vst v63  }
0x49d: {  	_ =	swait.ge [sflag:s20], $0x4000  }
0x49e: {  	[sflag:s20] =	ssyncset.done $0x0  }
0x49f: {  	[sflag:s20] =	ssyncadd.s32 $0xFFFFC000  }
0x4a0: {  	v3 =	vld [tilespmem:s8+$0x500];
	_ =	sdelay $0x4  }
0x4a1: {  	v4 =	vshll.u32 v3, $0x1  }
0x4a2: {  	v3 =	vand.u32 $0x7, v3;
	v4 =	vand.u32 $0xFFFFFFF0, v4  }
0x4a3: {  	v3 =	vor.u32 v3, v4  }
0x4a4: {  	v4 =	vperm.xlane v3, v0;
	_ =	sdelay $0x1  }
0x4a5: {  	v3 =	vperm.xlane v3, v2;
	v4 =	vadd.s32 v1, v4;
	_ =	sdelay $0x1  }
0x4a6: {  	v3 =	vadd.s32 v1, v3;
	_ =	sdelay $0x2  }
0x4a7: {  	[tilespmem:s5], [sflag:$0x5] =	stream.indirect_vreg.gather [hbm4b:s1+s0], $0x80, v4, vm0, $0xb8;
	[tilespmem:$0x1C800] =	vst v63  }
0x4a8: {  	s7 =	simm.s32 $0x15000  }
0x4a9: {  	[tilespmem:s7], [sflag:$0x5] =	stream.indirect_vreg.gather [hbm4b:s1+s0], $0x80, v3, vm0, $0xb8;
	[tilespmem:$0x1C800] =	vst v63  }
0x4aa: {  	v3 =	vld [tilespmem:s8+$0x510];
	_ =	sdelay $0x4  }
0x4ab: {  	v4 =	vshll.u32 v3, $0x1  }
0x4ac: {  	v3 =	vand.u32 $0x7, v3;
	v4 =	vand.u32 $0xFFFFFFF0, v4  }
0x4ad: {  	v3 =	vor.u32 v3, v4  }
0x4ae: {  	v4 =	vperm.xlane v3, v0;
	_ =	sdelay $0x1  }
0x4af: {  	v3 =	vperm.xlane v3, v2;
	v4 =	vadd.s32 v1, v4;
	_ =	sdelay $0x1  }
0x4b0: {  	v3 =	vadd.s32 v1, v3;
	_ =	sdelay $0x1  }
0x4b1: {  	s23 =	simm.s32 $0x15800  }
0x4b2: {  	[tilespmem:s23], [sflag:$0x5] =	stream.indirect_vreg.gather [hbm4b:s1+s0], $0x80, v4, vm0, $0xb8;
	[tilespmem:$0x1C800] =	vst v63  }
0x4b3: {  	s7 =	simm.s32 $0x16000  }
0x4b4: {  	[tilespmem:s7], [sflag:$0x5] =	stream.indirect_vreg.gather [hbm4b:s1+s0], $0x80, v3, vm0, $0xb8;
	[tilespmem:$0x1C800] =	vst v63  }
0x4b5: {  	v3 =	vld [tilespmem:s8+$0x520];
	_ =	sdelay $0x4  }
0x4b6: {  	v4 =	vshll.u32 v3, $0x1  }
0x4b7: {  	v3 =	vand.u32 $0x7, v3;
	v4 =	vand.u32 $0xFFFFFFF0, v4  }
0x4b8: {  	v3 =	vor.u32 v3, v4  }
0x4b9: {  	v4 =	vperm.xlane v3, v0;
	_ =	sdelay $0x1  }
0x4ba: {  	v3 =	vperm.xlane v3, v2;
	v4 =	vadd.s32 v1, v4;
	_ =	sdelay $0x1  }
0x4bb: {  	v3 =	vadd.s32 v1, v3;
	_ =	sdelay $0x1  }
0x4bc: {  	s23 =	simm.s32 $0x16800  }
0x4bd: {  	[tilespmem:s23], [sflag:$0x5] =	stream.indirect_vreg.gather [hbm4b:s1+s0], $0x80, v4, vm0, $0xb8;
	[tilespmem:$0x1C800] =	vst v63  }
0x4be: {  	s7 =	simm.s32 $0x17000  }
0x4bf: {  	[tilespmem:s7], [sflag:$0x5] =	stream.indirect_vreg.gather [hbm4b:s1+s0], $0x80, v3, vm0, $0xb8;
	[tilespmem:$0x1C800] =	vst v63  }
0x4c0: {  	v3 =	vld [tilespmem:s8+$0x530];
	_ =	sdelay $0x4  }
0x4c1: {  	v4 =	vshll.u32 v3, $0x1  }
0x4c2: {  	v3 =	vand.u32 $0x7, v3;
	v4 =	vand.u32 $0xFFFFFFF0, v4  }
0x4c3: {  	v3 =	vor.u32 v3, v4  }
0x4c4: {  	v4 =	vperm.xlane v3, v0;
	_ =	sdelay $0x1  }
0x4c5: {  	v3 =	vperm.xlane v3, v2;
	v4 =	vadd.s32 v1, v4;
	_ =	sdelay $0x1  }
0x4c6: {  	v3 =	vadd.s32 v1, v3;
	_ =	sdelay $0x1  }
0x4c7: {  	s23 =	simm.s32 $0x17800  }
0x4c8: {  	[tilespmem:s23], [sflag:$0x5] =	stream.indirect_vreg.gather [hbm4b:s1+s0], $0x80, v4, vm0, $0xb8;
	[tilespmem:$0x1C800] =	vst v63  }
0x4c9: {  	s7 =	simm.s32 $0x18000  }
0x4ca: {  	[tilespmem:s7], [sflag:$0x5] =	stream.indirect_vreg.gather [hbm4b:s1+s0], $0x80, v3, vm0, $0xb8;
	[tilespmem:$0x1C800] =	vst v63  }
0x4cb: {  	_ =	swait.ge [sflag:s9], $0x4000  }
0x4cc: {  	s23 =	sand.u32 $0x3800, s0;
	s0 =	sand.u32 $0x380, s0;
	[sflag:s9] =	ssyncset.done $0x0  }
0x4cd: {  	s23 =	sor.u32 s0, s23;
	[sflag:s9] =	ssyncadd.s32 $0xFFFFC000  }
0x4ce: {  	v3 =	vld [tilespmem:s23+$0xC70]  }
0x4cf: {  	v4 =	vld [tilespmem:s23+$0x800]  }
0x4d0: {  	v5 =	vld [tilespmem:s23+$0x810]  }
0x4d1: {  	v52 =	vld [tilespmem:s23+$0x820]  }
0x4d2: {  	v53 =	vld [tilespmem:s23+$0x830]  }
0x4d3: {  	v54 =	vld [tilespmem:s23+$0x840]  }
0x4d4: {  	v55 =	vld [tilespmem:s23+$0x850]  }
0x4d5: {  	v56 =	vld [tilespmem:s23+$0x860]  }
0x4d6: {  	v57 =	vld [tilespmem:s23+$0x870]  }
0x4d7: {  	v58 =	vld [tilespmem:s23+$0xC00]  }
0x4d8: {  	v59 =	vld [tilespmem:s23+$0xC10]  }
0x4d9: {  	v60 =	vld [tilespmem:s23+$0xC20]  }
0x4da: {  	v61 =	vld [tilespmem:s23+$0xC30]  }
0x4db: {  	v62 =	vld [tilespmem:s23+$0xC40]  }
0x4dc: {  	v63 =	vld [tilespmem:s23+$0xC50]  }
0x4dd: {  	[tilespmem:s23+$0x8C70] =	vst.add.f32.msk $0xffff, v3  }
0x4de: {  	v3 =	vld [tilespmem:s23+$0xC60]  }
0x4df: {  	[tilespmem:s23+$0x8800] =	vst.add.f32.msk $0xffff, v4  }
0x4e0: {  	[tilespmem:s23+$0x8810] =	vst.add.f32.msk $0xffff, v5  }
0x4e1: {  	[tilespmem:s23+$0x8820] =	vst.add.f32.msk $0xffff, v52  }
0x4e2: {  	[tilespmem:s23+$0x8830] =	vst.add.f32.msk $0xffff, v53  }
0x4e3: {  	[tilespmem:s23+$0x8840] =	vst.add.f32.msk $0xffff, v54  }
0x4e4: {  	[tilespmem:s23+$0x8850] =	vst.add.f32.msk $0xffff, v55  }
0x4e5: {  	[tilespmem:s23+$0x8860] =	vst.add.f32.msk $0xffff, v56  }
0x4e6: {  	[tilespmem:s23+$0x8870] =	vst.add.f32.msk $0xffff, v57  }
0x4e7: {  	[tilespmem:s23+$0x8C00] =	vst.add.f32.msk $0xffff, v58  }
0x4e8: {  	[tilespmem:s23+$0x8C10] =	vst.add.f32.msk $0xffff, v59  }
0x4e9: {  	[tilespmem:s23+$0x8C20] =	vst.add.f32.msk $0xffff, v60  }
0x4ea: {  	[tilespmem:s23+$0x8C30] =	vst.add.f32.msk $0xffff, v61  }
0x4eb: {  	s2 =	simm.s32 $0x100;
	s7 =	simm.s32 $0x80;
	[tilespmem:s23+$0x8C40] =	vst.add.f32.msk $0xffff, v62  }
0x4ec: {  	s31 =	simm.s32 $0x200;
	s2 =	sand.u32 $0x3800, s2;
	s0 =	sand.u32 $0x380, s7;
	[tilespmem:s23+$0x8C50] =	vst.add.f32.msk $0xffff, v63  }
.LBB2_16:
0x4ed: {  	p0 =	sne.s32 s31, $0x3F00;
	[tilespmem:s23+$0x8C60] =	vst.add.f32.msk $0xffff, v3;
	s23 =	sor.u32 s0, s2  }
0x4ee: {  	v3 =	vld [tilespmem:s23+$0xC70]  }
0x4ef: {  	v4 =	vld [tilespmem:s23+$0x800]  }
0x4f0: {  	v5 =	vld [tilespmem:s23+$0x810]  }
0x4f1: {  	v6 =	vld [tilespmem:s23+$0x820]  }
0x4f2: {  	v7 =	vld [tilespmem:s23+$0x830]  }
0x4f3: {  	[tilespmem:s23+$0x8C70] =	vst.add.f32.msk $0xffff, v3  }
0x4f4: {  	v8 =	vld [tilespmem:s23+$0x840]  }
0x4f5: {  	v9 =	vld [tilespmem:s23+$0x850]  }
0x4f6: {  	v10 =	vld [tilespmem:s23+$0x860]  }
0x4f7: {  	v11 =	vld [tilespmem:s23+$0x870]  }
0x4f8: {  	v12 =	vld [tilespmem:s23+$0xC00]  }
0x4f9: {  	v13 =	vld [tilespmem:s23+$0xC10]  }
0x4fa: {  	v14 =	vld [tilespmem:s23+$0xC20]  }
0x4fb: {  	v15 =	vld [tilespmem:s23+$0xC30]  }
0x4fc: {  	v16 =	vld [tilespmem:s23+$0xC40]  }
0x4fd: {  	v17 =	vld [tilespmem:s23+$0xC50]  }
0x4fe: {  	v3 =	vld [tilespmem:s23+$0xC60]  }
0x4ff: {  	[tilespmem:s23+$0x8800] =	vst.add.f32.msk $0xffff, v4  }
0x500: {  	[tilespmem:s23+$0x8810] =	vst.add.f32.msk $0xffff, v5  }
0x501: {  	[tilespmem:s23+$0x8820] =	vst.add.f32.msk $0xffff, v6  }
0x502: {  	[tilespmem:s23+$0x8830] =	vst.add.f32.msk $0xffff, v7  }
0x503: {  	[tilespmem:s23+$0x8840] =	vst.add.f32.msk $0xffff, v8  }
0x504: {  	[tilespmem:s23+$0x8850] =	vst.add.f32.msk $0xffff, v9  }
0x505: {  	[tilespmem:s23+$0x8860] =	vst.add.f32.msk $0xffff, v10  }
0x506: {  	[tilespmem:s23+$0x8870] =	vst.add.f32.msk $0xffff, v11  }
0x507: {  	[tilespmem:s23+$0x8C00] =	vst.add.f32.msk $0xffff, v12  }
.Ltmp7:
0x508: {  	[tilespmem:s23+$0x8C10] =	vst.add.f32.msk $0xffff, v13;
	(pc) =	sbr.rel @p0 .LBB2_16-.Ltmp7, $4  }
0x509: {  	[tilespmem:s23+$0x8C20] =	vst.add.f32.msk $0xffff, v14  }
0x50a: {  	[tilespmem:s23+$0x8C30] =	vst.add.f32.msk $0xffff, v15  }
0x50b: {  	s7 =	sadd.s32 $0x80, s7;
	[tilespmem:s23+$0x8C40] =	vst.add.f32.msk $0xffff, v16  }
0x50c: {  	s2 =	sand.u32 $0x3800, s31;
	s31 =	sadd.s32 $0x100, s31;
	s0 =	sand.u32 $0x380, s7;
	[tilespmem:s23+$0x8C50] =	vst.add.f32.msk $0xffff, v17  }
0x50d: {  	s0 =	sor.u32 s0, s2;
	[tilespmem:s23+$0x8C60] =	vst.add.f32.msk $0xffff, v3  }
0x50e: {  	v3 =	vld [tilespmem:s0+$0xC70]  }
0x50f: {  	v4 =	vld [tilespmem:s0+$0x800]  }
0x510: {  	v5 =	vld [tilespmem:s0+$0x810]  }
0x511: {  	v6 =	vld [tilespmem:s0+$0x820]  }
0x512: {  	v7 =	vld [tilespmem:s0+$0x830]  }
0x513: {  	v8 =	vld [tilespmem:s0+$0x850]  }
0x514: {  	v9 =	vld [tilespmem:s0+$0x860]  }
0x515: {  	v10 =	vld [tilespmem:s0+$0x870]  }
0x516: {  	v11 =	vld [tilespmem:s0+$0xC00]  }
0x517: {  	v12 =	vld [tilespmem:s0+$0xC10]  }
0x518: {  	v13 =	vld [tilespmem:s0+$0xC20]  }
0x519: {  	v14 =	vld [tilespmem:s0+$0xC30]  }
0x51a: {  	v15 =	vld [tilespmem:s0+$0xC40]  }
0x51b: {  	v16 =	vld [tilespmem:s0+$0xC50]  }
0x51c: {  	v17 =	vld [tilespmem:s0+$0xC60]  }
0x51d: {  	[tilespmem:s0+$0x8C70] =	vst.add.f32.msk $0xffff, v3  }
0x51e: {  	v3 =	vld [tilespmem:s0+$0x840]  }
0x51f: {  	[tilespmem:s0+$0x8800] =	vst.add.f32.msk $0xffff, v4  }
0x520: {  	[tilespmem:s0+$0x8810] =	vst.add.f32.msk $0xffff, v5  }
0x521: {  	[tilespmem:s0+$0x8820] =	vst.add.f32.msk $0xffff, v6  }
0x522: {  	[tilespmem:s0+$0x8830] =	vst.add.f32.msk $0xffff, v7  }
0x523: {  	[tilespmem:s0+$0x8850] =	vst.add.f32.msk $0xffff, v8  }
0x524: {  	[tilespmem:s0+$0x8860] =	vst.add.f32.msk $0xffff, v9  }
0x525: {  	[tilespmem:s0+$0x8870] =	vst.add.f32.msk $0xffff, v10  }
0x526: {  	[tilespmem:s0+$0x8C00] =	vst.add.f32.msk $0xffff, v11  }
0x527: {  	[tilespmem:s0+$0x8C10] =	vst.add.f32.msk $0xffff, v12  }
0x528: {  	[tilespmem:s0+$0x8C20] =	vst.add.f32.msk $0xffff, v13  }
0x529: {  	[tilespmem:s0+$0x8C30] =	vst.add.f32.msk $0xffff, v14  }
0x52a: {  	[tilespmem:s0+$0x8C40] =	vst.add.f32.msk $0xffff, v15  }
0x52b: {  	[tilespmem:s0+$0x8C50] =	vst.add.f32.msk $0xffff, v16  }
0x52c: {  	[tilespmem:s0+$0x8C60] =	vst.add.f32.msk $0xffff, v17  }
0x52d: {  	s23 =	rddreg [dreg:$0xe];
	[tilespmem:s0+$0x8840] =	vst.add.f32.msk $0xffff, v3;
	s0 =	simm.s32 $0x0  }
0x52e: {  	[hbm4b:s23+s0] =	stream.linear.scatter [tilespmem:s6], [sflag:$0x8], $0x4000, $0x38;
	[tilespmem:$0x1C800] =	vst v63  }
0x52f: {  	_ =	swait.ge [sflag:s21], $0x4000  }
0x530: {  	[sflag:s21] =	ssyncset.done $0x0  }
0x531: {  	[sflag:s21] =	ssyncadd.s32 $0xFFFFC000  }
0x532: {  	v3 =	vld [tilespmem:s8+$0x580];
	_ =	sdelay $0x4  }
0x533: {  	v4 =	vshll.u32 v3, $0x1  }
0x534: {  	v3 =	vand.u32 $0x7, v3;
	v4 =	vand.u32 $0xFFFFFFF0, v4  }
0x535: {  	v3 =	vor.u32 v3, v4  }
0x536: {  	v4 =	vperm.xlane v3, v0;
	_ =	sdelay $0x1  }
0x537: {  	v3 =	vperm.xlane v3, v2;
	v4 =	vadd.s32 v1, v4;
	_ =	sdelay $0x1  }
0x538: {  	v3 =	vadd.s32 v1, v3;
	_ =	sdelay $0x2  }
0x539: {  	[tilespmem:s10], [sflag:$0x6] =	stream.indirect_vreg.gather [hbm4b:s1+s0], $0x80, v4, vm0, $0xb8;
	[tilespmem:$0x1C800] =	vst v63  }
0x53a: {  	s7 =	simm.s32 $0x19000  }
0x53b: {  	[tilespmem:s7], [sflag:$0x6] =	stream.indirect_vreg.gather [hbm4b:s1+s0], $0x80, v3, vm0, $0xb8;
	[tilespmem:$0x1C800] =	vst v63  }
0x53c: {  	v3 =	vld [tilespmem:s8+$0x590];
	_ =	sdelay $0x4  }
0x53d: {  	v4 =	vshll.u32 v3, $0x1  }
0x53e: {  	v3 =	vand.u32 $0x7, v3;
	v4 =	vand.u32 $0xFFFFFFF0, v4  }
0x53f: {  	v3 =	vor.u32 v3, v4  }
0x540: {  	v4 =	vperm.xlane v3, v0;
	_ =	sdelay $0x1  }
0x541: {  	v3 =	vperm.xlane v3, v2;
	v4 =	vadd.s32 v1, v4;
	_ =	sdelay $0x1  }
0x542: {  	v3 =	vadd.s32 v1, v3;
	_ =	sdelay $0x1  }
0x543: {  	s23 =	simm.s32 $0x19800  }
0x544: {  	[tilespmem:s23], [sflag:$0x6] =	stream.indirect_vreg.gather [hbm4b:s1+s0], $0x80, v4, vm0, $0xb8;
	[tilespmem:$0x1C800] =	vst v63  }
0x545: {  	s7 =	simm.s32 $0x1A000  }
0x546: {  	[tilespmem:s7], [sflag:$0x6] =	stream.indirect_vreg.gather [hbm4b:s1+s0], $0x80, v3, vm0, $0xb8;
	[tilespmem:$0x1C800] =	vst v63  }
0x547: {  	v3 =	vld [tilespmem:s8+$0x5A0];
	_ =	sdelay $0x4  }
0x548: {  	v4 =	vshll.u32 v3, $0x1  }
0x549: {  	v3 =	vand.u32 $0x7, v3;
	v4 =	vand.u32 $0xFFFFFFF0, v4  }
0x54a: {  	v3 =	vor.u32 v3, v4  }
0x54b: {  	v4 =	vperm.xlane v3, v0;
	_ =	sdelay $0x1  }
0x54c: {  	v3 =	vperm.xlane v3, v2;
	v4 =	vadd.s32 v1, v4;
	_ =	sdelay $0x1  }
0x54d: {  	v3 =	vadd.s32 v1, v3;
	_ =	sdelay $0x1  }
0x54e: {  	s23 =	simm.s32 $0x1A800  }
0x54f: {  	[tilespmem:s23], [sflag:$0x6] =	stream.indirect_vreg.gather [hbm4b:s1+s0], $0x80, v4, vm0, $0xb8;
	[tilespmem:$0x1C800] =	vst v63  }
0x550: {  	s7 =	simm.s32 $0x1B000  }
0x551: {  	[tilespmem:s7], [sflag:$0x6] =	stream.indirect_vreg.gather [hbm4b:s1+s0], $0x80, v3, vm0, $0xb8;
	[tilespmem:$0x1C800] =	vst v63  }
0x552: {  	v3 =	vld [tilespmem:s8+$0x5B0];
	_ =	sdelay $0x4  }
0x553: {  	v4 =	vshll.u32 v3, $0x1  }
0x554: {  	v3 =	vand.u32 $0x7, v3;
	v4 =	vand.u32 $0xFFFFFFF0, v4  }
0x555: {  	v3 =	vor.u32 v3, v4  }
0x556: {  	v4 =	vperm.xlane v3, v0;
	_ =	sdelay $0x1  }
0x557: {  	v3 =	vperm.xlane v3, v2;
	v4 =	vadd.s32 v1, v4;
	_ =	sdelay $0x1  }
0x558: {  	v3 =	vadd.s32 v1, v3;
	_ =	sdelay $0x1  }
0x559: {  	s23 =	simm.s32 $0x1B800  }
0x55a: {  	[tilespmem:s23], [sflag:$0x6] =	stream.indirect_vreg.gather [hbm4b:s1+s0], $0x80, v4, vm0, $0xb8;
	[tilespmem:$0x1C800] =	vst v63  }
0x55b: {  	s7 =	simm.s32 $0x1C000  }
0x55c: {  	[tilespmem:s7], [sflag:$0x6] =	stream.indirect_vreg.gather [hbm4b:s1+s0], $0x80, v3, vm0, $0xb8;
	[tilespmem:$0x1C800] =	vst v63  }
0x55d: {  	_ =	swait.ge [sflag:s11], $0x4000  }
0x55e: {  	s23 =	sand.u32 $0x3800, s0;
	s0 =	sand.u32 $0x380, s0;
	[sflag:s11] =	ssyncset.done $0x0  }
0x55f: {  	s23 =	sor.u32 s0, s23;
	[sflag:s11] =	ssyncadd.s32 $0xFFFFC000  }
0x560: {  	v3 =	vld [tilespmem:s23+$0xC70]  }
0x561: {  	v4 =	vld [tilespmem:s23+$0x800]  }
0x562: {  	v5 =	vld [tilespmem:s23+$0x810]  }
0x563: {  	v52 =	vld [tilespmem:s23+$0x820]  }
0x564: {  	v53 =	vld [tilespmem:s23+$0x830]  }
0x565: {  	v54 =	vld [tilespmem:s23+$0x840]  }
0x566: {  	v55 =	vld [tilespmem:s23+$0x850]  }
0x567: {  	v56 =	vld [tilespmem:s23+$0x860]  }
0x568: {  	v57 =	vld [tilespmem:s23+$0x870]  }
0x569: {  	v58 =	vld [tilespmem:s23+$0xC00]  }
0x56a: {  	v59 =	vld [tilespmem:s23+$0xC10]  }
0x56b: {  	v60 =	vld [tilespmem:s23+$0xC20]  }
0x56c: {  	v61 =	vld [tilespmem:s23+$0xC30]  }
0x56d: {  	v62 =	vld [tilespmem:s23+$0xC40]  }
0x56e: {  	v63 =	vld [tilespmem:s23+$0xC50]  }
0x56f: {  	[tilespmem:s23+$0xCC70] =	vst.add.f32.msk $0xffff, v3  }
0x570: {  	v3 =	vld [tilespmem:s23+$0xC60]  }
0x571: {  	[tilespmem:s23+$0xC800] =	vst.add.f32.msk $0xffff, v4  }
0x572: {  	[tilespmem:s23+$0xC810] =	vst.add.f32.msk $0xffff, v5  }
0x573: {  	[tilespmem:s23+$0xC820] =	vst.add.f32.msk $0xffff, v52  }
0x574: {  	[tilespmem:s23+$0xC830] =	vst.add.f32.msk $0xffff, v53  }
0x575: {  	[tilespmem:s23+$0xC840] =	vst.add.f32.msk $0xffff, v54  }
0x576: {  	[tilespmem:s23+$0xC850] =	vst.add.f32.msk $0xffff, v55  }
0x577: {  	[tilespmem:s23+$0xC860] =	vst.add.f32.msk $0xffff, v56  }
0x578: {  	[tilespmem:s23+$0xC870] =	vst.add.f32.msk $0xffff, v57  }
0x579: {  	[tilespmem:s23+$0xCC00] =	vst.add.f32.msk $0xffff, v58  }
0x57a: {  	[tilespmem:s23+$0xCC10] =	vst.add.f32.msk $0xffff, v59  }
0x57b: {  	[tilespmem:s23+$0xCC20] =	vst.add.f32.msk $0xffff, v60  }
0x57c: {  	[tilespmem:s23+$0xCC30] =	vst.add.f32.msk $0xffff, v61  }
0x57d: {  	s2 =	simm.s32 $0x100;
	s7 =	simm.s32 $0x80;
	[tilespmem:s23+$0xCC40] =	vst.add.f32.msk $0xffff, v62  }
0x57e: {  	s31 =	simm.s32 $0x200;
	s2 =	sand.u32 $0x3800, s2;
	s0 =	sand.u32 $0x380, s7;
	[tilespmem:s23+$0xCC50] =	vst.add.f32.msk $0xffff, v63  }
.LBB2_18:
0x57f: {  	p0 =	sne.s32 s31, $0x3F00;
	[tilespmem:s23+$0xCC60] =	vst.add.f32.msk $0xffff, v3;
	s23 =	sor.u32 s0, s2  }
0x580: {  	v3 =	vld [tilespmem:s23+$0xC70]  }
0x581: {  	v4 =	vld [tilespmem:s23+$0x800]  }
0x582: {  	v5 =	vld [tilespmem:s23+$0x810]  }
0x583: {  	v6 =	vld [tilespmem:s23+$0x820]  }
0x584: {  	v7 =	vld [tilespmem:s23+$0x830]  }
0x585: {  	[tilespmem:s23+$0xCC70] =	vst.add.f32.msk $0xffff, v3  }
0x586: {  	v8 =	vld [tilespmem:s23+$0x840]  }
0x587: {  	v9 =	vld [tilespmem:s23+$0x850]  }
0x588: {  	v10 =	vld [tilespmem:s23+$0x860]  }
0x589: {  	v11 =	vld [tilespmem:s23+$0x870]  }
0x58a: {  	v12 =	vld [tilespmem:s23+$0xC00]  }
0x58b: {  	v13 =	vld [tilespmem:s23+$0xC10]  }
0x58c: {  	v14 =	vld [tilespmem:s23+$0xC20]  }
0x58d: {  	v15 =	vld [tilespmem:s23+$0xC30]  }
0x58e: {  	v16 =	vld [tilespmem:s23+$0xC40]  }
0x58f: {  	v17 =	vld [tilespmem:s23+$0xC50]  }
0x590: {  	v3 =	vld [tilespmem:s23+$0xC60]  }
0x591: {  	[tilespmem:s23+$0xC800] =	vst.add.f32.msk $0xffff, v4  }
0x592: {  	[tilespmem:s23+$0xC810] =	vst.add.f32.msk $0xffff, v5  }
0x593: {  	[tilespmem:s23+$0xC820] =	vst.add.f32.msk $0xffff, v6  }
0x594: {  	[tilespmem:s23+$0xC830] =	vst.add.f32.msk $0xffff, v7  }
0x595: {  	[tilespmem:s23+$0xC840] =	vst.add.f32.msk $0xffff, v8  }
0x596: {  	[tilespmem:s23+$0xC850] =	vst.add.f32.msk $0xffff, v9  }
0x597: {  	[tilespmem:s23+$0xC860] =	vst.add.f32.msk $0xffff, v10  }
0x598: {  	[tilespmem:s23+$0xC870] =	vst.add.f32.msk $0xffff, v11  }
0x599: {  	[tilespmem:s23+$0xCC00] =	vst.add.f32.msk $0xffff, v12  }
.Ltmp8:
0x59a: {  	[tilespmem:s23+$0xCC10] =	vst.add.f32.msk $0xffff, v13;
	(pc) =	sbr.rel @p0 .LBB2_18-.Ltmp8, $4  }
0x59b: {  	[tilespmem:s23+$0xCC20] =	vst.add.f32.msk $0xffff, v14  }
0x59c: {  	[tilespmem:s23+$0xCC30] =	vst.add.f32.msk $0xffff, v15  }
0x59d: {  	s7 =	sadd.s32 $0x80, s7;
	[tilespmem:s23+$0xCC40] =	vst.add.f32.msk $0xffff, v16  }
0x59e: {  	s2 =	sand.u32 $0x3800, s31;
	s31 =	sadd.s32 $0x100, s31;
	s0 =	sand.u32 $0x380, s7;
	[tilespmem:s23+$0xCC50] =	vst.add.f32.msk $0xffff, v17  }
0x59f: {  	s0 =	sor.u32 s0, s2;
	[tilespmem:s23+$0xCC60] =	vst.add.f32.msk $0xffff, v3  }
0x5a0: {  	v3 =	vld [tilespmem:s0+$0xC70]  }
0x5a1: {  	v4 =	vld [tilespmem:s0+$0x800]  }
0x5a2: {  	v5 =	vld [tilespmem:s0+$0x810]  }
0x5a3: {  	v6 =	vld [tilespmem:s0+$0x820]  }
0x5a4: {  	v7 =	vld [tilespmem:s0+$0x830]  }
0x5a5: {  	v8 =	vld [tilespmem:s0+$0x850]  }
0x5a6: {  	v9 =	vld [tilespmem:s0+$0x860]  }
0x5a7: {  	v10 =	vld [tilespmem:s0+$0x870]  }
0x5a8: {  	v11 =	vld [tilespmem:s0+$0xC00]  }
0x5a9: {  	v12 =	vld [tilespmem:s0+$0xC10]  }
0x5aa: {  	v13 =	vld [tilespmem:s0+$0xC20]  }
0x5ab: {  	v14 =	vld [tilespmem:s0+$0xC30]  }
0x5ac: {  	v15 =	vld [tilespmem:s0+$0xC40]  }
0x5ad: {  	v16 =	vld [tilespmem:s0+$0xC50]  }
0x5ae: {  	v17 =	vld [tilespmem:s0+$0xC60]  }
0x5af: {  	[tilespmem:s0+$0xCC70] =	vst.add.f32.msk $0xffff, v3  }
0x5b0: {  	v3 =	vld [tilespmem:s0+$0x840]  }
0x5b1: {  	[tilespmem:s0+$0xC800] =	vst.add.f32.msk $0xffff, v4  }
0x5b2: {  	[tilespmem:s0+$0xC810] =	vst.add.f32.msk $0xffff, v5  }
0x5b3: {  	[tilespmem:s0+$0xC820] =	vst.add.f32.msk $0xffff, v6  }
0x5b4: {  	[tilespmem:s0+$0xC830] =	vst.add.f32.msk $0xffff, v7  }
0x5b5: {  	[tilespmem:s0+$0xC850] =	vst.add.f32.msk $0xffff, v8  }
0x5b6: {  	[tilespmem:s0+$0xC860] =	vst.add.f32.msk $0xffff, v9  }
0x5b7: {  	[tilespmem:s0+$0xC870] =	vst.add.f32.msk $0xffff, v10  }
0x5b8: {  	[tilespmem:s0+$0xCC00] =	vst.add.f32.msk $0xffff, v11  }
0x5b9: {  	[tilespmem:s0+$0xCC10] =	vst.add.f32.msk $0xffff, v12  }
0x5ba: {  	[tilespmem:s0+$0xCC20] =	vst.add.f32.msk $0xffff, v13  }
0x5bb: {  	[tilespmem:s0+$0xCC30] =	vst.add.f32.msk $0xffff, v14  }
0x5bc: {  	[tilespmem:s0+$0xCC40] =	vst.add.f32.msk $0xffff, v15  }
0x5bd: {  	[tilespmem:s0+$0xCC50] =	vst.add.f32.msk $0xffff, v16  }
0x5be: {  	[tilespmem:s0+$0xCC60] =	vst.add.f32.msk $0xffff, v17  }
0x5bf: {  	s23 =	rddreg [dreg:$0xf];
	[tilespmem:s0+$0xC840] =	vst.add.f32.msk $0xffff, v3;
	s0 =	simm.s32 $0x0  }
0x5c0: {  	[hbm4b:s23+s0] =	stream.linear.scatter [tilespmem:s16], [sflag:$0x9], $0x4000, $0x38;
	[tilespmem:$0x1C800] =	vst v63  }
0x5c1: {  	_ =	swait.ge [sflag:s12], $0x4000  }
0x5c2: {  	[sflag:s12] =	ssyncset.done $0x0  }
0x5c3: {  	[sflag:s12] =	ssyncadd.s32 $0xFFFFC000  }
0x5c4: {  	v3 =	vld [tilespmem:s8+$0x600];
	_ =	sdelay $0x4  }
0x5c5: {  	v4 =	vshll.u32 v3, $0x1  }
0x5c6: {  	v3 =	vand.u32 $0x7, v3;
	v4 =	vand.u32 $0xFFFFFFF0, v4  }
0x5c7: {  	v3 =	vor.u32 v3, v4  }
0x5c8: {  	v4 =	vperm.xlane v3, v0;
	_ =	sdelay $0x1  }
0x5c9: {  	v3 =	vperm.xlane v3, v2;
	v4 =	vadd.s32 v1, v4;
	_ =	sdelay $0x1  }
0x5ca: {  	v3 =	vadd.s32 v1, v3;
	_ =	sdelay $0x2  }
0x5cb: {  	[tilespmem:s30], [sflag:$0x1] =	stream.indirect_vreg.gather [hbm4b:s1+s0], $0x80, v4, vm0, $0xb8;
	[tilespmem:$0x1C800] =	vst v63  }
0x5cc: {  	s7 =	simm.s32 $0x5000  }
0x5cd: {  	[tilespmem:s7], [sflag:$0x1] =	stream.indirect_vreg.gather [hbm4b:s1+s0], $0x80, v3, vm0, $0xb8;
	[tilespmem:$0x1C800] =	vst v63  }
0x5ce: {  	v3 =	vld [tilespmem:s8+$0x610];
	_ =	sdelay $0x4  }
0x5cf: {  	v4 =	vshll.u32 v3, $0x1  }
0x5d0: {  	v3 =	vand.u32 $0x7, v3;
	v4 =	vand.u32 $0xFFFFFFF0, v4  }
0x5d1: {  	v3 =	vor.u32 v3, v4  }
0x5d2: {  	v4 =	vperm.xlane v3, v0;
	_ =	sdelay $0x1  }
0x5d3: {  	v3 =	vperm.xlane v3, v2;
	v4 =	vadd.s32 v1, v4;
	_ =	sdelay $0x1  }
0x5d4: {  	v3 =	vadd.s32 v1, v3;
	_ =	sdelay $0x1  }
0x5d5: {  	s23 =	simm.s32 $0x5800  }
0x5d6: {  	[tilespmem:s23], [sflag:$0x1] =	stream.indirect_vreg.gather [hbm4b:s1+s0], $0x80, v4, vm0, $0xb8;
	[tilespmem:$0x1C800] =	vst v63  }
0x5d7: {  	s7 =	simm.s32 $0x6000  }
0x5d8: {  	[tilespmem:s7], [sflag:$0x1] =	stream.indirect_vreg.gather [hbm4b:s1+s0], $0x80, v3, vm0, $0xb8;
	[tilespmem:$0x1C800] =	vst v63  }
0x5d9: {  	v3 =	vld [tilespmem:s8+$0x620];
	_ =	sdelay $0x4  }
0x5da: {  	v4 =	vshll.u32 v3, $0x1  }
0x5db: {  	v3 =	vand.u32 $0x7, v3;
	v4 =	vand.u32 $0xFFFFFFF0, v4  }
0x5dc: {  	v3 =	vor.u32 v3, v4  }
0x5dd: {  	v4 =	vperm.xlane v3, v0;
	_ =	sdelay $0x1  }
0x5de: {  	v3 =	vperm.xlane v3, v2;
	v4 =	vadd.s32 v1, v4;
	_ =	sdelay $0x1  }
0x5df: {  	v3 =	vadd.s32 v1, v3;
	_ =	sdelay $0x1  }
0x5e0: {  	s23 =	simm.s32 $0x6800  }
0x5e1: {  	[tilespmem:s23], [sflag:$0x1] =	stream.indirect_vreg.gather [hbm4b:s1+s0], $0x80, v4, vm0, $0xb8;
	[tilespmem:$0x1C800] =	vst v63  }
0x5e2: {  	s7 =	simm.s32 $0x7000  }
0x5e3: {  	[tilespmem:s7], [sflag:$0x1] =	stream.indirect_vreg.gather [hbm4b:s1+s0], $0x80, v3, vm0, $0xb8;
	[tilespmem:$0x1C800] =	vst v63  }
0x5e4: {  	v3 =	vld [tilespmem:s8+$0x630];
	_ =	sdelay $0x4  }
0x5e5: {  	v4 =	vshll.u32 v3, $0x1  }
0x5e6: {  	v3 =	vand.u32 $0x7, v3;
	v4 =	vand.u32 $0xFFFFFFF0, v4  }
0x5e7: {  	v3 =	vor.u32 v3, v4  }
0x5e8: {  	v4 =	vperm.xlane v3, v0;
	_ =	sdelay $0x1  }
0x5e9: {  	v3 =	vperm.xlane v3, v2;
	v4 =	vadd.s32 v1, v4;
	_ =	sdelay $0x1  }
0x5ea: {  	v3 =	vadd.s32 v1, v3;
	_ =	sdelay $0x1  }
0x5eb: {  	s23 =	simm.s32 $0x7800  }
0x5ec: {  	[tilespmem:s23], [sflag:$0x1] =	stream.indirect_vreg.gather [hbm4b:s1+s0], $0x80, v4, vm0, $0xb8;
	[tilespmem:$0x1C800] =	vst v63  }
0x5ed: {  	s7 =	simm.s32 $0x8000  }
0x5ee: {  	[tilespmem:s7], [sflag:$0x1] =	stream.indirect_vreg.gather [hbm4b:s1+s0], $0x80, v3, vm0, $0xb8;
	[tilespmem:$0x1C800] =	vst v63  }
0x5ef: {  	_ =	swait.ge [sflag:s13], $0x4000  }
0x5f0: {  	s23 =	sand.u32 $0x3800, s0;
	s0 =	sand.u32 $0x380, s0;
	[sflag:s13] =	ssyncset.done $0x0  }
0x5f1: {  	s23 =	sor.u32 s0, s23;
	[sflag:s13] =	ssyncadd.s32 $0xFFFFC000  }
0x5f2: {  	v3 =	vld [tilespmem:s23+$0xC70]  }
0x5f3: {  	v4 =	vld [tilespmem:s23+$0x800]  }
0x5f4: {  	v5 =	vld [tilespmem:s23+$0x810]  }
0x5f5: {  	v52 =	vld [tilespmem:s23+$0x820]  }
0x5f6: {  	v53 =	vld [tilespmem:s23+$0x830]  }
0x5f7: {  	v54 =	vld [tilespmem:s23+$0x840]  }
0x5f8: {  	v55 =	vld [tilespmem:s23+$0x850]  }
0x5f9: {  	v56 =	vld [tilespmem:s23+$0x860]  }
0x5fa: {  	v57 =	vld [tilespmem:s23+$0x870]  }
0x5fb: {  	v58 =	vld [tilespmem:s23+$0xC00]  }
0x5fc: {  	v59 =	vld [tilespmem:s23+$0xC10]  }
0x5fd: {  	v60 =	vld [tilespmem:s23+$0xC20]  }
0x5fe: {  	v61 =	vld [tilespmem:s23+$0xC30]  }
0x5ff: {  	v62 =	vld [tilespmem:s23+$0xC40]  }
0x600: {  	v63 =	vld [tilespmem:s23+$0xC50]  }
0x601: {  	[tilespmem:s23+$0x10C70] =	vst.add.f32.msk $0xffff, v3  }
0x602: {  	v3 =	vld [tilespmem:s23+$0xC60]  }
0x603: {  	[tilespmem:s23+$0x10800] =	vst.add.f32.msk $0xffff, v4  }
0x604: {  	[tilespmem:s23+$0x10810] =	vst.add.f32.msk $0xffff, v5  }
0x605: {  	[tilespmem:s23+$0x10820] =	vst.add.f32.msk $0xffff, v52  }
0x606: {  	[tilespmem:s23+$0x10830] =	vst.add.f32.msk $0xffff, v53  }
0x607: {  	[tilespmem:s23+$0x10840] =	vst.add.f32.msk $0xffff, v54  }
0x608: {  	[tilespmem:s23+$0x10850] =	vst.add.f32.msk $0xffff, v55  }
0x609: {  	[tilespmem:s23+$0x10860] =	vst.add.f32.msk $0xffff, v56  }
0x60a: {  	[tilespmem:s23+$0x10870] =	vst.add.f32.msk $0xffff, v57  }
0x60b: {  	[tilespmem:s23+$0x10C00] =	vst.add.f32.msk $0xffff, v58  }
0x60c: {  	[tilespmem:s23+$0x10C10] =	vst.add.f32.msk $0xffff, v59  }
0x60d: {  	[tilespmem:s23+$0x10C20] =	vst.add.f32.msk $0xffff, v60  }
0x60e: {  	[tilespmem:s23+$0x10C30] =	vst.add.f32.msk $0xffff, v61  }
0x60f: {  	s2 =	simm.s32 $0x100;
	s7 =	simm.s32 $0x80;
	[tilespmem:s23+$0x10C40] =	vst.add.f32.msk $0xffff, v62  }
0x610: {  	s31 =	simm.s32 $0x200;
	s2 =	sand.u32 $0x3800, s2;
	s0 =	sand.u32 $0x380, s7;
	[tilespmem:s23+$0x10C50] =	vst.add.f32.msk $0xffff, v63  }
.LBB2_20:
0x611: {  	p0 =	sne.s32 s31, $0x3F00;
	[tilespmem:s23+$0x10C60] =	vst.add.f32.msk $0xffff, v3;
	s23 =	sor.u32 s0, s2  }
0x612: {  	v3 =	vld [tilespmem:s23+$0xC70]  }
0x613: {  	v4 =	vld [tilespmem:s23+$0x800]  }
0x614: {  	v5 =	vld [tilespmem:s23+$0x810]  }
0x615: {  	v6 =	vld [tilespmem:s23+$0x820]  }
0x616: {  	v7 =	vld [tilespmem:s23+$0x830]  }
0x617: {  	[tilespmem:s23+$0x10C70] =	vst.add.f32.msk $0xffff, v3  }
0x618: {  	v8 =	vld [tilespmem:s23+$0x840]  }
0x619: {  	v9 =	vld [tilespmem:s23+$0x850]  }
0x61a: {  	v10 =	vld [tilespmem:s23+$0x860]  }
0x61b: {  	v11 =	vld [tilespmem:s23+$0x870]  }
0x61c: {  	v12 =	vld [tilespmem:s23+$0xC00]  }
0x61d: {  	v13 =	vld [tilespmem:s23+$0xC10]  }
0x61e: {  	v14 =	vld [tilespmem:s23+$0xC20]  }
0x61f: {  	v15 =	vld [tilespmem:s23+$0xC30]  }
0x620: {  	v16 =	vld [tilespmem:s23+$0xC40]  }
0x621: {  	v17 =	vld [tilespmem:s23+$0xC50]  }
0x622: {  	v3 =	vld [tilespmem:s23+$0xC60]  }
0x623: {  	[tilespmem:s23+$0x10800] =	vst.add.f32.msk $0xffff, v4  }
0x624: {  	[tilespmem:s23+$0x10810] =	vst.add.f32.msk $0xffff, v5  }
0x625: {  	[tilespmem:s23+$0x10820] =	vst.add.f32.msk $0xffff, v6  }
0x626: {  	[tilespmem:s23+$0x10830] =	vst.add.f32.msk $0xffff, v7  }
0x627: {  	[tilespmem:s23+$0x10840] =	vst.add.f32.msk $0xffff, v8  }
0x628: {  	[tilespmem:s23+$0x10850] =	vst.add.f32.msk $0xffff, v9  }
0x629: {  	[tilespmem:s23+$0x10860] =	vst.add.f32.msk $0xffff, v10  }
0x62a: {  	[tilespmem:s23+$0x10870] =	vst.add.f32.msk $0xffff, v11  }
0x62b: {  	[tilespmem:s23+$0x10C00] =	vst.add.f32.msk $0xffff, v12  }
.Ltmp9:
0x62c: {  	[tilespmem:s23+$0x10C10] =	vst.add.f32.msk $0xffff, v13;
	(pc) =	sbr.rel @p0 .LBB2_20-.Ltmp9, $4  }
0x62d: {  	[tilespmem:s23+$0x10C20] =	vst.add.f32.msk $0xffff, v14  }
0x62e: {  	[tilespmem:s23+$0x10C30] =	vst.add.f32.msk $0xffff, v15  }
0x62f: {  	s7 =	sadd.s32 $0x80, s7;
	[tilespmem:s23+$0x10C40] =	vst.add.f32.msk $0xffff, v16  }
0x630: {  	s2 =	sand.u32 $0x3800, s31;
	s31 =	sadd.s32 $0x100, s31;
	s0 =	sand.u32 $0x380, s7;
	[tilespmem:s23+$0x10C50] =	vst.add.f32.msk $0xffff, v17  }
0x631: {  	s0 =	sor.u32 s0, s2;
	[tilespmem:s23+$0x10C60] =	vst.add.f32.msk $0xffff, v3  }
0x632: {  	v3 =	vld [tilespmem:s0+$0xC70]  }
0x633: {  	v4 =	vld [tilespmem:s0+$0x800]  }
0x634: {  	v5 =	vld [tilespmem:s0+$0x810]  }
0x635: {  	v6 =	vld [tilespmem:s0+$0x820]  }
0x636: {  	v7 =	vld [tilespmem:s0+$0x830]  }
0x637: {  	v8 =	vld [tilespmem:s0+$0x850]  }
0x638: {  	v9 =	vld [tilespmem:s0+$0x860]  }
0x639: {  	v10 =	vld [tilespmem:s0+$0x870]  }
0x63a: {  	v11 =	vld [tilespmem:s0+$0xC00]  }
0x63b: {  	v12 =	vld [tilespmem:s0+$0xC10]  }
0x63c: {  	v13 =	vld [tilespmem:s0+$0xC20]  }
0x63d: {  	v14 =	vld [tilespmem:s0+$0xC30]  }
0x63e: {  	v15 =	vld [tilespmem:s0+$0xC40]  }
0x63f: {  	v16 =	vld [tilespmem:s0+$0xC50]  }
0x640: {  	v17 =	vld [tilespmem:s0+$0xC60]  }
0x641: {  	[tilespmem:s0+$0x10C70] =	vst.add.f32.msk $0xffff, v3  }
0x642: {  	v3 =	vld [tilespmem:s0+$0x840]  }
0x643: {  	[tilespmem:s0+$0x10800] =	vst.add.f32.msk $0xffff, v4  }
0x644: {  	[tilespmem:s0+$0x10810] =	vst.add.f32.msk $0xffff, v5  }
0x645: {  	[tilespmem:s0+$0x10820] =	vst.add.f32.msk $0xffff, v6  }
0x646: {  	[tilespmem:s0+$0x10830] =	vst.add.f32.msk $0xffff, v7  }
0x647: {  	[tilespmem:s0+$0x10850] =	vst.add.f32.msk $0xffff, v8  }
0x648: {  	[tilespmem:s0+$0x10860] =	vst.add.f32.msk $0xffff, v9  }
0x649: {  	[tilespmem:s0+$0x10870] =	vst.add.f32.msk $0xffff, v10  }
0x64a: {  	[tilespmem:s0+$0x10C00] =	vst.add.f32.msk $0xffff, v11  }
0x64b: {  	[tilespmem:s0+$0x10C10] =	vst.add.f32.msk $0xffff, v12  }
0x64c: {  	[tilespmem:s0+$0x10C20] =	vst.add.f32.msk $0xffff, v13  }
0x64d: {  	[tilespmem:s0+$0x10C30] =	vst.add.f32.msk $0xffff, v14  }
0x64e: {  	[tilespmem:s0+$0x10C40] =	vst.add.f32.msk $0xffff, v15  }
0x64f: {  	[tilespmem:s0+$0x10C50] =	vst.add.f32.msk $0xffff, v16  }
0x650: {  	[tilespmem:s0+$0x10C60] =	vst.add.f32.msk $0xffff, v17  }
0x651: {  	s23 =	rddreg [dreg:$0x10];
	[tilespmem:s0+$0x10840] =	vst.add.f32.msk $0xffff, v3;
	s0 =	simm.s32 $0x0  }
0x652: {  	[hbm4b:s23+s0] =	stream.linear.scatter [tilespmem:s24], [sflag:$0xA], $0x4000, $0x38;
	[tilespmem:$0x1C800] =	vst v63  }
0x653: {  	_ =	swait.ge [sflag:s14], $0x4000  }
0x654: {  	[sflag:s14] =	ssyncset.done $0x0  }
0x655: {  	[sflag:s14] =	ssyncadd.s32 $0xFFFFC000  }
0x656: {  	v3 =	vld [tilespmem:s8+$0x680];
	_ =	sdelay $0x4  }
0x657: {  	v4 =	vshll.u32 v3, $0x1  }
0x658: {  	v3 =	vand.u32 $0x7, v3;
	v4 =	vand.u32 $0xFFFFFFF0, v4  }
0x659: {  	v3 =	vor.u32 v3, v4  }
0x65a: {  	v4 =	vperm.xlane v3, v0;
	_ =	sdelay $0x1  }
0x65b: {  	v3 =	vperm.xlane v3, v2;
	v4 =	vadd.s32 v1, v4;
	_ =	sdelay $0x1  }
0x65c: {  	v3 =	vadd.s32 v1, v3;
	_ =	sdelay $0x2  }
0x65d: {  	[tilespmem:s6], [sflag:$0x2] =	stream.indirect_vreg.gather [hbm4b:s1+s0], $0x80, v4, vm0, $0xb8;
	[tilespmem:$0x1C800] =	vst v63  }
0x65e: {  	s7 =	simm.s32 $0x9000  }
0x65f: {  	[tilespmem:s7], [sflag:$0x2] =	stream.indirect_vreg.gather [hbm4b:s1+s0], $0x80, v3, vm0, $0xb8;
	[tilespmem:$0x1C800] =	vst v63  }
0x660: {  	v3 =	vld [tilespmem:s8+$0x690];
	_ =	sdelay $0x4  }
0x661: {  	v4 =	vshll.u32 v3, $0x1  }
0x662: {  	v3 =	vand.u32 $0x7, v3;
	v4 =	vand.u32 $0xFFFFFFF0, v4  }
0x663: {  	v3 =	vor.u32 v3, v4  }
0x664: {  	v4 =	vperm.xlane v3, v0;
	_ =	sdelay $0x1  }
0x665: {  	v3 =	vperm.xlane v3, v2;
	v4 =	vadd.s32 v1, v4;
	_ =	sdelay $0x1  }
0x666: {  	v3 =	vadd.s32 v1, v3;
	_ =	sdelay $0x1  }
0x667: {  	s23 =	simm.s32 $0x9800  }
0x668: {  	[tilespmem:s23], [sflag:$0x2] =	stream.indirect_vreg.gather [hbm4b:s1+s0], $0x80, v4, vm0, $0xb8;
	[tilespmem:$0x1C800] =	vst v63  }
0x669: {  	s7 =	simm.s32 $0xA000  }
0x66a: {  	[tilespmem:s7], [sflag:$0x2] =	stream.indirect_vreg.gather [hbm4b:s1+s0], $0x80, v3, vm0, $0xb8;
	[tilespmem:$0x1C800] =	vst v63  }
0x66b: {  	v3 =	vld [tilespmem:s8+$0x6A0];
	_ =	sdelay $0x4  }
0x66c: {  	v4 =	vshll.u32 v3, $0x1  }
0x66d: {  	v3 =	vand.u32 $0x7, v3;
	v4 =	vand.u32 $0xFFFFFFF0, v4  }
0x66e: {  	v3 =	vor.u32 v3, v4  }
0x66f: {  	v4 =	vperm.xlane v3, v0;
	_ =	sdelay $0x1  }
0x670: {  	v3 =	vperm.xlane v3, v2;
	v4 =	vadd.s32 v1, v4;
	_ =	sdelay $0x1  }
0x671: {  	v3 =	vadd.s32 v1, v3;
	_ =	sdelay $0x1  }
0x672: {  	s23 =	simm.s32 $0xA800  }
0x673: {  	[tilespmem:s23], [sflag:$0x2] =	stream.indirect_vreg.gather [hbm4b:s1+s0], $0x80, v4, vm0, $0xb8;
	[tilespmem:$0x1C800] =	vst v63  }
0x674: {  	s7 =	simm.s32 $0xB000  }
0x675: {  	[tilespmem:s7], [sflag:$0x2] =	stream.indirect_vreg.gather [hbm4b:s1+s0], $0x80, v3, vm0, $0xb8;
	[tilespmem:$0x1C800] =	vst v63  }
0x676: {  	v3 =	vld [tilespmem:s8+$0x6B0];
	_ =	sdelay $0x4  }
0x677: {  	v4 =	vshll.u32 v3, $0x1  }
0x678: {  	v3 =	vand.u32 $0x7, v3;
	v4 =	vand.u32 $0xFFFFFFF0, v4  }
0x679: {  	v3 =	vor.u32 v3, v4  }
0x67a: {  	v4 =	vperm.xlane v3, v0;
	_ =	sdelay $0x1  }
0x67b: {  	v3 =	vperm.xlane v3, v2;
	v4 =	vadd.s32 v1, v4;
	_ =	sdelay $0x1  }
0x67c: {  	v3 =	vadd.s32 v1, v3;
	_ =	sdelay $0x1  }
0x67d: {  	s23 =	simm.s32 $0xB800  }
0x67e: {  	[tilespmem:s23], [sflag:$0x2] =	stream.indirect_vreg.gather [hbm4b:s1+s0], $0x80, v4, vm0, $0xb8;
	[tilespmem:$0x1C800] =	vst v63  }
0x67f: {  	s7 =	simm.s32 $0xC000  }
0x680: {  	[tilespmem:s7], [sflag:$0x2] =	stream.indirect_vreg.gather [hbm4b:s1+s0], $0x80, v3, vm0, $0xb8;
	[tilespmem:$0x1C800] =	vst v63  }
0x681: {  	_ =	swait.ge [sflag:s15], $0x4000  }
0x682: {  	s23 =	sand.u32 $0x3800, s0;
	s0 =	sand.u32 $0x380, s0;
	[sflag:s15] =	ssyncset.done $0x0  }
0x683: {  	s23 =	sor.u32 s0, s23;
	[sflag:s15] =	ssyncadd.s32 $0xFFFFC000  }
0x684: {  	v3 =	vld [tilespmem:s23+$0xC70]  }
0x685: {  	v4 =	vld [tilespmem:s23+$0x800]  }
0x686: {  	v5 =	vld [tilespmem:s23+$0x810]  }
0x687: {  	v52 =	vld [tilespmem:s23+$0x820]  }
0x688: {  	v53 =	vld [tilespmem:s23+$0x830]  }
0x689: {  	v54 =	vld [tilespmem:s23+$0x840]  }
0x68a: {  	v55 =	vld [tilespmem:s23+$0x850]  }
0x68b: {  	v56 =	vld [tilespmem:s23+$0x860]  }
0x68c: {  	v57 =	vld [tilespmem:s23+$0x870]  }
0x68d: {  	v58 =	vld [tilespmem:s23+$0xC00]  }
0x68e: {  	v59 =	vld [tilespmem:s23+$0xC10]  }
0x68f: {  	v60 =	vld [tilespmem:s23+$0xC20]  }
0x690: {  	v61 =	vld [tilespmem:s23+$0xC30]  }
0x691: {  	v62 =	vld [tilespmem:s23+$0xC40]  }
0x692: {  	v63 =	vld [tilespmem:s23+$0xC50]  }
0x693: {  	[tilespmem:s23+$0x14C70] =	vst.add.f32.msk $0xffff, v3  }
0x694: {  	v3 =	vld [tilespmem:s23+$0xC60]  }
0x695: {  	[tilespmem:s23+$0x14800] =	vst.add.f32.msk $0xffff, v4  }
0x696: {  	[tilespmem:s23+$0x14810] =	vst.add.f32.msk $0xffff, v5  }
0x697: {  	[tilespmem:s23+$0x14820] =	vst.add.f32.msk $0xffff, v52  }
0x698: {  	[tilespmem:s23+$0x14830] =	vst.add.f32.msk $0xffff, v53  }
0x699: {  	[tilespmem:s23+$0x14840] =	vst.add.f32.msk $0xffff, v54  }
0x69a: {  	[tilespmem:s23+$0x14850] =	vst.add.f32.msk $0xffff, v55  }
0x69b: {  	[tilespmem:s23+$0x14860] =	vst.add.f32.msk $0xffff, v56  }
0x69c: {  	[tilespmem:s23+$0x14870] =	vst.add.f32.msk $0xffff, v57  }
0x69d: {  	[tilespmem:s23+$0x14C00] =	vst.add.f32.msk $0xffff, v58  }
0x69e: {  	[tilespmem:s23+$0x14C10] =	vst.add.f32.msk $0xffff, v59  }
0x69f: {  	[tilespmem:s23+$0x14C20] =	vst.add.f32.msk $0xffff, v60  }
0x6a0: {  	[tilespmem:s23+$0x14C30] =	vst.add.f32.msk $0xffff, v61  }
0x6a1: {  	s2 =	simm.s32 $0x100;
	s7 =	simm.s32 $0x80;
	[tilespmem:s23+$0x14C40] =	vst.add.f32.msk $0xffff, v62  }
0x6a2: {  	s31 =	simm.s32 $0x200;
	s2 =	sand.u32 $0x3800, s2;
	s0 =	sand.u32 $0x380, s7;
	[tilespmem:s23+$0x14C50] =	vst.add.f32.msk $0xffff, v63  }
.LBB2_22:
0x6a3: {  	p0 =	sne.s32 s31, $0x3F00;
	[tilespmem:s23+$0x14C60] =	vst.add.f32.msk $0xffff, v3;
	s23 =	sor.u32 s0, s2  }
0x6a4: {  	v3 =	vld [tilespmem:s23+$0xC70]  }
0x6a5: {  	v4 =	vld [tilespmem:s23+$0x800]  }
0x6a6: {  	v5 =	vld [tilespmem:s23+$0x810]  }
0x6a7: {  	v6 =	vld [tilespmem:s23+$0x820]  }
0x6a8: {  	v7 =	vld [tilespmem:s23+$0x830]  }
0x6a9: {  	[tilespmem:s23+$0x14C70] =	vst.add.f32.msk $0xffff, v3  }
0x6aa: {  	v8 =	vld [tilespmem:s23+$0x840]  }
0x6ab: {  	v9 =	vld [tilespmem:s23+$0x850]  }
0x6ac: {  	v10 =	vld [tilespmem:s23+$0x860]  }
0x6ad: {  	v11 =	vld [tilespmem:s23+$0x870]  }
0x6ae: {  	v12 =	vld [tilespmem:s23+$0xC00]  }
0x6af: {  	v13 =	vld [tilespmem:s23+$0xC10]  }
0x6b0: {  	v14 =	vld [tilespmem:s23+$0xC20]  }
0x6b1: {  	v15 =	vld [tilespmem:s23+$0xC30]  }
0x6b2: {  	v16 =	vld [tilespmem:s23+$0xC40]  }
0x6b3: {  	v17 =	vld [tilespmem:s23+$0xC50]  }
0x6b4: {  	v3 =	vld [tilespmem:s23+$0xC60]  }
0x6b5: {  	[tilespmem:s23+$0x14800] =	vst.add.f32.msk $0xffff, v4  }
0x6b6: {  	[tilespmem:s23+$0x14810] =	vst.add.f32.msk $0xffff, v5  }
0x6b7: {  	[tilespmem:s23+$0x14820] =	vst.add.f32.msk $0xffff, v6  }
0x6b8: {  	[tilespmem:s23+$0x14830] =	vst.add.f32.msk $0xffff, v7  }
0x6b9: {  	[tilespmem:s23+$0x14840] =	vst.add.f32.msk $0xffff, v8  }
0x6ba: {  	[tilespmem:s23+$0x14850] =	vst.add.f32.msk $0xffff, v9  }
0x6bb: {  	[tilespmem:s23+$0x14860] =	vst.add.f32.msk $0xffff, v10  }
0x6bc: {  	[tilespmem:s23+$0x14870] =	vst.add.f32.msk $0xffff, v11  }
0x6bd: {  	[tilespmem:s23+$0x14C00] =	vst.add.f32.msk $0xffff, v12  }
.Ltmp10:
0x6be: {  	[tilespmem:s23+$0x14C10] =	vst.add.f32.msk $0xffff, v13;
	(pc) =	sbr.rel @p0 .LBB2_22-.Ltmp10, $4  }
0x6bf: {  	[tilespmem:s23+$0x14C20] =	vst.add.f32.msk $0xffff, v14  }
0x6c0: {  	[tilespmem:s23+$0x14C30] =	vst.add.f32.msk $0xffff, v15  }
0x6c1: {  	s7 =	sadd.s32 $0x80, s7;
	[tilespmem:s23+$0x14C40] =	vst.add.f32.msk $0xffff, v16  }
0x6c2: {  	s2 =	sand.u32 $0x3800, s31;
	s31 =	sadd.s32 $0x100, s31;
	s0 =	sand.u32 $0x380, s7;
	[tilespmem:s23+$0x14C50] =	vst.add.f32.msk $0xffff, v17  }
0x6c3: {  	s0 =	sor.u32 s0, s2;
	[tilespmem:s23+$0x14C60] =	vst.add.f32.msk $0xffff, v3  }
0x6c4: {  	v3 =	vld [tilespmem:s0+$0xC70]  }
0x6c5: {  	v4 =	vld [tilespmem:s0+$0x800]  }
0x6c6: {  	v5 =	vld [tilespmem:s0+$0x810]  }
0x6c7: {  	v6 =	vld [tilespmem:s0+$0x820]  }
0x6c8: {  	v7 =	vld [tilespmem:s0+$0x830]  }
0x6c9: {  	v8 =	vld [tilespmem:s0+$0x850]  }
0x6ca: {  	v9 =	vld [tilespmem:s0+$0x860]  }
0x6cb: {  	v10 =	vld [tilespmem:s0+$0x870]  }
0x6cc: {  	v11 =	vld [tilespmem:s0+$0xC00]  }
0x6cd: {  	v12 =	vld [tilespmem:s0+$0xC10]  }
0x6ce: {  	v13 =	vld [tilespmem:s0+$0xC20]  }
0x6cf: {  	v14 =	vld [tilespmem:s0+$0xC30]  }
0x6d0: {  	v15 =	vld [tilespmem:s0+$0xC40]  }
0x6d1: {  	v16 =	vld [tilespmem:s0+$0xC50]  }
0x6d2: {  	v17 =	vld [tilespmem:s0+$0xC60]  }
0x6d3: {  	[tilespmem:s0+$0x14C70] =	vst.add.f32.msk $0xffff, v3  }
0x6d4: {  	v3 =	vld [tilespmem:s0+$0x840]  }
0x6d5: {  	[tilespmem:s0+$0x14800] =	vst.add.f32.msk $0xffff, v4  }
0x6d6: {  	[tilespmem:s0+$0x14810] =	vst.add.f32.msk $0xffff, v5  }
0x6d7: {  	[tilespmem:s0+$0x14820] =	vst.add.f32.msk $0xffff, v6  }
0x6d8: {  	[tilespmem:s0+$0x14830] =	vst.add.f32.msk $0xffff, v7  }
0x6d9: {  	[tilespmem:s0+$0x14850] =	vst.add.f32.msk $0xffff, v8  }
0x6da: {  	[tilespmem:s0+$0x14860] =	vst.add.f32.msk $0xffff, v9  }
0x6db: {  	[tilespmem:s0+$0x14870] =	vst.add.f32.msk $0xffff, v10  }
0x6dc: {  	[tilespmem:s0+$0x14C00] =	vst.add.f32.msk $0xffff, v11  }
0x6dd: {  	[tilespmem:s0+$0x14C10] =	vst.add.f32.msk $0xffff, v12  }
0x6de: {  	[tilespmem:s0+$0x14C20] =	vst.add.f32.msk $0xffff, v13  }
0x6df: {  	[tilespmem:s0+$0x14C30] =	vst.add.f32.msk $0xffff, v14  }
0x6e0: {  	[tilespmem:s0+$0x14C40] =	vst.add.f32.msk $0xffff, v15  }
0x6e1: {  	[tilespmem:s0+$0x14C50] =	vst.add.f32.msk $0xffff, v16  }
0x6e2: {  	[tilespmem:s0+$0x14C60] =	vst.add.f32.msk $0xffff, v17  }
0x6e3: {  	s23 =	rddreg [dreg:$0x11];
	[tilespmem:s0+$0x14840] =	vst.add.f32.msk $0xffff, v3;
	s0 =	simm.s32 $0x0  }
0x6e4: {  	[hbm4b:s23+s0] =	stream.linear.scatter [tilespmem:s5], [sflag:$0xB], $0x4000, $0x38;
	[tilespmem:$0x1C800] =	vst v63  }
0x6e5: {  	_ =	swait.ge [sflag:s17], $0x4000  }
0x6e6: {  	[sflag:s17] =	ssyncset.done $0x0  }
0x6e7: {  	[sflag:s17] =	ssyncadd.s32 $0xFFFFC000  }
0x6e8: {  	v3 =	vld [tilespmem:s8+$0x700];
	_ =	sdelay $0x4  }
0x6e9: {  	v4 =	vshll.u32 v3, $0x1  }
0x6ea: {  	v3 =	vand.u32 $0x7, v3;
	v4 =	vand.u32 $0xFFFFFFF0, v4  }
0x6eb: {  	v3 =	vor.u32 v3, v4  }
0x6ec: {  	v4 =	vperm.xlane v3, v0;
	_ =	sdelay $0x1  }
0x6ed: {  	v3 =	vperm.xlane v3, v2;
	v4 =	vadd.s32 v1, v4;
	_ =	sdelay $0x1  }
0x6ee: {  	v3 =	vadd.s32 v1, v3;
	_ =	sdelay $0x2  }
0x6ef: {  	[tilespmem:s16], [sflag:$0x3] =	stream.indirect_vreg.gather [hbm4b:s1+s0], $0x80, v4, vm0, $0xb8;
	[tilespmem:$0x1C800] =	vst v63  }
0x6f0: {  	s7 =	simm.s32 $0xD000  }
0x6f1: {  	[tilespmem:s7], [sflag:$0x3] =	stream.indirect_vreg.gather [hbm4b:s1+s0], $0x80, v3, vm0, $0xb8;
	[tilespmem:$0x1C800] =	vst v63  }
0x6f2: {  	v3 =	vld [tilespmem:s8+$0x710];
	_ =	sdelay $0x4  }
0x6f3: {  	v4 =	vshll.u32 v3, $0x1  }
0x6f4: {  	v3 =	vand.u32 $0x7, v3;
	v4 =	vand.u32 $0xFFFFFFF0, v4  }
0x6f5: {  	v3 =	vor.u32 v3, v4  }
0x6f6: {  	v4 =	vperm.xlane v3, v0;
	_ =	sdelay $0x1  }
0x6f7: {  	v3 =	vperm.xlane v3, v2;
	v4 =	vadd.s32 v1, v4;
	_ =	sdelay $0x1  }
0x6f8: {  	v3 =	vadd.s32 v1, v3;
	_ =	sdelay $0x1  }
0x6f9: {  	s23 =	simm.s32 $0xD800  }
0x6fa: {  	[tilespmem:s23], [sflag:$0x3] =	stream.indirect_vreg.gather [hbm4b:s1+s0], $0x80, v4, vm0, $0xb8;
	[tilespmem:$0x1C800] =	vst v63  }
0x6fb: {  	s7 =	simm.s32 $0xE000  }
0x6fc: {  	[tilespmem:s7], [sflag:$0x3] =	stream.indirect_vreg.gather [hbm4b:s1+s0], $0x80, v3, vm0, $0xb8;
	[tilespmem:$0x1C800] =	vst v63  }
0x6fd: {  	v3 =	vld [tilespmem:s8+$0x720];
	_ =	sdelay $0x4  }
0x6fe: {  	v4 =	vshll.u32 v3, $0x1  }
0x6ff: {  	v3 =	vand.u32 $0x7, v3;
	v4 =	vand.u32 $0xFFFFFFF0, v4  }
0x700: {  	v3 =	vor.u32 v3, v4  }
0x701: {  	v4 =	vperm.xlane v3, v0;
	_ =	sdelay $0x1  }
0x702: {  	v3 =	vperm.xlane v3, v2;
	v4 =	vadd.s32 v1, v4;
	_ =	sdelay $0x1  }
0x703: {  	v3 =	vadd.s32 v1, v3;
	_ =	sdelay $0x1  }
0x704: {  	s23 =	simm.s32 $0xE800  }
0x705: {  	[tilespmem:s23], [sflag:$0x3] =	stream.indirect_vreg.gather [hbm4b:s1+s0], $0x80, v4, vm0, $0xb8;
	[tilespmem:$0x1C800] =	vst v63  }
0x706: {  	s7 =	simm.s32 $0xF000  }
0x707: {  	[tilespmem:s7], [sflag:$0x3] =	stream.indirect_vreg.gather [hbm4b:s1+s0], $0x80, v3, vm0, $0xb8;
	[tilespmem:$0x1C800] =	vst v63  }
0x708: {  	v3 =	vld [tilespmem:s8+$0x730];
	_ =	sdelay $0x4  }
0x709: {  	v4 =	vshll.u32 v3, $0x1  }
0x70a: {  	v3 =	vand.u32 $0x7, v3;
	v4 =	vand.u32 $0xFFFFFFF0, v4  }
0x70b: {  	v3 =	vor.u32 v3, v4  }
0x70c: {  	v4 =	vperm.xlane v3, v0;
	_ =	sdelay $0x1  }
0x70d: {  	v3 =	vperm.xlane v3, v2;
	v4 =	vadd.s32 v1, v4;
	_ =	sdelay $0x1  }
0x70e: {  	v3 =	vadd.s32 v1, v3;
	_ =	sdelay $0x1  }
0x70f: {  	s23 =	simm.s32 $0xF800  }
0x710: {  	[tilespmem:s23], [sflag:$0x3] =	stream.indirect_vreg.gather [hbm4b:s1+s0], $0x80, v4, vm0, $0xb8;
	[tilespmem:$0x1C800] =	vst v63  }
0x711: {  	s7 =	simm.s32 $0x10000  }
0x712: {  	[tilespmem:s7], [sflag:$0x3] =	stream.indirect_vreg.gather [hbm4b:s1+s0], $0x80, v3, vm0, $0xb8;
	[tilespmem:$0x1C800] =	vst v63  }
0x713: {  	_ =	swait.ge [sflag:s18], $0x4000  }
0x714: {  	s23 =	sand.u32 $0x3800, s0;
	s0 =	sand.u32 $0x380, s0;
	[sflag:s18] =	ssyncset.done $0x0  }
0x715: {  	s23 =	sor.u32 s0, s23;
	[sflag:s18] =	ssyncadd.s32 $0xFFFFC000  }
0x716: {  	v3 =	vld [tilespmem:s23+$0xC70]  }
0x717: {  	v4 =	vld [tilespmem:s23+$0x800]  }
0x718: {  	v5 =	vld [tilespmem:s23+$0x810]  }
0x719: {  	v52 =	vld [tilespmem:s23+$0x820]  }
0x71a: {  	v53 =	vld [tilespmem:s23+$0x830]  }
0x71b: {  	v54 =	vld [tilespmem:s23+$0x840]  }
0x71c: {  	v55 =	vld [tilespmem:s23+$0x850]  }
0x71d: {  	v56 =	vld [tilespmem:s23+$0x860]  }
0x71e: {  	v57 =	vld [tilespmem:s23+$0x870]  }
0x71f: {  	v58 =	vld [tilespmem:s23+$0xC00]  }
0x720: {  	v59 =	vld [tilespmem:s23+$0xC10]  }
0x721: {  	v60 =	vld [tilespmem:s23+$0xC20]  }
0x722: {  	v61 =	vld [tilespmem:s23+$0xC30]  }
0x723: {  	v62 =	vld [tilespmem:s23+$0xC40]  }
0x724: {  	v63 =	vld [tilespmem:s23+$0xC50]  }
0x725: {  	[tilespmem:s23+$0x18C70] =	vst.add.f32.msk $0xffff, v3  }
0x726: {  	v3 =	vld [tilespmem:s23+$0xC60]  }
0x727: {  	[tilespmem:s23+$0x18800] =	vst.add.f32.msk $0xffff, v4  }
0x728: {  	[tilespmem:s23+$0x18810] =	vst.add.f32.msk $0xffff, v5  }
0x729: {  	[tilespmem:s23+$0x18820] =	vst.add.f32.msk $0xffff, v52  }
0x72a: {  	[tilespmem:s23+$0x18830] =	vst.add.f32.msk $0xffff, v53  }
0x72b: {  	[tilespmem:s23+$0x18840] =	vst.add.f32.msk $0xffff, v54  }
0x72c: {  	[tilespmem:s23+$0x18850] =	vst.add.f32.msk $0xffff, v55  }
0x72d: {  	[tilespmem:s23+$0x18860] =	vst.add.f32.msk $0xffff, v56  }
0x72e: {  	[tilespmem:s23+$0x18870] =	vst.add.f32.msk $0xffff, v57  }
0x72f: {  	[tilespmem:s23+$0x18C00] =	vst.add.f32.msk $0xffff, v58  }
0x730: {  	[tilespmem:s23+$0x18C10] =	vst.add.f32.msk $0xffff, v59  }
0x731: {  	[tilespmem:s23+$0x18C20] =	vst.add.f32.msk $0xffff, v60  }
0x732: {  	[tilespmem:s23+$0x18C30] =	vst.add.f32.msk $0xffff, v61  }
0x733: {  	s2 =	simm.s32 $0x100;
	s7 =	simm.s32 $0x80;
	[tilespmem:s23+$0x18C40] =	vst.add.f32.msk $0xffff, v62  }
0x734: {  	s31 =	simm.s32 $0x200;
	s2 =	sand.u32 $0x3800, s2;
	s0 =	sand.u32 $0x380, s7;
	[tilespmem:s23+$0x18C50] =	vst.add.f32.msk $0xffff, v63  }
.LBB2_24:
0x735: {  	p0 =	sne.s32 s31, $0x3F00;
	[tilespmem:s23+$0x18C60] =	vst.add.f32.msk $0xffff, v3;
	s23 =	sor.u32 s0, s2  }
0x736: {  	v3 =	vld [tilespmem:s23+$0xC70]  }
0x737: {  	v4 =	vld [tilespmem:s23+$0x800]  }
0x738: {  	v5 =	vld [tilespmem:s23+$0x810]  }
0x739: {  	v6 =	vld [tilespmem:s23+$0x820]  }
0x73a: {  	v7 =	vld [tilespmem:s23+$0x830]  }
0x73b: {  	[tilespmem:s23+$0x18C70] =	vst.add.f32.msk $0xffff, v3  }
0x73c: {  	v8 =	vld [tilespmem:s23+$0x840]  }
0x73d: {  	v9 =	vld [tilespmem:s23+$0x850]  }
0x73e: {  	v10 =	vld [tilespmem:s23+$0x860]  }
0x73f: {  	v11 =	vld [tilespmem:s23+$0x870]  }
0x740: {  	v12 =	vld [tilespmem:s23+$0xC00]  }
0x741: {  	v13 =	vld [tilespmem:s23+$0xC10]  }
0x742: {  	v14 =	vld [tilespmem:s23+$0xC20]  }
0x743: {  	v15 =	vld [tilespmem:s23+$0xC30]  }
0x744: {  	v16 =	vld [tilespmem:s23+$0xC40]  }
0x745: {  	v17 =	vld [tilespmem:s23+$0xC50]  }
0x746: {  	v3 =	vld [tilespmem:s23+$0xC60]  }
0x747: {  	[tilespmem:s23+$0x18800] =	vst.add.f32.msk $0xffff, v4  }
0x748: {  	[tilespmem:s23+$0x18810] =	vst.add.f32.msk $0xffff, v5  }
0x749: {  	[tilespmem:s23+$0x18820] =	vst.add.f32.msk $0xffff, v6  }
0x74a: {  	[tilespmem:s23+$0x18830] =	vst.add.f32.msk $0xffff, v7  }
0x74b: {  	[tilespmem:s23+$0x18840] =	vst.add.f32.msk $0xffff, v8  }
0x74c: {  	[tilespmem:s23+$0x18850] =	vst.add.f32.msk $0xffff, v9  }
0x74d: {  	[tilespmem:s23+$0x18860] =	vst.add.f32.msk $0xffff, v10  }
0x74e: {  	[tilespmem:s23+$0x18870] =	vst.add.f32.msk $0xffff, v11  }
0x74f: {  	[tilespmem:s23+$0x18C00] =	vst.add.f32.msk $0xffff, v12  }
.Ltmp11:
0x750: {  	[tilespmem:s23+$0x18C10] =	vst.add.f32.msk $0xffff, v13;
	(pc) =	sbr.rel @p0 .LBB2_24-.Ltmp11, $4  }
0x751: {  	[tilespmem:s23+$0x18C20] =	vst.add.f32.msk $0xffff, v14  }
0x752: {  	[tilespmem:s23+$0x18C30] =	vst.add.f32.msk $0xffff, v15  }
0x753: {  	s7 =	sadd.s32 $0x80, s7;
	[tilespmem:s23+$0x18C40] =	vst.add.f32.msk $0xffff, v16  }
0x754: {  	s2 =	sand.u32 $0x3800, s31;
	s31 =	sadd.s32 $0x100, s31;
	s0 =	sand.u32 $0x380, s7;
	[tilespmem:s23+$0x18C50] =	vst.add.f32.msk $0xffff, v17  }
0x755: {  	s0 =	sor.u32 s0, s2;
	[tilespmem:s23+$0x18C60] =	vst.add.f32.msk $0xffff, v3  }
0x756: {  	v3 =	vld [tilespmem:s0+$0xC70]  }
0x757: {  	v4 =	vld [tilespmem:s0+$0x800]  }
0x758: {  	v5 =	vld [tilespmem:s0+$0x810]  }
0x759: {  	v6 =	vld [tilespmem:s0+$0x820]  }
0x75a: {  	v7 =	vld [tilespmem:s0+$0x830]  }
0x75b: {  	v8 =	vld [tilespmem:s0+$0x850]  }
0x75c: {  	v9 =	vld [tilespmem:s0+$0x860]  }
0x75d: {  	v10 =	vld [tilespmem:s0+$0x870]  }
0x75e: {  	v11 =	vld [tilespmem:s0+$0xC00]  }
0x75f: {  	v12 =	vld [tilespmem:s0+$0xC10]  }
0x760: {  	v13 =	vld [tilespmem:s0+$0xC20]  }
0x761: {  	v14 =	vld [tilespmem:s0+$0xC30]  }
0x762: {  	v15 =	vld [tilespmem:s0+$0xC40]  }
0x763: {  	v16 =	vld [tilespmem:s0+$0xC50]  }
0x764: {  	v17 =	vld [tilespmem:s0+$0xC60]  }
0x765: {  	[tilespmem:s0+$0x18C70] =	vst.add.f32.msk $0xffff, v3  }
0x766: {  	v3 =	vld [tilespmem:s0+$0x840]  }
0x767: {  	[tilespmem:s0+$0x18800] =	vst.add.f32.msk $0xffff, v4  }
0x768: {  	[tilespmem:s0+$0x18810] =	vst.add.f32.msk $0xffff, v5  }
0x769: {  	[tilespmem:s0+$0x18820] =	vst.add.f32.msk $0xffff, v6  }
0x76a: {  	[tilespmem:s0+$0x18830] =	vst.add.f32.msk $0xffff, v7  }
0x76b: {  	[tilespmem:s0+$0x18850] =	vst.add.f32.msk $0xffff, v8  }
0x76c: {  	[tilespmem:s0+$0x18860] =	vst.add.f32.msk $0xffff, v9  }
0x76d: {  	[tilespmem:s0+$0x18870] =	vst.add.f32.msk $0xffff, v10  }
0x76e: {  	[tilespmem:s0+$0x18C00] =	vst.add.f32.msk $0xffff, v11  }
0x76f: {  	[tilespmem:s0+$0x18C10] =	vst.add.f32.msk $0xffff, v12  }
0x770: {  	[tilespmem:s0+$0x18C20] =	vst.add.f32.msk $0xffff, v13  }
0x771: {  	[tilespmem:s0+$0x18C30] =	vst.add.f32.msk $0xffff, v14  }
0x772: {  	[tilespmem:s0+$0x18C40] =	vst.add.f32.msk $0xffff, v15  }
0x773: {  	[tilespmem:s0+$0x18C50] =	vst.add.f32.msk $0xffff, v16  }
0x774: {  	[tilespmem:s0+$0x18C60] =	vst.add.f32.msk $0xffff, v17  }
0x775: {  	s7 =	rddreg [dreg:$0x12];
	[tilespmem:s0+$0x18840] =	vst.add.f32.msk $0xffff, v3;
	s0 =	simm.s32 $0x0  }
0x776: {  	[hbm4b:s7+s0] =	stream.linear.scatter [tilespmem:s10], [sflag:$0xC], $0x4000, $0x38;
	[tilespmem:$0x1C800] =	vst v63  }
0x777: {  	_ =	swait.ge [sflag:s19], $0x4000  }
0x778: {  	[sflag:s19] =	ssyncset.done $0x0  }
0x779: {  	[sflag:s19] =	ssyncadd.s32 $0xFFFFC000  }
0x77a: {  	v3 =	vld [tilespmem:s8+$0x780];
	_ =	sdelay $0x4  }
0x77b: {  	v4 =	vshll.u32 v3, $0x1  }
0x77c: {  	v3 =	vand.u32 $0x7, v3;
	v4 =	vand.u32 $0xFFFFFFF0, v4  }
0x77d: {  	v3 =	vor.u32 v3, v4  }
0x77e: {  	v4 =	vperm.xlane v3, v0;
	_ =	sdelay $0x1  }
0x77f: {  	v3 =	vperm.xlane v3, v2;
	v4 =	vadd.s32 v1, v4;
	_ =	sdelay $0x1  }
0x780: {  	v3 =	vadd.s32 v1, v3;
	_ =	sdelay $0x2  }
0x781: {  	[tilespmem:s24], [sflag:$0x4] =	stream.indirect_vreg.gather [hbm4b:s1+s0], $0x80, v4, vm0, $0xb8;
	[tilespmem:$0x1C800] =	vst v63  }
0x782: {  	s23 =	simm.s32 $0x11000  }
0x783: {  	[tilespmem:s23], [sflag:$0x4] =	stream.indirect_vreg.gather [hbm4b:s1+s0], $0x80, v3, vm0, $0xb8;
	[tilespmem:$0x1C800] =	vst v63  }
0x784: {  	v3 =	vld [tilespmem:s8+$0x790];
	_ =	sdelay $0x4  }
0x785: {  	v4 =	vshll.u32 v3, $0x1  }
0x786: {  	v3 =	vand.u32 $0x7, v3;
	v4 =	vand.u32 $0xFFFFFFF0, v4  }
0x787: {  	v3 =	vor.u32 v3, v4  }
0x788: {  	v4 =	vperm.xlane v3, v0;
	_ =	sdelay $0x1  }
0x789: {  	v3 =	vperm.xlane v3, v2;
	v4 =	vadd.s32 v1, v4;
	_ =	sdelay $0x1  }
0x78a: {  	v3 =	vadd.s32 v1, v3;
	_ =	sdelay $0x1  }
0x78b: {  	s7 =	simm.s32 $0x11800  }
0x78c: {  	[tilespmem:s7], [sflag:$0x4] =	stream.indirect_vreg.gather [hbm4b:s1+s0], $0x80, v4, vm0, $0xb8;
	[tilespmem:$0x1C800] =	vst v63  }
0x78d: {  	s23 =	simm.s32 $0x12000  }
0x78e: {  	[tilespmem:s23], [sflag:$0x4] =	stream.indirect_vreg.gather [hbm4b:s1+s0], $0x80, v3, vm0, $0xb8;
	[tilespmem:$0x1C800] =	vst v63  }
0x78f: {  	v3 =	vld [tilespmem:s8+$0x7A0];
	_ =	sdelay $0x4  }
0x790: {  	v4 =	vshll.u32 v3, $0x1  }
0x791: {  	v3 =	vand.u32 $0x7, v3;
	v4 =	vand.u32 $0xFFFFFFF0, v4  }
0x792: {  	v3 =	vor.u32 v3, v4  }
0x793: {  	v4 =	vperm.xlane v3, v0;
	_ =	sdelay $0x1  }
0x794: {  	v3 =	vperm.xlane v3, v2;
	v4 =	vadd.s32 v1, v4;
	_ =	sdelay $0x1  }
0x795: {  	v3 =	vadd.s32 v1, v3;
	_ =	sdelay $0x1  }
0x796: {  	s7 =	simm.s32 $0x12800  }
0x797: {  	[tilespmem:s7], [sflag:$0x4] =	stream.indirect_vreg.gather [hbm4b:s1+s0], $0x80, v4, vm0, $0xb8;
	[tilespmem:$0x1C800] =	vst v63  }
0x798: {  	_ = 	snop  }
0x799: {  	[tilespmem:s25], [sflag:$0x4] =	stream.indirect_vreg.gather [hbm4b:s1+s0], $0x80, v3, vm0, $0xb8;
	[tilespmem:$0x1C800] =	vst v63  }
0x79a: {  	v3 =	vld [tilespmem:s8+$0x7B0];
	_ =	sdelay $0x4  }
0x79b: {  	v4 =	vshll.u32 v3, $0x1  }
0x79c: {  	v3 =	vand.u32 $0x7, v3;
	v4 =	vand.u32 $0xFFFFFFF0, v4  }
0x79d: {  	v3 =	vor.u32 v3, v4  }
0x79e: {  	v4 =	vperm.xlane v3, v0;
	_ =	sdelay $0x1  }
0x79f: {  	v3 =	vperm.xlane v3, v2;
	v4 =	vadd.s32 v1, v4;
	_ =	sdelay $0x1  }
0x7a0: {  	v3 =	vadd.s32 v1, v3;
	_ =	sdelay $0x2  }
0x7a1: {  	[tilespmem:s26], [sflag:$0x4] =	stream.indirect_vreg.gather [hbm4b:s1+s0], $0x80, v4, vm0, $0xb8;
	[tilespmem:$0x1C800] =	vst v63  }
0x7a2: {  	_ = 	snop  }
0x7a3: {  	[tilespmem:s28], [sflag:$0x4] =	stream.indirect_vreg.gather [hbm4b:s1+s0], $0x80, v3, vm0, $0xb8;
	[tilespmem:$0x1C800] =	vst v63  }
0x7a4: {  	_ =	swait.ge [sflag:s4], $0x4000  }
0x7a5: {  	s23 =	sand.u32 $0x3800, s0;
	s0 =	sand.u32 $0x380, s0;
	[sflag:s4] =	ssyncset.done $0x0  }
0x7a6: {  	s23 =	sor.u32 s0, s23;
	[sflag:s4] =	ssyncadd.s32 $0xFFFFC000  }
0x7a7: {  	v3 =	vld [tilespmem:s23+$0xC70]  }
0x7a8: {  	v4 =	vld [tilespmem:s23+$0x800]  }
0x7a9: {  	v5 =	vld [tilespmem:s23+$0x810]  }
0x7aa: {  	v52 =	vld [tilespmem:s23+$0x820]  }
0x7ab: {  	v53 =	vld [tilespmem:s23+$0x830]  }
0x7ac: {  	v54 =	vld [tilespmem:s23+$0x840]  }
0x7ad: {  	v55 =	vld [tilespmem:s23+$0x850]  }
0x7ae: {  	v56 =	vld [tilespmem:s23+$0x860]  }
0x7af: {  	v57 =	vld [tilespmem:s23+$0x870]  }
0x7b0: {  	v58 =	vld [tilespmem:s23+$0xC00]  }
0x7b1: {  	v59 =	vld [tilespmem:s23+$0xC10]  }
0x7b2: {  	v60 =	vld [tilespmem:s23+$0xC20]  }
0x7b3: {  	v61 =	vld [tilespmem:s23+$0xC30]  }
0x7b4: {  	v62 =	vld [tilespmem:s23+$0xC40]  }
0x7b5: {  	v63 =	vld [tilespmem:s23+$0xC50]  }
0x7b6: {  	[tilespmem:s23+$0x4C70] =	vst.add.f32.msk $0xffff, v3  }
0x7b7: {  	v3 =	vld [tilespmem:s23+$0xC60]  }
0x7b8: {  	[tilespmem:s23+$0x4800] =	vst.add.f32.msk $0xffff, v4  }
0x7b9: {  	[tilespmem:s23+$0x4810] =	vst.add.f32.msk $0xffff, v5  }
0x7ba: {  	[tilespmem:s23+$0x4820] =	vst.add.f32.msk $0xffff, v52  }
0x7bb: {  	[tilespmem:s23+$0x4830] =	vst.add.f32.msk $0xffff, v53  }
0x7bc: {  	[tilespmem:s23+$0x4840] =	vst.add.f32.msk $0xffff, v54  }
0x7bd: {  	[tilespmem:s23+$0x4850] =	vst.add.f32.msk $0xffff, v55  }
0x7be: {  	[tilespmem:s23+$0x4860] =	vst.add.f32.msk $0xffff, v56  }
0x7bf: {  	[tilespmem:s23+$0x4870] =	vst.add.f32.msk $0xffff, v57  }
0x7c0: {  	[tilespmem:s23+$0x4C00] =	vst.add.f32.msk $0xffff, v58  }
0x7c1: {  	[tilespmem:s23+$0x4C10] =	vst.add.f32.msk $0xffff, v59  }
0x7c2: {  	[tilespmem:s23+$0x4C20] =	vst.add.f32.msk $0xffff, v60  }
0x7c3: {  	[tilespmem:s23+$0x4C30] =	vst.add.f32.msk $0xffff, v61  }
0x7c4: {  	s2 =	simm.s32 $0x100;
	s7 =	simm.s32 $0x80;
	[tilespmem:s23+$0x4C40] =	vst.add.f32.msk $0xffff, v62  }
0x7c5: {  	s31 =	simm.s32 $0x200;
	s2 =	sand.u32 $0x3800, s2;
	s0 =	sand.u32 $0x380, s7;
	[tilespmem:s23+$0x4C50] =	vst.add.f32.msk $0xffff, v63  }
.LBB2_26:
0x7c6: {  	p0 =	sne.s32 s31, $0x3F00;
	[tilespmem:s23+$0x4C60] =	vst.add.f32.msk $0xffff, v3;
	s23 =	sor.u32 s0, s2  }
0x7c7: {  	v3 =	vld [tilespmem:s23+$0xC70]  }
0x7c8: {  	v4 =	vld [tilespmem:s23+$0x800]  }
0x7c9: {  	v5 =	vld [tilespmem:s23+$0x810]  }
0x7ca: {  	v6 =	vld [tilespmem:s23+$0x820]  }
0x7cb: {  	v7 =	vld [tilespmem:s23+$0x830]  }
0x7cc: {  	[tilespmem:s23+$0x4C70] =	vst.add.f32.msk $0xffff, v3  }
0x7cd: {  	v8 =	vld [tilespmem:s23+$0x840]  }
0x7ce: {  	v9 =	vld [tilespmem:s23+$0x850]  }
0x7cf: {  	v10 =	vld [tilespmem:s23+$0x860]  }
0x7d0: {  	v11 =	vld [tilespmem:s23+$0x870]  }
0x7d1: {  	v12 =	vld [tilespmem:s23+$0xC00]  }
0x7d2: {  	v13 =	vld [tilespmem:s23+$0xC10]  }
0x7d3: {  	v14 =	vld [tilespmem:s23+$0xC20]  }
0x7d4: {  	v15 =	vld [tilespmem:s23+$0xC30]  }
0x7d5: {  	v16 =	vld [tilespmem:s23+$0xC40]  }
0x7d6: {  	v17 =	vld [tilespmem:s23+$0xC50]  }
0x7d7: {  	v3 =	vld [tilespmem:s23+$0xC60]  }
0x7d8: {  	[tilespmem:s23+$0x4800] =	vst.add.f32.msk $0xffff, v4  }
0x7d9: {  	[tilespmem:s23+$0x4810] =	vst.add.f32.msk $0xffff, v5  }
0x7da: {  	[tilespmem:s23+$0x4820] =	vst.add.f32.msk $0xffff, v6  }
0x7db: {  	[tilespmem:s23+$0x4830] =	vst.add.f32.msk $0xffff, v7  }
0x7dc: {  	[tilespmem:s23+$0x4840] =	vst.add.f32.msk $0xffff, v8  }
0x7dd: {  	[tilespmem:s23+$0x4850] =	vst.add.f32.msk $0xffff, v9  }
0x7de: {  	[tilespmem:s23+$0x4860] =	vst.add.f32.msk $0xffff, v10  }
0x7df: {  	[tilespmem:s23+$0x4870] =	vst.add.f32.msk $0xffff, v11  }
0x7e0: {  	[tilespmem:s23+$0x4C00] =	vst.add.f32.msk $0xffff, v12  }
.Ltmp12:
0x7e1: {  	[tilespmem:s23+$0x4C10] =	vst.add.f32.msk $0xffff, v13;
	(pc) =	sbr.rel @p0 .LBB2_26-.Ltmp12, $4  }
0x7e2: {  	[tilespmem:s23+$0x4C20] =	vst.add.f32.msk $0xffff, v14  }
0x7e3: {  	[tilespmem:s23+$0x4C30] =	vst.add.f32.msk $0xffff, v15  }
0x7e4: {  	s7 =	sadd.s32 $0x80, s7;
	[tilespmem:s23+$0x4C40] =	vst.add.f32.msk $0xffff, v16  }
0x7e5: {  	s2 =	sand.u32 $0x3800, s31;
	s31 =	sadd.s32 $0x100, s31;
	s0 =	sand.u32 $0x380, s7;
	[tilespmem:s23+$0x4C50] =	vst.add.f32.msk $0xffff, v17  }
0x7e6: {  	s0 =	sor.u32 s0, s2;
	[tilespmem:s23+$0x4C60] =	vst.add.f32.msk $0xffff, v3  }
0x7e7: {  	v3 =	vld [tilespmem:s0+$0xC70]  }
0x7e8: {  	v4 =	vld [tilespmem:s0+$0x800]  }
0x7e9: {  	v5 =	vld [tilespmem:s0+$0x810]  }
0x7ea: {  	v6 =	vld [tilespmem:s0+$0x820]  }
0x7eb: {  	v7 =	vld [tilespmem:s0+$0x830]  }
0x7ec: {  	v8 =	vld [tilespmem:s0+$0x850]  }
0x7ed: {  	v9 =	vld [tilespmem:s0+$0x860]  }
0x7ee: {  	v10 =	vld [tilespmem:s0+$0x870]  }
0x7ef: {  	v11 =	vld [tilespmem:s0+$0xC00]  }
0x7f0: {  	v12 =	vld [tilespmem:s0+$0xC10]  }
0x7f1: {  	v13 =	vld [tilespmem:s0+$0xC20]  }
0x7f2: {  	v14 =	vld [tilespmem:s0+$0xC30]  }
0x7f3: {  	v15 =	vld [tilespmem:s0+$0xC40]  }
0x7f4: {  	v16 =	vld [tilespmem:s0+$0xC50]  }
0x7f5: {  	v17 =	vld [tilespmem:s0+$0xC60]  }
0x7f6: {  	[tilespmem:s0+$0x4C70] =	vst.add.f32.msk $0xffff, v3  }
0x7f7: {  	v3 =	vld [tilespmem:s0+$0x840]  }
0x7f8: {  	[tilespmem:s0+$0x4800] =	vst.add.f32.msk $0xffff, v4  }
0x7f9: {  	[tilespmem:s0+$0x4810] =	vst.add.f32.msk $0xffff, v5  }
0x7fa: {  	[tilespmem:s0+$0x4820] =	vst.add.f32.msk $0xffff, v6  }
0x7fb: {  	[tilespmem:s0+$0x4830] =	vst.add.f32.msk $0xffff, v7  }
0x7fc: {  	[tilespmem:s0+$0x4850] =	vst.add.f32.msk $0xffff, v8  }
0x7fd: {  	[tilespmem:s0+$0x4860] =	vst.add.f32.msk $0xffff, v9  }
0x7fe: {  	[tilespmem:s0+$0x4870] =	vst.add.f32.msk $0xffff, v10  }
0x7ff: {  	[tilespmem:s0+$0x4C00] =	vst.add.f32.msk $0xffff, v11  }
0x800: {  	[tilespmem:s0+$0x4C10] =	vst.add.f32.msk $0xffff, v12  }
0x801: {  	[tilespmem:s0+$0x4C20] =	vst.add.f32.msk $0xffff, v13  }
0x802: {  	[tilespmem:s0+$0x4C30] =	vst.add.f32.msk $0xffff, v14  }
0x803: {  	[tilespmem:s0+$0x4C40] =	vst.add.f32.msk $0xffff, v15  }
0x804: {  	[tilespmem:s0+$0x4C50] =	vst.add.f32.msk $0xffff, v16  }
0x805: {  	[tilespmem:s0+$0x4C60] =	vst.add.f32.msk $0xffff, v17  }
0x806: {  	s7 =	rddreg [dreg:$0x13];
	[tilespmem:s0+$0x4840] =	vst.add.f32.msk $0xffff, v3;
	s0 =	simm.s32 $0x0  }
0x807: {  	[hbm4b:s7+s0] =	stream.linear.scatter [tilespmem:s30], [sflag:$0x7], $0x4000, $0x38;
	[tilespmem:$0x1C800] =	vst v63  }
0x808: {  	_ =	swait.ge [sflag:s9], $0x4000  }
0x809: {  	s23 =	sand.u32 $0x3800, s0;
	s0 =	sand.u32 $0x380, s0;
	[sflag:s9] =	ssyncset.done $0x0  }
0x80a: {  	s23 =	sor.u32 s0, s23;
	[sflag:s9] =	ssyncadd.s32 $0xFFFFC000  }
0x80b: {  	v3 =	vld [tilespmem:s23+$0xC70]  }
0x80c: {  	v4 =	vld [tilespmem:s23+$0x800]  }
0x80d: {  	v5 =	vld [tilespmem:s23+$0x810]  }
0x80e: {  	v52 =	vld [tilespmem:s23+$0x820]  }
0x80f: {  	v53 =	vld [tilespmem:s23+$0x830]  }
0x810: {  	v54 =	vld [tilespmem:s23+$0x840]  }
0x811: {  	v55 =	vld [tilespmem:s23+$0x850]  }
0x812: {  	v56 =	vld [tilespmem:s23+$0x860]  }
0x813: {  	v57 =	vld [tilespmem:s23+$0x870]  }
0x814: {  	v58 =	vld [tilespmem:s23+$0xC00]  }
0x815: {  	v59 =	vld [tilespmem:s23+$0xC10]  }
0x816: {  	v60 =	vld [tilespmem:s23+$0xC20]  }
0x817: {  	v61 =	vld [tilespmem:s23+$0xC30]  }
0x818: {  	v62 =	vld [tilespmem:s23+$0xC40]  }
0x819: {  	v63 =	vld [tilespmem:s23+$0xC50]  }
0x81a: {  	[tilespmem:s23+$0x8C70] =	vst.add.f32.msk $0xffff, v3  }
0x81b: {  	v3 =	vld [tilespmem:s23+$0xC60]  }
0x81c: {  	[tilespmem:s23+$0x8800] =	vst.add.f32.msk $0xffff, v4  }
0x81d: {  	[tilespmem:s23+$0x8810] =	vst.add.f32.msk $0xffff, v5  }
0x81e: {  	[tilespmem:s23+$0x8820] =	vst.add.f32.msk $0xffff, v52  }
0x81f: {  	[tilespmem:s23+$0x8830] =	vst.add.f32.msk $0xffff, v53  }
0x820: {  	[tilespmem:s23+$0x8840] =	vst.add.f32.msk $0xffff, v54  }
0x821: {  	[tilespmem:s23+$0x8850] =	vst.add.f32.msk $0xffff, v55  }
0x822: {  	[tilespmem:s23+$0x8860] =	vst.add.f32.msk $0xffff, v56  }
0x823: {  	[tilespmem:s23+$0x8870] =	vst.add.f32.msk $0xffff, v57  }
0x824: {  	[tilespmem:s23+$0x8C00] =	vst.add.f32.msk $0xffff, v58  }
0x825: {  	[tilespmem:s23+$0x8C10] =	vst.add.f32.msk $0xffff, v59  }
0x826: {  	[tilespmem:s23+$0x8C20] =	vst.add.f32.msk $0xffff, v60  }
0x827: {  	[tilespmem:s23+$0x8C30] =	vst.add.f32.msk $0xffff, v61  }
0x828: {  	s2 =	simm.s32 $0x100;
	s7 =	simm.s32 $0x80;
	[tilespmem:s23+$0x8C40] =	vst.add.f32.msk $0xffff, v62  }
0x829: {  	s31 =	simm.s32 $0x200;
	s2 =	sand.u32 $0x3800, s2;
	s0 =	sand.u32 $0x380, s7;
	[tilespmem:s23+$0x8C50] =	vst.add.f32.msk $0xffff, v63  }
.LBB2_28:
0x82a: {  	p0 =	sne.s32 s31, $0x3F00;
	[tilespmem:s23+$0x8C60] =	vst.add.f32.msk $0xffff, v3;
	s23 =	sor.u32 s0, s2  }
0x82b: {  	v3 =	vld [tilespmem:s23+$0xC70]  }
0x82c: {  	v4 =	vld [tilespmem:s23+$0x800]  }
0x82d: {  	v5 =	vld [tilespmem:s23+$0x810]  }
0x82e: {  	v6 =	vld [tilespmem:s23+$0x820]  }
0x82f: {  	v7 =	vld [tilespmem:s23+$0x830]  }
0x830: {  	[tilespmem:s23+$0x8C70] =	vst.add.f32.msk $0xffff, v3  }
0x831: {  	v8 =	vld [tilespmem:s23+$0x840]  }
0x832: {  	v9 =	vld [tilespmem:s23+$0x850]  }
0x833: {  	v10 =	vld [tilespmem:s23+$0x860]  }
0x834: {  	v11 =	vld [tilespmem:s23+$0x870]  }
0x835: {  	v12 =	vld [tilespmem:s23+$0xC00]  }
0x836: {  	v13 =	vld [tilespmem:s23+$0xC10]  }
0x837: {  	v14 =	vld [tilespmem:s23+$0xC20]  }
0x838: {  	v15 =	vld [tilespmem:s23+$0xC30]  }
0x839: {  	v16 =	vld [tilespmem:s23+$0xC40]  }
0x83a: {  	v17 =	vld [tilespmem:s23+$0xC50]  }
0x83b: {  	v3 =	vld [tilespmem:s23+$0xC60]  }
0x83c: {  	[tilespmem:s23+$0x8800] =	vst.add.f32.msk $0xffff, v4  }
0x83d: {  	[tilespmem:s23+$0x8810] =	vst.add.f32.msk $0xffff, v5  }
0x83e: {  	[tilespmem:s23+$0x8820] =	vst.add.f32.msk $0xffff, v6  }
0x83f: {  	[tilespmem:s23+$0x8830] =	vst.add.f32.msk $0xffff, v7  }
0x840: {  	[tilespmem:s23+$0x8840] =	vst.add.f32.msk $0xffff, v8  }
0x841: {  	[tilespmem:s23+$0x8850] =	vst.add.f32.msk $0xffff, v9  }
0x842: {  	[tilespmem:s23+$0x8860] =	vst.add.f32.msk $0xffff, v10  }
0x843: {  	[tilespmem:s23+$0x8870] =	vst.add.f32.msk $0xffff, v11  }
0x844: {  	[tilespmem:s23+$0x8C00] =	vst.add.f32.msk $0xffff, v12  }
.Ltmp13:
0x845: {  	[tilespmem:s23+$0x8C10] =	vst.add.f32.msk $0xffff, v13;
	(pc) =	sbr.rel @p0 .LBB2_28-.Ltmp13, $4  }
0x846: {  	[tilespmem:s23+$0x8C20] =	vst.add.f32.msk $0xffff, v14  }
0x847: {  	[tilespmem:s23+$0x8C30] =	vst.add.f32.msk $0xffff, v15  }
0x848: {  	s7 =	sadd.s32 $0x80, s7;
	[tilespmem:s23+$0x8C40] =	vst.add.f32.msk $0xffff, v16  }
0x849: {  	s2 =	sand.u32 $0x3800, s31;
	s31 =	sadd.s32 $0x100, s31;
	s0 =	sand.u32 $0x380, s7;
	[tilespmem:s23+$0x8C50] =	vst.add.f32.msk $0xffff, v17  }
0x84a: {  	s0 =	sor.u32 s0, s2;
	[tilespmem:s23+$0x8C60] =	vst.add.f32.msk $0xffff, v3  }
0x84b: {  	v3 =	vld [tilespmem:s0+$0xC70]  }
0x84c: {  	v4 =	vld [tilespmem:s0+$0x800]  }
0x84d: {  	v5 =	vld [tilespmem:s0+$0x810]  }
0x84e: {  	v6 =	vld [tilespmem:s0+$0x820]  }
0x84f: {  	v7 =	vld [tilespmem:s0+$0x830]  }
0x850: {  	v8 =	vld [tilespmem:s0+$0x850]  }
0x851: {  	v9 =	vld [tilespmem:s0+$0x860]  }
0x852: {  	v10 =	vld [tilespmem:s0+$0x870]  }
0x853: {  	v11 =	vld [tilespmem:s0+$0xC00]  }
0x854: {  	v12 =	vld [tilespmem:s0+$0xC10]  }
0x855: {  	v13 =	vld [tilespmem:s0+$0xC20]  }
0x856: {  	v14 =	vld [tilespmem:s0+$0xC30]  }
0x857: {  	v15 =	vld [tilespmem:s0+$0xC40]  }
0x858: {  	v16 =	vld [tilespmem:s0+$0xC50]  }
0x859: {  	v17 =	vld [tilespmem:s0+$0xC60]  }
0x85a: {  	[tilespmem:s0+$0x8C70] =	vst.add.f32.msk $0xffff, v3  }
0x85b: {  	v3 =	vld [tilespmem:s0+$0x840]  }
0x85c: {  	[tilespmem:s0+$0x8800] =	vst.add.f32.msk $0xffff, v4  }
0x85d: {  	[tilespmem:s0+$0x8810] =	vst.add.f32.msk $0xffff, v5  }
0x85e: {  	[tilespmem:s0+$0x8820] =	vst.add.f32.msk $0xffff, v6  }
0x85f: {  	[tilespmem:s0+$0x8830] =	vst.add.f32.msk $0xffff, v7  }
0x860: {  	[tilespmem:s0+$0x8850] =	vst.add.f32.msk $0xffff, v8  }
0x861: {  	[tilespmem:s0+$0x8860] =	vst.add.f32.msk $0xffff, v9  }
0x862: {  	[tilespmem:s0+$0x8870] =	vst.add.f32.msk $0xffff, v10  }
0x863: {  	[tilespmem:s0+$0x8C00] =	vst.add.f32.msk $0xffff, v11  }
0x864: {  	[tilespmem:s0+$0x8C10] =	vst.add.f32.msk $0xffff, v12  }
0x865: {  	[tilespmem:s0+$0x8C20] =	vst.add.f32.msk $0xffff, v13  }
0x866: {  	[tilespmem:s0+$0x8C30] =	vst.add.f32.msk $0xffff, v14  }
0x867: {  	[tilespmem:s0+$0x8C40] =	vst.add.f32.msk $0xffff, v15  }
0x868: {  	[tilespmem:s0+$0x8C50] =	vst.add.f32.msk $0xffff, v16  }
0x869: {  	[tilespmem:s0+$0x8C60] =	vst.add.f32.msk $0xffff, v17  }
0x86a: {  	s7 =	rddreg [dreg:$0x14];
	[tilespmem:s0+$0x8840] =	vst.add.f32.msk $0xffff, v3;
	s0 =	simm.s32 $0x0  }
0x86b: {  	[hbm4b:s7+s0] =	stream.linear.scatter [tilespmem:s6], [sflag:$0x8], $0x4000, $0x38;
	[tilespmem:$0x1C800] =	vst v63  }
0x86c: {  	_ =	swait.ge [sflag:s11], $0x4000  }
0x86d: {  	s23 =	sand.u32 $0x3800, s0;
	s0 =	sand.u32 $0x380, s0;
	[sflag:s11] =	ssyncset.done $0x0  }
0x86e: {  	s23 =	sor.u32 s0, s23;
	[sflag:s11] =	ssyncadd.s32 $0xFFFFC000  }
0x86f: {  	v3 =	vld [tilespmem:s23+$0xC70]  }
0x870: {  	v4 =	vld [tilespmem:s23+$0x800]  }
0x871: {  	v5 =	vld [tilespmem:s23+$0x810]  }
0x872: {  	v52 =	vld [tilespmem:s23+$0x820]  }
0x873: {  	v53 =	vld [tilespmem:s23+$0x830]  }
0x874: {  	v54 =	vld [tilespmem:s23+$0x840]  }
0x875: {  	v55 =	vld [tilespmem:s23+$0x850]  }
0x876: {  	v56 =	vld [tilespmem:s23+$0x860]  }
0x877: {  	v57 =	vld [tilespmem:s23+$0x870]  }
0x878: {  	v58 =	vld [tilespmem:s23+$0xC00]  }
0x879: {  	v59 =	vld [tilespmem:s23+$0xC10]  }
0x87a: {  	v60 =	vld [tilespmem:s23+$0xC20]  }
0x87b: {  	v61 =	vld [tilespmem:s23+$0xC30]  }
0x87c: {  	v62 =	vld [tilespmem:s23+$0xC40]  }
0x87d: {  	v63 =	vld [tilespmem:s23+$0xC50]  }
0x87e: {  	[tilespmem:s23+$0xCC70] =	vst.add.f32.msk $0xffff, v3  }
0x87f: {  	v3 =	vld [tilespmem:s23+$0xC60]  }
0x880: {  	[tilespmem:s23+$0xC800] =	vst.add.f32.msk $0xffff, v4  }
0x881: {  	[tilespmem:s23+$0xC810] =	vst.add.f32.msk $0xffff, v5  }
0x882: {  	[tilespmem:s23+$0xC820] =	vst.add.f32.msk $0xffff, v52  }
0x883: {  	[tilespmem:s23+$0xC830] =	vst.add.f32.msk $0xffff, v53  }
0x884: {  	[tilespmem:s23+$0xC840] =	vst.add.f32.msk $0xffff, v54  }
0x885: {  	[tilespmem:s23+$0xC850] =	vst.add.f32.msk $0xffff, v55  }
0x886: {  	[tilespmem:s23+$0xC860] =	vst.add.f32.msk $0xffff, v56  }
0x887: {  	[tilespmem:s23+$0xC870] =	vst.add.f32.msk $0xffff, v57  }
0x888: {  	[tilespmem:s23+$0xCC00] =	vst.add.f32.msk $0xffff, v58  }
0x889: {  	[tilespmem:s23+$0xCC10] =	vst.add.f32.msk $0xffff, v59  }
0x88a: {  	[tilespmem:s23+$0xCC20] =	vst.add.f32.msk $0xffff, v60  }
0x88b: {  	[tilespmem:s23+$0xCC30] =	vst.add.f32.msk $0xffff, v61  }
0x88c: {  	s2 =	simm.s32 $0x100;
	s7 =	simm.s32 $0x80;
	[tilespmem:s23+$0xCC40] =	vst.add.f32.msk $0xffff, v62  }
0x88d: {  	s31 =	simm.s32 $0x200;
	s2 =	sand.u32 $0x3800, s2;
	s0 =	sand.u32 $0x380, s7;
	[tilespmem:s23+$0xCC50] =	vst.add.f32.msk $0xffff, v63  }
.LBB2_30:
0x88e: {  	p0 =	sne.s32 s31, $0x3F00;
	[tilespmem:s23+$0xCC60] =	vst.add.f32.msk $0xffff, v3;
	s23 =	sor.u32 s0, s2  }
0x88f: {  	v3 =	vld [tilespmem:s23+$0xC70]  }
0x890: {  	v4 =	vld [tilespmem:s23+$0x800]  }
0x891: {  	v5 =	vld [tilespmem:s23+$0x810]  }
0x892: {  	v6 =	vld [tilespmem:s23+$0x820]  }
0x893: {  	v7 =	vld [tilespmem:s23+$0x830]  }
0x894: {  	[tilespmem:s23+$0xCC70] =	vst.add.f32.msk $0xffff, v3  }
0x895: {  	v8 =	vld [tilespmem:s23+$0x840]  }
0x896: {  	v9 =	vld [tilespmem:s23+$0x850]  }
0x897: {  	v10 =	vld [tilespmem:s23+$0x860]  }
0x898: {  	v11 =	vld [tilespmem:s23+$0x870]  }
0x899: {  	v12 =	vld [tilespmem:s23+$0xC00]  }
0x89a: {  	v13 =	vld [tilespmem:s23+$0xC10]  }
0x89b: {  	v14 =	vld [tilespmem:s23+$0xC20]  }
0x89c: {  	v15 =	vld [tilespmem:s23+$0xC30]  }
0x89d: {  	v16 =	vld [tilespmem:s23+$0xC40]  }
0x89e: {  	v17 =	vld [tilespmem:s23+$0xC50]  }
0x89f: {  	v3 =	vld [tilespmem:s23+$0xC60]  }
0x8a0: {  	[tilespmem:s23+$0xC800] =	vst.add.f32.msk $0xffff, v4  }
0x8a1: {  	[tilespmem:s23+$0xC810] =	vst.add.f32.msk $0xffff, v5  }
0x8a2: {  	[tilespmem:s23+$0xC820] =	vst.add.f32.msk $0xffff, v6  }
0x8a3: {  	[tilespmem:s23+$0xC830] =	vst.add.f32.msk $0xffff, v7  }
0x8a4: {  	[tilespmem:s23+$0xC840] =	vst.add.f32.msk $0xffff, v8  }
0x8a5: {  	[tilespmem:s23+$0xC850] =	vst.add.f32.msk $0xffff, v9  }
0x8a6: {  	[tilespmem:s23+$0xC860] =	vst.add.f32.msk $0xffff, v10  }
0x8a7: {  	[tilespmem:s23+$0xC870] =	vst.add.f32.msk $0xffff, v11  }
0x8a8: {  	[tilespmem:s23+$0xCC00] =	vst.add.f32.msk $0xffff, v12  }
.Ltmp14:
0x8a9: {  	[tilespmem:s23+$0xCC10] =	vst.add.f32.msk $0xffff, v13;
	(pc) =	sbr.rel @p0 .LBB2_30-.Ltmp14, $4  }
0x8aa: {  	[tilespmem:s23+$0xCC20] =	vst.add.f32.msk $0xffff, v14  }
0x8ab: {  	[tilespmem:s23+$0xCC30] =	vst.add.f32.msk $0xffff, v15  }
0x8ac: {  	s7 =	sadd.s32 $0x80, s7;
	[tilespmem:s23+$0xCC40] =	vst.add.f32.msk $0xffff, v16  }
0x8ad: {  	s2 =	sand.u32 $0x3800, s31;
	s31 =	sadd.s32 $0x100, s31;
	s0 =	sand.u32 $0x380, s7;
	[tilespmem:s23+$0xCC50] =	vst.add.f32.msk $0xffff, v17  }
0x8ae: {  	s0 =	sor.u32 s0, s2;
	[tilespmem:s23+$0xCC60] =	vst.add.f32.msk $0xffff, v3  }
0x8af: {  	v3 =	vld [tilespmem:s0+$0xC70]  }
0x8b0: {  	v4 =	vld [tilespmem:s0+$0x800]  }
0x8b1: {  	v5 =	vld [tilespmem:s0+$0x810]  }
0x8b2: {  	v6 =	vld [tilespmem:s0+$0x820]  }
0x8b3: {  	v7 =	vld [tilespmem:s0+$0x830]  }
0x8b4: {  	v8 =	vld [tilespmem:s0+$0x850]  }
0x8b5: {  	v9 =	vld [tilespmem:s0+$0x860]  }
0x8b6: {  	v10 =	vld [tilespmem:s0+$0x870]  }
0x8b7: {  	v11 =	vld [tilespmem:s0+$0xC00]  }
0x8b8: {  	v12 =	vld [tilespmem:s0+$0xC10]  }
0x8b9: {  	v13 =	vld [tilespmem:s0+$0xC20]  }
0x8ba: {  	v14 =	vld [tilespmem:s0+$0xC30]  }
0x8bb: {  	v15 =	vld [tilespmem:s0+$0xC40]  }
0x8bc: {  	v16 =	vld [tilespmem:s0+$0xC50]  }
0x8bd: {  	v17 =	vld [tilespmem:s0+$0xC60]  }
0x8be: {  	[tilespmem:s0+$0xCC70] =	vst.add.f32.msk $0xffff, v3  }
0x8bf: {  	v3 =	vld [tilespmem:s0+$0x840]  }
0x8c0: {  	[tilespmem:s0+$0xC800] =	vst.add.f32.msk $0xffff, v4  }
0x8c1: {  	[tilespmem:s0+$0xC810] =	vst.add.f32.msk $0xffff, v5  }
0x8c2: {  	[tilespmem:s0+$0xC820] =	vst.add.f32.msk $0xffff, v6  }
0x8c3: {  	[tilespmem:s0+$0xC830] =	vst.add.f32.msk $0xffff, v7  }
0x8c4: {  	[tilespmem:s0+$0xC850] =	vst.add.f32.msk $0xffff, v8  }
0x8c5: {  	[tilespmem:s0+$0xC860] =	vst.add.f32.msk $0xffff, v9  }
0x8c6: {  	[tilespmem:s0+$0xC870] =	vst.add.f32.msk $0xffff, v10  }
0x8c7: {  	[tilespmem:s0+$0xCC00] =	vst.add.f32.msk $0xffff, v11  }
0x8c8: {  	[tilespmem:s0+$0xCC10] =	vst.add.f32.msk $0xffff, v12  }
0x8c9: {  	[tilespmem:s0+$0xCC20] =	vst.add.f32.msk $0xffff, v13  }
0x8ca: {  	[tilespmem:s0+$0xCC30] =	vst.add.f32.msk $0xffff, v14  }
0x8cb: {  	[tilespmem:s0+$0xCC40] =	vst.add.f32.msk $0xffff, v15  }
0x8cc: {  	[tilespmem:s0+$0xCC50] =	vst.add.f32.msk $0xffff, v16  }
0x8cd: {  	[tilespmem:s0+$0xCC60] =	vst.add.f32.msk $0xffff, v17  }
0x8ce: {  	s7 =	rddreg [dreg:$0x15];
	[tilespmem:s0+$0xC840] =	vst.add.f32.msk $0xffff, v3;
	s0 =	simm.s32 $0x0  }
0x8cf: {  	[hbm4b:s7+s0] =	stream.linear.scatter [tilespmem:s16], [sflag:$0x9], $0x4000, $0x38;
	[tilespmem:$0x1C800] =	vst v63  }
0x8d0: {  	_ =	swait.ge [sflag:s13], $0x4000  }
0x8d1: {  	s23 =	sand.u32 $0x3800, s0;
	s0 =	sand.u32 $0x380, s0;
	[sflag:s13] =	ssyncset.done $0x0  }
0x8d2: {  	s23 =	sor.u32 s0, s23;
	[sflag:s13] =	ssyncadd.s32 $0xFFFFC000  }
0x8d3: {  	v3 =	vld [tilespmem:s23+$0xC70]  }
0x8d4: {  	v4 =	vld [tilespmem:s23+$0x800]  }
0x8d5: {  	v5 =	vld [tilespmem:s23+$0x810]  }
0x8d6: {  	v52 =	vld [tilespmem:s23+$0x820]  }
0x8d7: {  	v53 =	vld [tilespmem:s23+$0x830]  }
0x8d8: {  	v54 =	vld [tilespmem:s23+$0x840]  }
0x8d9: {  	v55 =	vld [tilespmem:s23+$0x850]  }
0x8da: {  	v56 =	vld [tilespmem:s23+$0x860]  }
0x8db: {  	v57 =	vld [tilespmem:s23+$0x870]  }
0x8dc: {  	v58 =	vld [tilespmem:s23+$0xC00]  }
0x8dd: {  	v59 =	vld [tilespmem:s23+$0xC10]  }
0x8de: {  	v60 =	vld [tilespmem:s23+$0xC20]  }
0x8df: {  	v61 =	vld [tilespmem:s23+$0xC30]  }
0x8e0: {  	v62 =	vld [tilespmem:s23+$0xC40]  }
0x8e1: {  	v63 =	vld [tilespmem:s23+$0xC50]  }
0x8e2: {  	[tilespmem:s23+$0x10C70] =	vst.add.f32.msk $0xffff, v3  }
0x8e3: {  	v3 =	vld [tilespmem:s23+$0xC60]  }
0x8e4: {  	[tilespmem:s23+$0x10800] =	vst.add.f32.msk $0xffff, v4  }
0x8e5: {  	[tilespmem:s23+$0x10810] =	vst.add.f32.msk $0xffff, v5  }
0x8e6: {  	[tilespmem:s23+$0x10820] =	vst.add.f32.msk $0xffff, v52  }
0x8e7: {  	[tilespmem:s23+$0x10830] =	vst.add.f32.msk $0xffff, v53  }
0x8e8: {  	[tilespmem:s23+$0x10840] =	vst.add.f32.msk $0xffff, v54  }
0x8e9: {  	[tilespmem:s23+$0x10850] =	vst.add.f32.msk $0xffff, v55  }
0x8ea: {  	[tilespmem:s23+$0x10860] =	vst.add.f32.msk $0xffff, v56  }
0x8eb: {  	[tilespmem:s23+$0x10870] =	vst.add.f32.msk $0xffff, v57  }
0x8ec: {  	[tilespmem:s23+$0x10C00] =	vst.add.f32.msk $0xffff, v58  }
0x8ed: {  	[tilespmem:s23+$0x10C10] =	vst.add.f32.msk $0xffff, v59  }
0x8ee: {  	[tilespmem:s23+$0x10C20] =	vst.add.f32.msk $0xffff, v60  }
0x8ef: {  	[tilespmem:s23+$0x10C30] =	vst.add.f32.msk $0xffff, v61  }
0x8f0: {  	s2 =	simm.s32 $0x100;
	s7 =	simm.s32 $0x80;
	[tilespmem:s23+$0x10C40] =	vst.add.f32.msk $0xffff, v62  }
0x8f1: {  	s31 =	simm.s32 $0x200;
	s2 =	sand.u32 $0x3800, s2;
	s0 =	sand.u32 $0x380, s7;
	[tilespmem:s23+$0x10C50] =	vst.add.f32.msk $0xffff, v63  }
.LBB2_32:
0x8f2: {  	p0 =	sne.s32 s31, $0x3F00;
	[tilespmem:s23+$0x10C60] =	vst.add.f32.msk $0xffff, v3;
	s23 =	sor.u32 s0, s2  }
0x8f3: {  	v3 =	vld [tilespmem:s23+$0xC70]  }
0x8f4: {  	v4 =	vld [tilespmem:s23+$0x800]  }
0x8f5: {  	v5 =	vld [tilespmem:s23+$0x810]  }
0x8f6: {  	v6 =	vld [tilespmem:s23+$0x820]  }
0x8f7: {  	v7 =	vld [tilespmem:s23+$0x830]  }
0x8f8: {  	[tilespmem:s23+$0x10C70] =	vst.add.f32.msk $0xffff, v3  }
0x8f9: {  	v8 =	vld [tilespmem:s23+$0x840]  }
0x8fa: {  	v9 =	vld [tilespmem:s23+$0x850]  }
0x8fb: {  	v10 =	vld [tilespmem:s23+$0x860]  }
0x8fc: {  	v11 =	vld [tilespmem:s23+$0x870]  }
0x8fd: {  	v12 =	vld [tilespmem:s23+$0xC00]  }
0x8fe: {  	v13 =	vld [tilespmem:s23+$0xC10]  }
0x8ff: {  	v14 =	vld [tilespmem:s23+$0xC20]  }
0x900: {  	v15 =	vld [tilespmem:s23+$0xC30]  }
0x901: {  	v16 =	vld [tilespmem:s23+$0xC40]  }
0x902: {  	v17 =	vld [tilespmem:s23+$0xC50]  }
0x903: {  	v3 =	vld [tilespmem:s23+$0xC60]  }
0x904: {  	[tilespmem:s23+$0x10800] =	vst.add.f32.msk $0xffff, v4  }
0x905: {  	[tilespmem:s23+$0x10810] =	vst.add.f32.msk $0xffff, v5  }
0x906: {  	[tilespmem:s23+$0x10820] =	vst.add.f32.msk $0xffff, v6  }
0x907: {  	[tilespmem:s23+$0x10830] =	vst.add.f32.msk $0xffff, v7  }
0x908: {  	[tilespmem:s23+$0x10840] =	vst.add.f32.msk $0xffff, v8  }
0x909: {  	[tilespmem:s23+$0x10850] =	vst.add.f32.msk $0xffff, v9  }
0x90a: {  	[tilespmem:s23+$0x10860] =	vst.add.f32.msk $0xffff, v10  }
0x90b: {  	[tilespmem:s23+$0x10870] =	vst.add.f32.msk $0xffff, v11  }
0x90c: {  	[tilespmem:s23+$0x10C00] =	vst.add.f32.msk $0xffff, v12  }
.Ltmp15:
0x90d: {  	[tilespmem:s23+$0x10C10] =	vst.add.f32.msk $0xffff, v13;
	(pc) =	sbr.rel @p0 .LBB2_32-.Ltmp15, $4  }
0x90e: {  	[tilespmem:s23+$0x10C20] =	vst.add.f32.msk $0xffff, v14  }
0x90f: {  	[tilespmem:s23+$0x10C30] =	vst.add.f32.msk $0xffff, v15  }
0x910: {  	s7 =	sadd.s32 $0x80, s7;
	[tilespmem:s23+$0x10C40] =	vst.add.f32.msk $0xffff, v16  }
0x911: {  	s2 =	sand.u32 $0x3800, s31;
	s31 =	sadd.s32 $0x100, s31;
	s0 =	sand.u32 $0x380, s7;
	[tilespmem:s23+$0x10C50] =	vst.add.f32.msk $0xffff, v17  }
0x912: {  	s0 =	sor.u32 s0, s2;
	[tilespmem:s23+$0x10C60] =	vst.add.f32.msk $0xffff, v3  }
0x913: {  	v3 =	vld [tilespmem:s0+$0xC70]  }
0x914: {  	v4 =	vld [tilespmem:s0+$0x800]  }
0x915: {  	v5 =	vld [tilespmem:s0+$0x810]  }
0x916: {  	v6 =	vld [tilespmem:s0+$0x820]  }
0x917: {  	v7 =	vld [tilespmem:s0+$0x830]  }
0x918: {  	v8 =	vld [tilespmem:s0+$0x850]  }
0x919: {  	v9 =	vld [tilespmem:s0+$0x860]  }
0x91a: {  	v10 =	vld [tilespmem:s0+$0x870]  }
0x91b: {  	v11 =	vld [tilespmem:s0+$0xC00]  }
0x91c: {  	v12 =	vld [tilespmem:s0+$0xC10]  }
0x91d: {  	v13 =	vld [tilespmem:s0+$0xC20]  }
0x91e: {  	v14 =	vld [tilespmem:s0+$0xC30]  }
0x91f: {  	v15 =	vld [tilespmem:s0+$0xC40]  }
0x920: {  	v16 =	vld [tilespmem:s0+$0xC50]  }
0x921: {  	v17 =	vld [tilespmem:s0+$0xC60]  }
0x922: {  	[tilespmem:s0+$0x10C70] =	vst.add.f32.msk $0xffff, v3  }
0x923: {  	v3 =	vld [tilespmem:s0+$0x840]  }
0x924: {  	[tilespmem:s0+$0x10800] =	vst.add.f32.msk $0xffff, v4  }
0x925: {  	[tilespmem:s0+$0x10810] =	vst.add.f32.msk $0xffff, v5  }
0x926: {  	[tilespmem:s0+$0x10820] =	vst.add.f32.msk $0xffff, v6  }
0x927: {  	[tilespmem:s0+$0x10830] =	vst.add.f32.msk $0xffff, v7  }
0x928: {  	[tilespmem:s0+$0x10850] =	vst.add.f32.msk $0xffff, v8  }
0x929: {  	[tilespmem:s0+$0x10860] =	vst.add.f32.msk $0xffff, v9  }
0x92a: {  	[tilespmem:s0+$0x10870] =	vst.add.f32.msk $0xffff, v10  }
0x92b: {  	[tilespmem:s0+$0x10C00] =	vst.add.f32.msk $0xffff, v11  }
0x92c: {  	[tilespmem:s0+$0x10C10] =	vst.add.f32.msk $0xffff, v12  }
0x92d: {  	[tilespmem:s0+$0x10C20] =	vst.add.f32.msk $0xffff, v13  }
0x92e: {  	[tilespmem:s0+$0x10C30] =	vst.add.f32.msk $0xffff, v14  }
0x92f: {  	[tilespmem:s0+$0x10C40] =	vst.add.f32.msk $0xffff, v15  }
0x930: {  	[tilespmem:s0+$0x10C50] =	vst.add.f32.msk $0xffff, v16  }
0x931: {  	[tilespmem:s0+$0x10C60] =	vst.add.f32.msk $0xffff, v17  }
0x932: {  	s23 =	rddreg [dreg:$0x16];
	[tilespmem:s0+$0x10840] =	vst.add.f32.msk $0xffff, v3  }
0x933: {  	[hbm4b:s23+s3] =	stream.linear.scatter [tilespmem:s24], [sflag:$0xA], $0x4000, $0x38;
	[tilespmem:$0x1C800] =	vst v63  }
0x934: {  	_ =	swait.ge [sflag:s12], $0x4000  }
0x935: {  	[sflag:s12] =	ssyncset.done $0x0  }
0x936: {  	[sflag:s12] =	ssyncadd.s32 $0xFFFFC000  }
0x937: {  	_ =	swait.ge [sflag:s14], $0x4000  }
0x938: {  	[sflag:s14] =	ssyncset.done $0x0  }
0x939: {  	[sflag:s14] =	ssyncadd.s32 $0xFFFFC000  }
0x93a: {  	_ =	swait.ge [sflag:s17], $0x4000  }
0x93b: {  	[sflag:s17] =	ssyncset.done $0x0  }
0x93c: {  	[sflag:s17] =	ssyncadd.s32 $0xFFFFC000  }
0x93d: {  	_ =	swait.ge [sflag:s19], $0x4000  }
0x93e: {  	[sflag:s19] =	ssyncset.done $0x0  }
0x93f: {  	[sflag:s19] =	ssyncadd.s32 $0xFFFFC000  }
0x940: {  	_ =	swait.ge [sflag:s20], $0x4000  }
0x941: {  	[sflag:s20] =	ssyncset.done $0x0  }
0x942: {  	[sflag:s20] =	ssyncadd.s32 $0xFFFFC000  }
0x943: {  	_ =	swait.ge [sflag:s21], $0x4000  }
0x944: {  	s22 =	sadd.s32 $0x1, s22;
	s31 =	rddreg [dreg:$0x17]  }
0x945: {  	p0 =	sne.s32 s22, s31  }
.Ltmp16:
0x946: {  	_ = 	snop;
	(pc) =	sbr.rel @p0 .LBB2_1-.Ltmp16, $3  }
0x947: {  	_ =	sdelay $0x1  }
0x948: {  	[sflag:s21] =	ssyncset.done $0x0  }
0x949: {  	[sflag:s21] =	ssyncadd.s32 $0xFFFFC000  }
0x94a: {  	_ =	sfence.sel $0x180000  }
0x94b: {  	[bflag:$0x0] =	sbarrier.arrive $0xFFFF  }
0x94c: {  	_ =	strace $0x90000047  }
0x94d: {  	s0 =	stileid.u32;
	[bflag:$0x2] =	sbarrier.arrive $0xFFFF  }
0x94e: {  	p0 =	sne.s32 s0, $0x0;
	s0 =	rddreg [dreg:$0x4]  }
0x94f: {  	s0 =	sadd.s32 @!p0 $0x100000, s0  }
0x950: {  	[sflag:s0] =	ssyncadd.tile.s32 @!p0 $0x1;
	_ =	shalt  }
.Lfunc_end2:
_tile_overlayer_lowered:
.L_overlay_start_2:
0x951: {  	(tag) =	ssettag $0x2  }
0x952: {  	s0 =	rddreg [dreg:$0x0];
	s2 =	stileid.u32  }
0x953: {  	s1 =	rddreg [dreg:$0x1];
	p0 =	sne.s32 s2, $0x0  }
0x954: {  	s3 =	rddreg [dreg:$0x2];
	[bflag:$0x3] =	sbarrier.arrive $0xFFFF;
	s2 =	simm.s32 @!p0 $0x1C0E  }
0x955: {  	[timem:s3], [sflag:s2] =	dma.local @!p0 [hbm:s0], s1  }
0x956: {  	s0 =	simm.s32 @!p0 $0xE  }
0x957: {  	_ =	swait.ge @!p0 [sflag:s0], s1  }
0x958: {  	s1 =	ssub.s32 @!p0 $0x0, s1;
	[sflag:s0] =	ssyncset.done @!p0 $0x0  }
0x959: {  	[sflag:s0] =	ssyncadd.s32 @!p0 s1  }
0x95a: {  	[bflag:$0x3] =	sbarrier.arrive $0xFFFF  }
0x95b: {  	_ =	shalt  }

</sc_bundles>
